<compile_context>
chip_gen: v7x
topology: tpu7x:2x2x1
jax: 0.10.2.dev20260603
libtpu: 0.0.44.dev20260713+nightly
codegen_flags: <defaults>
</compile_context>

<pallas_src>
import functools

import jax
import jax.numpy as jnp
from jax import lax
from jax.experimental import pallas as pl
from jax.experimental.pallas import tpu as pltpu
from jax.experimental.pallas import tpu_sc as plsc

_NC = 2
_NS = 16
_NW = _NC * _NS
_B = 16384
_K = 32
_BPW = _B // _NW
_NB = 4
_NG = _BPW // 16


def _extract(strips, slot, col, zrow, zoff, z):
    rows_lo = lax.iota(jnp.int32, 16)
    cols = jnp.full((16,), col, jnp.int32)
    z[zrow, pl.ds(zoff, 16)] = plsc.load_gather(strips.at[slot], [rows_lo, cols])
    z[zrow, pl.ds(zoff + 16, 16)] = plsc.load_gather(
        strips.at[slot], [rows_lo + 16, cols])


def _body(xt, wt, ht, out, idx_u, idx_v, sw, sh, z, sem):
    wid = lax.axis_index("s") * _NC + lax.axis_index("c")
    base = wid * _BPW
    pltpu.sync_copy(xt.at[0, pl.ds(base, _BPW)], idx_u)
    pltpu.sync_copy(xt.at[1, pl.ds(base, _BPW)], idx_v)

    def fetch(i, slot, tbl, bufs):
        t = (i >> 7) << 7
        pltpu.async_copy(tbl.at[:, pl.ds(pl.multiple_of(t, 128), 128)],
                         bufs.at[slot], sem)

    def drain_one(tbl, bufs, slot):
        pltpu.make_async_copy(tbl.at[:, pl.ds(0, 128)], bufs.at[slot],
                              sem).wait()

    def group(g, carry):
        iv_u = idx_u[pl.ds(g * 16, 16)]
        iv_v = idx_v[pl.ds(g * 16, 16)]
        gp = jnp.maximum(g - 1, 0)
        pv_u = idx_u[pl.ds(gp * 16, 16)]
        pv_v = idx_v[pl.ds(gp * 16, 16)]
        for l in range(16):
            slot = l % _NB
            if l < _NB:
                @pl.when(g > 0)
                def _():
                    drain_one(wt, sw, slot)
                    drain_one(ht, sh, slot)
                    lag = gp * 16 + l + 12
                    _extract(sw, slot, pv_u[l + 12] & 127, lag, 0, z)
                    _extract(sh, slot, pv_v[l + 12] & 127, lag, _K, z)
            else:
                drain_one(wt, sw, slot)
                drain_one(ht, sh, slot)
                lag = g * 16 + l - _NB
                _extract(sw, slot, iv_u[l - _NB] & 127, lag, 0, z)
                _extract(sh, slot, iv_v[l - _NB] & 127, lag, _K, z)
            fetch(iv_u[l], slot, wt, sw)
            fetch(iv_v[l], slot, ht, sh)
        return carry

    lax.fori_loop(0, _NG, group, 0)

    iv_u = idx_u[pl.ds((_NG - 1) * 16, 16)]
    iv_v = idx_v[pl.ds((_NG - 1) * 16, 16)]
    for l in range(16 - _NB, 16):
        slot = l % _NB
        drain_one(wt, sw, slot)
        drain_one(ht, sh, slot)
        e = (_NG - 1) * 16 + l
        _extract(sw, slot, iv_u[l] & 127, e, 0, z)
        _extract(sh, slot, iv_v[l] & 127, e, _K, z)

    pltpu.sync_copy(z, out.at[pl.ds(base, _BPW), :])


@functools.partial(
    pl.kernel,
    mesh=plsc.VectorSubcoreMesh(core_axis_name="c", subcore_axis_name="s"),
    compiler_params=pltpu.CompilerParams(
        needs_layout_passes=False, use_tc_tiling_on_sc=True
    ),
    out_type=jax.ShapeDtypeStruct((_B, 2 * _K), jnp.float32),
    scratch_types=[
        pltpu.VMEM((_BPW,), jnp.int32),
        pltpu.VMEM((_BPW,), jnp.int32),
        pltpu.VMEM((_NB, _K, 128), jnp.float32),
        pltpu.VMEM((_NB, _K, 128), jnp.float32),
        pltpu.VMEM((_BPW, 2 * _K), jnp.float32),
        pltpu.SemaphoreType.DMA,
    ],
)
def _lookup(xt, wt, ht, out, idx_u, idx_v, sw, sh, z, sem):
    _body(xt, wt, ht, out, idx_u, idx_v, sw, sh, z, sem)


def kernel(x, W, H):
    return _lookup(x.T, W.T, H.T)

# --- scband reference (transcript-rebuilt; emitter-appended) ---
"""Pipeline reference for scband-embedding-sharing-4750233829555 (READ-ONLY COPY).

The authoritative reference and input builder live on the scoring server;
editing this copy changes nothing except your own understanding.
"""

import jax, jax.numpy as jnp
import numpy as np

NUM_USERS = 1000000
NUM_ITEMS = 1000000
EMBED_K = 32
BATCH = 16384

def setup_inputs(seed: int = 0) -> dict:
    key = jax.random.key(seed)
    k1, k2, k3 = jax.random.split(key, 3)
    x = jax.random.randint(k1, (BATCH, 2), 0, NUM_USERS, dtype=jnp.int64) if jax.config.jax_enable_x64 else jax.random.randint(k1, (BATCH, 2), 0, NUM_USERS, dtype=jnp.int32)
    W = jax.random.normal(k2, (NUM_USERS, EMBED_K), dtype=jnp.float32)
    H = jax.random.normal(k3, (NUM_ITEMS, EMBED_K), dtype=jnp.float32)
    return {"x": x, "W": W, "H": H}

def reference(x, W, H):
    user_idx = x[:, 0]
    item_idx = x[:, 1]
    U_emb = jnp.take(W, user_idx, axis=0)
    V_emb = jnp.take(H, item_idx, axis=0)
    z_emb = jnp.concatenate([U_emb, V_emb], axis=1)
    return jnp.squeeze(z_emb)

if __name__ == "__main__":
    import jax
    _d = setup_inputs()
    print(jax.jit(kernel)(*tuple(_d.values())))

</pallas_src>

<mosaic_0001>
#map = affine_map<(d0, d1) -> (0, 0)>
module attributes {stable_mosaic.version = 14 : i64} {
  func.func @_lookup(%arg0: i32, %arg1: i32, %arg2: memref<2x16384xi32, #tpu.memory_space<hbm>>, %arg3: memref<32x1000000xf32, #tpu.memory_space<hbm>>, %arg4: memref<32x1000000xf32, #tpu.memory_space<hbm>>, %arg5: memref<16384x64xf32, #tpu.memory_space<hbm>>, %arg6: memref<512xi32, #tpu.memory_space<vmem>>, %arg7: memref<512xi32, #tpu.memory_space<vmem>>, %arg8: memref<4x32x128xf32, #tpu.memory_space<vmem>>, %arg9: memref<4x32x128xf32, #tpu.memory_space<vmem>>, %arg10: memref<512x64xf32, #tpu.memory_space<vmem>>, %arg11: memref<!tpu.dma_semaphore, #tpu.memory_space<semaphore_mem>>) attributes {dimension_semantics = [#tpu.dimension_semantics<core_parallel>, #tpu.dimension_semantics<subcore_parallel>], iteration_bounds = array<i64: 2, 16>, scalar_prefetch = 0 : i64, scratch_operands = 6 : i64, tpu.core_type = #tpu.core_type<sc_vector_subcore>, window_params = [{transform_indices = #map}, {transform_indices = #map}, {transform_indices = #map}, {transform_indices = #map}]} {
    %mul3A = arith.constant 2 : i32
    %mul3A_0 = arith.muli %arg1, %mul3A : i32
    %add3A = arith.addi %mul3A_0, %arg0 : i32
    %mul3A_1 = arith.constant 512 : i32
    %mul3A_2 = arith.muli %add3A, %mul3A_1 : i32
    %run_scoped3A = arith.constant 0 : i32
    "tpu.region"() ({
      %run_scoped3A_356 = tpu.sem_alloc : memref<!tpu.dma_semaphore, #tpu.memory_space<semaphore_mem>>
      %dma_start3A = tpu.memref_slice %arg2[%run_scoped3A, %mul3A_2] : memref<2x16384xi32, #tpu.memory_space<hbm>> -> memref<1x512xi32, #tpu.memory_space<hbm>>
      %dma_start3A_357 = tpu.memref_squeeze %dma_start3A : memref<1x512xi32, #tpu.memory_space<hbm>> -> memref<512xi32, #tpu.memory_space<hbm>>
      %dma_start3A_358 = tpu.memref_slice %arg2[%run_scoped3A, %mul3A_2] : memref<2x16384xi32, #tpu.memory_space<hbm>> -> memref<1x512xi32, #tpu.memory_space<hbm>>
      %dma_start3A_359 = tpu.memref_squeeze %dma_start3A_358 : memref<1x512xi32, #tpu.memory_space<hbm>> -> memref<512xi32, #tpu.memory_space<hbm>>
      tpu.enqueue_dma source(%dma_start3A_359 : memref<512xi32, #tpu.memory_space<hbm>>) target(%arg6 : memref<512xi32, #tpu.memory_space<vmem>>) target_semaphore(%run_scoped3A_356 : memref<!tpu.dma_semaphore, #tpu.memory_space<semaphore_mem>>)
      %dma_wait3A_360 = tpu.memref_slice %arg2[%run_scoped3A, %mul3A_2] : memref<2x16384xi32, #tpu.memory_space<hbm>> -> memref<1x512xi32, #tpu.memory_space<hbm>>
      %dma_wait3A_361 = tpu.memref_squeeze %dma_wait3A_360 : memref<1x512xi32, #tpu.memory_space<hbm>> -> memref<512xi32, #tpu.memory_space<hbm>>
      %dma_wait3A_362 = tpu.memref_slice %arg2[%run_scoped3A, %mul3A_2] : memref<2x16384xi32, #tpu.memory_space<hbm>> -> memref<1x512xi32, #tpu.memory_space<hbm>>
      %dma_wait3A_363 = tpu.memref_squeeze %dma_wait3A_362 : memref<1x512xi32, #tpu.memory_space<hbm>> -> memref<512xi32, #tpu.memory_space<hbm>>
      tpu.wait_dma2 semaphore(%run_scoped3A_356 : memref<!tpu.dma_semaphore, #tpu.memory_space<semaphore_mem>>) src(%dma_wait3A_363 : memref<512xi32, #tpu.memory_space<hbm>>) dst(%arg6 : memref<512xi32, #tpu.memory_space<vmem>>)
      tpu.yield
    }) : () -> ()
    %run_scoped3A_3 = arith.constant 1 : i32
    "tpu.region"() ({
      %run_scoped3A_356 = tpu.sem_alloc : memref<!tpu.dma_semaphore, #tpu.memory_space<semaphore_mem>>
      %dma_start3A = tpu.memref_slice %arg2[%run_scoped3A_3, %mul3A_2] : memref<2x16384xi32, #tpu.memory_space<hbm>> -> memref<1x512xi32, #tpu.memory_space<hbm>>
      %dma_start3A_357 = tpu.memref_squeeze %dma_start3A : memref<1x512xi32, #tpu.memory_space<hbm>> -> memref<512xi32, #tpu.memory_space<hbm>>
      %dma_start3A_358 = tpu.memref_slice %arg2[%run_scoped3A_3, %mul3A_2] : memref<2x16384xi32, #tpu.memory_space<hbm>> -> memref<1x512xi32, #tpu.memory_space<hbm>>
      %dma_start3A_359 = tpu.memref_squeeze %dma_start3A_358 : memref<1x512xi32, #tpu.memory_space<hbm>> -> memref<512xi32, #tpu.memory_space<hbm>>
      tpu.enqueue_dma source(%dma_start3A_359 : memref<512xi32, #tpu.memory_space<hbm>>) target(%arg7 : memref<512xi32, #tpu.memory_space<vmem>>) target_semaphore(%run_scoped3A_356 : memref<!tpu.dma_semaphore, #tpu.memory_space<semaphore_mem>>)
      %dma_wait3A_360 = tpu.memref_slice %arg2[%run_scoped3A_3, %mul3A_2] : memref<2x16384xi32, #tpu.memory_space<hbm>> -> memref<1x512xi32, #tpu.memory_space<hbm>>
      %dma_wait3A_361 = tpu.memref_squeeze %dma_wait3A_360 : memref<1x512xi32, #tpu.memory_space<hbm>> -> memref<512xi32, #tpu.memory_space<hbm>>
      %dma_wait3A_362 = tpu.memref_slice %arg2[%run_scoped3A_3, %mul3A_2] : memref<2x16384xi32, #tpu.memory_space<hbm>> -> memref<1x512xi32, #tpu.memory_space<hbm>>
      %dma_wait3A_363 = tpu.memref_squeeze %dma_wait3A_362 : memref<1x512xi32, #tpu.memory_space<hbm>> -> memref<512xi32, #tpu.memory_space<hbm>>
      tpu.wait_dma2 semaphore(%run_scoped3A_356 : memref<!tpu.dma_semaphore, #tpu.memory_space<semaphore_mem>>) src(%dma_wait3A_363 : memref<512xi32, #tpu.memory_space<hbm>>) dst(%arg7 : memref<512xi32, #tpu.memory_space<vmem>>)
      tpu.yield
    }) : () -> ()
    %scan3A = arith.constant 0 : i32
    %scan3A_4 = arith.constant 0 : i32
    %scan3A_5 = arith.constant 32 : i32
    %scan3A_6 = arith.addi %scan3A_4, %scan3A_5 : i32
    %scan3A_7 = arith.constant 1 : i32
    scf.for %scan3A_356 = %scan3A_4 to %scan3A_6 step %scan3A_7  : i32 {
      %mul3A_357 = arith.constant 16 : i32
      %mul3A_358 = arith.muli %scan3A_356, %mul3A_357 : i32
      %get3A_359 = arith.index_cast %mul3A_358 : i32 to index
      %get3A_360 = tpu.vector_load %arg6[%get3A_359] {strides = array<i32>} : memref<512xi32, #tpu.memory_space<vmem>>, vector<16xi32>,
      %mul3A_361 = arith.constant 16 : i32
      %mul3A_362 = arith.muli %scan3A_356, %mul3A_361 : i32
      %get3A_363 = arith.index_cast %mul3A_362 : i32 to index
      %get3A_364 = tpu.vector_load %arg7[%get3A_363] {strides = array<i32>} : memref<512xi32, #tpu.memory_space<vmem>>, vector<16xi32>,
      %sub3A = arith.constant 1 : i32
      %sub3A_365 = arith.subi %scan3A_356, %sub3A : i32
      %max3A = arith.constant 0 : i32
      %max3A_366 = arith.maxsi %sub3A_365, %max3A : i32
      %mul3A_367 = arith.constant 16 : i32
      %mul3A_368 = arith.muli %max3A_366, %mul3A_367 : i32
      %get3A_369 = arith.index_cast %mul3A_368 : i32 to index
      %get3A_370 = tpu.vector_load %arg6[%get3A_369] {strides = array<i32>} : memref<512xi32, #tpu.memory_space<vmem>>, vector<16xi32>,
      %mul3A_371 = arith.constant 16 : i32
      %mul3A_372 = arith.muli %max3A_366, %mul3A_371 : i32
      %get3A_373 = arith.index_cast %mul3A_372 : i32 to index
      %get3A_374 = tpu.vector_load %arg7[%get3A_373] {strides = array<i32>} : memref<512xi32, #tpu.memory_space<vmem>>, vector<16xi32>,
      %gt3A = arith.constant 0 : i32
      %gt3A_375 = arith.cmpi sgt, %scan3A_356, %gt3A : i32
      %convert_element_type3A = arith.extui %gt3A_375 : i1 to i32
      %cond3A = arith.constant 0 : i32
      %cond3A_376 = arith.cmpi ne, %convert_element_type3A, %cond3A : i32
      scf.if %cond3A_376 {
        %dma_wait3A_2108 = arith.constant 0 : i32
        %dma_wait3A_2109 = arith.constant 0 : i32
        %dma_wait3A_2110 = arith.constant 0 : i32
        %dma_wait3A_2111 = tpu.memref_slice %arg8[%dma_wait3A_2108, %dma_wait3A_2109, %dma_wait3A_2110] : memref<4x32x128xf32, #tpu.memory_space<vmem>> -> memref<1x32x128xf32, #tpu.memory_space<vmem>>
        %dma_wait3A_2112 = tpu.memref_squeeze %dma_wait3A_2111 : memref<1x32x128xf32, #tpu.memory_space<vmem>> -> memref<32x128xf32, #tpu.memory_space<vmem>>
        %dma_wait3A_2113 = arith.constant 0 : i32
        %dma_wait3A_2114 = arith.constant 0 : i32
        %dma_wait3A_2115 = tpu.memref_slice %arg3[%dma_wait3A_2113, %dma_wait3A_2114] : memref<32x1000000xf32, #tpu.memory_space<hbm>> -> memref<32x128xf32, #tpu.memory_space<hbm>>
        %dma_wait3A_2116 = arith.constant 0 : i32
        %dma_wait3A_2117 = arith.constant 0 : i32
        %dma_wait3A_2118 = tpu.memref_slice %arg8[%dma_wait3A_2108, %dma_wait3A_2116, %dma_wait3A_2117] : memref<4x32x128xf32, #tpu.memory_space<vmem>> -> memref<1x32x128xf32, #tpu.memory_space<vmem>>
        %dma_wait3A_2119 = tpu.memref_squeeze %dma_wait3A_2118 : memref<1x32x128xf32, #tpu.memory_space<vmem>> -> memref<32x128xf32, #tpu.memory_space<vmem>>
        %dma_wait3A_2120 = arith.constant 0 : i32
        %dma_wait3A_2121 = arith.constant 0 : i32
        %dma_wait3A_2122 = tpu.memref_slice %arg3[%dma_wait3A_2120, %dma_wait3A_2121] : memref<32x1000000xf32, #tpu.memory_space<hbm>> -> memref<32x128xf32, #tpu.memory_space<hbm>>
        tpu.wait_dma2 semaphore(%arg11 : memref<!tpu.dma_semaphore, #tpu.memory_space<semaphore_mem>>) src(%dma_wait3A_2122 : memref<32x128xf32, #tpu.memory_space<hbm>>) dst(%dma_wait3A_2119 : memref<32x128xf32, #tpu.memory_space<vmem>>)
        %dma_wait3A_2123 = arith.constant 0 : i32
        %dma_wait3A_2124 = arith.constant 0 : i32
        %dma_wait3A_2125 = arith.constant 0 : i32
        %dma_wait3A_2126 = tpu.memref_slice %arg9[%dma_wait3A_2123, %dma_wait3A_2124, %dma_wait3A_2125] : memref<4x32x128xf32, #tpu.memory_space<vmem>> -> memref<1x32x128xf32, #tpu.memory_space<vmem>>
        %dma_wait3A_2127 = tpu.memref_squeeze %dma_wait3A_2126 : memref<1x32x128xf32, #tpu.memory_space<vmem>> -> memref<32x128xf32, #tpu.memory_space<vmem>>
        %dma_wait3A_2128 = arith.constant 0 : i32
        %dma_wait3A_2129 = arith.constant 0 : i32
        %dma_wait3A_2130 = tpu.memref_slice %arg4[%dma_wait3A_2128, %dma_wait3A_2129] : memref<32x1000000xf32, #tpu.memory_space<hbm>> -> memref<32x128xf32, #tpu.memory_space<hbm>>
        %dma_wait3A_2131 = arith.constant 0 : i32
        %dma_wait3A_2132 = arith.constant 0 : i32
        %dma_wait3A_2133 = tpu.memref_slice %arg9[%dma_wait3A_2123, %dma_wait3A_2131, %dma_wait3A_2132] : memref<4x32x128xf32, #tpu.memory_space<vmem>> -> memref<1x32x128xf32, #tpu.memory_space<vmem>>
        %dma_wait3A_2134 = tpu.memref_squeeze %dma_wait3A_2133 : memref<1x32x128xf32, #tpu.memory_space<vmem>> -> memref<32x128xf32, #tpu.memory_space<vmem>>
        %dma_wait3A_2135 = arith.constant 0 : i32
        %dma_wait3A_2136 = arith.constant 0 : i32
        %dma_wait3A_2137 = tpu.memref_slice %arg4[%dma_wait3A_2135, %dma_wait3A_2136] : memref<32x1000000xf32, #tpu.memory_space<hbm>> -> memref<32x128xf32, #tpu.memory_space<hbm>>
        tpu.wait_dma2 semaphore(%arg11 : memref<!tpu.dma_semaphore, #tpu.memory_space<semaphore_mem>>) src(%dma_wait3A_2137 : memref<32x128xf32, #tpu.memory_space<hbm>>) dst(%dma_wait3A_2134 : memref<32x128xf32, #tpu.memory_space<vmem>>)
        %mul3A_2138 = arith.constant 16 : i32
        %mul3A_2139 = arith.muli %max3A_366, %mul3A_2138 : i32
        %add3A_2140 = arith.constant 0 : i32
        %add3A_2141 = arith.addi %mul3A_2139, %add3A_2140 : i32
        %add3A_2142 = arith.constant 12 : i32
        %add3A_2143 = arith.addi %add3A_2141, %add3A_2142 : i32
        %slice3A_2144 = vector.extract_strided_slice %get3A_370 {offsets = [12], sizes = [1], strides = [1]} : vector<16xi32> to vector<1xi32>
        %squeeze3A_2145 = vector.extract %slice3A_2144[0] : i32 from vector<1xi32>
        %and3A_2146 = arith.constant 127 : i32
        %and3A_2147 = arith.andi %squeeze3A_2145, %and3A_2146 : i32
        %iota3A_2148 = tpu.iota {dimensions = array<i32: 0>} : vector<16xi32>
        %broadcast_in_dim3A_2149 = vector.broadcast %and3A_2147 : i32 to vector<16xi32>
        %gather3A_2150 = arith.constant 0 : i32
        %gather3A_2151 = arith.constant 0 : i32
        %gather3A_2152 = arith.constant 0 : i32
        %gather3A_2153 = tpu.memref_slice %arg8[%gather3A_2150, %gather3A_2151, %gather3A_2152] : memref<4x32x128xf32, #tpu.memory_space<vmem>> -> memref<1x32x128xf32, #tpu.memory_space<vmem>>
        %gather3A_2154 = tpu.memref_squeeze %gather3A_2153 : memref<1x32x128xf32, #tpu.memory_space<vmem>> -> memref<32x128xf32, #tpu.memory_space<vmem>>
        %gather3A_2155 = tpu.vector_load_idx %gather3A_2154[%iota3A_2148, %broadcast_in_dim3A_2149] : memref<32x128xf32, #tpu.memory_space<vmem>>[vector<16xi32>, vector<16xi32>], vector<16xf32>,
        %swap3A_2156 = arith.index_cast %add3A_2143 : i32 to index
        %swap3A_2157 = arith.constant 0 : index
        %swap3A_2158 = tpu.vector_load %arg10[%swap3A_2156, %swap3A_2157] {strides = array<i32>} : memref<512x64xf32, #tpu.memory_space<vmem>>, vector<16xf32>,
        tpu.vector_store %arg10[%swap3A_2156, %swap3A_2157], %gather3A_2155 {strides = array<i32>} : memref<512x64xf32, #tpu.memory_space<vmem>>, vector<16xf32>,
        %add3A_2159 = arith.constant 16 : i32
        %add3A_2160 = vector.broadcast %add3A_2159 : i32 to vector<16xi32>
        %add3A_2161 = arith.addi %iota3A_2148, %add3A_2160 : vector<16xi32>
        %gather3A_2162 = arith.constant 0 : i32
        %gather3A_2163 = arith.constant 0 : i32
        %gather3A_2164 = arith.constant 0 : i32
        %gather3A_2165 = tpu.memref_slice %arg8[%gather3A_2162, %gather3A_2163, %gather3A_2164] : memref<4x32x128xf32, #tpu.memory_space<vmem>> -> memref<1x32x128xf32, #tpu.memory_space<vmem>>
        %gather3A_2166 = tpu.memref_squeeze %gather3A_2165 : memref<1x32x128xf32, #tpu.memory_space<vmem>> -> memref<32x128xf32, #tpu.memory_space<vmem>>
        %gather3A_2167 = tpu.vector_load_idx %gather3A_2166[%add3A_2161, %broadcast_in_dim3A_2149] : memref<32x128xf32, #tpu.memory_space<vmem>>[vector<16xi32>, vector<16xi32>], vector<16xf32>,
        %swap3A_2168 = arith.index_cast %add3A_2143 : i32 to index
        %swap3A_2169 = arith.constant 16 : index
        %swap3A_2170 = tpu.vector_load %arg10[%swap3A_2168, %swap3A_2169] {strides = array<i32>} : memref<512x64xf32, #tpu.memory_space<vmem>>, vector<16xf32>,
        tpu.vector_store %arg10[%swap3A_2168, %swap3A_2169], %gather3A_2167 {strides = array<i32>} : memref<512x64xf32, #tpu.memory_space<vmem>>, vector<16xf32>,
        %slice3A_2171 = vector.extract_strided_slice %get3A_374 {offsets = [12], sizes = [1], strides = [1]} : vector<16xi32> to vector<1xi32>
        %squeeze3A_2172 = vector.extract %slice3A_2171[0] : i32 from vector<1xi32>
        %and3A_2173 = arith.constant 127 : i32
        %and3A_2174 = arith.andi %squeeze3A_2172, %and3A_2173 : i32
        %iota3A_2175 = tpu.iota {dimensions = array<i32: 0>} : vector<16xi32>
        %broadcast_in_dim3A_2176 = vector.broadcast %and3A_2174 : i32 to vector<16xi32>
        %gather3A_2177 = arith.constant 0 : i32
        %gather3A_2178 = arith.constant 0 : i32
        %gather3A_2179 = arith.constant 0 : i32
        %gather3A_2180 = tpu.memref_slice %arg9[%gather3A_2177, %gather3A_2178, %gather3A_2179] : memref<4x32x128xf32, #tpu.memory_space<vmem>> -> memref<1x32x128xf32, #tpu.memory_space<vmem>>
        %gather3A_2181 = tpu.memref_squeeze %gather3A_2180 : memref<1x32x128xf32, #tpu.memory_space<vmem>> -> memref<32x128xf32, #tpu.memory_space<vmem>>
        %gather3A_2182 = tpu.vector_load_idx %gather3A_2181[%iota3A_2175, %broadcast_in_dim3A_2176] : memref<32x128xf32, #tpu.memory_space<vmem>>[vector<16xi32>, vector<16xi32>], vector<16xf32>,
        %swap3A_2183 = arith.index_cast %add3A_2143 : i32 to index
        %swap3A_2184 = arith.constant 32 : index
        %swap3A_2185 = tpu.vector_load %arg10[%swap3A_2183, %swap3A_2184] {strides = array<i32>} : memref<512x64xf32, #tpu.memory_space<vmem>>, vector<16xf32>,
        tpu.vector_store %arg10[%swap3A_2183, %swap3A_2184], %gather3A_2182 {strides = array<i32>} : memref<512x64xf32, #tpu.memory_space<vmem>>, vector<16xf32>,
        %add3A_2186 = arith.constant 16 : i32
        %add3A_2187 = vector.broadcast %add3A_2186 : i32 to vector<16xi32>
        %add3A_2188 = arith.addi %iota3A_2175, %add3A_2187 : vector<16xi32>
        %gather3A_2189 = arith.constant 0 : i32
        %gather3A_2190 = arith.constant 0 : i32
        %gather3A_2191 = arith.constant 0 : i32
        %gather3A_2192 = tpu.memref_slice %arg9[%gather3A_2189, %gather3A_2190, %gather3A_2191] : memref<4x32x128xf32, #tpu.memory_space<vmem>> -> memref<1x32x128xf32, #tpu.memory_space<vmem>>
        %gather3A_2193 = tpu.memref_squeeze %gather3A_2192 : memref<1x32x128xf32, #tpu.memory_space<vmem>> -> memref<32x128xf32, #tpu.memory_space<vmem>>
        %gather3A_2194 = tpu.vector_load_idx %gather3A_2193[%add3A_2188, %broadcast_in_dim3A_2176] : memref<32x128xf32, #tpu.memory_space<vmem>>[vector<16xi32>, vector<16xi32>], vector<16xf32>,
        %swap3A_2195 = arith.index_cast %add3A_2143 : i32 to index
        %swap3A_2196 = arith.constant 48 : index
        %swap3A_2197 = tpu.vector_load %arg10[%swap3A_2195, %swap3A_2196] {strides = array<i32>} : memref<512x64xf32, #tpu.memory_space<vmem>>, vector<16xf32>,
        tpu.vector_store %arg10[%swap3A_2195, %swap3A_2196], %gather3A_2194 {strides = array<i32>} : memref<512x64xf32, #tpu.memory_space<vmem>>, vector<16xf32>,
      } else {
      }
      %slice3A_377 = vector.extract_strided_slice %get3A_360 {offsets = [0], sizes = [1], strides = [1]} : vector<16xi32> to vector<1xi32>
      %squeeze3A_378 = vector.extract %slice3A_377[0] : i32 from vector<1xi32>
      %shift_right_arithmetic3A = arith.constant 7 : i32
      %shift_right_arithmetic3A_379 = arith.shrsi %squeeze3A_378, %shift_right_arithmetic3A : i32
      %shift_left3A = arith.constant 7 : i32
      %shift_left3A_380 = arith.shli %shift_right_arithmetic3A_379, %shift_left3A : i32
      %multiple_of3A = tpu.assume_multiple %shift_left3A_380, 128 : i32
      %dma_start3A = arith.constant 0 : i32
      %dma_start3A_381 = arith.constant 0 : i32
      %dma_start3A_382 = arith.constant 0 : i32
      %dma_start3A_383 = tpu.memref_slice %arg8[%dma_start3A, %dma_start3A_381, %dma_start3A_382] : memref<4x32x128xf32, #tpu.memory_space<vmem>> -> memref<1x32x128xf32, #tpu.memory_space<vmem>>
      %dma_start3A_384 = tpu.memref_squeeze %dma_start3A_383 : memref<1x32x128xf32, #tpu.memory_space<vmem>> -> memref<32x128xf32, #tpu.memory_space<vmem>>
      %dma_start3A_385 = arith.constant 0 : i32
      %dma_start3A_386 = tpu.memref_slice %arg3[%dma_start3A_385, %multiple_of3A] : memref<32x1000000xf32, #tpu.memory_space<hbm>> -> memref<32x128xf32, #tpu.memory_space<hbm>>
      %dma_start3A_387 = arith.constant 0 : i32
      %dma_start3A_388 = arith.constant 0 : i32
      %dma_start3A_389 = tpu.memref_slice %arg8[%dma_start3A, %dma_start3A_387, %dma_start3A_388] : memref<4x32x128xf32, #tpu.memory_space<vmem>> -> memref<1x32x128xf32, #tpu.memory_space<vmem>>
      %dma_start3A_390 = tpu.memref_squeeze %dma_start3A_389 : memref<1x32x128xf32, #tpu.memory_space<vmem>> -> memref<32x128xf32, #tpu.memory_space<vmem>>
      %dma_start3A_391 = arith.constant 0 : i32
      %dma_start3A_392 = tpu.memref_slice %arg3[%dma_start3A_391, %multiple_of3A] : memref<32x1000000xf32, #tpu.memory_space<hbm>> -> memref<32x128xf32, #tpu.memory_space<hbm>>
      tpu.enqueue_dma source(%dma_start3A_392 : memref<32x128xf32, #tpu.memory_space<hbm>>) target(%dma_start3A_390 : memref<32x128xf32, #tpu.memory_space<vmem>>) target_semaphore(%arg11 : memref<!tpu.dma_semaphore, #tpu.memory_space<semaphore_mem>>)
      %slice3A_393 = vector.extract_strided_slice %get3A_364 {offsets = [0], sizes = [1], strides = [1]} : vector<16xi32> to vector<1xi32>
      %squeeze3A_394 = vector.extract %slice3A_393[0] : i32 from vector<1xi32>
      %shift_right_arithmetic3A_395 = arith.constant 7 : i32
      %shift_right_arithmetic3A_396 = arith.shrsi %squeeze3A_394, %shift_right_arithmetic3A_395 : i32
      %shift_left3A_397 = arith.constant 7 : i32
      %shift_left3A_398 = arith.shli %shift_right_arithmetic3A_396, %shift_left3A_397 : i32
      %multiple_of3A_399 = tpu.assume_multiple %shift_left3A_398, 128 : i32
      %dma_start3A_400 = arith.constant 0 : i32
      %dma_start3A_401 = arith.constant 0 : i32
      %dma_start3A_402 = arith.constant 0 : i32
      %dma_start3A_403 = tpu.memref_slice %arg9[%dma_start3A_400, %dma_start3A_401, %dma_start3A_402] : memref<4x32x128xf32, #tpu.memory_space<vmem>> -> memref<1x32x128xf32, #tpu.memory_space<vmem>>
      %dma_start3A_404 = tpu.memref_squeeze %dma_start3A_403 : memref<1x32x128xf32, #tpu.memory_space<vmem>> -> memref<32x128xf32, #tpu.memory_space<vmem>>
      %dma_start3A_405 = arith.constant 0 : i32
      %dma_start3A_406 = tpu.memref_slice %arg4[%dma_start3A_405, %multiple_of3A_399] : memref<32x1000000xf32, #tpu.memory_space<hbm>> -> memref<32x128xf32, #tpu.memory_space<hbm>>
      %dma_start3A_407 = arith.constant 0 : i32
      %dma_start3A_408 = arith.constant 0 : i32
      %dma_start3A_409 = tpu.memref_slice %arg9[%dma_start3A_400, %dma_start3A_407, %dma_start3A_408] : memref<4x32x128xf32, #tpu.memory_space<vmem>> -> memref<1x32x128xf32, #tpu.memory_space<vmem>>
      %dma_start3A_410 = tpu.memref_squeeze %dma_start3A_409 : memref<1x32x128xf32, #tpu.memory_space<vmem>> -> memref<32x128xf32, #tpu.memory_space<vmem>>
      %dma_start3A_411 = arith.constant 0 : i32
      %dma_start3A_412 = tpu.memref_slice %arg4[%dma_start3A_411, %multiple_of3A_399] : memref<32x1000000xf32, #tpu.memory_space<hbm>> -> memref<32x128xf32, #tpu.memory_space<hbm>>
      tpu.enqueue_dma source(%dma_start3A_412 : memref<32x128xf32, #tpu.memory_space<hbm>>) target(%dma_start3A_410 : memref<32x128xf32, #tpu.memory_space<vmem>>) target_semaphore(%arg11 : memref<!tpu.dma_semaphore, #tpu.memory_space<semaphore_mem>>)
      %gt3A_413 = arith.constant 0 : i32
      %gt3A_414 = arith.cmpi sgt, %scan3A_356, %gt3A_413 : i32
      %convert_element_type3A_415 = arith.extui %gt3A_414 : i1 to i32
      %cond3A_416 = arith.constant 0 : i32
      %cond3A_417 = arith.cmpi ne, %convert_element_type3A_415, %cond3A_416 : i32
      scf.if %cond3A_417 {
        %dma_wait3A_2108 = arith.constant 1 : i32
        %dma_wait3A_2109 = arith.constant 0 : i32
        %dma_wait3A_2110 = arith.constant 0 : i32
        %dma_wait3A_2111 = tpu.memref_slice %arg8[%dma_wait3A_2108, %dma_wait3A_2109, %dma_wait3A_2110] : memref<4x32x128xf32, #tpu.memory_space<vmem>> -> memref<1x32x128xf32, #tpu.memory_space<vmem>>
        %dma_wait3A_2112 = tpu.memref_squeeze %dma_wait3A_2111 : memref<1x32x128xf32, #tpu.memory_space<vmem>> -> memref<32x128xf32, #tpu.memory_space<vmem>>
        %dma_wait3A_2113 = arith.constant 0 : i32
        %dma_wait3A_2114 = arith.constant 0 : i32
        %dma_wait3A_2115 = tpu.memref_slice %arg3[%dma_wait3A_2113, %dma_wait3A_2114] : memref<32x1000000xf32, #tpu.memory_space<hbm>> -> memref<32x128xf32, #tpu.memory_space<hbm>>
        %dma_wait3A_2116 = arith.constant 0 : i32
        %dma_wait3A_2117 = arith.constant 0 : i32
        %dma_wait3A_2118 = tpu.memref_slice %arg8[%dma_wait3A_2108, %dma_wait3A_2116, %dma_wait3A_2117] : memref<4x32x128xf32, #tpu.memory_space<vmem>> -> memref<1x32x128xf32, #tpu.memory_space<vmem>>
        %dma_wait3A_2119 = tpu.memref_squeeze %dma_wait3A_2118 : memref<1x32x128xf32, #tpu.memory_space<vmem>> -> memref<32x128xf32, #tpu.memory_space<vmem>>
        %dma_wait3A_2120 = arith.constant 0 : i32
        %dma_wait3A_2121 = arith.constant 0 : i32
        %dma_wait3A_2122 = tpu.memref_slice %arg3[%dma_wait3A_2120, %dma_wait3A_2121] : memref<32x1000000xf32, #tpu.memory_space<hbm>> -> memref<32x128xf32, #tpu.memory_space<hbm>>
        tpu.wait_dma2 semaphore(%arg11 : memref<!tpu.dma_semaphore, #tpu.memory_space<semaphore_mem>>) src(%dma_wait3A_2122 : memref<32x128xf32, #tpu.memory_space<hbm>>) dst(%dma_wait3A_2119 : memref<32x128xf32, #tpu.memory_space<vmem>>)
        %dma_wait3A_2123 = arith.constant 1 : i32
        %dma_wait3A_2124 = arith.constant 0 : i32
        %dma_wait3A_2125 = arith.constant 0 : i32
        %dma_wait3A_2126 = tpu.memref_slice %arg9[%dma_wait3A_2123, %dma_wait3A_2124, %dma_wait3A_2125] : memref<4x32x128xf32, #tpu.memory_space<vmem>> -> memref<1x32x128xf32, #tpu.memory_space<vmem>>
        %dma_wait3A_2127 = tpu.memref_squeeze %dma_wait3A_2126 : memref<1x32x128xf32, #tpu.memory_space<vmem>> -> memref<32x128xf32, #tpu.memory_space<vmem>>
        %dma_wait3A_2128 = arith.constant 0 : i32
        %dma_wait3A_2129 = arith.constant 0 : i32
        %dma_wait3A_2130 = tpu.memref_slice %arg4[%dma_wait3A_2128, %dma_wait3A_2129] : memref<32x1000000xf32, #tpu.memory_space<hbm>> -> memref<32x128xf32, #tpu.memory_space<hbm>>
        %dma_wait3A_2131 = arith.constant 0 : i32
        %dma_wait3A_2132 = arith.constant 0 : i32
        %dma_wait3A_2133 = tpu.memref_slice %arg9[%dma_wait3A_2123, %dma_wait3A_2131, %dma_wait3A_2132] : memref<4x32x128xf32, #tpu.memory_space<vmem>> -> memref<1x32x128xf32, #tpu.memory_space<vmem>>
        %dma_wait3A_2134 = tpu.memref_squeeze %dma_wait3A_2133 : memref<1x32x128xf32, #tpu.memory_space<vmem>> -> memref<32x128xf32, #tpu.memory_space<vmem>>
        %dma_wait3A_2135 = arith.constant 0 : i32
        %dma_wait3A_2136 = arith.constant 0 : i32
        %dma_wait3A_2137 = tpu.memref_slice %arg4[%dma_wait3A_2135, %dma_wait3A_2136] : memref<32x1000000xf32, #tpu.memory_space<hbm>> -> memref<32x128xf32, #tpu.memory_space<hbm>>
        tpu.wait_dma2 semaphore(%arg11 : memref<!tpu.dma_semaphore, #tpu.memory_space<semaphore_mem>>) src(%dma_wait3A_2137 : memref<32x128xf32, #tpu.memory_space<hbm>>) dst(%dma_wait3A_2134 : memref<32x128xf32, #tpu.memory_space<vmem>>)
        %mul3A_2138 = arith.constant 16 : i32
        %mul3A_2139 = arith.muli %max3A_366, %mul3A_2138 : i32
        %add3A_2140 = arith.constant 1 : i32
        %add3A_2141 = arith.addi %mul3A_2139, %add3A_2140 : i32
        %add3A_2142 = arith.constant 12 : i32
        %add3A_2143 = arith.addi %add3A_2141, %add3A_2142 : i32
        %slice3A_2144 = vector.extract_strided_slice %get3A_370 {offsets = [13], sizes = [1], strides = [1]} : vector<16xi32> to vector<1xi32>
        %squeeze3A_2145 = vector.extract %slice3A_2144[0] : i32 from vector<1xi32>
        %and3A_2146 = arith.constant 127 : i32
        %and3A_2147 = arith.andi %squeeze3A_2145, %and3A_2146 : i32
        %iota3A_2148 = tpu.iota {dimensions = array<i32: 0>} : vector<16xi32>
        %broadcast_in_dim3A_2149 = vector.broadcast %and3A_2147 : i32 to vector<16xi32>
        %gather3A_2150 = arith.constant 1 : i32
        %gather3A_2151 = arith.constant 0 : i32
        %gather3A_2152 = arith.constant 0 : i32
        %gather3A_2153 = tpu.memref_slice %arg8[%gather3A_2150, %gather3A_2151, %gather3A_2152] : memref<4x32x128xf32, #tpu.memory_space<vmem>> -> memref<1x32x128xf32, #tpu.memory_space<vmem>>
        %gather3A_2154 = tpu.memref_squeeze %gather3A_2153 : memref<1x32x128xf32, #tpu.memory_space<vmem>> -> memref<32x128xf32, #tpu.memory_space<vmem>>
        %gather3A_2155 = tpu.vector_load_idx %gather3A_2154[%iota3A_2148, %broadcast_in_dim3A_2149] : memref<32x128xf32, #tpu.memory_space<vmem>>[vector<16xi32>, vector<16xi32>], vector<16xf32>,
        %swap3A_2156 = arith.index_cast %add3A_2143 : i32 to index
        %swap3A_2157 = arith.constant 0 : index
        %swap3A_2158 = tpu.vector_load %arg10[%swap3A_2156, %swap3A_2157] {strides = array<i32>} : memref<512x64xf32, #tpu.memory_space<vmem>>, vector<16xf32>,
        tpu.vector_store %arg10[%swap3A_2156, %swap3A_2157], %gather3A_2155 {strides = array<i32>} : memref<512x64xf32, #tpu.memory_space<vmem>>, vector<16xf32>,
        %add3A_2159 = arith.constant 16 : i32
        %add3A_2160 = vector.broadcast %add3A_2159 : i32 to vector<16xi32>
        %add3A_2161 = arith.addi %iota3A_2148, %add3A_2160 : vector<16xi32>
        %gather3A_2162 = arith.constant 1 : i32
        %gather3A_2163 = arith.constant 0 : i32
        %gather3A_2164 = arith.constant 0 : i32
        %gather3A_2165 = tpu.memref_slice %arg8[%gather3A_2162, %gather3A_2163, %gather3A_2164] : memref<4x32x128xf32, #tpu.memory_space<vmem>> -> memref<1x32x128xf32, #tpu.memory_space<vmem>>
        %gather3A_2166 = tpu.memref_squeeze %gather3A_2165 : memref<1x32x128xf32, #tpu.memory_space<vmem>> -> memref<32x128xf32, #tpu.memory_space<vmem>>
        %gather3A_2167 = tpu.vector_load_idx %gather3A_2166[%add3A_2161, %broadcast_in_dim3A_2149] : memref<32x128xf32, #tpu.memory_space<vmem>>[vector<16xi32>, vector<16xi32>], vector<16xf32>,
        %swap3A_2168 = arith.index_cast %add3A_2143 : i32 to index
        %swap3A_2169 = arith.constant 16 : index
        %swap3A_2170 = tpu.vector_load %arg10[%swap3A_2168, %swap3A_2169] {strides = array<i32>} : memref<512x64xf32, #tpu.memory_space<vmem>>, vector<16xf32>,
        tpu.vector_store %arg10[%swap3A_2168, %swap3A_2169], %gather3A_2167 {strides = array<i32>} : memref<512x64xf32, #tpu.memory_space<vmem>>, vector<16xf32>,
        %slice3A_2171 = vector.extract_strided_slice %get3A_374 {offsets = [13], sizes = [1], strides = [1]} : vector<16xi32> to vector<1xi32>
        %squeeze3A_2172 = vector.extract %slice3A_2171[0] : i32 from vector<1xi32>
        %and3A_2173 = arith.constant 127 : i32
        %and3A_2174 = arith.andi %squeeze3A_2172, %and3A_2173 : i32
        %iota3A_2175 = tpu.iota {dimensions = array<i32: 0>} : vector<16xi32>
        %broadcast_in_dim3A_2176 = vector.broadcast %and3A_2174 : i32 to vector<16xi32>
        %gather3A_2177 = arith.constant 1 : i32
        %gather3A_2178 = arith.constant 0 : i32
        %gather3A_2179 = arith.constant 0 : i32
        %gather3A_2180 = tpu.memref_slice %arg9[%gather3A_2177, %gather3A_2178, %gather3A_2179] : memref<4x32x128xf32, #tpu.memory_space<vmem>> -> memref<1x32x128xf32, #tpu.memory_space<vmem>>
        %gather3A_2181 = tpu.memref_squeeze %gather3A_2180 : memref<1x32x128xf32, #tpu.memory_space<vmem>> -> memref<32x128xf32, #tpu.memory_space<vmem>>
        %gather3A_2182 = tpu.vector_load_idx %gather3A_2181[%iota3A_2175, %broadcast_in_dim3A_2176] : memref<32x128xf32, #tpu.memory_space<vmem>>[vector<16xi32>, vector<16xi32>], vector<16xf32>,
        %swap3A_2183 = arith.index_cast %add3A_2143 : i32 to index
        %swap3A_2184 = arith.constant 32 : index
        %swap3A_2185 = tpu.vector_load %arg10[%swap3A_2183, %swap3A_2184] {strides = array<i32>} : memref<512x64xf32, #tpu.memory_space<vmem>>, vector<16xf32>,
        tpu.vector_store %arg10[%swap3A_2183, %swap3A_2184], %gather3A_2182 {strides = array<i32>} : memref<512x64xf32, #tpu.memory_space<vmem>>, vector<16xf32>,
        %add3A_2186 = arith.constant 16 : i32
        %add3A_2187 = vector.broadcast %add3A_2186 : i32 to vector<16xi32>
        %add3A_2188 = arith.addi %iota3A_2175, %add3A_2187 : vector<16xi32>
        %gather3A_2189 = arith.constant 1 : i32
        %gather3A_2190 = arith.constant 0 : i32
        %gather3A_2191 = arith.constant 0 : i32
        %gather3A_2192 = tpu.memref_slice %arg9[%gather3A_2189, %gather3A_2190, %gather3A_2191] : memref<4x32x128xf32, #tpu.memory_space<vmem>> -> memref<1x32x128xf32, #tpu.memory_space<vmem>>
        %gather3A_2193 = tpu.memref_squeeze %gather3A_2192 : memref<1x32x128xf32, #tpu.memory_space<vmem>> -> memref<32x128xf32, #tpu.memory_space<vmem>>
        %gather3A_2194 = tpu.vector_load_idx %gather3A_2193[%add3A_2188, %broadcast_in_dim3A_2176] : memref<32x128xf32, #tpu.memory_space<vmem>>[vector<16xi32>, vector<16xi32>], vector<16xf32>,
        %swap3A_2195 = arith.index_cast %add3A_2143 : i32 to index
        %swap3A_2196 = arith.constant 48 : index
        %swap3A_2197 = tpu.vector_load %arg10[%swap3A_2195, %swap3A_2196] {strides = array<i32>} : memref<512x64xf32, #tpu.memory_space<vmem>>, vector<16xf32>,
        tpu.vector_store %arg10[%swap3A_2195, %swap3A_2196], %gather3A_2194 {strides = array<i32>} : memref<512x64xf32, #tpu.memory_space<vmem>>, vector<16xf32>,
      } else {
      }
      %slice3A_418 = vector.extract_strided_slice %get3A_360 {offsets = [1], sizes = [1], strides = [1]} : vector<16xi32> to vector<1xi32>
      %squeeze3A_419 = vector.extract %slice3A_418[0] : i32 from vector<1xi32>
      %shift_right_arithmetic3A_420 = arith.constant 7 : i32
      %shift_right_arithmetic3A_421 = arith.shrsi %squeeze3A_419, %shift_right_arithmetic3A_420 : i32
      %shift_left3A_422 = arith.constant 7 : i32
      %shift_left3A_423 = arith.shli %shift_right_arithmetic3A_421, %shift_left3A_422 : i32
      %multiple_of3A_424 = tpu.assume_multiple %shift_left3A_423, 128 : i32
      %dma_start3A_425 = arith.constant 1 : i32
      %dma_start3A_426 = arith.constant 0 : i32
      %dma_start3A_427 = arith.constant 0 : i32
      %dma_start3A_428 = tpu.memref_slice %arg8[%dma_start3A_425, %dma_start3A_426, %dma_start3A_427] : memref<4x32x128xf32, #tpu.memory_space<vmem>> -> memref<1x32x128xf32, #tpu.memory_space<vmem>>
      %dma_start3A_429 = tpu.memref_squeeze %dma_start3A_428 : memref<1x32x128xf32, #tpu.memory_space<vmem>> -> memref<32x128xf32, #tpu.memory_space<vmem>>
      %dma_start3A_430 = arith.constant 0 : i32
      %dma_start3A_431 = tpu.memref_slice %arg3[%dma_start3A_430, %multiple_of3A_424] : memref<32x1000000xf32, #tpu.memory_space<hbm>> -> memref<32x128xf32, #tpu.memory_space<hbm>>
      %dma_start3A_432 = arith.constant 0 : i32
      %dma_start3A_433 = arith.constant 0 : i32
      %dma_start3A_434 = tpu.memref_slice %arg8[%dma_start3A_425, %dma_start3A_432, %dma_start3A_433] : memref<4x32x128xf32, #tpu.memory_space<vmem>> -> memref<1x32x128xf32, #tpu.memory_space<vmem>>
      %dma_start3A_435 = tpu.memref_squeeze %dma_start3A_434 : memref<1x32x128xf32, #tpu.memory_space<vmem>> -> memref<32x128xf32, #tpu.memory_space<vmem>>
      %dma_start3A_436 = arith.constant 0 : i32
      %dma_start3A_437 = tpu.memref_slice %arg3[%dma_start3A_436, %multiple_of3A_424] : memref<32x1000000xf32, #tpu.memory_space<hbm>> -> memref<32x128xf32, #tpu.memory_space<hbm>>
      tpu.enqueue_dma source(%dma_start3A_437 : memref<32x128xf32, #tpu.memory_space<hbm>>) target(%dma_start3A_435 : memref<32x128xf32, #tpu.memory_space<vmem>>) target_semaphore(%arg11 : memref<!tpu.dma_semaphore, #tpu.memory_space<semaphore_mem>>)
      %slice3A_438 = vector.extract_strided_slice %get3A_364 {offsets = [1], sizes = [1], strides = [1]} : vector<16xi32> to vector<1xi32>
      %squeeze3A_439 = vector.extract %slice3A_438[0] : i32 from vector<1xi32>
      %shift_right_arithmetic3A_440 = arith.constant 7 : i32
      %shift_right_arithmetic3A_441 = arith.shrsi %squeeze3A_439, %shift_right_arithmetic3A_440 : i32
      %shift_left3A_442 = arith.constant 7 : i32
      %shift_left3A_443 = arith.shli %shift_right_arithmetic3A_441, %shift_left3A_442 : i32
      %multiple_of3A_444 = tpu.assume_multiple %shift_left3A_443, 128 : i32
      %dma_start3A_445 = arith.constant 1 : i32
      %dma_start3A_446 = arith.constant 0 : i32
      %dma_start3A_447 = arith.constant 0 : i32
      %dma_start3A_448 = tpu.memref_slice %arg9[%dma_start3A_445, %dma_start3A_446, %dma_start3A_447] : memref<4x32x128xf32, #tpu.memory_space<vmem>> -> memref<1x32x128xf32, #tpu.memory_space<vmem>>
      %dma_start3A_449 = tpu.memref_squeeze %dma_start3A_448 : memref<1x32x128xf32, #tpu.memory_space<vmem>> -> memref<32x128xf32, #tpu.memory_space<vmem>>
      %dma_start3A_450 = arith.constant 0 : i32
      %dma_start3A_451 = tpu.memref_slice %arg4[%dma_start3A_450, %multiple_of3A_444] : memref<32x1000000xf32, #tpu.memory_space<hbm>> -> memref<32x128xf32, #tpu.memory_space<hbm>>
      %dma_start3A_452 = arith.constant 0 : i32
      %dma_start3A_453 = arith.constant 0 : i32
      %dma_start3A_454 = tpu.memref_slice %arg9[%dma_start3A_445, %dma_start3A_452, %dma_start3A_453] : memref<4x32x128xf32, #tpu.memory_space<vmem>> -> memref<1x32x128xf32, #tpu.memory_space<vmem>>
      %dma_start3A_455 = tpu.memref_squeeze %dma_start3A_454 : memref<1x32x128xf32, #tpu.memory_space<vmem>> -> memref<32x128xf32, #tpu.memory_space<vmem>>
      %dma_start3A_456 = arith.constant 0 : i32
      %dma_start3A_457 = tpu.memref_slice %arg4[%dma_start3A_456, %multiple_of3A_444] : memref<32x1000000xf32, #tpu.memory_space<hbm>> -> memref<32x128xf32, #tpu.memory_space<hbm>>
      tpu.enqueue_dma source(%dma_start3A_457 : memref<32x128xf32, #tpu.memory_space<hbm>>) target(%dma_start3A_455 : memref<32x128xf32, #tpu.memory_space<vmem>>) target_semaphore(%arg11 : memref<!tpu.dma_semaphore, #tpu.memory_space<semaphore_mem>>)
      %gt3A_458 = arith.constant 0 : i32
      %gt3A_459 = arith.cmpi sgt, %scan3A_356, %gt3A_458 : i32
      %convert_element_type3A_460 = arith.extui %gt3A_459 : i1 to i32
      %cond3A_461 = arith.constant 0 : i32
      %cond3A_462 = arith.cmpi ne, %convert_element_type3A_460, %cond3A_461 : i32
      scf.if %cond3A_462 {
        %dma_wait3A_2108 = arith.constant 2 : i32
        %dma_wait3A_2109 = arith.constant 0 : i32
        %dma_wait3A_2110 = arith.constant 0 : i32
        %dma_wait3A_2111 = tpu.memref_slice %arg8[%dma_wait3A_2108, %dma_wait3A_2109, %dma_wait3A_2110] : memref<4x32x128xf32, #tpu.memory_space<vmem>> -> memref<1x32x128xf32, #tpu.memory_space<vmem>>
        %dma_wait3A_2112 = tpu.memref_squeeze %dma_wait3A_2111 : memref<1x32x128xf32, #tpu.memory_space<vmem>> -> memref<32x128xf32, #tpu.memory_space<vmem>>
        %dma_wait3A_2113 = arith.constant 0 : i32
        %dma_wait3A_2114 = arith.constant 0 : i32
        %dma_wait3A_2115 = tpu.memref_slice %arg3[%dma_wait3A_2113, %dma_wait3A_2114] : memref<32x1000000xf32, #tpu.memory_space<hbm>> -> memref<32x128xf32, #tpu.memory_space<hbm>>
        %dma_wait3A_2116 = arith.constant 0 : i32
        %dma_wait3A_2117 = arith.constant 0 : i32
        %dma_wait3A_2118 = tpu.memref_slice %arg8[%dma_wait3A_2108, %dma_wait3A_2116, %dma_wait3A_2117] : memref<4x32x128xf32, #tpu.memory_space<vmem>> -> memref<1x32x128xf32, #tpu.memory_space<vmem>>
        %dma_wait3A_2119 = tpu.memref_squeeze %dma_wait3A_2118 : memref<1x32x128xf32, #tpu.memory_space<vmem>> -> memref<32x128xf32, #tpu.memory_space<vmem>>
        %dma_wait3A_2120 = arith.constant 0 : i32
        %dma_wait3A_2121 = arith.constant 0 : i32
        %dma_wait3A_2122 = tpu.memref_slice %arg3[%dma_wait3A_2120, %dma_wait3A_2121] : memref<32x1000000xf32, #tpu.memory_space<hbm>> -> memref<32x128xf32, #tpu.memory_space<hbm>>
        tpu.wait_dma2 semaphore(%arg11 : memref<!tpu.dma_semaphore, #tpu.memory_space<semaphore_mem>>) src(%dma_wait3A_2122 : memref<32x128xf32, #tpu.memory_space<hbm>>) dst(%dma_wait3A_2119 : memref<32x128xf32, #tpu.memory_space<vmem>>)
        %dma_wait3A_2123 = arith.constant 2 : i32
        %dma_wait3A_2124 = arith.constant 0 : i32
        %dma_wait3A_2125 = arith.constant 0 : i32
        %dma_wait3A_2126 = tpu.memref_slice %arg9[%dma_wait3A_2123, %dma_wait3A_2124, %dma_wait3A_2125] : memref<4x32x128xf32, #tpu.memory_space<vmem>> -> memref<1x32x128xf32, #tpu.memory_space<vmem>>
        %dma_wait3A_2127 = tpu.memref_squeeze %dma_wait3A_2126 : memref<1x32x128xf32, #tpu.memory_space<vmem>> -> memref<32x128xf32, #tpu.memory_space<vmem>>
        %dma_wait3A_2128 = arith.constant 0 : i32
        %dma_wait3A_2129 = arith.constant 0 : i32
        %dma_wait3A_2130 = tpu.memref_slice %arg4[%dma_wait3A_2128, %dma_wait3A_2129] : memref<32x1000000xf32, #tpu.memory_space<hbm>> -> memref<32x128xf32, #tpu.memory_space<hbm>>
        %dma_wait3A_2131 = arith.constant 0 : i32
        %dma_wait3A_2132 = arith.constant 0 : i32
        %dma_wait3A_2133 = tpu.memref_slice %arg9[%dma_wait3A_2123, %dma_wait3A_2131, %dma_wait3A_2132] : memref<4x32x128xf32, #tpu.memory_space<vmem>> -> memref<1x32x128xf32, #tpu.memory_space<vmem>>
        %dma_wait3A_2134 = tpu.memref_squeeze %dma_wait3A_2133 : memref<1x32x128xf32, #tpu.memory_space<vmem>> -> memref<32x128xf32, #tpu.memory_space<vmem>>
        %dma_wait3A_2135 = arith.constant 0 : i32
        %dma_wait3A_2136 = arith.constant 0 : i32
        %dma_wait3A_2137 = tpu.memref_slice %arg4[%dma_wait3A_2135, %dma_wait3A_2136] : memref<32x1000000xf32, #tpu.memory_space<hbm>> -> memref<32x128xf32, #tpu.memory_space<hbm>>
        tpu.wait_dma2 semaphore(%arg11 : memref<!tpu.dma_semaphore, #tpu.memory_space<semaphore_mem>>) src(%dma_wait3A_2137 : memref<32x128xf32, #tpu.memory_space<hbm>>) dst(%dma_wait3A_2134 : memref<32x128xf32, #tpu.memory_space<vmem>>)
        %mul3A_2138 = arith.constant 16 : i32
        %mul3A_2139 = arith.muli %max3A_366, %mul3A_2138 : i32
        %add3A_2140 = arith.constant 2 : i32
        %add3A_2141 = arith.addi %mul3A_2139, %add3A_2140 : i32
        %add3A_2142 = arith.constant 12 : i32
        %add3A_2143 = arith.addi %add3A_2141, %add3A_2142 : i32
        %slice3A_2144 = vector.extract_strided_slice %get3A_370 {offsets = [14], sizes = [1], strides = [1]} : vector<16xi32> to vector<1xi32>
        %squeeze3A_2145 = vector.extract %slice3A_2144[0] : i32 from vector<1xi32>
        %and3A_2146 = arith.constant 127 : i32
        %and3A_2147 = arith.andi %squeeze3A_2145, %and3A_2146 : i32
        %iota3A_2148 = tpu.iota {dimensions = array<i32: 0>} : vector<16xi32>
        %broadcast_in_dim3A_2149 = vector.broadcast %and3A_2147 : i32 to vector<16xi32>
        %gather3A_2150 = arith.constant 2 : i32
        %gather3A_2151 = arith.constant 0 : i32
        %gather3A_2152 = arith.constant 0 : i32
        %gather3A_2153 = tpu.memref_slice %arg8[%gather3A_2150, %gather3A_2151, %gather3A_2152] : memref<4x32x128xf32, #tpu.memory_space<vmem>> -> memref<1x32x128xf32, #tpu.memory_space<vmem>>
        %gather3A_2154 = tpu.memref_squeeze %gather3A_2153 : memref<1x32x128xf32, #tpu.memory_space<vmem>> -> memref<32x128xf32, #tpu.memory_space<vmem>>
        %gather3A_2155 = tpu.vector_load_idx %gather3A_2154[%iota3A_2148, %broadcast_in_dim3A_2149] : memref<32x128xf32, #tpu.memory_space<vmem>>[vector<16xi32>, vector<16xi32>], vector<16xf32>,
        %swap3A_2156 = arith.index_cast %add3A_2143 : i32 to index
        %swap3A_2157 = arith.constant 0 : index
        %swap3A_2158 = tpu.vector_load %arg10[%swap3A_2156, %swap3A_2157] {strides = array<i32>} : memref<512x64xf32, #tpu.memory_space<vmem>>, vector<16xf32>,
        tpu.vector_store %arg10[%swap3A_2156, %swap3A_2157], %gather3A_2155 {strides = array<i32>} : memref<512x64xf32, #tpu.memory_space<vmem>>, vector<16xf32>,
        %add3A_2159 = arith.constant 16 : i32
        %add3A_2160 = vector.broadcast %add3A_2159 : i32 to vector<16xi32>
        %add3A_2161 = arith.addi %iota3A_2148, %add3A_2160 : vector<16xi32>
        %gather3A_2162 = arith.constant 2 : i32
        %gather3A_2163 = arith.constant 0 : i32
        %gather3A_2164 = arith.constant 0 : i32
        %gather3A_2165 = tpu.memref_slice %arg8[%gather3A_2162, %gather3A_2163, %gather3A_2164] : memref<4x32x128xf32, #tpu.memory_space<vmem>> -> memref<1x32x128xf32, #tpu.memory_space<vmem>>
        %gather3A_2166 = tpu.memref_squeeze %gather3A_2165 : memref<1x32x128xf32, #tpu.memory_space<vmem>> -> memref<32x128xf32, #tpu.memory_space<vmem>>
        %gather3A_2167 = tpu.vector_load_idx %gather3A_2166[%add3A_2161, %broadcast_in_dim3A_2149] : memref<32x128xf32, #tpu.memory_space<vmem>>[vector<16xi32>, vector<16xi32>], vector<16xf32>,
        %swap3A_2168 = arith.index_cast %add3A_2143 : i32 to index
        %swap3A_2169 = arith.constant 16 : index
        %swap3A_2170 = tpu.vector_load %arg10[%swap3A_2168, %swap3A_2169] {strides = array<i32>} : memref<512x64xf32, #tpu.memory_space<vmem>>, vector<16xf32>,
        tpu.vector_store %arg10[%swap3A_2168, %swap3A_2169], %gather3A_2167 {strides = array<i32>} : memref<512x64xf32, #tpu.memory_space<vmem>>, vector<16xf32>,
        %slice3A_2171 = vector.extract_strided_slice %get3A_374 {offsets = [14], sizes = [1], strides = [1]} : vector<16xi32> to vector<1xi32>
        %squeeze3A_2172 = vector.extract %slice3A_2171[0] : i32 from vector<1xi32>
        %and3A_2173 = arith.constant 127 : i32
        %and3A_2174 = arith.andi %squeeze3A_2172, %and3A_2173 : i32
        %iota3A_2175 = tpu.iota {dimensions = array<i32: 0>} : vector<16xi32>
        %broadcast_in_dim3A_2176 = vector.broadcast %and3A_2174 : i32 to vector<16xi32>
        %gather3A_2177 = arith.constant 2 : i32
        %gather3A_2178 = arith.constant 0 : i32
        %gather3A_2179 = arith.constant 0 : i32
        %gather3A_2180 = tpu.memref_slice %arg9[%gather3A_2177, %gather3A_2178, %gather3A_2179] : memref<4x32x128xf32, #tpu.memory_space<vmem>> -> memref<1x32x128xf32, #tpu.memory_space<vmem>>
        %gather3A_2181 = tpu.memref_squeeze %gather3A_2180 : memref<1x32x128xf32, #tpu.memory_space<vmem>> -> memref<32x128xf32, #tpu.memory_space<vmem>>
        %gather3A_2182 = tpu.vector_load_idx %gather3A_2181[%iota3A_2175, %broadcast_in_dim3A_2176] : memref<32x128xf32, #tpu.memory_space<vmem>>[vector<16xi32>, vector<16xi32>], vector<16xf32>,
        %swap3A_2183 = arith.index_cast %add3A_2143 : i32 to index
        %swap3A_2184 = arith.constant 32 : index
        %swap3A_2185 = tpu.vector_load %arg10[%swap3A_2183, %swap3A_2184] {strides = array<i32>} : memref<512x64xf32, #tpu.memory_space<vmem>>, vector<16xf32>,
        tpu.vector_store %arg10[%swap3A_2183, %swap3A_2184], %gather3A_2182 {strides = array<i32>} : memref<512x64xf32, #tpu.memory_space<vmem>>, vector<16xf32>,
        %add3A_2186 = arith.constant 16 : i32
        %add3A_2187 = vector.broadcast %add3A_2186 : i32 to vector<16xi32>
        %add3A_2188 = arith.addi %iota3A_2175, %add3A_2187 : vector<16xi32>
        %gather3A_2189 = arith.constant 2 : i32
        %gather3A_2190 = arith.constant 0 : i32
        %gather3A_2191 = arith.constant 0 : i32
        %gather3A_2192 = tpu.memref_slice %arg9[%gather3A_2189, %gather3A_2190, %gather3A_2191] : memref<4x32x128xf32, #tpu.memory_space<vmem>> -> memref<1x32x128xf32, #tpu.memory_space<vmem>>
        %gather3A_2193 = tpu.memref_squeeze %gather3A_2192 : memref<1x32x128xf32, #tpu.memory_space<vmem>> -> memref<32x128xf32, #tpu.memory_space<vmem>>
        %gather3A_2194 = tpu.vector_load_idx %gather3A_2193[%add3A_2188, %broadcast_in_dim3A_2176] : memref<32x128xf32, #tpu.memory_space<vmem>>[vector<16xi32>, vector<16xi32>], vector<16xf32>,
        %swap3A_2195 = arith.index_cast %add3A_2143 : i32 to index
        %swap3A_2196 = arith.constant 48 : index
        %swap3A_2197 = tpu.vector_load %arg10[%swap3A_2195, %swap3A_2196] {strides = array<i32>} : memref<512x64xf32, #tpu.memory_space<vmem>>, vector<16xf32>,
        tpu.vector_store %arg10[%swap3A_2195, %swap3A_2196], %gather3A_2194 {strides = array<i32>} : memref<512x64xf32, #tpu.memory_space<vmem>>, vector<16xf32>,
      } else {
      }
      %slice3A_463 = vector.extract_strided_slice %get3A_360 {offsets = [2], sizes = [1], strides = [1]} : vector<16xi32> to vector<1xi32>
      %squeeze3A_464 = vector.extract %slice3A_463[0] : i32 from vector<1xi32>
      %shift_right_arithmetic3A_465 = arith.constant 7 : i32
      %shift_right_arithmetic3A_466 = arith.shrsi %squeeze3A_464, %shift_right_arithmetic3A_465 : i32
      %shift_left3A_467 = arith.constant 7 : i32
      %shift_left3A_468 = arith.shli %shift_right_arithmetic3A_466, %shift_left3A_467 : i32
      %multiple_of3A_469 = tpu.assume_multiple %shift_left3A_468, 128 : i32
      %dma_start3A_470 = arith.constant 2 : i32
      %dma_start3A_471 = arith.constant 0 : i32
      %dma_start3A_472 = arith.constant 0 : i32
      %dma_start3A_473 = tpu.memref_slice %arg8[%dma_start3A_470, %dma_start3A_471, %dma_start3A_472] : memref<4x32x128xf32, #tpu.memory_space<vmem>> -> memref<1x32x128xf32, #tpu.memory_space<vmem>>
      %dma_start3A_474 = tpu.memref_squeeze %dma_start3A_473 : memref<1x32x128xf32, #tpu.memory_space<vmem>> -> memref<32x128xf32, #tpu.memory_space<vmem>>
      %dma_start3A_475 = arith.constant 0 : i32
      %dma_start3A_476 = tpu.memref_slice %arg3[%dma_start3A_475, %multiple_of3A_469] : memref<32x1000000xf32, #tpu.memory_space<hbm>> -> memref<32x128xf32, #tpu.memory_space<hbm>>
      %dma_start3A_477 = arith.constant 0 : i32
      %dma_start3A_478 = arith.constant 0 : i32
      %dma_start3A_479 = tpu.memref_slice %arg8[%dma_start3A_470, %dma_start3A_477, %dma_start3A_478] : memref<4x32x128xf32, #tpu.memory_space<vmem>> -> memref<1x32x128xf32, #tpu.memory_space<vmem>>
      %dma_start3A_480 = tpu.memref_squeeze %dma_start3A_479 : memref<1x32x128xf32, #tpu.memory_space<vmem>> -> memref<32x128xf32, #tpu.memory_space<vmem>>
      %dma_start3A_481 = arith.constant 0 : i32
      %dma_start3A_482 = tpu.memref_slice %arg3[%dma_start3A_481, %multiple_of3A_469] : memref<32x1000000xf32, #tpu.memory_space<hbm>> -> memref<32x128xf32, #tpu.memory_space<hbm>>
      tpu.enqueue_dma source(%dma_start3A_482 : memref<32x128xf32, #tpu.memory_space<hbm>>) target(%dma_start3A_480 : memref<32x128xf32, #tpu.memory_space<vmem>>) target_semaphore(%arg11 : memref<!tpu.dma_semaphore, #tpu.memory_space<semaphore_mem>>)
      %slice3A_483 = vector.extract_strided_slice %get3A_364 {offsets = [2], sizes = [1], strides = [1]} : vector<16xi32> to vector<1xi32>
      %squeeze3A_484 = vector.extract %slice3A_483[0] : i32 from vector<1xi32>
      %shift_right_arithmetic3A_485 = arith.constant 7 : i32
      %shift_right_arithmetic3A_486 = arith.shrsi %squeeze3A_484, %shift_right_arithmetic3A_485 : i32
      %shift_left3A_487 = arith.constant 7 : i32
      %shift_left3A_488 = arith.shli %shift_right_arithmetic3A_486, %shift_left3A_487 : i32
      %multiple_of3A_489 = tpu.assume_multiple %shift_left3A_488, 128 : i32
      %dma_start3A_490 = arith.constant 2 : i32
      %dma_start3A_491 = arith.constant 0 : i32
      %dma_start3A_492 = arith.constant 0 : i32
      %dma_start3A_493 = tpu.memref_slice %arg9[%dma_start3A_490, %dma_start3A_491, %dma_start3A_492] : memref<4x32x128xf32, #tpu.memory_space<vmem>> -> memref<1x32x128xf32, #tpu.memory_space<vmem>>
      %dma_start3A_494 = tpu.memref_squeeze %dma_start3A_493 : memref<1x32x128xf32, #tpu.memory_space<vmem>> -> memref<32x128xf32, #tpu.memory_space<vmem>>
      %dma_start3A_495 = arith.constant 0 : i32
      %dma_start3A_496 = tpu.memref_slice %arg4[%dma_start3A_495, %multiple_of3A_489] : memref<32x1000000xf32, #tpu.memory_space<hbm>> -> memref<32x128xf32, #tpu.memory_space<hbm>>
      %dma_start3A_497 = arith.constant 0 : i32
      %dma_start3A_498 = arith.constant 0 : i32
      %dma_start3A_499 = tpu.memref_slice %arg9[%dma_start3A_490, %dma_start3A_497, %dma_start3A_498] : memref<4x32x128xf32, #tpu.memory_space<vmem>> -> memref<1x32x128xf32, #tpu.memory_space<vmem>>
      %dma_start3A_500 = tpu.memref_squeeze %dma_start3A_499 : memref<1x32x128xf32, #tpu.memory_space<vmem>> -> memref<32x128xf32, #tpu.memory_space<vmem>>
      %dma_start3A_501 = arith.constant 0 : i32
      %dma_start3A_502 = tpu.memref_slice %arg4[%dma_start3A_501, %multiple_of3A_489] : memref<32x1000000xf32, #tpu.memory_space<hbm>> -> memref<32x128xf32, #tpu.memory_space<hbm>>
      tpu.enqueue_dma source(%dma_start3A_502 : memref<32x128xf32, #tpu.memory_space<hbm>>) target(%dma_start3A_500 : memref<32x128xf32, #tpu.memory_space<vmem>>) target_semaphore(%arg11 : memref<!tpu.dma_semaphore, #tpu.memory_space<semaphore_mem>>)
      %gt3A_503 = arith.constant 0 : i32
      %gt3A_504 = arith.cmpi sgt, %scan3A_356, %gt3A_503 : i32
      %convert_element_type3A_505 = arith.extui %gt3A_504 : i1 to i32
      %cond3A_506 = arith.constant 0 : i32
      %cond3A_507 = arith.cmpi ne, %convert_element_type3A_505, %cond3A_506 : i32
      scf.if %cond3A_507 {
        %dma_wait3A_2108 = arith.constant 3 : i32
        %dma_wait3A_2109 = arith.constant 0 : i32
        %dma_wait3A_2110 = arith.constant 0 : i32
        %dma_wait3A_2111 = tpu.memref_slice %arg8[%dma_wait3A_2108, %dma_wait3A_2109, %dma_wait3A_2110] : memref<4x32x128xf32, #tpu.memory_space<vmem>> -> memref<1x32x128xf32, #tpu.memory_space<vmem>>
        %dma_wait3A_2112 = tpu.memref_squeeze %dma_wait3A_2111 : memref<1x32x128xf32, #tpu.memory_space<vmem>> -> memref<32x128xf32, #tpu.memory_space<vmem>>
        %dma_wait3A_2113 = arith.constant 0 : i32
        %dma_wait3A_2114 = arith.constant 0 : i32
        %dma_wait3A_2115 = tpu.memref_slice %arg3[%dma_wait3A_2113, %dma_wait3A_2114] : memref<32x1000000xf32, #tpu.memory_space<hbm>> -> memref<32x128xf32, #tpu.memory_space<hbm>>
        %dma_wait3A_2116 = arith.constant 0 : i32
        %dma_wait3A_2117 = arith.constant 0 : i32
        %dma_wait3A_2118 = tpu.memref_slice %arg8[%dma_wait3A_2108, %dma_wait3A_2116, %dma_wait3A_2117] : memref<4x32x128xf32, #tpu.memory_space<vmem>> -> memref<1x32x128xf32, #tpu.memory_space<vmem>>
        %dma_wait3A_2119 = tpu.memref_squeeze %dma_wait3A_2118 : memref<1x32x128xf32, #tpu.memory_space<vmem>> -> memref<32x128xf32, #tpu.memory_space<vmem>>
        %dma_wait3A_2120 = arith.constant 0 : i32
        %dma_wait3A_2121 = arith.constant 0 : i32
        %dma_wait3A_2122 = tpu.memref_slice %arg3[%dma_wait3A_2120, %dma_wait3A_2121] : memref<32x1000000xf32, #tpu.memory_space<hbm>> -> memref<32x128xf32, #tpu.memory_space<hbm>>
        tpu.wait_dma2 semaphore(%arg11 : memref<!tpu.dma_semaphore, #tpu.memory_space<semaphore_mem>>) src(%dma_wait3A_2122 : memref<32x128xf32, #tpu.memory_space<hbm>>) dst(%dma_wait3A_2119 : memref<32x128xf32, #tpu.memory_space<vmem>>)
        %dma_wait3A_2123 = arith.constant 3 : i32
        %dma_wait3A_2124 = arith.constant 0 : i32
        %dma_wait3A_2125 = arith.constant 0 : i32
        %dma_wait3A_2126 = tpu.memref_slice %arg9[%dma_wait3A_2123, %dma_wait3A_2124, %dma_wait3A_2125] : memref<4x32x128xf32, #tpu.memory_space<vmem>> -> memref<1x32x128xf32, #tpu.memory_space<vmem>>
        %dma_wait3A_2127 = tpu.memref_squeeze %dma_wait3A_2126 : memref<1x32x128xf32, #tpu.memory_space<vmem>> -> memref<32x128xf32, #tpu.memory_space<vmem>>
        %dma_wait3A_2128 = arith.constant 0 : i32
        %dma_wait3A_2129 = arith.constant 0 : i32
        %dma_wait3A_2130 = tpu.memref_slice %arg4[%dma_wait3A_2128, %dma_wait3A_2129] : memref<32x1000000xf32, #tpu.memory_space<hbm>> -> memref<32x128xf32, #tpu.memory_space<hbm>>
        %dma_wait3A_2131 = arith.constant 0 : i32
        %dma_wait3A_2132 = arith.constant 0 : i32
        %dma_wait3A_2133 = tpu.memref_slice %arg9[%dma_wait3A_2123, %dma_wait3A_2131, %dma_wait3A_2132] : memref<4x32x128xf32, #tpu.memory_space<vmem>> -> memref<1x32x128xf32, #tpu.memory_space<vmem>>
        %dma_wait3A_2134 = tpu.memref_squeeze %dma_wait3A_2133 : memref<1x32x128xf32, #tpu.memory_space<vmem>> -> memref<32x128xf32, #tpu.memory_space<vmem>>
        %dma_wait3A_2135 = arith.constant 0 : i32
        %dma_wait3A_2136 = arith.constant 0 : i32
        %dma_wait3A_2137 = tpu.memref_slice %arg4[%dma_wait3A_2135, %dma_wait3A_2136] : memref<32x1000000xf32, #tpu.memory_space<hbm>> -> memref<32x128xf32, #tpu.memory_space<hbm>>
        tpu.wait_dma2 semaphore(%arg11 : memref<!tpu.dma_semaphore, #tpu.memory_space<semaphore_mem>>) src(%dma_wait3A_2137 : memref<32x128xf32, #tpu.memory_space<hbm>>) dst(%dma_wait3A_2134 : memref<32x128xf32, #tpu.memory_space<vmem>>)
        %mul3A_2138 = arith.constant 16 : i32
        %mul3A_2139 = arith.muli %max3A_366, %mul3A_2138 : i32
        %add3A_2140 = arith.constant 3 : i32
        %add3A_2141 = arith.addi %mul3A_2139, %add3A_2140 : i32
        %add3A_2142 = arith.constant 12 : i32
        %add3A_2143 = arith.addi %add3A_2141, %add3A_2142 : i32
        %slice3A_2144 = vector.extract_strided_slice %get3A_370 {offsets = [15], sizes = [1], strides = [1]} : vector<16xi32> to vector<1xi32>
        %squeeze3A_2145 = vector.extract %slice3A_2144[0] : i32 from vector<1xi32>
        %and3A_2146 = arith.constant 127 : i32
        %and3A_2147 = arith.andi %squeeze3A_2145, %and3A_2146 : i32
        %iota3A_2148 = tpu.iota {dimensions = array<i32: 0>} : vector<16xi32>
        %broadcast_in_dim3A_2149 = vector.broadcast %and3A_2147 : i32 to vector<16xi32>
        %gather3A_2150 = arith.constant 3 : i32
        %gather3A_2151 = arith.constant 0 : i32
        %gather3A_2152 = arith.constant 0 : i32
        %gather3A_2153 = tpu.memref_slice %arg8[%gather3A_2150, %gather3A_2151, %gather3A_2152] : memref<4x32x128xf32, #tpu.memory_space<vmem>> -> memref<1x32x128xf32, #tpu.memory_space<vmem>>
        %gather3A_2154 = tpu.memref_squeeze %gather3A_2153 : memref<1x32x128xf32, #tpu.memory_space<vmem>> -> memref<32x128xf32, #tpu.memory_space<vmem>>
        %gather3A_2155 = tpu.vector_load_idx %gather3A_2154[%iota3A_2148, %broadcast_in_dim3A_2149] : memref<32x128xf32, #tpu.memory_space<vmem>>[vector<16xi32>, vector<16xi32>], vector<16xf32>,
        %swap3A_2156 = arith.index_cast %add3A_2143 : i32 to index
        %swap3A_2157 = arith.constant 0 : index
        %swap3A_2158 = tpu.vector_load %arg10[%swap3A_2156, %swap3A_2157] {strides = array<i32>} : memref<512x64xf32, #tpu.memory_space<vmem>>, vector<16xf32>,
        tpu.vector_store %arg10[%swap3A_2156, %swap3A_2157], %gather3A_2155 {strides = array<i32>} : memref<512x64xf32, #tpu.memory_space<vmem>>, vector<16xf32>,
        %add3A_2159 = arith.constant 16 : i32
        %add3A_2160 = vector.broadcast %add3A_2159 : i32 to vector<16xi32>
        %add3A_2161 = arith.addi %iota3A_2148, %add3A_2160 : vector<16xi32>
        %gather3A_2162 = arith.constant 3 : i32
        %gather3A_2163 = arith.constant 0 : i32
        %gather3A_2164 = arith.constant 0 : i32
        %gather3A_2165 = tpu.memref_slice %arg8[%gather3A_2162, %gather3A_2163, %gather3A_2164] : memref<4x32x128xf32, #tpu.memory_space<vmem>> -> memref<1x32x128xf32, #tpu.memory_space<vmem>>
        %gather3A_2166 = tpu.memref_squeeze %gather3A_2165 : memref<1x32x128xf32, #tpu.memory_space<vmem>> -> memref<32x128xf32, #tpu.memory_space<vmem>>
        %gather3A_2167 = tpu.vector_load_idx %gather3A_2166[%add3A_2161, %broadcast_in_dim3A_2149] : memref<32x128xf32, #tpu.memory_space<vmem>>[vector<16xi32>, vector<16xi32>], vector<16xf32>,
        %swap3A_2168 = arith.index_cast %add3A_2143 : i32 to index
        %swap3A_2169 = arith.constant 16 : index
        %swap3A_2170 = tpu.vector_load %arg10[%swap3A_2168, %swap3A_2169] {strides = array<i32>} : memref<512x64xf32, #tpu.memory_space<vmem>>, vector<16xf32>,
        tpu.vector_store %arg10[%swap3A_2168, %swap3A_2169], %gather3A_2167 {strides = array<i32>} : memref<512x64xf32, #tpu.memory_space<vmem>>, vector<16xf32>,
        %slice3A_2171 = vector.extract_strided_slice %get3A_374 {offsets = [15], sizes = [1], strides = [1]} : vector<16xi32> to vector<1xi32>
        %squeeze3A_2172 = vector.extract %slice3A_2171[0] : i32 from vector<1xi32>
        %and3A_2173 = arith.constant 127 : i32
        %and3A_2174 = arith.andi %squeeze3A_2172, %and3A_2173 : i32
        %iota3A_2175 = tpu.iota {dimensions = array<i32: 0>} : vector<16xi32>
        %broadcast_in_dim3A_2176 = vector.broadcast %and3A_2174 : i32 to vector<16xi32>
        %gather3A_2177 = arith.constant 3 : i32
        %gather3A_2178 = arith.constant 0 : i32
        %gather3A_2179 = arith.constant 0 : i32
        %gather3A_2180 = tpu.memref_slice %arg9[%gather3A_2177, %gather3A_2178, %gather3A_2179] : memref<4x32x128xf32, #tpu.memory_space<vmem>> -> memref<1x32x128xf32, #tpu.memory_space<vmem>>
        %gather3A_2181 = tpu.memref_squeeze %gather3A_2180 : memref<1x32x128xf32, #tpu.memory_space<vmem>> -> memref<32x128xf32, #tpu.memory_space<vmem>>
        %gather3A_2182 = tpu.vector_load_idx %gather3A_2181[%iota3A_2175, %broadcast_in_dim3A_2176] : memref<32x128xf32, #tpu.memory_space<vmem>>[vector<16xi32>, vector<16xi32>], vector<16xf32>,
        %swap3A_2183 = arith.index_cast %add3A_2143 : i32 to index
        %swap3A_2184 = arith.constant 32 : index
        %swap3A_2185 = tpu.vector_load %arg10[%swap3A_2183, %swap3A_2184] {strides = array<i32>} : memref<512x64xf32, #tpu.memory_space<vmem>>, vector<16xf32>,
        tpu.vector_store %arg10[%swap3A_2183, %swap3A_2184], %gather3A_2182 {strides = array<i32>} : memref<512x64xf32, #tpu.memory_space<vmem>>, vector<16xf32>,
        %add3A_2186 = arith.constant 16 : i32
        %add3A_2187 = vector.broadcast %add3A_2186 : i32 to vector<16xi32>
        %add3A_2188 = arith.addi %iota3A_2175, %add3A_2187 : vector<16xi32>
        %gather3A_2189 = arith.constant 3 : i32
        %gather3A_2190 = arith.constant 0 : i32
        %gather3A_2191 = arith.constant 0 : i32
        %gather3A_2192 = tpu.memref_slice %arg9[%gather3A_2189, %gather3A_2190, %gather3A_2191] : memref<4x32x128xf32, #tpu.memory_space<vmem>> -> memref<1x32x128xf32, #tpu.memory_space<vmem>>
        %gather3A_2193 = tpu.memref_squeeze %gather3A_2192 : memref<1x32x128xf32, #tpu.memory_space<vmem>> -> memref<32x128xf32, #tpu.memory_space<vmem>>
        %gather3A_2194 = tpu.vector_load_idx %gather3A_2193[%add3A_2188, %broadcast_in_dim3A_2176] : memref<32x128xf32, #tpu.memory_space<vmem>>[vector<16xi32>, vector<16xi32>], vector<16xf32>,
        %swap3A_2195 = arith.index_cast %add3A_2143 : i32 to index
        %swap3A_2196 = arith.constant 48 : index
        %swap3A_2197 = tpu.vector_load %arg10[%swap3A_2195, %swap3A_2196] {strides = array<i32>} : memref<512x64xf32, #tpu.memory_space<vmem>>, vector<16xf32>,
        tpu.vector_store %arg10[%swap3A_2195, %swap3A_2196], %gather3A_2194 {strides = array<i32>} : memref<512x64xf32, #tpu.memory_space<vmem>>, vector<16xf32>,
      } else {
      }
      %slice3A_508 = vector.extract_strided_slice %get3A_360 {offsets = [3], sizes = [1], strides = [1]} : vector<16xi32> to vector<1xi32>
      %squeeze3A_509 = vector.extract %slice3A_508[0] : i32 from vector<1xi32>
      %shift_right_arithmetic3A_510 = arith.constant 7 : i32
      %shift_right_arithmetic3A_511 = arith.shrsi %squeeze3A_509, %shift_right_arithmetic3A_510 : i32
      %shift_left3A_512 = arith.constant 7 : i32
      %shift_left3A_513 = arith.shli %shift_right_arithmetic3A_511, %shift_left3A_512 : i32
      %multiple_of3A_514 = tpu.assume_multiple %shift_left3A_513, 128 : i32
      %dma_start3A_515 = arith.constant 3 : i32
      %dma_start3A_516 = arith.constant 0 : i32
      %dma_start3A_517 = arith.constant 0 : i32
      %dma_start3A_518 = tpu.memref_slice %arg8[%dma_start3A_515, %dma_start3A_516, %dma_start3A_517] : memref<4x32x128xf32, #tpu.memory_space<vmem>> -> memref<1x32x128xf32, #tpu.memory_space<vmem>>
      %dma_start3A_519 = tpu.memref_squeeze %dma_start3A_518 : memref<1x32x128xf32, #tpu.memory_space<vmem>> -> memref<32x128xf32, #tpu.memory_space<vmem>>
      %dma_start3A_520 = arith.constant 0 : i32
      %dma_start3A_521 = tpu.memref_slice %arg3[%dma_start3A_520, %multiple_of3A_514] : memref<32x1000000xf32, #tpu.memory_space<hbm>> -> memref<32x128xf32, #tpu.memory_space<hbm>>
      %dma_start3A_522 = arith.constant 0 : i32
      %dma_start3A_523 = arith.constant 0 : i32
      %dma_start3A_524 = tpu.memref_slice %arg8[%dma_start3A_515, %dma_start3A_522, %dma_start3A_523] : memref<4x32x128xf32, #tpu.memory_space<vmem>> -> memref<1x32x128xf32, #tpu.memory_space<vmem>>
      %dma_start3A_525 = tpu.memref_squeeze %dma_start3A_524 : memref<1x32x128xf32, #tpu.memory_space<vmem>> -> memref<32x128xf32, #tpu.memory_space<vmem>>
      %dma_start3A_526 = arith.constant 0 : i32
      %dma_start3A_527 = tpu.memref_slice %arg3[%dma_start3A_526, %multiple_of3A_514] : memref<32x1000000xf32, #tpu.memory_space<hbm>> -> memref<32x128xf32, #tpu.memory_space<hbm>>
      tpu.enqueue_dma source(%dma_start3A_527 : memref<32x128xf32, #tpu.memory_space<hbm>>) target(%dma_start3A_525 : memref<32x128xf32, #tpu.memory_space<vmem>>) target_semaphore(%arg11 : memref<!tpu.dma_semaphore, #tpu.memory_space<semaphore_mem>>)
      %slice3A_528 = vector.extract_strided_slice %get3A_364 {offsets = [3], sizes = [1], strides = [1]} : vector<16xi32> to vector<1xi32>
      %squeeze3A_529 = vector.extract %slice3A_528[0] : i32 from vector<1xi32>
      %shift_right_arithmetic3A_530 = arith.constant 7 : i32
      %shift_right_arithmetic3A_531 = arith.shrsi %squeeze3A_529, %shift_right_arithmetic3A_530 : i32
      %shift_left3A_532 = arith.constant 7 : i32
      %shift_left3A_533 = arith.shli %shift_right_arithmetic3A_531, %shift_left3A_532 : i32
      %multiple_of3A_534 = tpu.assume_multiple %shift_left3A_533, 128 : i32
      %dma_start3A_535 = arith.constant 3 : i32
      %dma_start3A_536 = arith.constant 0 : i32
      %dma_start3A_537 = arith.constant 0 : i32
      %dma_start3A_538 = tpu.memref_slice %arg9[%dma_start3A_535, %dma_start3A_536, %dma_start3A_537] : memref<4x32x128xf32, #tpu.memory_space<vmem>> -> memref<1x32x128xf32, #tpu.memory_space<vmem>>
      %dma_start3A_539 = tpu.memref_squeeze %dma_start3A_538 : memref<1x32x128xf32, #tpu.memory_space<vmem>> -> memref<32x128xf32, #tpu.memory_space<vmem>>
      %dma_start3A_540 = arith.constant 0 : i32
      %dma_start3A_541 = tpu.memref_slice %arg4[%dma_start3A_540, %multiple_of3A_534] : memref<32x1000000xf32, #tpu.memory_space<hbm>> -> memref<32x128xf32, #tpu.memory_space<hbm>>
      %dma_start3A_542 = arith.constant 0 : i32
      %dma_start3A_543 = arith.constant 0 : i32
      %dma_start3A_544 = tpu.memref_slice %arg9[%dma_start3A_535, %dma_start3A_542, %dma_start3A_543] : memref<4x32x128xf32, #tpu.memory_space<vmem>> -> memref<1x32x128xf32, #tpu.memory_space<vmem>>
      %dma_start3A_545 = tpu.memref_squeeze %dma_start3A_544 : memref<1x32x128xf32, #tpu.memory_space<vmem>> -> memref<32x128xf32, #tpu.memory_space<vmem>>
      %dma_start3A_546 = arith.constant 0 : i32
      %dma_start3A_547 = tpu.memref_slice %arg4[%dma_start3A_546, %multiple_of3A_534] : memref<32x1000000xf32, #tpu.memory_space<hbm>> -> memref<32x128xf32, #tpu.memory_space<hbm>>
      tpu.enqueue_dma source(%dma_start3A_547 : memref<32x128xf32, #tpu.memory_space<hbm>>) target(%dma_start3A_545 : memref<32x128xf32, #tpu.memory_space<vmem>>) target_semaphore(%arg11 : memref<!tpu.dma_semaphore, #tpu.memory_space<semaphore_mem>>)
      %dma_wait3A_548 = arith.constant 0 : i32
      %dma_wait3A_549 = arith.constant 0 : i32
      %dma_wait3A_550 = arith.constant 0 : i32
      %dma_wait3A_551 = tpu.memref_slice %arg8[%dma_wait3A_548, %dma_wait3A_549, %dma_wait3A_550] : memref<4x32x128xf32, #tpu.memory_space<vmem>> -> memref<1x32x128xf32, #tpu.memory_space<vmem>>
      %dma_wait3A_552 = tpu.memref_squeeze %dma_wait3A_551 : memref<1x32x128xf32, #tpu.memory_space<vmem>> -> memref<32x128xf32, #tpu.memory_space<vmem>>
      %dma_wait3A_553 = arith.constant 0 : i32
      %dma_wait3A_554 = arith.constant 0 : i32
      %dma_wait3A_555 = tpu.memref_slice %arg3[%dma_wait3A_553, %dma_wait3A_554] : memref<32x1000000xf32, #tpu.memory_space<hbm>> -> memref<32x128xf32, #tpu.memory_space<hbm>>
      %dma_wait3A_556 = arith.constant 0 : i32
      %dma_wait3A_557 = arith.constant 0 : i32
      %dma_wait3A_558 = tpu.memref_slice %arg8[%dma_wait3A_548, %dma_wait3A_556, %dma_wait3A_557] : memref<4x32x128xf32, #tpu.memory_space<vmem>> -> memref<1x32x128xf32, #tpu.memory_space<vmem>>
      %dma_wait3A_559 = tpu.memref_squeeze %dma_wait3A_558 : memref<1x32x128xf32, #tpu.memory_space<vmem>> -> memref<32x128xf32, #tpu.memory_space<vmem>>
      %dma_wait3A_560 = arith.constant 0 : i32
      %dma_wait3A_561 = arith.constant 0 : i32
      %dma_wait3A_562 = tpu.memref_slice %arg3[%dma_wait3A_560, %dma_wait3A_561] : memref<32x1000000xf32, #tpu.memory_space<hbm>> -> memref<32x128xf32, #tpu.memory_space<hbm>>
      tpu.wait_dma2 semaphore(%arg11 : memref<!tpu.dma_semaphore, #tpu.memory_space<semaphore_mem>>) src(%dma_wait3A_562 : memref<32x128xf32, #tpu.memory_space<hbm>>) dst(%dma_wait3A_559 : memref<32x128xf32, #tpu.memory_space<vmem>>)
      %dma_wait3A_563 = arith.constant 0 : i32
      %dma_wait3A_564 = arith.constant 0 : i32
      %dma_wait3A_565 = arith.constant 0 : i32
      %dma_wait3A_566 = tpu.memref_slice %arg9[%dma_wait3A_563, %dma_wait3A_564, %dma_wait3A_565] : memref<4x32x128xf32, #tpu.memory_space<vmem>> -> memref<1x32x128xf32, #tpu.memory_space<vmem>>
      %dma_wait3A_567 = tpu.memref_squeeze %dma_wait3A_566 : memref<1x32x128xf32, #tpu.memory_space<vmem>> -> memref<32x128xf32, #tpu.memory_space<vmem>>
      %dma_wait3A_568 = arith.constant 0 : i32
      %dma_wait3A_569 = arith.constant 0 : i32
      %dma_wait3A_570 = tpu.memref_slice %arg4[%dma_wait3A_568, %dma_wait3A_569] : memref<32x1000000xf32, #tpu.memory_space<hbm>> -> memref<32x128xf32, #tpu.memory_space<hbm>>
      %dma_wait3A_571 = arith.constant 0 : i32
      %dma_wait3A_572 = arith.constant 0 : i32
      %dma_wait3A_573 = tpu.memref_slice %arg9[%dma_wait3A_563, %dma_wait3A_571, %dma_wait3A_572] : memref<4x32x128xf32, #tpu.memory_space<vmem>> -> memref<1x32x128xf32, #tpu.memory_space<vmem>>
      %dma_wait3A_574 = tpu.memref_squeeze %dma_wait3A_573 : memref<1x32x128xf32, #tpu.memory_space<vmem>> -> memref<32x128xf32, #tpu.memory_space<vmem>>
      %dma_wait3A_575 = arith.constant 0 : i32
      %dma_wait3A_576 = arith.constant 0 : i32
      %dma_wait3A_577 = tpu.memref_slice %arg4[%dma_wait3A_575, %dma_wait3A_576] : memref<32x1000000xf32, #tpu.memory_space<hbm>> -> memref<32x128xf32, #tpu.memory_space<hbm>>
      tpu.wait_dma2 semaphore(%arg11 : memref<!tpu.dma_semaphore, #tpu.memory_space<semaphore_mem>>) src(%dma_wait3A_577 : memref<32x128xf32, #tpu.memory_space<hbm>>) dst(%dma_wait3A_574 : memref<32x128xf32, #tpu.memory_space<vmem>>)
      %mul3A_578 = arith.constant 16 : i32
      %mul3A_579 = arith.muli %scan3A_356, %mul3A_578 : i32
      %add3A_580 = arith.constant 4 : i32
      %add3A_581 = arith.addi %mul3A_579, %add3A_580 : i32
      %sub3A_582 = arith.constant 4 : i32
      %sub3A_583 = arith.subi %add3A_581, %sub3A_582 : i32
      %slice3A_584 = vector.extract_strided_slice %get3A_360 {offsets = [0], sizes = [1], strides = [1]} : vector<16xi32> to vector<1xi32>
      %squeeze3A_585 = vector.extract %slice3A_584[0] : i32 from vector<1xi32>
      %and3A_586 = arith.constant 127 : i32
      %and3A_587 = arith.andi %squeeze3A_585, %and3A_586 : i32
      %iota3A_588 = tpu.iota {dimensions = array<i32: 0>} : vector<16xi32>
      %broadcast_in_dim3A_589 = vector.broadcast %and3A_587 : i32 to vector<16xi32>
      %gather3A_590 = arith.constant 0 : i32
      %gather3A_591 = arith.constant 0 : i32
      %gather3A_592 = arith.constant 0 : i32
      %gather3A_593 = tpu.memref_slice %arg8[%gather3A_590, %gather3A_591, %gather3A_592] : memref<4x32x128xf32, #tpu.memory_space<vmem>> -> memref<1x32x128xf32, #tpu.memory_space<vmem>>
      %gather3A_594 = tpu.memref_squeeze %gather3A_593 : memref<1x32x128xf32, #tpu.memory_space<vmem>> -> memref<32x128xf32, #tpu.memory_space<vmem>>
      %gather3A_595 = tpu.vector_load_idx %gather3A_594[%iota3A_588, %broadcast_in_dim3A_589] : memref<32x128xf32, #tpu.memory_space<vmem>>[vector<16xi32>, vector<16xi32>], vector<16xf32>,
      %swap3A_596 = arith.index_cast %sub3A_583 : i32 to index
      %swap3A_597 = arith.constant 0 : index
      %swap3A_598 = tpu.vector_load %arg10[%swap3A_596, %swap3A_597] {strides = array<i32>} : memref<512x64xf32, #tpu.memory_space<vmem>>, vector<16xf32>,
      tpu.vector_store %arg10[%swap3A_596, %swap3A_597], %gather3A_595 {strides = array<i32>} : memref<512x64xf32, #tpu.memory_space<vmem>>, vector<16xf32>,
      %add3A_599 = arith.constant 16 : i32
      %add3A_600 = vector.broadcast %add3A_599 : i32 to vector<16xi32>
      %add3A_601 = arith.addi %iota3A_588, %add3A_600 : vector<16xi32>
      %gather3A_602 = arith.constant 0 : i32
      %gather3A_603 = arith.constant 0 : i32
      %gather3A_604 = arith.constant 0 : i32
      %gather3A_605 = tpu.memref_slice %arg8[%gather3A_602, %gather3A_603, %gather3A_604] : memref<4x32x128xf32, #tpu.memory_space<vmem>> -> memref<1x32x128xf32, #tpu.memory_space<vmem>>
      %gather3A_606 = tpu.memref_squeeze %gather3A_605 : memref<1x32x128xf32, #tpu.memory_space<vmem>> -> memref<32x128xf32, #tpu.memory_space<vmem>>
      %gather3A_607 = tpu.vector_load_idx %gather3A_606[%add3A_601, %broadcast_in_dim3A_589] : memref<32x128xf32, #tpu.memory_space<vmem>>[vector<16xi32>, vector<16xi32>], vector<16xf32>,
      %swap3A_608 = arith.index_cast %sub3A_583 : i32 to index
      %swap3A_609 = arith.constant 16 : index
      %swap3A_610 = tpu.vector_load %arg10[%swap3A_608, %swap3A_609] {strides = array<i32>} : memref<512x64xf32, #tpu.memory_space<vmem>>, vector<16xf32>,
      tpu.vector_store %arg10[%swap3A_608, %swap3A_609], %gather3A_607 {strides = array<i32>} : memref<512x64xf32, #tpu.memory_space<vmem>>, vector<16xf32>,
      %slice3A_611 = vector.extract_strided_slice %get3A_364 {offsets = [0], sizes = [1], strides = [1]} : vector<16xi32> to vector<1xi32>
      %squeeze3A_612 = vector.extract %slice3A_611[0] : i32 from vector<1xi32>
      %and3A_613 = arith.constant 127 : i32
      %and3A_614 = arith.andi %squeeze3A_612, %and3A_613 : i32
      %iota3A_615 = tpu.iota {dimensions = array<i32: 0>} : vector<16xi32>
      %broadcast_in_dim3A_616 = vector.broadcast %and3A_614 : i32 to vector<16xi32>
      %gather3A_617 = arith.constant 0 : i32
      %gather3A_618 = arith.constant 0 : i32
      %gather3A_619 = arith.constant 0 : i32
      %gather3A_620 = tpu.memref_slice %arg9[%gather3A_617, %gather3A_618, %gather3A_619] : memref<4x32x128xf32, #tpu.memory_space<vmem>> -> memref<1x32x128xf32, #tpu.memory_space<vmem>>
      %gather3A_621 = tpu.memref_squeeze %gather3A_620 : memref<1x32x128xf32, #tpu.memory_space<vmem>> -> memref<32x128xf32, #tpu.memory_space<vmem>>
      %gather3A_622 = tpu.vector_load_idx %gather3A_621[%iota3A_615, %broadcast_in_dim3A_616] : memref<32x128xf32, #tpu.memory_space<vmem>>[vector<16xi32>, vector<16xi32>], vector<16xf32>,
      %swap3A_623 = arith.index_cast %sub3A_583 : i32 to index
      %swap3A_624 = arith.constant 32 : index
      %swap3A_625 = tpu.vector_load %arg10[%swap3A_623, %swap3A_624] {strides = array<i32>} : memref<512x64xf32, #tpu.memory_space<vmem>>, vector<16xf32>,
      tpu.vector_store %arg10[%swap3A_623, %swap3A_624], %gather3A_622 {strides = array<i32>} : memref<512x64xf32, #tpu.memory_space<vmem>>, vector<16xf32>,
      %add3A_626 = arith.constant 16 : i32
      %add3A_627 = vector.broadcast %add3A_626 : i32 to vector<16xi32>
      %add3A_628 = arith.addi %iota3A_615, %add3A_627 : vector<16xi32>
      %gather3A_629 = arith.constant 0 : i32
      %gather3A_630 = arith.constant 0 : i32
      %gather3A_631 = arith.constant 0 : i32
      %gather3A_632 = tpu.memref_slice %arg9[%gather3A_629, %gather3A_630, %gather3A_631] : memref<4x32x128xf32, #tpu.memory_space<vmem>> -> memref<1x32x128xf32, #tpu.memory_space<vmem>>
      %gather3A_633 = tpu.memref_squeeze %gather3A_632 : memref<1x32x128xf32, #tpu.memory_space<vmem>> -> memref<32x128xf32, #tpu.memory_space<vmem>>
      %gather3A_634 = tpu.vector_load_idx %gather3A_633[%add3A_628, %broadcast_in_dim3A_616] : memref<32x128xf32, #tpu.memory_space<vmem>>[vector<16xi32>, vector<16xi32>], vector<16xf32>,
      %swap3A_635 = arith.index_cast %sub3A_583 : i32 to index
      %swap3A_636 = arith.constant 48 : index
      %swap3A_637 = tpu.vector_load %arg10[%swap3A_635, %swap3A_636] {strides = array<i32>} : memref<512x64xf32, #tpu.memory_space<vmem>>, vector<16xf32>,
      tpu.vector_store %arg10[%swap3A_635, %swap3A_636], %gather3A_634 {strides = array<i32>} : memref<512x64xf32, #tpu.memory_space<vmem>>, vector<16xf32>,
      %slice3A_638 = vector.extract_strided_slice %get3A_360 {offsets = [4], sizes = [1], strides = [1]} : vector<16xi32> to vector<1xi32>
      %squeeze3A_639 = vector.extract %slice3A_638[0] : i32 from vector<1xi32>
      %shift_right_arithmetic3A_640 = arith.constant 7 : i32
      %shift_right_arithmetic3A_641 = arith.shrsi %squeeze3A_639, %shift_right_arithmetic3A_640 : i32
      %shift_left3A_642 = arith.constant 7 : i32
      %shift_left3A_643 = arith.shli %shift_right_arithmetic3A_641, %shift_left3A_642 : i32
      %multiple_of3A_644 = tpu.assume_multiple %shift_left3A_643, 128 : i32
      %dma_start3A_645 = arith.constant 0 : i32
      %dma_start3A_646 = arith.constant 0 : i32
      %dma_start3A_647 = arith.constant 0 : i32
      %dma_start3A_648 = tpu.memref_slice %arg8[%dma_start3A_645, %dma_start3A_646, %dma_start3A_647] : memref<4x32x128xf32, #tpu.memory_space<vmem>> -> memref<1x32x128xf32, #tpu.memory_space<vmem>>
      %dma_start3A_649 = tpu.memref_squeeze %dma_start3A_648 : memref<1x32x128xf32, #tpu.memory_space<vmem>> -> memref<32x128xf32, #tpu.memory_space<vmem>>
      %dma_start3A_650 = arith.constant 0 : i32
      %dma_start3A_651 = tpu.memref_slice %arg3[%dma_start3A_650, %multiple_of3A_644] : memref<32x1000000xf32, #tpu.memory_space<hbm>> -> memref<32x128xf32, #tpu.memory_space<hbm>>
      %dma_start3A_652 = arith.constant 0 : i32
      %dma_start3A_653 = arith.constant 0 : i32
      %dma_start3A_654 = tpu.memref_slice %arg8[%dma_start3A_645, %dma_start3A_652, %dma_start3A_653] : memref<4x32x128xf32, #tpu.memory_space<vmem>> -> memref<1x32x128xf32, #tpu.memory_space<vmem>>
      %dma_start3A_655 = tpu.memref_squeeze %dma_start3A_654 : memref<1x32x128xf32, #tpu.memory_space<vmem>> -> memref<32x128xf32, #tpu.memory_space<vmem>>
      %dma_start3A_656 = arith.constant 0 : i32
      %dma_start3A_657 = tpu.memref_slice %arg3[%dma_start3A_656, %multiple_of3A_644] : memref<32x1000000xf32, #tpu.memory_space<hbm>> -> memref<32x128xf32, #tpu.memory_space<hbm>>
      tpu.enqueue_dma source(%dma_start3A_657 : memref<32x128xf32, #tpu.memory_space<hbm>>) target(%dma_start3A_655 : memref<32x128xf32, #tpu.memory_space<vmem>>) target_semaphore(%arg11 : memref<!tpu.dma_semaphore, #tpu.memory_space<semaphore_mem>>)
      %slice3A_658 = vector.extract_strided_slice %get3A_364 {offsets = [4], sizes = [1], strides = [1]} : vector<16xi32> to vector<1xi32>
      %squeeze3A_659 = vector.extract %slice3A_658[0] : i32 from vector<1xi32>
      %shift_right_arithmetic3A_660 = arith.constant 7 : i32
      %shift_right_arithmetic3A_661 = arith.shrsi %squeeze3A_659, %shift_right_arithmetic3A_660 : i32
      %shift_left3A_662 = arith.constant 7 : i32
      %shift_left3A_663 = arith.shli %shift_right_arithmetic3A_661, %shift_left3A_662 : i32
      %multiple_of3A_664 = tpu.assume_multiple %shift_left3A_663, 128 : i32
      %dma_start3A_665 = arith.constant 0 : i32
      %dma_start3A_666 = arith.constant 0 : i32
      %dma_start3A_667 = arith.constant 0 : i32
      %dma_start3A_668 = tpu.memref_slice %arg9[%dma_start3A_665, %dma_start3A_666, %dma_start3A_667] : memref<4x32x128xf32, #tpu.memory_space<vmem>> -> memref<1x32x128xf32, #tpu.memory_space<vmem>>
      %dma_start3A_669 = tpu.memref_squeeze %dma_start3A_668 : memref<1x32x128xf32, #tpu.memory_space<vmem>> -> memref<32x128xf32, #tpu.memory_space<vmem>>
      %dma_start3A_670 = arith.constant 0 : i32
      %dma_start3A_671 = tpu.memref_slice %arg4[%dma_start3A_670, %multiple_of3A_664] : memref<32x1000000xf32, #tpu.memory_space<hbm>> -> memref<32x128xf32, #tpu.memory_space<hbm>>
      %dma_start3A_672 = arith.constant 0 : i32
      %dma_start3A_673 = arith.constant 0 : i32
      %dma_start3A_674 = tpu.memref_slice %arg9[%dma_start3A_665, %dma_start3A_672, %dma_start3A_673] : memref<4x32x128xf32, #tpu.memory_space<vmem>> -> memref<1x32x128xf32, #tpu.memory_space<vmem>>
      %dma_start3A_675 = tpu.memref_squeeze %dma_start3A_674 : memref<1x32x128xf32, #tpu.memory_space<vmem>> -> memref<32x128xf32, #tpu.memory_space<vmem>>
      %dma_start3A_676 = arith.constant 0 : i32
      %dma_start3A_677 = tpu.memref_slice %arg4[%dma_start3A_676, %multiple_of3A_664] : memref<32x1000000xf32, #tpu.memory_space<hbm>> -> memref<32x128xf32, #tpu.memory_space<hbm>>
      tpu.enqueue_dma source(%dma_start3A_677 : memref<32x128xf32, #tpu.memory_space<hbm>>) target(%dma_start3A_675 : memref<32x128xf32, #tpu.memory_space<vmem>>) target_semaphore(%arg11 : memref<!tpu.dma_semaphore, #tpu.memory_space<semaphore_mem>>)
      %dma_wait3A_678 = arith.constant 1 : i32
      %dma_wait3A_679 = arith.constant 0 : i32
      %dma_wait3A_680 = arith.constant 0 : i32
      %dma_wait3A_681 = tpu.memref_slice %arg8[%dma_wait3A_678, %dma_wait3A_679, %dma_wait3A_680] : memref<4x32x128xf32, #tpu.memory_space<vmem>> -> memref<1x32x128xf32, #tpu.memory_space<vmem>>
      %dma_wait3A_682 = tpu.memref_squeeze %dma_wait3A_681 : memref<1x32x128xf32, #tpu.memory_space<vmem>> -> memref<32x128xf32, #tpu.memory_space<vmem>>
      %dma_wait3A_683 = arith.constant 0 : i32
      %dma_wait3A_684 = arith.constant 0 : i32
      %dma_wait3A_685 = tpu.memref_slice %arg3[%dma_wait3A_683, %dma_wait3A_684] : memref<32x1000000xf32, #tpu.memory_space<hbm>> -> memref<32x128xf32, #tpu.memory_space<hbm>>
      %dma_wait3A_686 = arith.constant 0 : i32
      %dma_wait3A_687 = arith.constant 0 : i32
      %dma_wait3A_688 = tpu.memref_slice %arg8[%dma_wait3A_678, %dma_wait3A_686, %dma_wait3A_687] : memref<4x32x128xf32, #tpu.memory_space<vmem>> -> memref<1x32x128xf32, #tpu.memory_space<vmem>>
      %dma_wait3A_689 = tpu.memref_squeeze %dma_wait3A_688 : memref<1x32x128xf32, #tpu.memory_space<vmem>> -> memref<32x128xf32, #tpu.memory_space<vmem>>
      %dma_wait3A_690 = arith.constant 0 : i32
      %dma_wait3A_691 = arith.constant 0 : i32
      %dma_wait3A_692 = tpu.memref_slice %arg3[%dma_wait3A_690, %dma_wait3A_691] : memref<32x1000000xf32, #tpu.memory_space<hbm>> -> memref<32x128xf32, #tpu.memory_space<hbm>>
      tpu.wait_dma2 semaphore(%arg11 : memref<!tpu.dma_semaphore, #tpu.memory_space<semaphore_mem>>) src(%dma_wait3A_692 : memref<32x128xf32, #tpu.memory_space<hbm>>) dst(%dma_wait3A_689 : memref<32x128xf32, #tpu.memory_space<vmem>>)
      %dma_wait3A_693 = arith.constant 1 : i32
      %dma_wait3A_694 = arith.constant 0 : i32
      %dma_wait3A_695 = arith.constant 0 : i32
      %dma_wait3A_696 = tpu.memref_slice %arg9[%dma_wait3A_693, %dma_wait3A_694, %dma_wait3A_695] : memref<4x32x128xf32, #tpu.memory_space<vmem>> -> memref<1x32x128xf32, #tpu.memory_space<vmem>>
      %dma_wait3A_697 = tpu.memref_squeeze %dma_wait3A_696 : memref<1x32x128xf32, #tpu.memory_space<vmem>> -> memref<32x128xf32, #tpu.memory_space<vmem>>
      %dma_wait3A_698 = arith.constant 0 : i32
      %dma_wait3A_699 = arith.constant 0 : i32
      %dma_wait3A_700 = tpu.memref_slice %arg4[%dma_wait3A_698, %dma_wait3A_699] : memref<32x1000000xf32, #tpu.memory_space<hbm>> -> memref<32x128xf32, #tpu.memory_space<hbm>>
      %dma_wait3A_701 = arith.constant 0 : i32
      %dma_wait3A_702 = arith.constant 0 : i32
      %dma_wait3A_703 = tpu.memref_slice %arg9[%dma_wait3A_693, %dma_wait3A_701, %dma_wait3A_702] : memref<4x32x128xf32, #tpu.memory_space<vmem>> -> memref<1x32x128xf32, #tpu.memory_space<vmem>>
      %dma_wait3A_704 = tpu.memref_squeeze %dma_wait3A_703 : memref<1x32x128xf32, #tpu.memory_space<vmem>> -> memref<32x128xf32, #tpu.memory_space<vmem>>
      %dma_wait3A_705 = arith.constant 0 : i32
      %dma_wait3A_706 = arith.constant 0 : i32
      %dma_wait3A_707 = tpu.memref_slice %arg4[%dma_wait3A_705, %dma_wait3A_706] : memref<32x1000000xf32, #tpu.memory_space<hbm>> -> memref<32x128xf32, #tpu.memory_space<hbm>>
      tpu.wait_dma2 semaphore(%arg11 : memref<!tpu.dma_semaphore, #tpu.memory_space<semaphore_mem>>) src(%dma_wait3A_707 : memref<32x128xf32, #tpu.memory_space<hbm>>) dst(%dma_wait3A_704 : memref<32x128xf32, #tpu.memory_space<vmem>>)
      %mul3A_708 = arith.constant 16 : i32
      %mul3A_709 = arith.muli %scan3A_356, %mul3A_708 : i32
      %add3A_710 = arith.constant 5 : i32
      %add3A_711 = arith.addi %mul3A_709, %add3A_710 : i32
      %sub3A_712 = arith.constant 4 : i32
      %sub3A_713 = arith.subi %add3A_711, %sub3A_712 : i32
      %slice3A_714 = vector.extract_strided_slice %get3A_360 {offsets = [1], sizes = [1], strides = [1]} : vector<16xi32> to vector<1xi32>
      %squeeze3A_715 = vector.extract %slice3A_714[0] : i32 from vector<1xi32>
      %and3A_716 = arith.constant 127 : i32
      %and3A_717 = arith.andi %squeeze3A_715, %and3A_716 : i32
      %iota3A_718 = tpu.iota {dimensions = array<i32: 0>} : vector<16xi32>
      %broadcast_in_dim3A_719 = vector.broadcast %and3A_717 : i32 to vector<16xi32>
      %gather3A_720 = arith.constant 1 : i32
      %gather3A_721 = arith.constant 0 : i32
      %gather3A_722 = arith.constant 0 : i32
      %gather3A_723 = tpu.memref_slice %arg8[%gather3A_720, %gather3A_721, %gather3A_722] : memref<4x32x128xf32, #tpu.memory_space<vmem>> -> memref<1x32x128xf32, #tpu.memory_space<vmem>>
      %gather3A_724 = tpu.memref_squeeze %gather3A_723 : memref<1x32x128xf32, #tpu.memory_space<vmem>> -> memref<32x128xf32, #tpu.memory_space<vmem>>
      %gather3A_725 = tpu.vector_load_idx %gather3A_724[%iota3A_718, %broadcast_in_dim3A_719] : memref<32x128xf32, #tpu.memory_space<vmem>>[vector<16xi32>, vector<16xi32>], vector<16xf32>,
      %swap3A_726 = arith.index_cast %sub3A_713 : i32 to index
      %swap3A_727 = arith.constant 0 : index
      %swap3A_728 = tpu.vector_load %arg10[%swap3A_726, %swap3A_727] {strides = array<i32>} : memref<512x64xf32, #tpu.memory_space<vmem>>, vector<16xf32>,
      tpu.vector_store %arg10[%swap3A_726, %swap3A_727], %gather3A_725 {strides = array<i32>} : memref<512x64xf32, #tpu.memory_space<vmem>>, vector<16xf32>,
      %add3A_729 = arith.constant 16 : i32
      %add3A_730 = vector.broadcast %add3A_729 : i32 to vector<16xi32>
      %add3A_731 = arith.addi %iota3A_718, %add3A_730 : vector<16xi32>
      %gather3A_732 = arith.constant 1 : i32
      %gather3A_733 = arith.constant 0 : i32
      %gather3A_734 = arith.constant 0 : i32
      %gather3A_735 = tpu.memref_slice %arg8[%gather3A_732, %gather3A_733, %gather3A_734] : memref<4x32x128xf32, #tpu.memory_space<vmem>> -> memref<1x32x128xf32, #tpu.memory_space<vmem>>
      %gather3A_736 = tpu.memref_squeeze %gather3A_735 : memref<1x32x128xf32, #tpu.memory_space<vmem>> -> memref<32x128xf32, #tpu.memory_space<vmem>>
      %gather3A_737 = tpu.vector_load_idx %gather3A_736[%add3A_731, %broadcast_in_dim3A_719] : memref<32x128xf32, #tpu.memory_space<vmem>>[vector<16xi32>, vector<16xi32>], vector<16xf32>,
      %swap3A_738 = arith.index_cast %sub3A_713 : i32 to index
      %swap3A_739 = arith.constant 16 : index
      %swap3A_740 = tpu.vector_load %arg10[%swap3A_738, %swap3A_739] {strides = array<i32>} : memref<512x64xf32, #tpu.memory_space<vmem>>, vector<16xf32>,
      tpu.vector_store %arg10[%swap3A_738, %swap3A_739], %gather3A_737 {strides = array<i32>} : memref<512x64xf32, #tpu.memory_space<vmem>>, vector<16xf32>,
      %slice3A_741 = vector.extract_strided_slice %get3A_364 {offsets = [1], sizes = [1], strides = [1]} : vector<16xi32> to vector<1xi32>
      %squeeze3A_742 = vector.extract %slice3A_741[0] : i32 from vector<1xi32>
      %and3A_743 = arith.constant 127 : i32
      %and3A_744 = arith.andi %squeeze3A_742, %and3A_743 : i32
      %iota3A_745 = tpu.iota {dimensions = array<i32: 0>} : vector<16xi32>
      %broadcast_in_dim3A_746 = vector.broadcast %and3A_744 : i32 to vector<16xi32>
      %gather3A_747 = arith.constant 1 : i32
      %gather3A_748 = arith.constant 0 : i32
      %gather3A_749 = arith.constant 0 : i32
      %gather3A_750 = tpu.memref_slice %arg9[%gather3A_747, %gather3A_748, %gather3A_749] : memref<4x32x128xf32, #tpu.memory_space<vmem>> -> memref<1x32x128xf32, #tpu.memory_space<vmem>>
      %gather3A_751 = tpu.memref_squeeze %gather3A_750 : memref<1x32x128xf32, #tpu.memory_space<vmem>> -> memref<32x128xf32, #tpu.memory_space<vmem>>
      %gather3A_752 = tpu.vector_load_idx %gather3A_751[%iota3A_745, %broadcast_in_dim3A_746] : memref<32x128xf32, #tpu.memory_space<vmem>>[vector<16xi32>, vector<16xi32>], vector<16xf32>,
      %swap3A_753 = arith.index_cast %sub3A_713 : i32 to index
      %swap3A_754 = arith.constant 32 : index
      %swap3A_755 = tpu.vector_load %arg10[%swap3A_753, %swap3A_754] {strides = array<i32>} : memref<512x64xf32, #tpu.memory_space<vmem>>, vector<16xf32>,
      tpu.vector_store %arg10[%swap3A_753, %swap3A_754], %gather3A_752 {strides = array<i32>} : memref<512x64xf32, #tpu.memory_space<vmem>>, vector<16xf32>,
      %add3A_756 = arith.constant 16 : i32
      %add3A_757 = vector.broadcast %add3A_756 : i32 to vector<16xi32>
      %add3A_758 = arith.addi %iota3A_745, %add3A_757 : vector<16xi32>
      %gather3A_759 = arith.constant 1 : i32
      %gather3A_760 = arith.constant 0 : i32
      %gather3A_761 = arith.constant 0 : i32
      %gather3A_762 = tpu.memref_slice %arg9[%gather3A_759, %gather3A_760, %gather3A_761] : memref<4x32x128xf32, #tpu.memory_space<vmem>> -> memref<1x32x128xf32, #tpu.memory_space<vmem>>
      %gather3A_763 = tpu.memref_squeeze %gather3A_762 : memref<1x32x128xf32, #tpu.memory_space<vmem>> -> memref<32x128xf32, #tpu.memory_space<vmem>>
      %gather3A_764 = tpu.vector_load_idx %gather3A_763[%add3A_758, %broadcast_in_dim3A_746] : memref<32x128xf32, #tpu.memory_space<vmem>>[vector<16xi32>, vector<16xi32>], vector<16xf32>,
      %swap3A_765 = arith.index_cast %sub3A_713 : i32 to index
      %swap3A_766 = arith.constant 48 : index
      %swap3A_767 = tpu.vector_load %arg10[%swap3A_765, %swap3A_766] {strides = array<i32>} : memref<512x64xf32, #tpu.memory_space<vmem>>, vector<16xf32>,
      tpu.vector_store %arg10[%swap3A_765, %swap3A_766], %gather3A_764 {strides = array<i32>} : memref<512x64xf32, #tpu.memory_space<vmem>>, vector<16xf32>,
      %slice3A_768 = vector.extract_strided_slice %get3A_360 {offsets = [5], sizes = [1], strides = [1]} : vector<16xi32> to vector<1xi32>
      %squeeze3A_769 = vector.extract %slice3A_768[0] : i32 from vector<1xi32>
      %shift_right_arithmetic3A_770 = arith.constant 7 : i32
      %shift_right_arithmetic3A_771 = arith.shrsi %squeeze3A_769, %shift_right_arithmetic3A_770 : i32
      %shift_left3A_772 = arith.constant 7 : i32
      %shift_left3A_773 = arith.shli %shift_right_arithmetic3A_771, %shift_left3A_772 : i32
      %multiple_of3A_774 = tpu.assume_multiple %shift_left3A_773, 128 : i32
      %dma_start3A_775 = arith.constant 1 : i32
      %dma_start3A_776 = arith.constant 0 : i32
      %dma_start3A_777 = arith.constant 0 : i32
      %dma_start3A_778 = tpu.memref_slice %arg8[%dma_start3A_775, %dma_start3A_776, %dma_start3A_777] : memref<4x32x128xf32, #tpu.memory_space<vmem>> -> memref<1x32x128xf32, #tpu.memory_space<vmem>>
      %dma_start3A_779 = tpu.memref_squeeze %dma_start3A_778 : memref<1x32x128xf32, #tpu.memory_space<vmem>> -> memref<32x128xf32, #tpu.memory_space<vmem>>
      %dma_start3A_780 = arith.constant 0 : i32
      %dma_start3A_781 = tpu.memref_slice %arg3[%dma_start3A_780, %multiple_of3A_774] : memref<32x1000000xf32, #tpu.memory_space<hbm>> -> memref<32x128xf32, #tpu.memory_space<hbm>>
      %dma_start3A_782 = arith.constant 0 : i32
      %dma_start3A_783 = arith.constant 0 : i32
      %dma_start3A_784 = tpu.memref_slice %arg8[%dma_start3A_775, %dma_start3A_782, %dma_start3A_783] : memref<4x32x128xf32, #tpu.memory_space<vmem>> -> memref<1x32x128xf32, #tpu.memory_space<vmem>>
      %dma_start3A_785 = tpu.memref_squeeze %dma_start3A_784 : memref<1x32x128xf32, #tpu.memory_space<vmem>> -> memref<32x128xf32, #tpu.memory_space<vmem>>
      %dma_start3A_786 = arith.constant 0 : i32
      %dma_start3A_787 = tpu.memref_slice %arg3[%dma_start3A_786, %multiple_of3A_774] : memref<32x1000000xf32, #tpu.memory_space<hbm>> -> memref<32x128xf32, #tpu.memory_space<hbm>>
      tpu.enqueue_dma source(%dma_start3A_787 : memref<32x128xf32, #tpu.memory_space<hbm>>) target(%dma_start3A_785 : memref<32x128xf32, #tpu.memory_space<vmem>>) target_semaphore(%arg11 : memref<!tpu.dma_semaphore, #tpu.memory_space<semaphore_mem>>)
      %slice3A_788 = vector.extract_strided_slice %get3A_364 {offsets = [5], sizes = [1], strides = [1]} : vector<16xi32> to vector<1xi32>
      %squeeze3A_789 = vector.extract %slice3A_788[0] : i32 from vector<1xi32>
      %shift_right_arithmetic3A_790 = arith.constant 7 : i32
      %shift_right_arithmetic3A_791 = arith.shrsi %squeeze3A_789, %shift_right_arithmetic3A_790 : i32
      %shift_left3A_792 = arith.constant 7 : i32
      %shift_left3A_793 = arith.shli %shift_right_arithmetic3A_791, %shift_left3A_792 : i32
      %multiple_of3A_794 = tpu.assume_multiple %shift_left3A_793, 128 : i32
      %dma_start3A_795 = arith.constant 1 : i32
      %dma_start3A_796 = arith.constant 0 : i32
      %dma_start3A_797 = arith.constant 0 : i32
      %dma_start3A_798 = tpu.memref_slice %arg9[%dma_start3A_795, %dma_start3A_796, %dma_start3A_797] : memref<4x32x128xf32, #tpu.memory_space<vmem>> -> memref<1x32x128xf32, #tpu.memory_space<vmem>>
      %dma_start3A_799 = tpu.memref_squeeze %dma_start3A_798 : memref<1x32x128xf32, #tpu.memory_space<vmem>> -> memref<32x128xf32, #tpu.memory_space<vmem>>
      %dma_start3A_800 = arith.constant 0 : i32
      %dma_start3A_801 = tpu.memref_slice %arg4[%dma_start3A_800, %multiple_of3A_794] : memref<32x1000000xf32, #tpu.memory_space<hbm>> -> memref<32x128xf32, #tpu.memory_space<hbm>>
      %dma_start3A_802 = arith.constant 0 : i32
      %dma_start3A_803 = arith.constant 0 : i32
      %dma_start3A_804 = tpu.memref_slice %arg9[%dma_start3A_795, %dma_start3A_802, %dma_start3A_803] : memref<4x32x128xf32, #tpu.memory_space<vmem>> -> memref<1x32x128xf32, #tpu.memory_space<vmem>>
      %dma_start3A_805 = tpu.memref_squeeze %dma_start3A_804 : memref<1x32x128xf32, #tpu.memory_space<vmem>> -> memref<32x128xf32, #tpu.memory_space<vmem>>
      %dma_start3A_806 = arith.constant 0 : i32
      %dma_start3A_807 = tpu.memref_slice %arg4[%dma_start3A_806, %multiple_of3A_794] : memref<32x1000000xf32, #tpu.memory_space<hbm>> -> memref<32x128xf32, #tpu.memory_space<hbm>>
      tpu.enqueue_dma source(%dma_start3A_807 : memref<32x128xf32, #tpu.memory_space<hbm>>) target(%dma_start3A_805 : memref<32x128xf32, #tpu.memory_space<vmem>>) target_semaphore(%arg11 : memref<!tpu.dma_semaphore, #tpu.memory_space<semaphore_mem>>)
      %dma_wait3A_808 = arith.constant 2 : i32
      %dma_wait3A_809 = arith.constant 0 : i32
      %dma_wait3A_810 = arith.constant 0 : i32
      %dma_wait3A_811 = tpu.memref_slice %arg8[%dma_wait3A_808, %dma_wait3A_809, %dma_wait3A_810] : memref<4x32x128xf32, #tpu.memory_space<vmem>> -> memref<1x32x128xf32, #tpu.memory_space<vmem>>
      %dma_wait3A_812 = tpu.memref_squeeze %dma_wait3A_811 : memref<1x32x128xf32, #tpu.memory_space<vmem>> -> memref<32x128xf32, #tpu.memory_space<vmem>>
      %dma_wait3A_813 = arith.constant 0 : i32
      %dma_wait3A_814 = arith.constant 0 : i32
      %dma_wait3A_815 = tpu.memref_slice %arg3[%dma_wait3A_813, %dma_wait3A_814] : memref<32x1000000xf32, #tpu.memory_space<hbm>> -> memref<32x128xf32, #tpu.memory_space<hbm>>
      %dma_wait3A_816 = arith.constant 0 : i32
      %dma_wait3A_817 = arith.constant 0 : i32
      %dma_wait3A_818 = tpu.memref_slice %arg8[%dma_wait3A_808, %dma_wait3A_816, %dma_wait3A_817] : memref<4x32x128xf32, #tpu.memory_space<vmem>> -> memref<1x32x128xf32, #tpu.memory_space<vmem>>
      %dma_wait3A_819 = tpu.memref_squeeze %dma_wait3A_818 : memref<1x32x128xf32, #tpu.memory_space<vmem>> -> memref<32x128xf32, #tpu.memory_space<vmem>>
      %dma_wait3A_820 = arith.constant 0 : i32
      %dma_wait3A_821 = arith.constant 0 : i32
      %dma_wait3A_822 = tpu.memref_slice %arg3[%dma_wait3A_820, %dma_wait3A_821] : memref<32x1000000xf32, #tpu.memory_space<hbm>> -> memref<32x128xf32, #tpu.memory_space<hbm>>
      tpu.wait_dma2 semaphore(%arg11 : memref<!tpu.dma_semaphore, #tpu.memory_space<semaphore_mem>>) src(%dma_wait3A_822 : memref<32x128xf32, #tpu.memory_space<hbm>>) dst(%dma_wait3A_819 : memref<32x128xf32, #tpu.memory_space<vmem>>)
      %dma_wait3A_823 = arith.constant 2 : i32
      %dma_wait3A_824 = arith.constant 0 : i32
      %dma_wait3A_825 = arith.constant 0 : i32
      %dma_wait3A_826 = tpu.memref_slice %arg9[%dma_wait3A_823, %dma_wait3A_824, %dma_wait3A_825] : memref<4x32x128xf32, #tpu.memory_space<vmem>> -> memref<1x32x128xf32, #tpu.memory_space<vmem>>
      %dma_wait3A_827 = tpu.memref_squeeze %dma_wait3A_826 : memref<1x32x128xf32, #tpu.memory_space<vmem>> -> memref<32x128xf32, #tpu.memory_space<vmem>>
      %dma_wait3A_828 = arith.constant 0 : i32
      %dma_wait3A_829 = arith.constant 0 : i32
      %dma_wait3A_830 = tpu.memref_slice %arg4[%dma_wait3A_828, %dma_wait3A_829] : memref<32x1000000xf32, #tpu.memory_space<hbm>> -> memref<32x128xf32, #tpu.memory_space<hbm>>
      %dma_wait3A_831 = arith.constant 0 : i32
      %dma_wait3A_832 = arith.constant 0 : i32
      %dma_wait3A_833 = tpu.memref_slice %arg9[%dma_wait3A_823, %dma_wait3A_831, %dma_wait3A_832] : memref<4x32x128xf32, #tpu.memory_space<vmem>> -> memref<1x32x128xf32, #tpu.memory_space<vmem>>
      %dma_wait3A_834 = tpu.memref_squeeze %dma_wait3A_833 : memref<1x32x128xf32, #tpu.memory_space<vmem>> -> memref<32x128xf32, #tpu.memory_space<vmem>>
      %dma_wait3A_835 = arith.constant 0 : i32
      %dma_wait3A_836 = arith.constant 0 : i32
      %dma_wait3A_837 = tpu.memref_slice %arg4[%dma_wait3A_835, %dma_wait3A_836] : memref<32x1000000xf32, #tpu.memory_space<hbm>> -> memref<32x128xf32, #tpu.memory_space<hbm>>
      tpu.wait_dma2 semaphore(%arg11 : memref<!tpu.dma_semaphore, #tpu.memory_space<semaphore_mem>>) src(%dma_wait3A_837 : memref<32x128xf32, #tpu.memory_space<hbm>>) dst(%dma_wait3A_834 : memref<32x128xf32, #tpu.memory_space<vmem>>)
      %mul3A_838 = arith.constant 16 : i32
      %mul3A_839 = arith.muli %scan3A_356, %mul3A_838 : i32
      %add3A_840 = arith.constant 6 : i32
      %add3A_841 = arith.addi %mul3A_839, %add3A_840 : i32
      %sub3A_842 = arith.constant 4 : i32
      %sub3A_843 = arith.subi %add3A_841, %sub3A_842 : i32
      %slice3A_844 = vector.extract_strided_slice %get3A_360 {offsets = [2], sizes = [1], strides = [1]} : vector<16xi32> to vector<1xi32>
      %squeeze3A_845 = vector.extract %slice3A_844[0] : i32 from vector<1xi32>
      %and3A_846 = arith.constant 127 : i32
      %and3A_847 = arith.andi %squeeze3A_845, %and3A_846 : i32
      %iota3A_848 = tpu.iota {dimensions = array<i32: 0>} : vector<16xi32>
      %broadcast_in_dim3A_849 = vector.broadcast %and3A_847 : i32 to vector<16xi32>
      %gather3A_850 = arith.constant 2 : i32
      %gather3A_851 = arith.constant 0 : i32
      %gather3A_852 = arith.constant 0 : i32
      %gather3A_853 = tpu.memref_slice %arg8[%gather3A_850, %gather3A_851, %gather3A_852] : memref<4x32x128xf32, #tpu.memory_space<vmem>> -> memref<1x32x128xf32, #tpu.memory_space<vmem>>
      %gather3A_854 = tpu.memref_squeeze %gather3A_853 : memref<1x32x128xf32, #tpu.memory_space<vmem>> -> memref<32x128xf32, #tpu.memory_space<vmem>>
      %gather3A_855 = tpu.vector_load_idx %gather3A_854[%iota3A_848, %broadcast_in_dim3A_849] : memref<32x128xf32, #tpu.memory_space<vmem>>[vector<16xi32>, vector<16xi32>], vector<16xf32>,
      %swap3A_856 = arith.index_cast %sub3A_843 : i32 to index
      %swap3A_857 = arith.constant 0 : index
      %swap3A_858 = tpu.vector_load %arg10[%swap3A_856, %swap3A_857] {strides = array<i32>} : memref<512x64xf32, #tpu.memory_space<vmem>>, vector<16xf32>,
      tpu.vector_store %arg10[%swap3A_856, %swap3A_857], %gather3A_855 {strides = array<i32>} : memref<512x64xf32, #tpu.memory_space<vmem>>, vector<16xf32>,
      %add3A_859 = arith.constant 16 : i32
      %add3A_860 = vector.broadcast %add3A_859 : i32 to vector<16xi32>
      %add3A_861 = arith.addi %iota3A_848, %add3A_860 : vector<16xi32>
      %gather3A_862 = arith.constant 2 : i32
      %gather3A_863 = arith.constant 0 : i32
      %gather3A_864 = arith.constant 0 : i32
      %gather3A_865 = tpu.memref_slice %arg8[%gather3A_862, %gather3A_863, %gather3A_864] : memref<4x32x128xf32, #tpu.memory_space<vmem>> -> memref<1x32x128xf32, #tpu.memory_space<vmem>>
      %gather3A_866 = tpu.memref_squeeze %gather3A_865 : memref<1x32x128xf32, #tpu.memory_space<vmem>> -> memref<32x128xf32, #tpu.memory_space<vmem>>
      %gather3A_867 = tpu.vector_load_idx %gather3A_866[%add3A_861, %broadcast_in_dim3A_849] : memref<32x128xf32, #tpu.memory_space<vmem>>[vector<16xi32>, vector<16xi32>], vector<16xf32>,
      %swap3A_868 = arith.index_cast %sub3A_843 : i32 to index
      %swap3A_869 = arith.constant 16 : index
      %swap3A_870 = tpu.vector_load %arg10[%swap3A_868, %swap3A_869] {strides = array<i32>} : memref<512x64xf32, #tpu.memory_space<vmem>>, vector<16xf32>,
      tpu.vector_store %arg10[%swap3A_868, %swap3A_869], %gather3A_867 {strides = array<i32>} : memref<512x64xf32, #tpu.memory_space<vmem>>, vector<16xf32>,
      %slice3A_871 = vector.extract_strided_slice %get3A_364 {offsets = [2], sizes = [1], strides = [1]} : vector<16xi32> to vector<1xi32>
      %squeeze3A_872 = vector.extract %slice3A_871[0] : i32 from vector<1xi32>
      %and3A_873 = arith.constant 127 : i32
      %and3A_874 = arith.andi %squeeze3A_872, %and3A_873 : i32
      %iota3A_875 = tpu.iota {dimensions = array<i32: 0>} : vector<16xi32>
      %broadcast_in_dim3A_876 = vector.broadcast %and3A_874 : i32 to vector<16xi32>
      %gather3A_877 = arith.constant 2 : i32
      %gather3A_878 = arith.constant 0 : i32
      %gather3A_879 = arith.constant 0 : i32
      %gather3A_880 = tpu.memref_slice %arg9[%gather3A_877, %gather3A_878, %gather3A_879] : memref<4x32x128xf32, #tpu.memory_space<vmem>> -> memref<1x32x128xf32, #tpu.memory_space<vmem>>
      %gather3A_881 = tpu.memref_squeeze %gather3A_880 : memref<1x32x128xf32, #tpu.memory_space<vmem>> -> memref<32x128xf32, #tpu.memory_space<vmem>>
      %gather3A_882 = tpu.vector_load_idx %gather3A_881[%iota3A_875, %broadcast_in_dim3A_876] : memref<32x128xf32, #tpu.memory_space<vmem>>[vector<16xi32>, vector<16xi32>], vector<16xf32>,
      %swap3A_883 = arith.index_cast %sub3A_843 : i32 to index
      %swap3A_884 = arith.constant 32 : index
      %swap3A_885 = tpu.vector_load %arg10[%swap3A_883, %swap3A_884] {strides = array<i32>} : memref<512x64xf32, #tpu.memory_space<vmem>>, vector<16xf32>,
      tpu.vector_store %arg10[%swap3A_883, %swap3A_884], %gather3A_882 {strides = array<i32>} : memref<512x64xf32, #tpu.memory_space<vmem>>, vector<16xf32>,
      %add3A_886 = arith.constant 16 : i32
      %add3A_887 = vector.broadcast %add3A_886 : i32 to vector<16xi32>
      %add3A_888 = arith.addi %iota3A_875, %add3A_887 : vector<16xi32>
      %gather3A_889 = arith.constant 2 : i32
      %gather3A_890 = arith.constant 0 : i32
      %gather3A_891 = arith.constant 0 : i32
      %gather3A_892 = tpu.memref_slice %arg9[%gather3A_889, %gather3A_890, %gather3A_891] : memref<4x32x128xf32, #tpu.memory_space<vmem>> -> memref<1x32x128xf32, #tpu.memory_space<vmem>>
      %gather3A_893 = tpu.memref_squeeze %gather3A_892 : memref<1x32x128xf32, #tpu.memory_space<vmem>> -> memref<32x128xf32, #tpu.memory_space<vmem>>
      %gather3A_894 = tpu.vector_load_idx %gather3A_893[%add3A_888, %broadcast_in_dim3A_876] : memref<32x128xf32, #tpu.memory_space<vmem>>[vector<16xi32>, vector<16xi32>], vector<16xf32>,
      %swap3A_895 = arith.index_cast %sub3A_843 : i32 to index
      %swap3A_896 = arith.constant 48 : index
      %swap3A_897 = tpu.vector_load %arg10[%swap3A_895, %swap3A_896] {strides = array<i32>} : memref<512x64xf32, #tpu.memory_space<vmem>>, vector<16xf32>,
      tpu.vector_store %arg10[%swap3A_895, %swap3A_896], %gather3A_894 {strides = array<i32>} : memref<512x64xf32, #tpu.memory_space<vmem>>, vector<16xf32>,
      %slice3A_898 = vector.extract_strided_slice %get3A_360 {offsets = [6], sizes = [1], strides = [1]} : vector<16xi32> to vector<1xi32>
      %squeeze3A_899 = vector.extract %slice3A_898[0] : i32 from vector<1xi32>
      %shift_right_arithmetic3A_900 = arith.constant 7 : i32
      %shift_right_arithmetic3A_901 = arith.shrsi %squeeze3A_899, %shift_right_arithmetic3A_900 : i32
      %shift_left3A_902 = arith.constant 7 : i32
      %shift_left3A_903 = arith.shli %shift_right_arithmetic3A_901, %shift_left3A_902 : i32
      %multiple_of3A_904 = tpu.assume_multiple %shift_left3A_903, 128 : i32
      %dma_start3A_905 = arith.constant 2 : i32
      %dma_start3A_906 = arith.constant 0 : i32
      %dma_start3A_907 = arith.constant 0 : i32
      %dma_start3A_908 = tpu.memref_slice %arg8[%dma_start3A_905, %dma_start3A_906, %dma_start3A_907] : memref<4x32x128xf32, #tpu.memory_space<vmem>> -> memref<1x32x128xf32, #tpu.memory_space<vmem>>
      %dma_start3A_909 = tpu.memref_squeeze %dma_start3A_908 : memref<1x32x128xf32, #tpu.memory_space<vmem>> -> memref<32x128xf32, #tpu.memory_space<vmem>>
      %dma_start3A_910 = arith.constant 0 : i32
      %dma_start3A_911 = tpu.memref_slice %arg3[%dma_start3A_910, %multiple_of3A_904] : memref<32x1000000xf32, #tpu.memory_space<hbm>> -> memref<32x128xf32, #tpu.memory_space<hbm>>
      %dma_start3A_912 = arith.constant 0 : i32
      %dma_start3A_913 = arith.constant 0 : i32
      %dma_start3A_914 = tpu.memref_slice %arg8[%dma_start3A_905, %dma_start3A_912, %dma_start3A_913] : memref<4x32x128xf32, #tpu.memory_space<vmem>> -> memref<1x32x128xf32, #tpu.memory_space<vmem>>
      %dma_start3A_915 = tpu.memref_squeeze %dma_start3A_914 : memref<1x32x128xf32, #tpu.memory_space<vmem>> -> memref<32x128xf32, #tpu.memory_space<vmem>>
      %dma_start3A_916 = arith.constant 0 : i32
      %dma_start3A_917 = tpu.memref_slice %arg3[%dma_start3A_916, %multiple_of3A_904] : memref<32x1000000xf32, #tpu.memory_space<hbm>> -> memref<32x128xf32, #tpu.memory_space<hbm>>
      tpu.enqueue_dma source(%dma_start3A_917 : memref<32x128xf32, #tpu.memory_space<hbm>>) target(%dma_start3A_915 : memref<32x128xf32, #tpu.memory_space<vmem>>) target_semaphore(%arg11 : memref<!tpu.dma_semaphore, #tpu.memory_space<semaphore_mem>>)
      %slice3A_918 = vector.extract_strided_slice %get3A_364 {offsets = [6], sizes = [1], strides = [1]} : vector<16xi32> to vector<1xi32>
      %squeeze3A_919 = vector.extract %slice3A_918[0] : i32 from vector<1xi32>
      %shift_right_arithmetic3A_920 = arith.constant 7 : i32
      %shift_right_arithmetic3A_921 = arith.shrsi %squeeze3A_919, %shift_right_arithmetic3A_920 : i32
      %shift_left3A_922 = arith.constant 7 : i32
      %shift_left3A_923 = arith.shli %shift_right_arithmetic3A_921, %shift_left3A_922 : i32
      %multiple_of3A_924 = tpu.assume_multiple %shift_left3A_923, 128 : i32
      %dma_start3A_925 = arith.constant 2 : i32
      %dma_start3A_926 = arith.constant 0 : i32
      %dma_start3A_927 = arith.constant 0 : i32
      %dma_start3A_928 = tpu.memref_slice %arg9[%dma_start3A_925, %dma_start3A_926, %dma_start3A_927] : memref<4x32x128xf32, #tpu.memory_space<vmem>> -> memref<1x32x128xf32, #tpu.memory_space<vmem>>
      %dma_start3A_929 = tpu.memref_squeeze %dma_start3A_928 : memref<1x32x128xf32, #tpu.memory_space<vmem>> -> memref<32x128xf32, #tpu.memory_space<vmem>>
      %dma_start3A_930 = arith.constant 0 : i32
      %dma_start3A_931 = tpu.memref_slice %arg4[%dma_start3A_930, %multiple_of3A_924] : memref<32x1000000xf32, #tpu.memory_space<hbm>> -> memref<32x128xf32, #tpu.memory_space<hbm>>
      %dma_start3A_932 = arith.constant 0 : i32
      %dma_start3A_933 = arith.constant 0 : i32
      %dma_start3A_934 = tpu.memref_slice %arg9[%dma_start3A_925, %dma_start3A_932, %dma_start3A_933] : memref<4x32x128xf32, #tpu.memory_space<vmem>> -> memref<1x32x128xf32, #tpu.memory_space<vmem>>
      %dma_start3A_935 = tpu.memref_squeeze %dma_start3A_934 : memref<1x32x128xf32, #tpu.memory_space<vmem>> -> memref<32x128xf32, #tpu.memory_space<vmem>>
      %dma_start3A_936 = arith.constant 0 : i32
      %dma_start3A_937 = tpu.memref_slice %arg4[%dma_start3A_936, %multiple_of3A_924] : memref<32x1000000xf32, #tpu.memory_space<hbm>> -> memref<32x128xf32, #tpu.memory_space<hbm>>
      tpu.enqueue_dma source(%dma_start3A_937 : memref<32x128xf32, #tpu.memory_space<hbm>>) target(%dma_start3A_935 : memref<32x128xf32, #tpu.memory_space<vmem>>) target_semaphore(%arg11 : memref<!tpu.dma_semaphore, #tpu.memory_space<semaphore_mem>>)
      %dma_wait3A_938 = arith.constant 3 : i32
      %dma_wait3A_939 = arith.constant 0 : i32
      %dma_wait3A_940 = arith.constant 0 : i32
      %dma_wait3A_941 = tpu.memref_slice %arg8[%dma_wait3A_938, %dma_wait3A_939, %dma_wait3A_940] : memref<4x32x128xf32, #tpu.memory_space<vmem>> -> memref<1x32x128xf32, #tpu.memory_space<vmem>>
      %dma_wait3A_942 = tpu.memref_squeeze %dma_wait3A_941 : memref<1x32x128xf32, #tpu.memory_space<vmem>> -> memref<32x128xf32, #tpu.memory_space<vmem>>
      %dma_wait3A_943 = arith.constant 0 : i32
      %dma_wait3A_944 = arith.constant 0 : i32
      %dma_wait3A_945 = tpu.memref_slice %arg3[%dma_wait3A_943, %dma_wait3A_944] : memref<32x1000000xf32, #tpu.memory_space<hbm>> -> memref<32x128xf32, #tpu.memory_space<hbm>>
      %dma_wait3A_946 = arith.constant 0 : i32
      %dma_wait3A_947 = arith.constant 0 : i32
      %dma_wait3A_948 = tpu.memref_slice %arg8[%dma_wait3A_938, %dma_wait3A_946, %dma_wait3A_947] : memref<4x32x128xf32, #tpu.memory_space<vmem>> -> memref<1x32x128xf32, #tpu.memory_space<vmem>>
      %dma_wait3A_949 = tpu.memref_squeeze %dma_wait3A_948 : memref<1x32x128xf32, #tpu.memory_space<vmem>> -> memref<32x128xf32, #tpu.memory_space<vmem>>
      %dma_wait3A_950 = arith.constant 0 : i32
      %dma_wait3A_951 = arith.constant 0 : i32
      %dma_wait3A_952 = tpu.memref_slice %arg3[%dma_wait3A_950, %dma_wait3A_951] : memref<32x1000000xf32, #tpu.memory_space<hbm>> -> memref<32x128xf32, #tpu.memory_space<hbm>>
      tpu.wait_dma2 semaphore(%arg11 : memref<!tpu.dma_semaphore, #tpu.memory_space<semaphore_mem>>) src(%dma_wait3A_952 : memref<32x128xf32, #tpu.memory_space<hbm>>) dst(%dma_wait3A_949 : memref<32x128xf32, #tpu.memory_space<vmem>>)
      %dma_wait3A_953 = arith.constant 3 : i32
      %dma_wait3A_954 = arith.constant 0 : i32
      %dma_wait3A_955 = arith.constant 0 : i32
      %dma_wait3A_956 = tpu.memref_slice %arg9[%dma_wait3A_953, %dma_wait3A_954, %dma_wait3A_955] : memref<4x32x128xf32, #tpu.memory_space<vmem>> -> memref<1x32x128xf32, #tpu.memory_space<vmem>>
      %dma_wait3A_957 = tpu.memref_squeeze %dma_wait3A_956 : memref<1x32x128xf32, #tpu.memory_space<vmem>> -> memref<32x128xf32, #tpu.memory_space<vmem>>
      %dma_wait3A_958 = arith.constant 0 : i32
      %dma_wait3A_959 = arith.constant 0 : i32
      %dma_wait3A_960 = tpu.memref_slice %arg4[%dma_wait3A_958, %dma_wait3A_959] : memref<32x1000000xf32, #tpu.memory_space<hbm>> -> memref<32x128xf32, #tpu.memory_space<hbm>>
      %dma_wait3A_961 = arith.constant 0 : i32
      %dma_wait3A_962 = arith.constant 0 : i32
      %dma_wait3A_963 = tpu.memref_slice %arg9[%dma_wait3A_953, %dma_wait3A_961, %dma_wait3A_962] : memref<4x32x128xf32, #tpu.memory_space<vmem>> -> memref<1x32x128xf32, #tpu.memory_space<vmem>>
      %dma_wait3A_964 = tpu.memref_squeeze %dma_wait3A_963 : memref<1x32x128xf32, #tpu.memory_space<vmem>> -> memref<32x128xf32, #tpu.memory_space<vmem>>
      %dma_wait3A_965 = arith.constant 0 : i32
      %dma_wait3A_966 = arith.constant 0 : i32
      %dma_wait3A_967 = tpu.memref_slice %arg4[%dma_wait3A_965, %dma_wait3A_966] : memref<32x1000000xf32, #tpu.memory_space<hbm>> -> memref<32x128xf32, #tpu.memory_space<hbm>>
      tpu.wait_dma2 semaphore(%arg11 : memref<!tpu.dma_semaphore, #tpu.memory_space<semaphore_mem>>) src(%dma_wait3A_967 : memref<32x128xf32, #tpu.memory_space<hbm>>) dst(%dma_wait3A_964 : memref<32x128xf32, #tpu.memory_space<vmem>>)
      %mul3A_968 = arith.constant 16 : i32
      %mul3A_969 = arith.muli %scan3A_356, %mul3A_968 : i32
      %add3A_970 = arith.constant 7 : i32
      %add3A_971 = arith.addi %mul3A_969, %add3A_970 : i32
      %sub3A_972 = arith.constant 4 : i32
      %sub3A_973 = arith.subi %add3A_971, %sub3A_972 : i32
      %slice3A_974 = vector.extract_strided_slice %get3A_360 {offsets = [3], sizes = [1], strides = [1]} : vector<16xi32> to vector<1xi32>
      %squeeze3A_975 = vector.extract %slice3A_974[0] : i32 from vector<1xi32>
      %and3A_976 = arith.constant 127 : i32
      %and3A_977 = arith.andi %squeeze3A_975, %and3A_976 : i32
      %iota3A_978 = tpu.iota {dimensions = array<i32: 0>} : vector<16xi32>
      %broadcast_in_dim3A_979 = vector.broadcast %and3A_977 : i32 to vector<16xi32>
      %gather3A_980 = arith.constant 3 : i32
      %gather3A_981 = arith.constant 0 : i32
      %gather3A_982 = arith.constant 0 : i32
      %gather3A_983 = tpu.memref_slice %arg8[%gather3A_980, %gather3A_981, %gather3A_982] : memref<4x32x128xf32, #tpu.memory_space<vmem>> -> memref<1x32x128xf32, #tpu.memory_space<vmem>>
      %gather3A_984 = tpu.memref_squeeze %gather3A_983 : memref<1x32x128xf32, #tpu.memory_space<vmem>> -> memref<32x128xf32, #tpu.memory_space<vmem>>
      %gather3A_985 = tpu.vector_load_idx %gather3A_984[%iota3A_978, %broadcast_in_dim3A_979] : memref<32x128xf32, #tpu.memory_space<vmem>>[vector<16xi32>, vector<16xi32>], vector<16xf32>,
      %swap3A_986 = arith.index_cast %sub3A_973 : i32 to index
      %swap3A_987 = arith.constant 0 : index
      %swap3A_988 = tpu.vector_load %arg10[%swap3A_986, %swap3A_987] {strides = array<i32>} : memref<512x64xf32, #tpu.memory_space<vmem>>, vector<16xf32>,
      tpu.vector_store %arg10[%swap3A_986, %swap3A_987], %gather3A_985 {strides = array<i32>} : memref<512x64xf32, #tpu.memory_space<vmem>>, vector<16xf32>,
      %add3A_989 = arith.constant 16 : i32
      %add3A_990 = vector.broadcast %add3A_989 : i32 to vector<16xi32>
      %add3A_991 = arith.addi %iota3A_978, %add3A_990 : vector<16xi32>
      %gather3A_992 = arith.constant 3 : i32
      %gather3A_993 = arith.constant 0 : i32
      %gather3A_994 = arith.constant 0 : i32
      %gather3A_995 = tpu.memref_slice %arg8[%gather3A_992, %gather3A_993, %gather3A_994] : memref<4x32x128xf32, #tpu.memory_space<vmem>> -> memref<1x32x128xf32, #tpu.memory_space<vmem>>
      %gather3A_996 = tpu.memref_squeeze %gather3A_995 : memref<1x32x128xf32, #tpu.memory_space<vmem>> -> memref<32x128xf32, #tpu.memory_space<vmem>>
      %gather3A_997 = tpu.vector_load_idx %gather3A_996[%add3A_991, %broadcast_in_dim3A_979] : memref<32x128xf32, #tpu.memory_space<vmem>>[vector<16xi32>, vector<16xi32>], vector<16xf32>,
      %swap3A_998 = arith.index_cast %sub3A_973 : i32 to index
      %swap3A_999 = arith.constant 16 : index
      %swap3A_1000 = tpu.vector_load %arg10[%swap3A_998, %swap3A_999] {strides = array<i32>} : memref<512x64xf32, #tpu.memory_space<vmem>>, vector<16xf32>,
      tpu.vector_store %arg10[%swap3A_998, %swap3A_999], %gather3A_997 {strides = array<i32>} : memref<512x64xf32, #tpu.memory_space<vmem>>, vector<16xf32>,
      %slice3A_1001 = vector.extract_strided_slice %get3A_364 {offsets = [3], sizes = [1], strides = [1]} : vector<16xi32> to vector<1xi32>
      %squeeze3A_1002 = vector.extract %slice3A_1001[0] : i32 from vector<1xi32>
      %and3A_1003 = arith.constant 127 : i32
      %and3A_1004 = arith.andi %squeeze3A_1002, %and3A_1003 : i32
      %iota3A_1005 = tpu.iota {dimensions = array<i32: 0>} : vector<16xi32>
      %broadcast_in_dim3A_1006 = vector.broadcast %and3A_1004 : i32 to vector<16xi32>
      %gather3A_1007 = arith.constant 3 : i32
      %gather3A_1008 = arith.constant 0 : i32
      %gather3A_1009 = arith.constant 0 : i32
      %gather3A_1010 = tpu.memref_slice %arg9[%gather3A_1007, %gather3A_1008, %gather3A_1009] : memref<4x32x128xf32, #tpu.memory_space<vmem>> -> memref<1x32x128xf32, #tpu.memory_space<vmem>>
      %gather3A_1011 = tpu.memref_squeeze %gather3A_1010 : memref<1x32x128xf32, #tpu.memory_space<vmem>> -> memref<32x128xf32, #tpu.memory_space<vmem>>
      %gather3A_1012 = tpu.vector_load_idx %gather3A_1011[%iota3A_1005, %broadcast_in_dim3A_1006] : memref<32x128xf32, #tpu.memory_space<vmem>>[vector<16xi32>, vector<16xi32>], vector<16xf32>,
      %swap3A_1013 = arith.index_cast %sub3A_973 : i32 to index
      %swap3A_1014 = arith.constant 32 : index
      %swap3A_1015 = tpu.vector_load %arg10[%swap3A_1013, %swap3A_1014] {strides = array<i32>} : memref<512x64xf32, #tpu.memory_space<vmem>>, vector<16xf32>,
      tpu.vector_store %arg10[%swap3A_1013, %swap3A_1014], %gather3A_1012 {strides = array<i32>} : memref<512x64xf32, #tpu.memory_space<vmem>>, vector<16xf32>,
      %add3A_1016 = arith.constant 16 : i32
      %add3A_1017 = vector.broadcast %add3A_1016 : i32 to vector<16xi32>
      %add3A_1018 = arith.addi %iota3A_1005, %add3A_1017 : vector<16xi32>
      %gather3A_1019 = arith.constant 3 : i32
      %gather3A_1020 = arith.constant 0 : i32
      %gather3A_1021 = arith.constant 0 : i32
      %gather3A_1022 = tpu.memref_slice %arg9[%gather3A_1019, %gather3A_1020, %gather3A_1021] : memref<4x32x128xf32, #tpu.memory_space<vmem>> -> memref<1x32x128xf32, #tpu.memory_space<vmem>>
      %gather3A_1023 = tpu.memref_squeeze %gather3A_1022 : memref<1x32x128xf32, #tpu.memory_space<vmem>> -> memref<32x128xf32, #tpu.memory_space<vmem>>
      %gather3A_1024 = tpu.vector_load_idx %gather3A_1023[%add3A_1018, %broadcast_in_dim3A_1006] : memref<32x128xf32, #tpu.memory_space<vmem>>[vector<16xi32>, vector<16xi32>], vector<16xf32>,
      %swap3A_1025 = arith.index_cast %sub3A_973 : i32 to index
      %swap3A_1026 = arith.constant 48 : index
      %swap3A_1027 = tpu.vector_load %arg10[%swap3A_1025, %swap3A_1026] {strides = array<i32>} : memref<512x64xf32, #tpu.memory_space<vmem>>, vector<16xf32>,
      tpu.vector_store %arg10[%swap3A_1025, %swap3A_1026], %gather3A_1024 {strides = array<i32>} : memref<512x64xf32, #tpu.memory_space<vmem>>, vector<16xf32>,
      %slice3A_1028 = vector.extract_strided_slice %get3A_360 {offsets = [7], sizes = [1], strides = [1]} : vector<16xi32> to vector<1xi32>
      %squeeze3A_1029 = vector.extract %slice3A_1028[0] : i32 from vector<1xi32>
      %shift_right_arithmetic3A_1030 = arith.constant 7 : i32
      %shift_right_arithmetic3A_1031 = arith.shrsi %squeeze3A_1029, %shift_right_arithmetic3A_1030 : i32
      %shift_left3A_1032 = arith.constant 7 : i32
      %shift_left3A_1033 = arith.shli %shift_right_arithmetic3A_1031, %shift_left3A_1032 : i32
      %multiple_of3A_1034 = tpu.assume_multiple %shift_left3A_1033, 128 : i32
      %dma_start3A_1035 = arith.constant 3 : i32
      %dma_start3A_1036 = arith.constant 0 : i32
      %dma_start3A_1037 = arith.constant 0 : i32
      %dma_start3A_1038 = tpu.memref_slice %arg8[%dma_start3A_1035, %dma_start3A_1036, %dma_start3A_1037] : memref<4x32x128xf32, #tpu.memory_space<vmem>> -> memref<1x32x128xf32, #tpu.memory_space<vmem>>
      %dma_start3A_1039 = tpu.memref_squeeze %dma_start3A_1038 : memref<1x32x128xf32, #tpu.memory_space<vmem>> -> memref<32x128xf32, #tpu.memory_space<vmem>>
      %dma_start3A_1040 = arith.constant 0 : i32
      %dma_start3A_1041 = tpu.memref_slice %arg3[%dma_start3A_1040, %multiple_of3A_1034] : memref<32x1000000xf32, #tpu.memory_space<hbm>> -> memref<32x128xf32, #tpu.memory_space<hbm>>
      %dma_start3A_1042 = arith.constant 0 : i32
      %dma_start3A_1043 = arith.constant 0 : i32
      %dma_start3A_1044 = tpu.memref_slice %arg8[%dma_start3A_1035, %dma_start3A_1042, %dma_start3A_1043] : memref<4x32x128xf32, #tpu.memory_space<vmem>> -> memref<1x32x128xf32, #tpu.memory_space<vmem>>
      %dma_start3A_1045 = tpu.memref_squeeze %dma_start3A_1044 : memref<1x32x128xf32, #tpu.memory_space<vmem>> -> memref<32x128xf32, #tpu.memory_space<vmem>>
      %dma_start3A_1046 = arith.constant 0 : i32
      %dma_start3A_1047 = tpu.memref_slice %arg3[%dma_start3A_1046, %multiple_of3A_1034] : memref<32x1000000xf32, #tpu.memory_space<hbm>> -> memref<32x128xf32, #tpu.memory_space<hbm>>
      tpu.enqueue_dma source(%dma_start3A_1047 : memref<32x128xf32, #tpu.memory_space<hbm>>) target(%dma_start3A_1045 : memref<32x128xf32, #tpu.memory_space<vmem>>) target_semaphore(%arg11 : memref<!tpu.dma_semaphore, #tpu.memory_space<semaphore_mem>>)
      %slice3A_1048 = vector.extract_strided_slice %get3A_364 {offsets = [7], sizes = [1], strides = [1]} : vector<16xi32> to vector<1xi32>
      %squeeze3A_1049 = vector.extract %slice3A_1048[0] : i32 from vector<1xi32>
      %shift_right_arithmetic3A_1050 = arith.constant 7 : i32
      %shift_right_arithmetic3A_1051 = arith.shrsi %squeeze3A_1049, %shift_right_arithmetic3A_1050 : i32
      %shift_left3A_1052 = arith.constant 7 : i32
      %shift_left3A_1053 = arith.shli %shift_right_arithmetic3A_1051, %shift_left3A_1052 : i32
      %multiple_of3A_1054 = tpu.assume_multiple %shift_left3A_1053, 128 : i32
      %dma_start3A_1055 = arith.constant 3 : i32
      %dma_start3A_1056 = arith.constant 0 : i32
      %dma_start3A_1057 = arith.constant 0 : i32
      %dma_start3A_1058 = tpu.memref_slice %arg9[%dma_start3A_1055, %dma_start3A_1056, %dma_start3A_1057] : memref<4x32x128xf32, #tpu.memory_space<vmem>> -> memref<1x32x128xf32, #tpu.memory_space<vmem>>
      %dma_start3A_1059 = tpu.memref_squeeze %dma_start3A_1058 : memref<1x32x128xf32, #tpu.memory_space<vmem>> -> memref<32x128xf32, #tpu.memory_space<vmem>>
      %dma_start3A_1060 = arith.constant 0 : i32
      %dma_start3A_1061 = tpu.memref_slice %arg4[%dma_start3A_1060, %multiple_of3A_1054] : memref<32x1000000xf32, #tpu.memory_space<hbm>> -> memref<32x128xf32, #tpu.memory_space<hbm>>
      %dma_start3A_1062 = arith.constant 0 : i32
      %dma_start3A_1063 = arith.constant 0 : i32
      %dma_start3A_1064 = tpu.memref_slice %arg9[%dma_start3A_1055, %dma_start3A_1062, %dma_start3A_1063] : memref<4x32x128xf32, #tpu.memory_space<vmem>> -> memref<1x32x128xf32, #tpu.memory_space<vmem>>
      %dma_start3A_1065 = tpu.memref_squeeze %dma_start3A_1064 : memref<1x32x128xf32, #tpu.memory_space<vmem>> -> memref<32x128xf32, #tpu.memory_space<vmem>>
      %dma_start3A_1066 = arith.constant 0 : i32
      %dma_start3A_1067 = tpu.memref_slice %arg4[%dma_start3A_1066, %multiple_of3A_1054] : memref<32x1000000xf32, #tpu.memory_space<hbm>> -> memref<32x128xf32, #tpu.memory_space<hbm>>
      tpu.enqueue_dma source(%dma_start3A_1067 : memref<32x128xf32, #tpu.memory_space<hbm>>) target(%dma_start3A_1065 : memref<32x128xf32, #tpu.memory_space<vmem>>) target_semaphore(%arg11 : memref<!tpu.dma_semaphore, #tpu.memory_space<semaphore_mem>>)
      %dma_wait3A_1068 = arith.constant 0 : i32
      %dma_wait3A_1069 = arith.constant 0 : i32
      %dma_wait3A_1070 = arith.constant 0 : i32
      %dma_wait3A_1071 = tpu.memref_slice %arg8[%dma_wait3A_1068, %dma_wait3A_1069, %dma_wait3A_1070] : memref<4x32x128xf32, #tpu.memory_space<vmem>> -> memref<1x32x128xf32, #tpu.memory_space<vmem>>
      %dma_wait3A_1072 = tpu.memref_squeeze %dma_wait3A_1071 : memref<1x32x128xf32, #tpu.memory_space<vmem>> -> memref<32x128xf32, #tpu.memory_space<vmem>>
      %dma_wait3A_1073 = arith.constant 0 : i32
      %dma_wait3A_1074 = arith.constant 0 : i32
      %dma_wait3A_1075 = tpu.memref_slice %arg3[%dma_wait3A_1073, %dma_wait3A_1074] : memref<32x1000000xf32, #tpu.memory_space<hbm>> -> memref<32x128xf32, #tpu.memory_space<hbm>>
      %dma_wait3A_1076 = arith.constant 0 : i32
      %dma_wait3A_1077 = arith.constant 0 : i32
      %dma_wait3A_1078 = tpu.memref_slice %arg8[%dma_wait3A_1068, %dma_wait3A_1076, %dma_wait3A_1077] : memref<4x32x128xf32, #tpu.memory_space<vmem>> -> memref<1x32x128xf32, #tpu.memory_space<vmem>>
      %dma_wait3A_1079 = tpu.memref_squeeze %dma_wait3A_1078 : memref<1x32x128xf32, #tpu.memory_space<vmem>> -> memref<32x128xf32, #tpu.memory_space<vmem>>
      %dma_wait3A_1080 = arith.constant 0 : i32
      %dma_wait3A_1081 = arith.constant 0 : i32
      %dma_wait3A_1082 = tpu.memref_slice %arg3[%dma_wait3A_1080, %dma_wait3A_1081] : memref<32x1000000xf32, #tpu.memory_space<hbm>> -> memref<32x128xf32, #tpu.memory_space<hbm>>
      tpu.wait_dma2 semaphore(%arg11 : memref<!tpu.dma_semaphore, #tpu.memory_space<semaphore_mem>>) src(%dma_wait3A_1082 : memref<32x128xf32, #tpu.memory_space<hbm>>) dst(%dma_wait3A_1079 : memref<32x128xf32, #tpu.memory_space<vmem>>)
      %dma_wait3A_1083 = arith.constant 0 : i32
      %dma_wait3A_1084 = arith.constant 0 : i32
      %dma_wait3A_1085 = arith.constant 0 : i32
      %dma_wait3A_1086 = tpu.memref_slice %arg9[%dma_wait3A_1083, %dma_wait3A_1084, %dma_wait3A_1085] : memref<4x32x128xf32, #tpu.memory_space<vmem>> -> memref<1x32x128xf32, #tpu.memory_space<vmem>>
      %dma_wait3A_1087 = tpu.memref_squeeze %dma_wait3A_1086 : memref<1x32x128xf32, #tpu.memory_space<vmem>> -> memref<32x128xf32, #tpu.memory_space<vmem>>
      %dma_wait3A_1088 = arith.constant 0 : i32
      %dma_wait3A_1089 = arith.constant 0 : i32
      %dma_wait3A_1090 = tpu.memref_slice %arg4[%dma_wait3A_1088, %dma_wait3A_1089] : memref<32x1000000xf32, #tpu.memory_space<hbm>> -> memref<32x128xf32, #tpu.memory_space<hbm>>
      %dma_wait3A_1091 = arith.constant 0 : i32
      %dma_wait3A_1092 = arith.constant 0 : i32
      %dma_wait3A_1093 = tpu.memref_slice %arg9[%dma_wait3A_1083, %dma_wait3A_1091, %dma_wait3A_1092] : memref<4x32x128xf32, #tpu.memory_space<vmem>> -> memref<1x32x128xf32, #tpu.memory_space<vmem>>
      %dma_wait3A_1094 = tpu.memref_squeeze %dma_wait3A_1093 : memref<1x32x128xf32, #tpu.memory_space<vmem>> -> memref<32x128xf32, #tpu.memory_space<vmem>>
      %dma_wait3A_1095 = arith.constant 0 : i32
      %dma_wait3A_1096 = arith.constant 0 : i32
      %dma_wait3A_1097 = tpu.memref_slice %arg4[%dma_wait3A_1095, %dma_wait3A_1096] : memref<32x1000000xf32, #tpu.memory_space<hbm>> -> memref<32x128xf32, #tpu.memory_space<hbm>>
      tpu.wait_dma2 semaphore(%arg11 : memref<!tpu.dma_semaphore, #tpu.memory_space<semaphore_mem>>) src(%dma_wait3A_1097 : memref<32x128xf32, #tpu.memory_space<hbm>>) dst(%dma_wait3A_1094 : memref<32x128xf32, #tpu.memory_space<vmem>>)
      %mul3A_1098 = arith.constant 16 : i32
      %mul3A_1099 = arith.muli %scan3A_356, %mul3A_1098 : i32
      %add3A_1100 = arith.constant 8 : i32
      %add3A_1101 = arith.addi %mul3A_1099, %add3A_1100 : i32
      %sub3A_1102 = arith.constant 4 : i32
      %sub3A_1103 = arith.subi %add3A_1101, %sub3A_1102 : i32
      %slice3A_1104 = vector.extract_strided_slice %get3A_360 {offsets = [4], sizes = [1], strides = [1]} : vector<16xi32> to vector<1xi32>
      %squeeze3A_1105 = vector.extract %slice3A_1104[0] : i32 from vector<1xi32>
      %and3A_1106 = arith.constant 127 : i32
      %and3A_1107 = arith.andi %squeeze3A_1105, %and3A_1106 : i32
      %iota3A_1108 = tpu.iota {dimensions = array<i32: 0>} : vector<16xi32>
      %broadcast_in_dim3A_1109 = vector.broadcast %and3A_1107 : i32 to vector<16xi32>
      %gather3A_1110 = arith.constant 0 : i32
      %gather3A_1111 = arith.constant 0 : i32
      %gather3A_1112 = arith.constant 0 : i32
      %gather3A_1113 = tpu.memref_slice %arg8[%gather3A_1110, %gather3A_1111, %gather3A_1112] : memref<4x32x128xf32, #tpu.memory_space<vmem>> -> memref<1x32x128xf32, #tpu.memory_space<vmem>>
      %gather3A_1114 = tpu.memref_squeeze %gather3A_1113 : memref<1x32x128xf32, #tpu.memory_space<vmem>> -> memref<32x128xf32, #tpu.memory_space<vmem>>
      %gather3A_1115 = tpu.vector_load_idx %gather3A_1114[%iota3A_1108, %broadcast_in_dim3A_1109] : memref<32x128xf32, #tpu.memory_space<vmem>>[vector<16xi32>, vector<16xi32>], vector<16xf32>,
      %swap3A_1116 = arith.index_cast %sub3A_1103 : i32 to index
      %swap3A_1117 = arith.constant 0 : index
      %swap3A_1118 = tpu.vector_load %arg10[%swap3A_1116, %swap3A_1117] {strides = array<i32>} : memref<512x64xf32, #tpu.memory_space<vmem>>, vector<16xf32>,
      tpu.vector_store %arg10[%swap3A_1116, %swap3A_1117], %gather3A_1115 {strides = array<i32>} : memref<512x64xf32, #tpu.memory_space<vmem>>, vector<16xf32>,
      %add3A_1119 = arith.constant 16 : i32
      %add3A_1120 = vector.broadcast %add3A_1119 : i32 to vector<16xi32>
      %add3A_1121 = arith.addi %iota3A_1108, %add3A_1120 : vector<16xi32>
      %gather3A_1122 = arith.constant 0 : i32
      %gather3A_1123 = arith.constant 0 : i32
      %gather3A_1124 = arith.constant 0 : i32
      %gather3A_1125 = tpu.memref_slice %arg8[%gather3A_1122, %gather3A_1123, %gather3A_1124] : memref<4x32x128xf32, #tpu.memory_space<vmem>> -> memref<1x32x128xf32, #tpu.memory_space<vmem>>
      %gather3A_1126 = tpu.memref_squeeze %gather3A_1125 : memref<1x32x128xf32, #tpu.memory_space<vmem>> -> memref<32x128xf32, #tpu.memory_space<vmem>>
      %gather3A_1127 = tpu.vector_load_idx %gather3A_1126[%add3A_1121, %broadcast_in_dim3A_1109] : memref<32x128xf32, #tpu.memory_space<vmem>>[vector<16xi32>, vector<16xi32>], vector<16xf32>,
      %swap3A_1128 = arith.index_cast %sub3A_1103 : i32 to index
      %swap3A_1129 = arith.constant 16 : index
      %swap3A_1130 = tpu.vector_load %arg10[%swap3A_1128, %swap3A_1129] {strides = array<i32>} : memref<512x64xf32, #tpu.memory_space<vmem>>, vector<16xf32>,
      tpu.vector_store %arg10[%swap3A_1128, %swap3A_1129], %gather3A_1127 {strides = array<i32>} : memref<512x64xf32, #tpu.memory_space<vmem>>, vector<16xf32>,
      %slice3A_1131 = vector.extract_strided_slice %get3A_364 {offsets = [4], sizes = [1], strides = [1]} : vector<16xi32> to vector<1xi32>
      %squeeze3A_1132 = vector.extract %slice3A_1131[0] : i32 from vector<1xi32>
      %and3A_1133 = arith.constant 127 : i32
      %and3A_1134 = arith.andi %squeeze3A_1132, %and3A_1133 : i32
      %iota3A_1135 = tpu.iota {dimensions = array<i32: 0>} : vector<16xi32>
      %broadcast_in_dim3A_1136 = vector.broadcast %and3A_1134 : i32 to vector<16xi32>
      %gather3A_1137 = arith.constant 0 : i32
      %gather3A_1138 = arith.constant 0 : i32
      %gather3A_1139 = arith.constant 0 : i32
      %gather3A_1140 = tpu.memref_slice %arg9[%gather3A_1137, %gather3A_1138, %gather3A_1139] : memref<4x32x128xf32, #tpu.memory_space<vmem>> -> memref<1x32x128xf32, #tpu.memory_space<vmem>>
      %gather3A_1141 = tpu.memref_squeeze %gather3A_1140 : memref<1x32x128xf32, #tpu.memory_space<vmem>> -> memref<32x128xf32, #tpu.memory_space<vmem>>
      %gather3A_1142 = tpu.vector_load_idx %gather3A_1141[%iota3A_1135, %broadcast_in_dim3A_1136] : memref<32x128xf32, #tpu.memory_space<vmem>>[vector<16xi32>, vector<16xi32>], vector<16xf32>,
      %swap3A_1143 = arith.index_cast %sub3A_1103 : i32 to index
      %swap3A_1144 = arith.constant 32 : index
      %swap3A_1145 = tpu.vector_load %arg10[%swap3A_1143, %swap3A_1144] {strides = array<i32>} : memref<512x64xf32, #tpu.memory_space<vmem>>, vector<16xf32>,
      tpu.vector_store %arg10[%swap3A_1143, %swap3A_1144], %gather3A_1142 {strides = array<i32>} : memref<512x64xf32, #tpu.memory_space<vmem>>, vector<16xf32>,
      %add3A_1146 = arith.constant 16 : i32
      %add3A_1147 = vector.broadcast %add3A_1146 : i32 to vector<16xi32>
      %add3A_1148 = arith.addi %iota3A_1135, %add3A_1147 : vector<16xi32>
      %gather3A_1149 = arith.constant 0 : i32
      %gather3A_1150 = arith.constant 0 : i32
      %gather3A_1151 = arith.constant 0 : i32
      %gather3A_1152 = tpu.memref_slice %arg9[%gather3A_1149, %gather3A_1150, %gather3A_1151] : memref<4x32x128xf32, #tpu.memory_space<vmem>> -> memref<1x32x128xf32, #tpu.memory_space<vmem>>
      %gather3A_1153 = tpu.memref_squeeze %gather3A_1152 : memref<1x32x128xf32, #tpu.memory_space<vmem>> -> memref<32x128xf32, #tpu.memory_space<vmem>>
      %gather3A_1154 = tpu.vector_load_idx %gather3A_1153[%add3A_1148, %broadcast_in_dim3A_1136] : memref<32x128xf32, #tpu.memory_space<vmem>>[vector<16xi32>, vector<16xi32>], vector<16xf32>,
      %swap3A_1155 = arith.index_cast %sub3A_1103 : i32 to index
      %swap3A_1156 = arith.constant 48 : index
      %swap3A_1157 = tpu.vector_load %arg10[%swap3A_1155, %swap3A_1156] {strides = array<i32>} : memref<512x64xf32, #tpu.memory_space<vmem>>, vector<16xf32>,
      tpu.vector_store %arg10[%swap3A_1155, %swap3A_1156], %gather3A_1154 {strides = array<i32>} : memref<512x64xf32, #tpu.memory_space<vmem>>, vector<16xf32>,
      %slice3A_1158 = vector.extract_strided_slice %get3A_360 {offsets = [8], sizes = [1], strides = [1]} : vector<16xi32> to vector<1xi32>
      %squeeze3A_1159 = vector.extract %slice3A_1158[0] : i32 from vector<1xi32>
      %shift_right_arithmetic3A_1160 = arith.constant 7 : i32
      %shift_right_arithmetic3A_1161 = arith.shrsi %squeeze3A_1159, %shift_right_arithmetic3A_1160 : i32
      %shift_left3A_1162 = arith.constant 7 : i32
      %shift_left3A_1163 = arith.shli %shift_right_arithmetic3A_1161, %shift_left3A_1162 : i32
      %multiple_of3A_1164 = tpu.assume_multiple %shift_left3A_1163, 128 : i32
      %dma_start3A_1165 = arith.constant 0 : i32
      %dma_start3A_1166 = arith.constant 0 : i32
      %dma_start3A_1167 = arith.constant 0 : i32
      %dma_start3A_1168 = tpu.memref_slice %arg8[%dma_start3A_1165, %dma_start3A_1166, %dma_start3A_1167] : memref<4x32x128xf32, #tpu.memory_space<vmem>> -> memref<1x32x128xf32, #tpu.memory_space<vmem>>
      %dma_start3A_1169 = tpu.memref_squeeze %dma_start3A_1168 : memref<1x32x128xf32, #tpu.memory_space<vmem>> -> memref<32x128xf32, #tpu.memory_space<vmem>>
      %dma_start3A_1170 = arith.constant 0 : i32
      %dma_start3A_1171 = tpu.memref_slice %arg3[%dma_start3A_1170, %multiple_of3A_1164] : memref<32x1000000xf32, #tpu.memory_space<hbm>> -> memref<32x128xf32, #tpu.memory_space<hbm>>
      %dma_start3A_1172 = arith.constant 0 : i32
      %dma_start3A_1173 = arith.constant 0 : i32
      %dma_start3A_1174 = tpu.memref_slice %arg8[%dma_start3A_1165, %dma_start3A_1172, %dma_start3A_1173] : memref<4x32x128xf32, #tpu.memory_space<vmem>> -> memref<1x32x128xf32, #tpu.memory_space<vmem>>
      %dma_start3A_1175 = tpu.memref_squeeze %dma_start3A_1174 : memref<1x32x128xf32, #tpu.memory_space<vmem>> -> memref<32x128xf32, #tpu.memory_space<vmem>>
      %dma_start3A_1176 = arith.constant 0 : i32
      %dma_start3A_1177 = tpu.memref_slice %arg3[%dma_start3A_1176, %multiple_of3A_1164] : memref<32x1000000xf32, #tpu.memory_space<hbm>> -> memref<32x128xf32, #tpu.memory_space<hbm>>
      tpu.enqueue_dma source(%dma_start3A_1177 : memref<32x128xf32, #tpu.memory_space<hbm>>) target(%dma_start3A_1175 : memref<32x128xf32, #tpu.memory_space<vmem>>) target_semaphore(%arg11 : memref<!tpu.dma_semaphore, #tpu.memory_space<semaphore_mem>>)
      %slice3A_1178 = vector.extract_strided_slice %get3A_364 {offsets = [8], sizes = [1], strides = [1]} : vector<16xi32> to vector<1xi32>
      %squeeze3A_1179 = vector.extract %slice3A_1178[0] : i32 from vector<1xi32>
      %shift_right_arithmetic3A_1180 = arith.constant 7 : i32
      %shift_right_arithmetic3A_1181 = arith.shrsi %squeeze3A_1179, %shift_right_arithmetic3A_1180 : i32
      %shift_left3A_1182 = arith.constant 7 : i32
      %shift_left3A_1183 = arith.shli %shift_right_arithmetic3A_1181, %shift_left3A_1182 : i32
      %multiple_of3A_1184 = tpu.assume_multiple %shift_left3A_1183, 128 : i32
      %dma_start3A_1185 = arith.constant 0 : i32
      %dma_start3A_1186 = arith.constant 0 : i32
      %dma_start3A_1187 = arith.constant 0 : i32
      %dma_start3A_1188 = tpu.memref_slice %arg9[%dma_start3A_1185, %dma_start3A_1186, %dma_start3A_1187] : memref<4x32x128xf32, #tpu.memory_space<vmem>> -> memref<1x32x128xf32, #tpu.memory_space<vmem>>
      %dma_start3A_1189 = tpu.memref_squeeze %dma_start3A_1188 : memref<1x32x128xf32, #tpu.memory_space<vmem>> -> memref<32x128xf32, #tpu.memory_space<vmem>>
      %dma_start3A_1190 = arith.constant 0 : i32
      %dma_start3A_1191 = tpu.memref_slice %arg4[%dma_start3A_1190, %multiple_of3A_1184] : memref<32x1000000xf32, #tpu.memory_space<hbm>> -> memref<32x128xf32, #tpu.memory_space<hbm>>
      %dma_start3A_1192 = arith.constant 0 : i32
      %dma_start3A_1193 = arith.constant 0 : i32
      %dma_start3A_1194 = tpu.memref_slice %arg9[%dma_start3A_1185, %dma_start3A_1192, %dma_start3A_1193] : memref<4x32x128xf32, #tpu.memory_space<vmem>> -> memref<1x32x128xf32, #tpu.memory_space<vmem>>
      %dma_start3A_1195 = tpu.memref_squeeze %dma_start3A_1194 : memref<1x32x128xf32, #tpu.memory_space<vmem>> -> memref<32x128xf32, #tpu.memory_space<vmem>>
      %dma_start3A_1196 = arith.constant 0 : i32
      %dma_start3A_1197 = tpu.memref_slice %arg4[%dma_start3A_1196, %multiple_of3A_1184] : memref<32x1000000xf32, #tpu.memory_space<hbm>> -> memref<32x128xf32, #tpu.memory_space<hbm>>
      tpu.enqueue_dma source(%dma_start3A_1197 : memref<32x128xf32, #tpu.memory_space<hbm>>) target(%dma_start3A_1195 : memref<32x128xf32, #tpu.memory_space<vmem>>) target_semaphore(%arg11 : memref<!tpu.dma_semaphore, #tpu.memory_space<semaphore_mem>>)
      %dma_wait3A_1198 = arith.constant 1 : i32
      %dma_wait3A_1199 = arith.constant 0 : i32
      %dma_wait3A_1200 = arith.constant 0 : i32
      %dma_wait3A_1201 = tpu.memref_slice %arg8[%dma_wait3A_1198, %dma_wait3A_1199, %dma_wait3A_1200] : memref<4x32x128xf32, #tpu.memory_space<vmem>> -> memref<1x32x128xf32, #tpu.memory_space<vmem>>
      %dma_wait3A_1202 = tpu.memref_squeeze %dma_wait3A_1201 : memref<1x32x128xf32, #tpu.memory_space<vmem>> -> memref<32x128xf32, #tpu.memory_space<vmem>>
      %dma_wait3A_1203 = arith.constant 0 : i32
      %dma_wait3A_1204 = arith.constant 0 : i32
      %dma_wait3A_1205 = tpu.memref_slice %arg3[%dma_wait3A_1203, %dma_wait3A_1204] : memref<32x1000000xf32, #tpu.memory_space<hbm>> -> memref<32x128xf32, #tpu.memory_space<hbm>>
      %dma_wait3A_1206 = arith.constant 0 : i32
      %dma_wait3A_1207 = arith.constant 0 : i32
      %dma_wait3A_1208 = tpu.memref_slice %arg8[%dma_wait3A_1198, %dma_wait3A_1206, %dma_wait3A_1207] : memref<4x32x128xf32, #tpu.memory_space<vmem>> -> memref<1x32x128xf32, #tpu.memory_space<vmem>>
      %dma_wait3A_1209 = tpu.memref_squeeze %dma_wait3A_1208 : memref<1x32x128xf32, #tpu.memory_space<vmem>> -> memref<32x128xf32, #tpu.memory_space<vmem>>
      %dma_wait3A_1210 = arith.constant 0 : i32
      %dma_wait3A_1211 = arith.constant 0 : i32
      %dma_wait3A_1212 = tpu.memref_slice %arg3[%dma_wait3A_1210, %dma_wait3A_1211] : memref<32x1000000xf32, #tpu.memory_space<hbm>> -> memref<32x128xf32, #tpu.memory_space<hbm>>
      tpu.wait_dma2 semaphore(%arg11 : memref<!tpu.dma_semaphore, #tpu.memory_space<semaphore_mem>>) src(%dma_wait3A_1212 : memref<32x128xf32, #tpu.memory_space<hbm>>) dst(%dma_wait3A_1209 : memref<32x128xf32, #tpu.memory_space<vmem>>)
      %dma_wait3A_1213 = arith.constant 1 : i32
      %dma_wait3A_1214 = arith.constant 0 : i32
      %dma_wait3A_1215 = arith.constant 0 : i32
      %dma_wait3A_1216 = tpu.memref_slice %arg9[%dma_wait3A_1213, %dma_wait3A_1214, %dma_wait3A_1215] : memref<4x32x128xf32, #tpu.memory_space<vmem>> -> memref<1x32x128xf32, #tpu.memory_space<vmem>>
      %dma_wait3A_1217 = tpu.memref_squeeze %dma_wait3A_1216 : memref<1x32x128xf32, #tpu.memory_space<vmem>> -> memref<32x128xf32, #tpu.memory_space<vmem>>
      %dma_wait3A_1218 = arith.constant 0 : i32
      %dma_wait3A_1219 = arith.constant 0 : i32
      %dma_wait3A_1220 = tpu.memref_slice %arg4[%dma_wait3A_1218, %dma_wait3A_1219] : memref<32x1000000xf32, #tpu.memory_space<hbm>> -> memref<32x128xf32, #tpu.memory_space<hbm>>
      %dma_wait3A_1221 = arith.constant 0 : i32
      %dma_wait3A_1222 = arith.constant 0 : i32
      %dma_wait3A_1223 = tpu.memref_slice %arg9[%dma_wait3A_1213, %dma_wait3A_1221, %dma_wait3A_1222] : memref<4x32x128xf32, #tpu.memory_space<vmem>> -> memref<1x32x128xf32, #tpu.memory_space<vmem>>
      %dma_wait3A_1224 = tpu.memref_squeeze %dma_wait3A_1223 : memref<1x32x128xf32, #tpu.memory_space<vmem>> -> memref<32x128xf32, #tpu.memory_space<vmem>>
      %dma_wait3A_1225 = arith.constant 0 : i32
      %dma_wait3A_1226 = arith.constant 0 : i32
      %dma_wait3A_1227 = tpu.memref_slice %arg4[%dma_wait3A_1225, %dma_wait3A_1226] : memref<32x1000000xf32, #tpu.memory_space<hbm>> -> memref<32x128xf32, #tpu.memory_space<hbm>>
      tpu.wait_dma2 semaphore(%arg11 : memref<!tpu.dma_semaphore, #tpu.memory_space<semaphore_mem>>) src(%dma_wait3A_1227 : memref<32x128xf32, #tpu.memory_space<hbm>>) dst(%dma_wait3A_1224 : memref<32x128xf32, #tpu.memory_space<vmem>>)
      %mul3A_1228 = arith.constant 16 : i32
      %mul3A_1229 = arith.muli %scan3A_356, %mul3A_1228 : i32
      %add3A_1230 = arith.constant 9 : i32
      %add3A_1231 = arith.addi %mul3A_1229, %add3A_1230 : i32
      %sub3A_1232 = arith.constant 4 : i32
      %sub3A_1233 = arith.subi %add3A_1231, %sub3A_1232 : i32
      %slice3A_1234 = vector.extract_strided_slice %get3A_360 {offsets = [5], sizes = [1], strides = [1]} : vector<16xi32> to vector<1xi32>
      %squeeze3A_1235 = vector.extract %slice3A_1234[0] : i32 from vector<1xi32>
      %and3A_1236 = arith.constant 127 : i32
      %and3A_1237 = arith.andi %squeeze3A_1235, %and3A_1236 : i32
      %iota3A_1238 = tpu.iota {dimensions = array<i32: 0>} : vector<16xi32>
      %broadcast_in_dim3A_1239 = vector.broadcast %and3A_1237 : i32 to vector<16xi32>
      %gather3A_1240 = arith.constant 1 : i32
      %gather3A_1241 = arith.constant 0 : i32
      %gather3A_1242 = arith.constant 0 : i32
      %gather3A_1243 = tpu.memref_slice %arg8[%gather3A_1240, %gather3A_1241, %gather3A_1242] : memref<4x32x128xf32, #tpu.memory_space<vmem>> -> memref<1x32x128xf32, #tpu.memory_space<vmem>>
      %gather3A_1244 = tpu.memref_squeeze %gather3A_1243 : memref<1x32x128xf32, #tpu.memory_space<vmem>> -> memref<32x128xf32, #tpu.memory_space<vmem>>
      %gather3A_1245 = tpu.vector_load_idx %gather3A_1244[%iota3A_1238, %broadcast_in_dim3A_1239] : memref<32x128xf32, #tpu.memory_space<vmem>>[vector<16xi32>, vector<16xi32>], vector<16xf32>,
      %swap3A_1246 = arith.index_cast %sub3A_1233 : i32 to index
      %swap3A_1247 = arith.constant 0 : index
      %swap3A_1248 = tpu.vector_load %arg10[%swap3A_1246, %swap3A_1247] {strides = array<i32>} : memref<512x64xf32, #tpu.memory_space<vmem>>, vector<16xf32>,
      tpu.vector_store %arg10[%swap3A_1246, %swap3A_1247], %gather3A_1245 {strides = array<i32>} : memref<512x64xf32, #tpu.memory_space<vmem>>, vector<16xf32>,
      %add3A_1249 = arith.constant 16 : i32
      %add3A_1250 = vector.broadcast %add3A_1249 : i32 to vector<16xi32>
      %add3A_1251 = arith.addi %iota3A_1238, %add3A_1250 : vector<16xi32>
      %gather3A_1252 = arith.constant 1 : i32
      %gather3A_1253 = arith.constant 0 : i32
      %gather3A_1254 = arith.constant 0 : i32
      %gather3A_1255 = tpu.memref_slice %arg8[%gather3A_1252, %gather3A_1253, %gather3A_1254] : memref<4x32x128xf32, #tpu.memory_space<vmem>> -> memref<1x32x128xf32, #tpu.memory_space<vmem>>
      %gather3A_1256 = tpu.memref_squeeze %gather3A_1255 : memref<1x32x128xf32, #tpu.memory_space<vmem>> -> memref<32x128xf32, #tpu.memory_space<vmem>>
      %gather3A_1257 = tpu.vector_load_idx %gather3A_1256[%add3A_1251, %broadcast_in_dim3A_1239] : memref<32x128xf32, #tpu.memory_space<vmem>>[vector<16xi32>, vector<16xi32>], vector<16xf32>,
      %swap3A_1258 = arith.index_cast %sub3A_1233 : i32 to index
      %swap3A_1259 = arith.constant 16 : index
      %swap3A_1260 = tpu.vector_load %arg10[%swap3A_1258, %swap3A_1259] {strides = array<i32>} : memref<512x64xf32, #tpu.memory_space<vmem>>, vector<16xf32>,
      tpu.vector_store %arg10[%swap3A_1258, %swap3A_1259], %gather3A_1257 {strides = array<i32>} : memref<512x64xf32, #tpu.memory_space<vmem>>, vector<16xf32>,
      %slice3A_1261 = vector.extract_strided_slice %get3A_364 {offsets = [5], sizes = [1], strides = [1]} : vector<16xi32> to vector<1xi32>
      %squeeze3A_1262 = vector.extract %slice3A_1261[0] : i32 from vector<1xi32>
      %and3A_1263 = arith.constant 127 : i32
      %and3A_1264 = arith.andi %squeeze3A_1262, %and3A_1263 : i32
      %iota3A_1265 = tpu.iota {dimensions = array<i32: 0>} : vector<16xi32>
      %broadcast_in_dim3A_1266 = vector.broadcast %and3A_1264 : i32 to vector<16xi32>
      %gather3A_1267 = arith.constant 1 : i32
      %gather3A_1268 = arith.constant 0 : i32
      %gather3A_1269 = arith.constant 0 : i32
      %gather3A_1270 = tpu.memref_slice %arg9[%gather3A_1267, %gather3A_1268, %gather3A_1269] : memref<4x32x128xf32, #tpu.memory_space<vmem>> -> memref<1x32x128xf32, #tpu.memory_space<vmem>>
      %gather3A_1271 = tpu.memref_squeeze %gather3A_1270 : memref<1x32x128xf32, #tpu.memory_space<vmem>> -> memref<32x128xf32, #tpu.memory_space<vmem>>
      %gather3A_1272 = tpu.vector_load_idx %gather3A_1271[%iota3A_1265, %broadcast_in_dim3A_1266] : memref<32x128xf32, #tpu.memory_space<vmem>>[vector<16xi32>, vector<16xi32>], vector<16xf32>,
      %swap3A_1273 = arith.index_cast %sub3A_1233 : i32 to index
      %swap3A_1274 = arith.constant 32 : index
      %swap3A_1275 = tpu.vector_load %arg10[%swap3A_1273, %swap3A_1274] {strides = array<i32>} : memref<512x64xf32, #tpu.memory_space<vmem>>, vector<16xf32>,
      tpu.vector_store %arg10[%swap3A_1273, %swap3A_1274], %gather3A_1272 {strides = array<i32>} : memref<512x64xf32, #tpu.memory_space<vmem>>, vector<16xf32>,
      %add3A_1276 = arith.constant 16 : i32
      %add3A_1277 = vector.broadcast %add3A_1276 : i32 to vector<16xi32>
      %add3A_1278 = arith.addi %iota3A_1265, %add3A_1277 : vector<16xi32>
      %gather3A_1279 = arith.constant 1 : i32
      %gather3A_1280 = arith.constant 0 : i32
      %gather3A_1281 = arith.constant 0 : i32
      %gather3A_1282 = tpu.memref_slice %arg9[%gather3A_1279, %gather3A_1280, %gather3A_1281] : memref<4x32x128xf32, #tpu.memory_space<vmem>> -> memref<1x32x128xf32, #tpu.memory_space<vmem>>
      %gather3A_1283 = tpu.memref_squeeze %gather3A_1282 : memref<1x32x128xf32, #tpu.memory_space<vmem>> -> memref<32x128xf32, #tpu.memory_space<vmem>>
      %gather3A_1284 = tpu.vector_load_idx %gather3A_1283[%add3A_1278, %broadcast_in_dim3A_1266] : memref<32x128xf32, #tpu.memory_space<vmem>>[vector<16xi32>, vector<16xi32>], vector<16xf32>,
      %swap3A_1285 = arith.index_cast %sub3A_1233 : i32 to index
      %swap3A_1286 = arith.constant 48 : index
      %swap3A_1287 = tpu.vector_load %arg10[%swap3A_1285, %swap3A_1286] {strides = array<i32>} : memref<512x64xf32, #tpu.memory_space<vmem>>, vector<16xf32>,
      tpu.vector_store %arg10[%swap3A_1285, %swap3A_1286], %gather3A_1284 {strides = array<i32>} : memref<512x64xf32, #tpu.memory_space<vmem>>, vector<16xf32>,
      %slice3A_1288 = vector.extract_strided_slice %get3A_360 {offsets = [9], sizes = [1], strides = [1]} : vector<16xi32> to vector<1xi32>
      %squeeze3A_1289 = vector.extract %slice3A_1288[0] : i32 from vector<1xi32>
      %shift_right_arithmetic3A_1290 = arith.constant 7 : i32
      %shift_right_arithmetic3A_1291 = arith.shrsi %squeeze3A_1289, %shift_right_arithmetic3A_1290 : i32
      %shift_left3A_1292 = arith.constant 7 : i32
      %shift_left3A_1293 = arith.shli %shift_right_arithmetic3A_1291, %shift_left3A_1292 : i32
      %multiple_of3A_1294 = tpu.assume_multiple %shift_left3A_1293, 128 : i32
      %dma_start3A_1295 = arith.constant 1 : i32
      %dma_start3A_1296 = arith.constant 0 : i32
      %dma_start3A_1297 = arith.constant 0 : i32
      %dma_start3A_1298 = tpu.memref_slice %arg8[%dma_start3A_1295, %dma_start3A_1296, %dma_start3A_1297] : memref<4x32x128xf32, #tpu.memory_space<vmem>> -> memref<1x32x128xf32, #tpu.memory_space<vmem>>
      %dma_start3A_1299 = tpu.memref_squeeze %dma_start3A_1298 : memref<1x32x128xf32, #tpu.memory_space<vmem>> -> memref<32x128xf32, #tpu.memory_space<vmem>>
      %dma_start3A_1300 = arith.constant 0 : i32
      %dma_start3A_1301 = tpu.memref_slice %arg3[%dma_start3A_1300, %multiple_of3A_1294] : memref<32x1000000xf32, #tpu.memory_space<hbm>> -> memref<32x128xf32, #tpu.memory_space<hbm>>
      %dma_start3A_1302 = arith.constant 0 : i32
      %dma_start3A_1303 = arith.constant 0 : i32
      %dma_start3A_1304 = tpu.memref_slice %arg8[%dma_start3A_1295, %dma_start3A_1302, %dma_start3A_1303] : memref<4x32x128xf32, #tpu.memory_space<vmem>> -> memref<1x32x128xf32, #tpu.memory_space<vmem>>
      %dma_start3A_1305 = tpu.memref_squeeze %dma_start3A_1304 : memref<1x32x128xf32, #tpu.memory_space<vmem>> -> memref<32x128xf32, #tpu.memory_space<vmem>>
      %dma_start3A_1306 = arith.constant 0 : i32
      %dma_start3A_1307 = tpu.memref_slice %arg3[%dma_start3A_1306, %multiple_of3A_1294] : memref<32x1000000xf32, #tpu.memory_space<hbm>> -> memref<32x128xf32, #tpu.memory_space<hbm>>
      tpu.enqueue_dma source(%dma_start3A_1307 : memref<32x128xf32, #tpu.memory_space<hbm>>) target(%dma_start3A_1305 : memref<32x128xf32, #tpu.memory_space<vmem>>) target_semaphore(%arg11 : memref<!tpu.dma_semaphore, #tpu.memory_space<semaphore_mem>>)
      %slice3A_1308 = vector.extract_strided_slice %get3A_364 {offsets = [9], sizes = [1], strides = [1]} : vector<16xi32> to vector<1xi32>
      %squeeze3A_1309 = vector.extract %slice3A_1308[0] : i32 from vector<1xi32>
      %shift_right_arithmetic3A_1310 = arith.constant 7 : i32
      %shift_right_arithmetic3A_1311 = arith.shrsi %squeeze3A_1309, %shift_right_arithmetic3A_1310 : i32
      %shift_left3A_1312 = arith.constant 7 : i32
      %shift_left3A_1313 = arith.shli %shift_right_arithmetic3A_1311, %shift_left3A_1312 : i32
      %multiple_of3A_1314 = tpu.assume_multiple %shift_left3A_1313, 128 : i32
      %dma_start3A_1315 = arith.constant 1 : i32
      %dma_start3A_1316 = arith.constant 0 : i32
      %dma_start3A_1317 = arith.constant 0 : i32
      %dma_start3A_1318 = tpu.memref_slice %arg9[%dma_start3A_1315, %dma_start3A_1316, %dma_start3A_1317] : memref<4x32x128xf32, #tpu.memory_space<vmem>> -> memref<1x32x128xf32, #tpu.memory_space<vmem>>
      %dma_start3A_1319 = tpu.memref_squeeze %dma_start3A_1318 : memref<1x32x128xf32, #tpu.memory_space<vmem>> -> memref<32x128xf32, #tpu.memory_space<vmem>>
      %dma_start3A_1320 = arith.constant 0 : i32
      %dma_start3A_1321 = tpu.memref_slice %arg4[%dma_start3A_1320, %multiple_of3A_1314] : memref<32x1000000xf32, #tpu.memory_space<hbm>> -> memref<32x128xf32, #tpu.memory_space<hbm>>
      %dma_start3A_1322 = arith.constant 0 : i32
      %dma_start3A_1323 = arith.constant 0 : i32
      %dma_start3A_1324 = tpu.memref_slice %arg9[%dma_start3A_1315, %dma_start3A_1322, %dma_start3A_1323] : memref<4x32x128xf32, #tpu.memory_space<vmem>> -> memref<1x32x128xf32, #tpu.memory_space<vmem>>
      %dma_start3A_1325 = tpu.memref_squeeze %dma_start3A_1324 : memref<1x32x128xf32, #tpu.memory_space<vmem>> -> memref<32x128xf32, #tpu.memory_space<vmem>>
      %dma_start3A_1326 = arith.constant 0 : i32
      %dma_start3A_1327 = tpu.memref_slice %arg4[%dma_start3A_1326, %multiple_of3A_1314] : memref<32x1000000xf32, #tpu.memory_space<hbm>> -> memref<32x128xf32, #tpu.memory_space<hbm>>
      tpu.enqueue_dma source(%dma_start3A_1327 : memref<32x128xf32, #tpu.memory_space<hbm>>) target(%dma_start3A_1325 : memref<32x128xf32, #tpu.memory_space<vmem>>) target_semaphore(%arg11 : memref<!tpu.dma_semaphore, #tpu.memory_space<semaphore_mem>>)
      %dma_wait3A_1328 = arith.constant 2 : i32
      %dma_wait3A_1329 = arith.constant 0 : i32
      %dma_wait3A_1330 = arith.constant 0 : i32
      %dma_wait3A_1331 = tpu.memref_slice %arg8[%dma_wait3A_1328, %dma_wait3A_1329, %dma_wait3A_1330] : memref<4x32x128xf32, #tpu.memory_space<vmem>> -> memref<1x32x128xf32, #tpu.memory_space<vmem>>
      %dma_wait3A_1332 = tpu.memref_squeeze %dma_wait3A_1331 : memref<1x32x128xf32, #tpu.memory_space<vmem>> -> memref<32x128xf32, #tpu.memory_space<vmem>>
      %dma_wait3A_1333 = arith.constant 0 : i32
      %dma_wait3A_1334 = arith.constant 0 : i32
      %dma_wait3A_1335 = tpu.memref_slice %arg3[%dma_wait3A_1333, %dma_wait3A_1334] : memref<32x1000000xf32, #tpu.memory_space<hbm>> -> memref<32x128xf32, #tpu.memory_space<hbm>>
      %dma_wait3A_1336 = arith.constant 0 : i32
      %dma_wait3A_1337 = arith.constant 0 : i32
      %dma_wait3A_1338 = tpu.memref_slice %arg8[%dma_wait3A_1328, %dma_wait3A_1336, %dma_wait3A_1337] : memref<4x32x128xf32, #tpu.memory_space<vmem>> -> memref<1x32x128xf32, #tpu.memory_space<vmem>>
      %dma_wait3A_1339 = tpu.memref_squeeze %dma_wait3A_1338 : memref<1x32x128xf32, #tpu.memory_space<vmem>> -> memref<32x128xf32, #tpu.memory_space<vmem>>
      %dma_wait3A_1340 = arith.constant 0 : i32
      %dma_wait3A_1341 = arith.constant 0 : i32
      %dma_wait3A_1342 = tpu.memref_slice %arg3[%dma_wait3A_1340, %dma_wait3A_1341] : memref<32x1000000xf32, #tpu.memory_space<hbm>> -> memref<32x128xf32, #tpu.memory_space<hbm>>
      tpu.wait_dma2 semaphore(%arg11 : memref<!tpu.dma_semaphore, #tpu.memory_space<semaphore_mem>>) src(%dma_wait3A_1342 : memref<32x128xf32, #tpu.memory_space<hbm>>) dst(%dma_wait3A_1339 : memref<32x128xf32, #tpu.memory_space<vmem>>)
      %dma_wait3A_1343 = arith.constant 2 : i32
      %dma_wait3A_1344 = arith.constant 0 : i32
      %dma_wait3A_1345 = arith.constant 0 : i32
      %dma_wait3A_1346 = tpu.memref_slice %arg9[%dma_wait3A_1343, %dma_wait3A_1344, %dma_wait3A_1345] : memref<4x32x128xf32, #tpu.memory_space<vmem>> -> memref<1x32x128xf32, #tpu.memory_space<vmem>>
      %dma_wait3A_1347 = tpu.memref_squeeze %dma_wait3A_1346 : memref<1x32x128xf32, #tpu.memory_space<vmem>> -> memref<32x128xf32, #tpu.memory_space<vmem>>
      %dma_wait3A_1348 = arith.constant 0 : i32
      %dma_wait3A_1349 = arith.constant 0 : i32
      %dma_wait3A_1350 = tpu.memref_slice %arg4[%dma_wait3A_1348, %dma_wait3A_1349] : memref<32x1000000xf32, #tpu.memory_space<hbm>> -> memref<32x128xf32, #tpu.memory_space<hbm>>
      %dma_wait3A_1351 = arith.constant 0 : i32
      %dma_wait3A_1352 = arith.constant 0 : i32
      %dma_wait3A_1353 = tpu.memref_slice %arg9[%dma_wait3A_1343, %dma_wait3A_1351, %dma_wait3A_1352] : memref<4x32x128xf32, #tpu.memory_space<vmem>> -> memref<1x32x128xf32, #tpu.memory_space<vmem>>
      %dma_wait3A_1354 = tpu.memref_squeeze %dma_wait3A_1353 : memref<1x32x128xf32, #tpu.memory_space<vmem>> -> memref<32x128xf32, #tpu.memory_space<vmem>>
      %dma_wait3A_1355 = arith.constant 0 : i32
      %dma_wait3A_1356 = arith.constant 0 : i32
      %dma_wait3A_1357 = tpu.memref_slice %arg4[%dma_wait3A_1355, %dma_wait3A_1356] : memref<32x1000000xf32, #tpu.memory_space<hbm>> -> memref<32x128xf32, #tpu.memory_space<hbm>>
      tpu.wait_dma2 semaphore(%arg11 : memref<!tpu.dma_semaphore, #tpu.memory_space<semaphore_mem>>) src(%dma_wait3A_1357 : memref<32x128xf32, #tpu.memory_space<hbm>>) dst(%dma_wait3A_1354 : memref<32x128xf32, #tpu.memory_space<vmem>>)
      %mul3A_1358 = arith.constant 16 : i32
      %mul3A_1359 = arith.muli %scan3A_356, %mul3A_1358 : i32
      %add3A_1360 = arith.constant 10 : i32
      %add3A_1361 = arith.addi %mul3A_1359, %add3A_1360 : i32
      %sub3A_1362 = arith.constant 4 : i32
      %sub3A_1363 = arith.subi %add3A_1361, %sub3A_1362 : i32
      %slice3A_1364 = vector.extract_strided_slice %get3A_360 {offsets = [6], sizes = [1], strides = [1]} : vector<16xi32> to vector<1xi32>
      %squeeze3A_1365 = vector.extract %slice3A_1364[0] : i32 from vector<1xi32>
      %and3A_1366 = arith.constant 127 : i32
      %and3A_1367 = arith.andi %squeeze3A_1365, %and3A_1366 : i32
      %iota3A_1368 = tpu.iota {dimensions = array<i32: 0>} : vector<16xi32>
      %broadcast_in_dim3A_1369 = vector.broadcast %and3A_1367 : i32 to vector<16xi32>
      %gather3A_1370 = arith.constant 2 : i32
      %gather3A_1371 = arith.constant 0 : i32
      %gather3A_1372 = arith.constant 0 : i32
      %gather3A_1373 = tpu.memref_slice %arg8[%gather3A_1370, %gather3A_1371, %gather3A_1372] : memref<4x32x128xf32, #tpu.memory_space<vmem>> -> memref<1x32x128xf32, #tpu.memory_space<vmem>>
      %gather3A_1374 = tpu.memref_squeeze %gather3A_1373 : memref<1x32x128xf32, #tpu.memory_space<vmem>> -> memref<32x128xf32, #tpu.memory_space<vmem>>
      %gather3A_1375 = tpu.vector_load_idx %gather3A_1374[%iota3A_1368, %broadcast_in_dim3A_1369] : memref<32x128xf32, #tpu.memory_space<vmem>>[vector<16xi32>, vector<16xi32>], vector<16xf32>,
      %swap3A_1376 = arith.index_cast %sub3A_1363 : i32 to index
      %swap3A_1377 = arith.constant 0 : index
      %swap3A_1378 = tpu.vector_load %arg10[%swap3A_1376, %swap3A_1377] {strides = array<i32>} : memref<512x64xf32, #tpu.memory_space<vmem>>, vector<16xf32>,
      tpu.vector_store %arg10[%swap3A_1376, %swap3A_1377], %gather3A_1375 {strides = array<i32>} : memref<512x64xf32, #tpu.memory_space<vmem>>, vector<16xf32>,
      %add3A_1379 = arith.constant 16 : i32
      %add3A_1380 = vector.broadcast %add3A_1379 : i32 to vector<16xi32>
      %add3A_1381 = arith.addi %iota3A_1368, %add3A_1380 : vector<16xi32>
      %gather3A_1382 = arith.constant 2 : i32
      %gather3A_1383 = arith.constant 0 : i32
      %gather3A_1384 = arith.constant 0 : i32
      %gather3A_1385 = tpu.memref_slice %arg8[%gather3A_1382, %gather3A_1383, %gather3A_1384] : memref<4x32x128xf32, #tpu.memory_space<vmem>> -> memref<1x32x128xf32, #tpu.memory_space<vmem>>
      %gather3A_1386 = tpu.memref_squeeze %gather3A_1385 : memref<1x32x128xf32, #tpu.memory_space<vmem>> -> memref<32x128xf32, #tpu.memory_space<vmem>>
      %gather3A_1387 = tpu.vector_load_idx %gather3A_1386[%add3A_1381, %broadcast_in_dim3A_1369] : memref<32x128xf32, #tpu.memory_space<vmem>>[vector<16xi32>, vector<16xi32>], vector<16xf32>,
      %swap3A_1388 = arith.index_cast %sub3A_1363 : i32 to index
      %swap3A_1389 = arith.constant 16 : index
      %swap3A_1390 = tpu.vector_load %arg10[%swap3A_1388, %swap3A_1389] {strides = array<i32>} : memref<512x64xf32, #tpu.memory_space<vmem>>, vector<16xf32>,
      tpu.vector_store %arg10[%swap3A_1388, %swap3A_1389], %gather3A_1387 {strides = array<i32>} : memref<512x64xf32, #tpu.memory_space<vmem>>, vector<16xf32>,
      %slice3A_1391 = vector.extract_strided_slice %get3A_364 {offsets = [6], sizes = [1], strides = [1]} : vector<16xi32> to vector<1xi32>
      %squeeze3A_1392 = vector.extract %slice3A_1391[0] : i32 from vector<1xi32>
      %and3A_1393 = arith.constant 127 : i32
      %and3A_1394 = arith.andi %squeeze3A_1392, %and3A_1393 : i32
      %iota3A_1395 = tpu.iota {dimensions = array<i32: 0>} : vector<16xi32>
      %broadcast_in_dim3A_1396 = vector.broadcast %and3A_1394 : i32 to vector<16xi32>
      %gather3A_1397 = arith.constant 2 : i32
      %gather3A_1398 = arith.constant 0 : i32
      %gather3A_1399 = arith.constant 0 : i32
      %gather3A_1400 = tpu.memref_slice %arg9[%gather3A_1397, %gather3A_1398, %gather3A_1399] : memref<4x32x128xf32, #tpu.memory_space<vmem>> -> memref<1x32x128xf32, #tpu.memory_space<vmem>>
      %gather3A_1401 = tpu.memref_squeeze %gather3A_1400 : memref<1x32x128xf32, #tpu.memory_space<vmem>> -> memref<32x128xf32, #tpu.memory_space<vmem>>
      %gather3A_1402 = tpu.vector_load_idx %gather3A_1401[%iota3A_1395, %broadcast_in_dim3A_1396] : memref<32x128xf32, #tpu.memory_space<vmem>>[vector<16xi32>, vector<16xi32>], vector<16xf32>,
      %swap3A_1403 = arith.index_cast %sub3A_1363 : i32 to index
      %swap3A_1404 = arith.constant 32 : index
      %swap3A_1405 = tpu.vector_load %arg10[%swap3A_1403, %swap3A_1404] {strides = array<i32>} : memref<512x64xf32, #tpu.memory_space<vmem>>, vector<16xf32>,
      tpu.vector_store %arg10[%swap3A_1403, %swap3A_1404], %gather3A_1402 {strides = array<i32>} : memref<512x64xf32, #tpu.memory_space<vmem>>, vector<16xf32>,
      %add3A_1406 = arith.constant 16 : i32
      %add3A_1407 = vector.broadcast %add3A_1406 : i32 to vector<16xi32>
      %add3A_1408 = arith.addi %iota3A_1395, %add3A_1407 : vector<16xi32>
      %gather3A_1409 = arith.constant 2 : i32
      %gather3A_1410 = arith.constant 0 : i32
      %gather3A_1411 = arith.constant 0 : i32
      %gather3A_1412 = tpu.memref_slice %arg9[%gather3A_1409, %gather3A_1410, %gather3A_1411] : memref<4x32x128xf32, #tpu.memory_space<vmem>> -> memref<1x32x128xf32, #tpu.memory_space<vmem>>
      %gather3A_1413 = tpu.memref_squeeze %gather3A_1412 : memref<1x32x128xf32, #tpu.memory_space<vmem>> -> memref<32x128xf32, #tpu.memory_space<vmem>>
      %gather3A_1414 = tpu.vector_load_idx %gather3A_1413[%add3A_1408, %broadcast_in_dim3A_1396] : memref<32x128xf32, #tpu.memory_space<vmem>>[vector<16xi32>, vector<16xi32>], vector<16xf32>,
      %swap3A_1415 = arith.index_cast %sub3A_1363 : i32 to index
      %swap3A_1416 = arith.constant 48 : index
      %swap3A_1417 = tpu.vector_load %arg10[%swap3A_1415, %swap3A_1416] {strides = array<i32>} : memref<512x64xf32, #tpu.memory_space<vmem>>, vector<16xf32>,
      tpu.vector_store %arg10[%swap3A_1415, %swap3A_1416], %gather3A_1414 {strides = array<i32>} : memref<512x64xf32, #tpu.memory_space<vmem>>, vector<16xf32>,
      %slice3A_1418 = vector.extract_strided_slice %get3A_360 {offsets = [10], sizes = [1], strides = [1]} : vector<16xi32> to vector<1xi32>
      %squeeze3A_1419 = vector.extract %slice3A_1418[0] : i32 from vector<1xi32>
      %shift_right_arithmetic3A_1420 = arith.constant 7 : i32
      %shift_right_arithmetic3A_1421 = arith.shrsi %squeeze3A_1419, %shift_right_arithmetic3A_1420 : i32
      %shift_left3A_1422 = arith.constant 7 : i32
      %shift_left3A_1423 = arith.shli %shift_right_arithmetic3A_1421, %shift_left3A_1422 : i32
      %multiple_of3A_1424 = tpu.assume_multiple %shift_left3A_1423, 128 : i32
      %dma_start3A_1425 = arith.constant 2 : i32
      %dma_start3A_1426 = arith.constant 0 : i32
      %dma_start3A_1427 = arith.constant 0 : i32
      %dma_start3A_1428 = tpu.memref_slice %arg8[%dma_start3A_1425, %dma_start3A_1426, %dma_start3A_1427] : memref<4x32x128xf32, #tpu.memory_space<vmem>> -> memref<1x32x128xf32, #tpu.memory_space<vmem>>
      %dma_start3A_1429 = tpu.memref_squeeze %dma_start3A_1428 : memref<1x32x128xf32, #tpu.memory_space<vmem>> -> memref<32x128xf32, #tpu.memory_space<vmem>>
      %dma_start3A_1430 = arith.constant 0 : i32
      %dma_start3A_1431 = tpu.memref_slice %arg3[%dma_start3A_1430, %multiple_of3A_1424] : memref<32x1000000xf32, #tpu.memory_space<hbm>> -> memref<32x128xf32, #tpu.memory_space<hbm>>
      %dma_start3A_1432 = arith.constant 0 : i32
      %dma_start3A_1433 = arith.constant 0 : i32
      %dma_start3A_1434 = tpu.memref_slice %arg8[%dma_start3A_1425, %dma_start3A_1432, %dma_start3A_1433] : memref<4x32x128xf32, #tpu.memory_space<vmem>> -> memref<1x32x128xf32, #tpu.memory_space<vmem>>
      %dma_start3A_1435 = tpu.memref_squeeze %dma_start3A_1434 : memref<1x32x128xf32, #tpu.memory_space<vmem>> -> memref<32x128xf32, #tpu.memory_space<vmem>>
      %dma_start3A_1436 = arith.constant 0 : i32
      %dma_start3A_1437 = tpu.memref_slice %arg3[%dma_start3A_1436, %multiple_of3A_1424] : memref<32x1000000xf32, #tpu.memory_space<hbm>> -> memref<32x128xf32, #tpu.memory_space<hbm>>
      tpu.enqueue_dma source(%dma_start3A_1437 : memref<32x128xf32, #tpu.memory_space<hbm>>) target(%dma_start3A_1435 : memref<32x128xf32, #tpu.memory_space<vmem>>) target_semaphore(%arg11 : memref<!tpu.dma_semaphore, #tpu.memory_space<semaphore_mem>>)
      %slice3A_1438 = vector.extract_strided_slice %get3A_364 {offsets = [10], sizes = [1], strides = [1]} : vector<16xi32> to vector<1xi32>
      %squeeze3A_1439 = vector.extract %slice3A_1438[0] : i32 from vector<1xi32>
      %shift_right_arithmetic3A_1440 = arith.constant 7 : i32
      %shift_right_arithmetic3A_1441 = arith.shrsi %squeeze3A_1439, %shift_right_arithmetic3A_1440 : i32
      %shift_left3A_1442 = arith.constant 7 : i32
      %shift_left3A_1443 = arith.shli %shift_right_arithmetic3A_1441, %shift_left3A_1442 : i32
      %multiple_of3A_1444 = tpu.assume_multiple %shift_left3A_1443, 128 : i32
      %dma_start3A_1445 = arith.constant 2 : i32
      %dma_start3A_1446 = arith.constant 0 : i32
      %dma_start3A_1447 = arith.constant 0 : i32
      %dma_start3A_1448 = tpu.memref_slice %arg9[%dma_start3A_1445, %dma_start3A_1446, %dma_start3A_1447] : memref<4x32x128xf32, #tpu.memory_space<vmem>> -> memref<1x32x128xf32, #tpu.memory_space<vmem>>
      %dma_start3A_1449 = tpu.memref_squeeze %dma_start3A_1448 : memref<1x32x128xf32, #tpu.memory_space<vmem>> -> memref<32x128xf32, #tpu.memory_space<vmem>>
      %dma_start3A_1450 = arith.constant 0 : i32
      %dma_start3A_1451 = tpu.memref_slice %arg4[%dma_start3A_1450, %multiple_of3A_1444] : memref<32x1000000xf32, #tpu.memory_space<hbm>> -> memref<32x128xf32, #tpu.memory_space<hbm>>
      %dma_start3A_1452 = arith.constant 0 : i32
      %dma_start3A_1453 = arith.constant 0 : i32
      %dma_start3A_1454 = tpu.memref_slice %arg9[%dma_start3A_1445, %dma_start3A_1452, %dma_start3A_1453] : memref<4x32x128xf32, #tpu.memory_space<vmem>> -> memref<1x32x128xf32, #tpu.memory_space<vmem>>
      %dma_start3A_1455 = tpu.memref_squeeze %dma_start3A_1454 : memref<1x32x128xf32, #tpu.memory_space<vmem>> -> memref<32x128xf32, #tpu.memory_space<vmem>>
      %dma_start3A_1456 = arith.constant 0 : i32
      %dma_start3A_1457 = tpu.memref_slice %arg4[%dma_start3A_1456, %multiple_of3A_1444] : memref<32x1000000xf32, #tpu.memory_space<hbm>> -> memref<32x128xf32, #tpu.memory_space<hbm>>
      tpu.enqueue_dma source(%dma_start3A_1457 : memref<32x128xf32, #tpu.memory_space<hbm>>) target(%dma_start3A_1455 : memref<32x128xf32, #tpu.memory_space<vmem>>) target_semaphore(%arg11 : memref<!tpu.dma_semaphore, #tpu.memory_space<semaphore_mem>>)
      %dma_wait3A_1458 = arith.constant 3 : i32
      %dma_wait3A_1459 = arith.constant 0 : i32
      %dma_wait3A_1460 = arith.constant 0 : i32
      %dma_wait3A_1461 = tpu.memref_slice %arg8[%dma_wait3A_1458, %dma_wait3A_1459, %dma_wait3A_1460] : memref<4x32x128xf32, #tpu.memory_space<vmem>> -> memref<1x32x128xf32, #tpu.memory_space<vmem>>
      %dma_wait3A_1462 = tpu.memref_squeeze %dma_wait3A_1461 : memref<1x32x128xf32, #tpu.memory_space<vmem>> -> memref<32x128xf32, #tpu.memory_space<vmem>>
      %dma_wait3A_1463 = arith.constant 0 : i32
      %dma_wait3A_1464 = arith.constant 0 : i32
      %dma_wait3A_1465 = tpu.memref_slice %arg3[%dma_wait3A_1463, %dma_wait3A_1464] : memref<32x1000000xf32, #tpu.memory_space<hbm>> -> memref<32x128xf32, #tpu.memory_space<hbm>>
      %dma_wait3A_1466 = arith.constant 0 : i32
      %dma_wait3A_1467 = arith.constant 0 : i32
      %dma_wait3A_1468 = tpu.memref_slice %arg8[%dma_wait3A_1458, %dma_wait3A_1466, %dma_wait3A_1467] : memref<4x32x128xf32, #tpu.memory_space<vmem>> -> memref<1x32x128xf32, #tpu.memory_space<vmem>>
      %dma_wait3A_1469 = tpu.memref_squeeze %dma_wait3A_1468 : memref<1x32x128xf32, #tpu.memory_space<vmem>> -> memref<32x128xf32, #tpu.memory_space<vmem>>
      %dma_wait3A_1470 = arith.constant 0 : i32
      %dma_wait3A_1471 = arith.constant 0 : i32
      %dma_wait3A_1472 = tpu.memref_slice %arg3[%dma_wait3A_1470, %dma_wait3A_1471] : memref<32x1000000xf32, #tpu.memory_space<hbm>> -> memref<32x128xf32, #tpu.memory_space<hbm>>
      tpu.wait_dma2 semaphore(%arg11 : memref<!tpu.dma_semaphore, #tpu.memory_space<semaphore_mem>>) src(%dma_wait3A_1472 : memref<32x128xf32, #tpu.memory_space<hbm>>) dst(%dma_wait3A_1469 : memref<32x128xf32, #tpu.memory_space<vmem>>)
      %dma_wait3A_1473 = arith.constant 3 : i32
      %dma_wait3A_1474 = arith.constant 0 : i32
      %dma_wait3A_1475 = arith.constant 0 : i32
      %dma_wait3A_1476 = tpu.memref_slice %arg9[%dma_wait3A_1473, %dma_wait3A_1474, %dma_wait3A_1475] : memref<4x32x128xf32, #tpu.memory_space<vmem>> -> memref<1x32x128xf32, #tpu.memory_space<vmem>>
      %dma_wait3A_1477 = tpu.memref_squeeze %dma_wait3A_1476 : memref<1x32x128xf32, #tpu.memory_space<vmem>> -> memref<32x128xf32, #tpu.memory_space<vmem>>
      %dma_wait3A_1478 = arith.constant 0 : i32
      %dma_wait3A_1479 = arith.constant 0 : i32
      %dma_wait3A_1480 = tpu.memref_slice %arg4[%dma_wait3A_1478, %dma_wait3A_1479] : memref<32x1000000xf32, #tpu.memory_space<hbm>> -> memref<32x128xf32, #tpu.memory_space<hbm>>
      %dma_wait3A_1481 = arith.constant 0 : i32
      %dma_wait3A_1482 = arith.constant 0 : i32
      %dma_wait3A_1483 = tpu.memref_slice %arg9[%dma_wait3A_1473, %dma_wait3A_1481, %dma_wait3A_1482] : memref<4x32x128xf32, #tpu.memory_space<vmem>> -> memref<1x32x128xf32, #tpu.memory_space<vmem>>
      %dma_wait3A_1484 = tpu.memref_squeeze %dma_wait3A_1483 : memref<1x32x128xf32, #tpu.memory_space<vmem>> -> memref<32x128xf32, #tpu.memory_space<vmem>>
      %dma_wait3A_1485 = arith.constant 0 : i32
      %dma_wait3A_1486 = arith.constant 0 : i32
      %dma_wait3A_1487 = tpu.memref_slice %arg4[%dma_wait3A_1485, %dma_wait3A_1486] : memref<32x1000000xf32, #tpu.memory_space<hbm>> -> memref<32x128xf32, #tpu.memory_space<hbm>>
      tpu.wait_dma2 semaphore(%arg11 : memref<!tpu.dma_semaphore, #tpu.memory_space<semaphore_mem>>) src(%dma_wait3A_1487 : memref<32x128xf32, #tpu.memory_space<hbm>>) dst(%dma_wait3A_1484 : memref<32x128xf32, #tpu.memory_space<vmem>>)
      %mul3A_1488 = arith.constant 16 : i32
      %mul3A_1489 = arith.muli %scan3A_356, %mul3A_1488 : i32
      %add3A_1490 = arith.constant 11 : i32
      %add3A_1491 = arith.addi %mul3A_1489, %add3A_1490 : i32
      %sub3A_1492 = arith.constant 4 : i32
      %sub3A_1493 = arith.subi %add3A_1491, %sub3A_1492 : i32
      %slice3A_1494 = vector.extract_strided_slice %get3A_360 {offsets = [7], sizes = [1], strides = [1]} : vector<16xi32> to vector<1xi32>
      %squeeze3A_1495 = vector.extract %slice3A_1494[0] : i32 from vector<1xi32>
      %and3A_1496 = arith.constant 127 : i32
      %and3A_1497 = arith.andi %squeeze3A_1495, %and3A_1496 : i32
      %iota3A_1498 = tpu.iota {dimensions = array<i32: 0>} : vector<16xi32>
      %broadcast_in_dim3A_1499 = vector.broadcast %and3A_1497 : i32 to vector<16xi32>
      %gather3A_1500 = arith.constant 3 : i32
      %gather3A_1501 = arith.constant 0 : i32
      %gather3A_1502 = arith.constant 0 : i32
      %gather3A_1503 = tpu.memref_slice %arg8[%gather3A_1500, %gather3A_1501, %gather3A_1502] : memref<4x32x128xf32, #tpu.memory_space<vmem>> -> memref<1x32x128xf32, #tpu.memory_space<vmem>>
      %gather3A_1504 = tpu.memref_squeeze %gather3A_1503 : memref<1x32x128xf32, #tpu.memory_space<vmem>> -> memref<32x128xf32, #tpu.memory_space<vmem>>
      %gather3A_1505 = tpu.vector_load_idx %gather3A_1504[%iota3A_1498, %broadcast_in_dim3A_1499] : memref<32x128xf32, #tpu.memory_space<vmem>>[vector<16xi32>, vector<16xi32>], vector<16xf32>,
      %swap3A_1506 = arith.index_cast %sub3A_1493 : i32 to index
      %swap3A_1507 = arith.constant 0 : index
      %swap3A_1508 = tpu.vector_load %arg10[%swap3A_1506, %swap3A_1507] {strides = array<i32>} : memref<512x64xf32, #tpu.memory_space<vmem>>, vector<16xf32>,
      tpu.vector_store %arg10[%swap3A_1506, %swap3A_1507], %gather3A_1505 {strides = array<i32>} : memref<512x64xf32, #tpu.memory_space<vmem>>, vector<16xf32>,
      %add3A_1509 = arith.constant 16 : i32
      %add3A_1510 = vector.broadcast %add3A_1509 : i32 to vector<16xi32>
      %add3A_1511 = arith.addi %iota3A_1498, %add3A_1510 : vector<16xi32>
      %gather3A_1512 = arith.constant 3 : i32
      %gather3A_1513 = arith.constant 0 : i32
      %gather3A_1514 = arith.constant 0 : i32
      %gather3A_1515 = tpu.memref_slice %arg8[%gather3A_1512, %gather3A_1513, %gather3A_1514] : memref<4x32x128xf32, #tpu.memory_space<vmem>> -> memref<1x32x128xf32, #tpu.memory_space<vmem>>
      %gather3A_1516 = tpu.memref_squeeze %gather3A_1515 : memref<1x32x128xf32, #tpu.memory_space<vmem>> -> memref<32x128xf32, #tpu.memory_space<vmem>>
      %gather3A_1517 = tpu.vector_load_idx %gather3A_1516[%add3A_1511, %broadcast_in_dim3A_1499] : memref<32x128xf32, #tpu.memory_space<vmem>>[vector<16xi32>, vector<16xi32>], vector<16xf32>,
      %swap3A_1518 = arith.index_cast %sub3A_1493 : i32 to index
      %swap3A_1519 = arith.constant 16 : index
      %swap3A_1520 = tpu.vector_load %arg10[%swap3A_1518, %swap3A_1519] {strides = array<i32>} : memref<512x64xf32, #tpu.memory_space<vmem>>, vector<16xf32>,
      tpu.vector_store %arg10[%swap3A_1518, %swap3A_1519], %gather3A_1517 {strides = array<i32>} : memref<512x64xf32, #tpu.memory_space<vmem>>, vector<16xf32>,
      %slice3A_1521 = vector.extract_strided_slice %get3A_364 {offsets = [7], sizes = [1], strides = [1]} : vector<16xi32> to vector<1xi32>
      %squeeze3A_1522 = vector.extract %slice3A_1521[0] : i32 from vector<1xi32>
      %and3A_1523 = arith.constant 127 : i32
      %and3A_1524 = arith.andi %squeeze3A_1522, %and3A_1523 : i32
      %iota3A_1525 = tpu.iota {dimensions = array<i32: 0>} : vector<16xi32>
      %broadcast_in_dim3A_1526 = vector.broadcast %and3A_1524 : i32 to vector<16xi32>
      %gather3A_1527 = arith.constant 3 : i32
      %gather3A_1528 = arith.constant 0 : i32
      %gather3A_1529 = arith.constant 0 : i32
      %gather3A_1530 = tpu.memref_slice %arg9[%gather3A_1527, %gather3A_1528, %gather3A_1529] : memref<4x32x128xf32, #tpu.memory_space<vmem>> -> memref<1x32x128xf32, #tpu.memory_space<vmem>>
      %gather3A_1531 = tpu.memref_squeeze %gather3A_1530 : memref<1x32x128xf32, #tpu.memory_space<vmem>> -> memref<32x128xf32, #tpu.memory_space<vmem>>
      %gather3A_1532 = tpu.vector_load_idx %gather3A_1531[%iota3A_1525, %broadcast_in_dim3A_1526] : memref<32x128xf32, #tpu.memory_space<vmem>>[vector<16xi32>, vector<16xi32>], vector<16xf32>,
      %swap3A_1533 = arith.index_cast %sub3A_1493 : i32 to index
      %swap3A_1534 = arith.constant 32 : index
      %swap3A_1535 = tpu.vector_load %arg10[%swap3A_1533, %swap3A_1534] {strides = array<i32>} : memref<512x64xf32, #tpu.memory_space<vmem>>, vector<16xf32>,
      tpu.vector_store %arg10[%swap3A_1533, %swap3A_1534], %gather3A_1532 {strides = array<i32>} : memref<512x64xf32, #tpu.memory_space<vmem>>, vector<16xf32>,
      %add3A_1536 = arith.constant 16 : i32
      %add3A_1537 = vector.broadcast %add3A_1536 : i32 to vector<16xi32>
      %add3A_1538 = arith.addi %iota3A_1525, %add3A_1537 : vector<16xi32>
      %gather3A_1539 = arith.constant 3 : i32
      %gather3A_1540 = arith.constant 0 : i32
      %gather3A_1541 = arith.constant 0 : i32
      %gather3A_1542 = tpu.memref_slice %arg9[%gather3A_1539, %gather3A_1540, %gather3A_1541] : memref<4x32x128xf32, #tpu.memory_space<vmem>> -> memref<1x32x128xf32, #tpu.memory_space<vmem>>
      %gather3A_1543 = tpu.memref_squeeze %gather3A_1542 : memref<1x32x128xf32, #tpu.memory_space<vmem>> -> memref<32x128xf32, #tpu.memory_space<vmem>>
      %gather3A_1544 = tpu.vector_load_idx %gather3A_1543[%add3A_1538, %broadcast_in_dim3A_1526] : memref<32x128xf32, #tpu.memory_space<vmem>>[vector<16xi32>, vector<16xi32>], vector<16xf32>,
      %swap3A_1545 = arith.index_cast %sub3A_1493 : i32 to index
      %swap3A_1546 = arith.constant 48 : index
      %swap3A_1547 = tpu.vector_load %arg10[%swap3A_1545, %swap3A_1546] {strides = array<i32>} : memref<512x64xf32, #tpu.memory_space<vmem>>, vector<16xf32>,
      tpu.vector_store %arg10[%swap3A_1545, %swap3A_1546], %gather3A_1544 {strides = array<i32>} : memref<512x64xf32, #tpu.memory_space<vmem>>, vector<16xf32>,
      %slice3A_1548 = vector.extract_strided_slice %get3A_360 {offsets = [11], sizes = [1], strides = [1]} : vector<16xi32> to vector<1xi32>
      %squeeze3A_1549 = vector.extract %slice3A_1548[0] : i32 from vector<1xi32>
      %shift_right_arithmetic3A_1550 = arith.constant 7 : i32
      %shift_right_arithmetic3A_1551 = arith.shrsi %squeeze3A_1549, %shift_right_arithmetic3A_1550 : i32
      %shift_left3A_1552 = arith.constant 7 : i32
      %shift_left3A_1553 = arith.shli %shift_right_arithmetic3A_1551, %shift_left3A_1552 : i32
      %multiple_of3A_1554 = tpu.assume_multiple %shift_left3A_1553, 128 : i32
      %dma_start3A_1555 = arith.constant 3 : i32
      %dma_start3A_1556 = arith.constant 0 : i32
      %dma_start3A_1557 = arith.constant 0 : i32
      %dma_start3A_1558 = tpu.memref_slice %arg8[%dma_start3A_1555, %dma_start3A_1556, %dma_start3A_1557] : memref<4x32x128xf32, #tpu.memory_space<vmem>> -> memref<1x32x128xf32, #tpu.memory_space<vmem>>
      %dma_start3A_1559 = tpu.memref_squeeze %dma_start3A_1558 : memref<1x32x128xf32, #tpu.memory_space<vmem>> -> memref<32x128xf32, #tpu.memory_space<vmem>>
      %dma_start3A_1560 = arith.constant 0 : i32
      %dma_start3A_1561 = tpu.memref_slice %arg3[%dma_start3A_1560, %multiple_of3A_1554] : memref<32x1000000xf32, #tpu.memory_space<hbm>> -> memref<32x128xf32, #tpu.memory_space<hbm>>
      %dma_start3A_1562 = arith.constant 0 : i32
      %dma_start3A_1563 = arith.constant 0 : i32
      %dma_start3A_1564 = tpu.memref_slice %arg8[%dma_start3A_1555, %dma_start3A_1562, %dma_start3A_1563] : memref<4x32x128xf32, #tpu.memory_space<vmem>> -> memref<1x32x128xf32, #tpu.memory_space<vmem>>
      %dma_start3A_1565 = tpu.memref_squeeze %dma_start3A_1564 : memref<1x32x128xf32, #tpu.memory_space<vmem>> -> memref<32x128xf32, #tpu.memory_space<vmem>>
      %dma_start3A_1566 = arith.constant 0 : i32
      %dma_start3A_1567 = tpu.memref_slice %arg3[%dma_start3A_1566, %multiple_of3A_1554] : memref<32x1000000xf32, #tpu.memory_space<hbm>> -> memref<32x128xf32, #tpu.memory_space<hbm>>
      tpu.enqueue_dma source(%dma_start3A_1567 : memref<32x128xf32, #tpu.memory_space<hbm>>) target(%dma_start3A_1565 : memref<32x128xf32, #tpu.memory_space<vmem>>) target_semaphore(%arg11 : memref<!tpu.dma_semaphore, #tpu.memory_space<semaphore_mem>>)
      %slice3A_1568 = vector.extract_strided_slice %get3A_364 {offsets = [11], sizes = [1], strides = [1]} : vector<16xi32> to vector<1xi32>
      %squeeze3A_1569 = vector.extract %slice3A_1568[0] : i32 from vector<1xi32>
      %shift_right_arithmetic3A_1570 = arith.constant 7 : i32
      %shift_right_arithmetic3A_1571 = arith.shrsi %squeeze3A_1569, %shift_right_arithmetic3A_1570 : i32
      %shift_left3A_1572 = arith.constant 7 : i32
      %shift_left3A_1573 = arith.shli %shift_right_arithmetic3A_1571, %shift_left3A_1572 : i32
      %multiple_of3A_1574 = tpu.assume_multiple %shift_left3A_1573, 128 : i32
      %dma_start3A_1575 = arith.constant 3 : i32
      %dma_start3A_1576 = arith.constant 0 : i32
      %dma_start3A_1577 = arith.constant 0 : i32
      %dma_start3A_1578 = tpu.memref_slice %arg9[%dma_start3A_1575, %dma_start3A_1576, %dma_start3A_1577] : memref<4x32x128xf32, #tpu.memory_space<vmem>> -> memref<1x32x128xf32, #tpu.memory_space<vmem>>
      %dma_start3A_1579 = tpu.memref_squeeze %dma_start3A_1578 : memref<1x32x128xf32, #tpu.memory_space<vmem>> -> memref<32x128xf32, #tpu.memory_space<vmem>>
      %dma_start3A_1580 = arith.constant 0 : i32
      %dma_start3A_1581 = tpu.memref_slice %arg4[%dma_start3A_1580, %multiple_of3A_1574] : memref<32x1000000xf32, #tpu.memory_space<hbm>> -> memref<32x128xf32, #tpu.memory_space<hbm>>
      %dma_start3A_1582 = arith.constant 0 : i32
      %dma_start3A_1583 = arith.constant 0 : i32
      %dma_start3A_1584 = tpu.memref_slice %arg9[%dma_start3A_1575, %dma_start3A_1582, %dma_start3A_1583] : memref<4x32x128xf32, #tpu.memory_space<vmem>> -> memref<1x32x128xf32, #tpu.memory_space<vmem>>
      %dma_start3A_1585 = tpu.memref_squeeze %dma_start3A_1584 : memref<1x32x128xf32, #tpu.memory_space<vmem>> -> memref<32x128xf32, #tpu.memory_space<vmem>>
      %dma_start3A_1586 = arith.constant 0 : i32
      %dma_start3A_1587 = tpu.memref_slice %arg4[%dma_start3A_1586, %multiple_of3A_1574] : memref<32x1000000xf32, #tpu.memory_space<hbm>> -> memref<32x128xf32, #tpu.memory_space<hbm>>
      tpu.enqueue_dma source(%dma_start3A_1587 : memref<32x128xf32, #tpu.memory_space<hbm>>) target(%dma_start3A_1585 : memref<32x128xf32, #tpu.memory_space<vmem>>) target_semaphore(%arg11 : memref<!tpu.dma_semaphore, #tpu.memory_space<semaphore_mem>>)
      %dma_wait3A_1588 = arith.constant 0 : i32
      %dma_wait3A_1589 = arith.constant 0 : i32
      %dma_wait3A_1590 = arith.constant 0 : i32
      %dma_wait3A_1591 = tpu.memref_slice %arg8[%dma_wait3A_1588, %dma_wait3A_1589, %dma_wait3A_1590] : memref<4x32x128xf32, #tpu.memory_space<vmem>> -> memref<1x32x128xf32, #tpu.memory_space<vmem>>
      %dma_wait3A_1592 = tpu.memref_squeeze %dma_wait3A_1591 : memref<1x32x128xf32, #tpu.memory_space<vmem>> -> memref<32x128xf32, #tpu.memory_space<vmem>>
      %dma_wait3A_1593 = arith.constant 0 : i32
      %dma_wait3A_1594 = arith.constant 0 : i32
      %dma_wait3A_1595 = tpu.memref_slice %arg3[%dma_wait3A_1593, %dma_wait3A_1594] : memref<32x1000000xf32, #tpu.memory_space<hbm>> -> memref<32x128xf32, #tpu.memory_space<hbm>>
      %dma_wait3A_1596 = arith.constant 0 : i32
      %dma_wait3A_1597 = arith.constant 0 : i32
      %dma_wait3A_1598 = tpu.memref_slice %arg8[%dma_wait3A_1588, %dma_wait3A_1596, %dma_wait3A_1597] : memref<4x32x128xf32, #tpu.memory_space<vmem>> -> memref<1x32x128xf32, #tpu.memory_space<vmem>>
      %dma_wait3A_1599 = tpu.memref_squeeze %dma_wait3A_1598 : memref<1x32x128xf32, #tpu.memory_space<vmem>> -> memref<32x128xf32, #tpu.memory_space<vmem>>
      %dma_wait3A_1600 = arith.constant 0 : i32
      %dma_wait3A_1601 = arith.constant 0 : i32
      %dma_wait3A_1602 = tpu.memref_slice %arg3[%dma_wait3A_1600, %dma_wait3A_1601] : memref<32x1000000xf32, #tpu.memory_space<hbm>> -> memref<32x128xf32, #tpu.memory_space<hbm>>
      tpu.wait_dma2 semaphore(%arg11 : memref<!tpu.dma_semaphore, #tpu.memory_space<semaphore_mem>>) src(%dma_wait3A_1602 : memref<32x128xf32, #tpu.memory_space<hbm>>) dst(%dma_wait3A_1599 : memref<32x128xf32, #tpu.memory_space<vmem>>)
      %dma_wait3A_1603 = arith.constant 0 : i32
      %dma_wait3A_1604 = arith.constant 0 : i32
      %dma_wait3A_1605 = arith.constant 0 : i32
      %dma_wait3A_1606 = tpu.memref_slice %arg9[%dma_wait3A_1603, %dma_wait3A_1604, %dma_wait3A_1605] : memref<4x32x128xf32, #tpu.memory_space<vmem>> -> memref<1x32x128xf32, #tpu.memory_space<vmem>>
      %dma_wait3A_1607 = tpu.memref_squeeze %dma_wait3A_1606 : memref<1x32x128xf32, #tpu.memory_space<vmem>> -> memref<32x128xf32, #tpu.memory_space<vmem>>
      %dma_wait3A_1608 = arith.constant 0 : i32
      %dma_wait3A_1609 = arith.constant 0 : i32
      %dma_wait3A_1610 = tpu.memref_slice %arg4[%dma_wait3A_1608, %dma_wait3A_1609] : memref<32x1000000xf32, #tpu.memory_space<hbm>> -> memref<32x128xf32, #tpu.memory_space<hbm>>
      %dma_wait3A_1611 = arith.constant 0 : i32
      %dma_wait3A_1612 = arith.constant 0 : i32
      %dma_wait3A_1613 = tpu.memref_slice %arg9[%dma_wait3A_1603, %dma_wait3A_1611, %dma_wait3A_1612] : memref<4x32x128xf32, #tpu.memory_space<vmem>> -> memref<1x32x128xf32, #tpu.memory_space<vmem>>
      %dma_wait3A_1614 = tpu.memref_squeeze %dma_wait3A_1613 : memref<1x32x128xf32, #tpu.memory_space<vmem>> -> memref<32x128xf32, #tpu.memory_space<vmem>>
      %dma_wait3A_1615 = arith.constant 0 : i32
      %dma_wait3A_1616 = arith.constant 0 : i32
      %dma_wait3A_1617 = tpu.memref_slice %arg4[%dma_wait3A_1615, %dma_wait3A_1616] : memref<32x1000000xf32, #tpu.memory_space<hbm>> -> memref<32x128xf32, #tpu.memory_space<hbm>>
      tpu.wait_dma2 semaphore(%arg11 : memref<!tpu.dma_semaphore, #tpu.memory_space<semaphore_mem>>) src(%dma_wait3A_1617 : memref<32x128xf32, #tpu.memory_space<hbm>>) dst(%dma_wait3A_1614 : memref<32x128xf32, #tpu.memory_space<vmem>>)
      %mul3A_1618 = arith.constant 16 : i32
      %mul3A_1619 = arith.muli %scan3A_356, %mul3A_1618 : i32
      %add3A_1620 = arith.constant 12 : i32
      %add3A_1621 = arith.addi %mul3A_1619, %add3A_1620 : i32
      %sub3A_1622 = arith.constant 4 : i32
      %sub3A_1623 = arith.subi %add3A_1621, %sub3A_1622 : i32
      %slice3A_1624 = vector.extract_strided_slice %get3A_360 {offsets = [8], sizes = [1], strides = [1]} : vector<16xi32> to vector<1xi32>
      %squeeze3A_1625 = vector.extract %slice3A_1624[0] : i32 from vector<1xi32>
      %and3A_1626 = arith.constant 127 : i32
      %and3A_1627 = arith.andi %squeeze3A_1625, %and3A_1626 : i32
      %iota3A_1628 = tpu.iota {dimensions = array<i32: 0>} : vector<16xi32>
      %broadcast_in_dim3A_1629 = vector.broadcast %and3A_1627 : i32 to vector<16xi32>
      %gather3A_1630 = arith.constant 0 : i32
      %gather3A_1631 = arith.constant 0 : i32
      %gather3A_1632 = arith.constant 0 : i32
      %gather3A_1633 = tpu.memref_slice %arg8[%gather3A_1630, %gather3A_1631, %gather3A_1632] : memref<4x32x128xf32, #tpu.memory_space<vmem>> -> memref<1x32x128xf32, #tpu.memory_space<vmem>>
      %gather3A_1634 = tpu.memref_squeeze %gather3A_1633 : memref<1x32x128xf32, #tpu.memory_space<vmem>> -> memref<32x128xf32, #tpu.memory_space<vmem>>
      %gather3A_1635 = tpu.vector_load_idx %gather3A_1634[%iota3A_1628, %broadcast_in_dim3A_1629] : memref<32x128xf32, #tpu.memory_space<vmem>>[vector<16xi32>, vector<16xi32>], vector<16xf32>,
      %swap3A_1636 = arith.index_cast %sub3A_1623 : i32 to index
      %swap3A_1637 = arith.constant 0 : index
      %swap3A_1638 = tpu.vector_load %arg10[%swap3A_1636, %swap3A_1637] {strides = array<i32>} : memref<512x64xf32, #tpu.memory_space<vmem>>, vector<16xf32>,
      tpu.vector_store %arg10[%swap3A_1636, %swap3A_1637], %gather3A_1635 {strides = array<i32>} : memref<512x64xf32, #tpu.memory_space<vmem>>, vector<16xf32>,
      %add3A_1639 = arith.constant 16 : i32
      %add3A_1640 = vector.broadcast %add3A_1639 : i32 to vector<16xi32>
      %add3A_1641 = arith.addi %iota3A_1628, %add3A_1640 : vector<16xi32>
      %gather3A_1642 = arith.constant 0 : i32
      %gather3A_1643 = arith.constant 0 : i32
      %gather3A_1644 = arith.constant 0 : i32
      %gather3A_1645 = tpu.memref_slice %arg8[%gather3A_1642, %gather3A_1643, %gather3A_1644] : memref<4x32x128xf32, #tpu.memory_space<vmem>> -> memref<1x32x128xf32, #tpu.memory_space<vmem>>
      %gather3A_1646 = tpu.memref_squeeze %gather3A_1645 : memref<1x32x128xf32, #tpu.memory_space<vmem>> -> memref<32x128xf32, #tpu.memory_space<vmem>>
      %gather3A_1647 = tpu.vector_load_idx %gather3A_1646[%add3A_1641, %broadcast_in_dim3A_1629] : memref<32x128xf32, #tpu.memory_space<vmem>>[vector<16xi32>, vector<16xi32>], vector<16xf32>,
      %swap3A_1648 = arith.index_cast %sub3A_1623 : i32 to index
      %swap3A_1649 = arith.constant 16 : index
      %swap3A_1650 = tpu.vector_load %arg10[%swap3A_1648, %swap3A_1649] {strides = array<i32>} : memref<512x64xf32, #tpu.memory_space<vmem>>, vector<16xf32>,
      tpu.vector_store %arg10[%swap3A_1648, %swap3A_1649], %gather3A_1647 {strides = array<i32>} : memref<512x64xf32, #tpu.memory_space<vmem>>, vector<16xf32>,
      %slice3A_1651 = vector.extract_strided_slice %get3A_364 {offsets = [8], sizes = [1], strides = [1]} : vector<16xi32> to vector<1xi32>
      %squeeze3A_1652 = vector.extract %slice3A_1651[0] : i32 from vector<1xi32>
      %and3A_1653 = arith.constant 127 : i32
      %and3A_1654 = arith.andi %squeeze3A_1652, %and3A_1653 : i32
      %iota3A_1655 = tpu.iota {dimensions = array<i32: 0>} : vector<16xi32>
      %broadcast_in_dim3A_1656 = vector.broadcast %and3A_1654 : i32 to vector<16xi32>
      %gather3A_1657 = arith.constant 0 : i32
      %gather3A_1658 = arith.constant 0 : i32
      %gather3A_1659 = arith.constant 0 : i32
      %gather3A_1660 = tpu.memref_slice %arg9[%gather3A_1657, %gather3A_1658, %gather3A_1659] : memref<4x32x128xf32, #tpu.memory_space<vmem>> -> memref<1x32x128xf32, #tpu.memory_space<vmem>>
      %gather3A_1661 = tpu.memref_squeeze %gather3A_1660 : memref<1x32x128xf32, #tpu.memory_space<vmem>> -> memref<32x128xf32, #tpu.memory_space<vmem>>
      %gather3A_1662 = tpu.vector_load_idx %gather3A_1661[%iota3A_1655, %broadcast_in_dim3A_1656] : memref<32x128xf32, #tpu.memory_space<vmem>>[vector<16xi32>, vector<16xi32>], vector<16xf32>,
      %swap3A_1663 = arith.index_cast %sub3A_1623 : i32 to index
      %swap3A_1664 = arith.constant 32 : index
      %swap3A_1665 = tpu.vector_load %arg10[%swap3A_1663, %swap3A_1664] {strides = array<i32>} : memref<512x64xf32, #tpu.memory_space<vmem>>, vector<16xf32>,
      tpu.vector_store %arg10[%swap3A_1663, %swap3A_1664], %gather3A_1662 {strides = array<i32>} : memref<512x64xf32, #tpu.memory_space<vmem>>, vector<16xf32>,
      %add3A_1666 = arith.constant 16 : i32
      %add3A_1667 = vector.broadcast %add3A_1666 : i32 to vector<16xi32>
      %add3A_1668 = arith.addi %iota3A_1655, %add3A_1667 : vector<16xi32>
      %gather3A_1669 = arith.constant 0 : i32
      %gather3A_1670 = arith.constant 0 : i32
      %gather3A_1671 = arith.constant 0 : i32
      %gather3A_1672 = tpu.memref_slice %arg9[%gather3A_1669, %gather3A_1670, %gather3A_1671] : memref<4x32x128xf32, #tpu.memory_space<vmem>> -> memref<1x32x128xf32, #tpu.memory_space<vmem>>
      %gather3A_1673 = tpu.memref_squeeze %gather3A_1672 : memref<1x32x128xf32, #tpu.memory_space<vmem>> -> memref<32x128xf32, #tpu.memory_space<vmem>>
      %gather3A_1674 = tpu.vector_load_idx %gather3A_1673[%add3A_1668, %broadcast_in_dim3A_1656] : memref<32x128xf32, #tpu.memory_space<vmem>>[vector<16xi32>, vector<16xi32>], vector<16xf32>,
      %swap3A_1675 = arith.index_cast %sub3A_1623 : i32 to index
      %swap3A_1676 = arith.constant 48 : index
      %swap3A_1677 = tpu.vector_load %arg10[%swap3A_1675, %swap3A_1676] {strides = array<i32>} : memref<512x64xf32, #tpu.memory_space<vmem>>, vector<16xf32>,
      tpu.vector_store %arg10[%swap3A_1675, %swap3A_1676], %gather3A_1674 {strides = array<i32>} : memref<512x64xf32, #tpu.memory_space<vmem>>, vector<16xf32>,
      %slice3A_1678 = vector.extract_strided_slice %get3A_360 {offsets = [12], sizes = [1], strides = [1]} : vector<16xi32> to vector<1xi32>
      %squeeze3A_1679 = vector.extract %slice3A_1678[0] : i32 from vector<1xi32>
      %shift_right_arithmetic3A_1680 = arith.constant 7 : i32
      %shift_right_arithmetic3A_1681 = arith.shrsi %squeeze3A_1679, %shift_right_arithmetic3A_1680 : i32
      %shift_left3A_1682 = arith.constant 7 : i32
      %shift_left3A_1683 = arith.shli %shift_right_arithmetic3A_1681, %shift_left3A_1682 : i32
      %multiple_of3A_1684 = tpu.assume_multiple %shift_left3A_1683, 128 : i32
      %dma_start3A_1685 = arith.constant 0 : i32
      %dma_start3A_1686 = arith.constant 0 : i32
      %dma_start3A_1687 = arith.constant 0 : i32
      %dma_start3A_1688 = tpu.memref_slice %arg8[%dma_start3A_1685, %dma_start3A_1686, %dma_start3A_1687] : memref<4x32x128xf32, #tpu.memory_space<vmem>> -> memref<1x32x128xf32, #tpu.memory_space<vmem>>
      %dma_start3A_1689 = tpu.memref_squeeze %dma_start3A_1688 : memref<1x32x128xf32, #tpu.memory_space<vmem>> -> memref<32x128xf32, #tpu.memory_space<vmem>>
      %dma_start3A_1690 = arith.constant 0 : i32
      %dma_start3A_1691 = tpu.memref_slice %arg3[%dma_start3A_1690, %multiple_of3A_1684] : memref<32x1000000xf32, #tpu.memory_space<hbm>> -> memref<32x128xf32, #tpu.memory_space<hbm>>
      %dma_start3A_1692 = arith.constant 0 : i32
      %dma_start3A_1693 = arith.constant 0 : i32
      %dma_start3A_1694 = tpu.memref_slice %arg8[%dma_start3A_1685, %dma_start3A_1692, %dma_start3A_1693] : memref<4x32x128xf32, #tpu.memory_space<vmem>> -> memref<1x32x128xf32, #tpu.memory_space<vmem>>
      %dma_start3A_1695 = tpu.memref_squeeze %dma_start3A_1694 : memref<1x32x128xf32, #tpu.memory_space<vmem>> -> memref<32x128xf32, #tpu.memory_space<vmem>>
      %dma_start3A_1696 = arith.constant 0 : i32
      %dma_start3A_1697 = tpu.memref_slice %arg3[%dma_start3A_1696, %multiple_of3A_1684] : memref<32x1000000xf32, #tpu.memory_space<hbm>> -> memref<32x128xf32, #tpu.memory_space<hbm>>
      tpu.enqueue_dma source(%dma_start3A_1697 : memref<32x128xf32, #tpu.memory_space<hbm>>) target(%dma_start3A_1695 : memref<32x128xf32, #tpu.memory_space<vmem>>) target_semaphore(%arg11 : memref<!tpu.dma_semaphore, #tpu.memory_space<semaphore_mem>>)
      %slice3A_1698 = vector.extract_strided_slice %get3A_364 {offsets = [12], sizes = [1], strides = [1]} : vector<16xi32> to vector<1xi32>
      %squeeze3A_1699 = vector.extract %slice3A_1698[0] : i32 from vector<1xi32>
      %shift_right_arithmetic3A_1700 = arith.constant 7 : i32
      %shift_right_arithmetic3A_1701 = arith.shrsi %squeeze3A_1699, %shift_right_arithmetic3A_1700 : i32
      %shift_left3A_1702 = arith.constant 7 : i32
      %shift_left3A_1703 = arith.shli %shift_right_arithmetic3A_1701, %shift_left3A_1702 : i32
      %multiple_of3A_1704 = tpu.assume_multiple %shift_left3A_1703, 128 : i32
      %dma_start3A_1705 = arith.constant 0 : i32
      %dma_start3A_1706 = arith.constant 0 : i32
      %dma_start3A_1707 = arith.constant 0 : i32
      %dma_start3A_1708 = tpu.memref_slice %arg9[%dma_start3A_1705, %dma_start3A_1706, %dma_start3A_1707] : memref<4x32x128xf32, #tpu.memory_space<vmem>> -> memref<1x32x128xf32, #tpu.memory_space<vmem>>
      %dma_start3A_1709 = tpu.memref_squeeze %dma_start3A_1708 : memref<1x32x128xf32, #tpu.memory_space<vmem>> -> memref<32x128xf32, #tpu.memory_space<vmem>>
      %dma_start3A_1710 = arith.constant 0 : i32
      %dma_start3A_1711 = tpu.memref_slice %arg4[%dma_start3A_1710, %multiple_of3A_1704] : memref<32x1000000xf32, #tpu.memory_space<hbm>> -> memref<32x128xf32, #tpu.memory_space<hbm>>
      %dma_start3A_1712 = arith.constant 0 : i32
      %dma_start3A_1713 = arith.constant 0 : i32
      %dma_start3A_1714 = tpu.memref_slice %arg9[%dma_start3A_1705, %dma_start3A_1712, %dma_start3A_1713] : memref<4x32x128xf32, #tpu.memory_space<vmem>> -> memref<1x32x128xf32, #tpu.memory_space<vmem>>
      %dma_start3A_1715 = tpu.memref_squeeze %dma_start3A_1714 : memref<1x32x128xf32, #tpu.memory_space<vmem>> -> memref<32x128xf32, #tpu.memory_space<vmem>>
      %dma_start3A_1716 = arith.constant 0 : i32
      %dma_start3A_1717 = tpu.memref_slice %arg4[%dma_start3A_1716, %multiple_of3A_1704] : memref<32x1000000xf32, #tpu.memory_space<hbm>> -> memref<32x128xf32, #tpu.memory_space<hbm>>
      tpu.enqueue_dma source(%dma_start3A_1717 : memref<32x128xf32, #tpu.memory_space<hbm>>) target(%dma_start3A_1715 : memref<32x128xf32, #tpu.memory_space<vmem>>) target_semaphore(%arg11 : memref<!tpu.dma_semaphore, #tpu.memory_space<semaphore_mem>>)
      %dma_wait3A_1718 = arith.constant 1 : i32
      %dma_wait3A_1719 = arith.constant 0 : i32
      %dma_wait3A_1720 = arith.constant 0 : i32
      %dma_wait3A_1721 = tpu.memref_slice %arg8[%dma_wait3A_1718, %dma_wait3A_1719, %dma_wait3A_1720] : memref<4x32x128xf32, #tpu.memory_space<vmem>> -> memref<1x32x128xf32, #tpu.memory_space<vmem>>
      %dma_wait3A_1722 = tpu.memref_squeeze %dma_wait3A_1721 : memref<1x32x128xf32, #tpu.memory_space<vmem>> -> memref<32x128xf32, #tpu.memory_space<vmem>>
      %dma_wait3A_1723 = arith.constant 0 : i32
      %dma_wait3A_1724 = arith.constant 0 : i32
      %dma_wait3A_1725 = tpu.memref_slice %arg3[%dma_wait3A_1723, %dma_wait3A_1724] : memref<32x1000000xf32, #tpu.memory_space<hbm>> -> memref<32x128xf32, #tpu.memory_space<hbm>>
      %dma_wait3A_1726 = arith.constant 0 : i32
      %dma_wait3A_1727 = arith.constant 0 : i32
      %dma_wait3A_1728 = tpu.memref_slice %arg8[%dma_wait3A_1718, %dma_wait3A_1726, %dma_wait3A_1727] : memref<4x32x128xf32, #tpu.memory_space<vmem>> -> memref<1x32x128xf32, #tpu.memory_space<vmem>>
      %dma_wait3A_1729 = tpu.memref_squeeze %dma_wait3A_1728 : memref<1x32x128xf32, #tpu.memory_space<vmem>> -> memref<32x128xf32, #tpu.memory_space<vmem>>
      %dma_wait3A_1730 = arith.constant 0 : i32
      %dma_wait3A_1731 = arith.constant 0 : i32
      %dma_wait3A_1732 = tpu.memref_slice %arg3[%dma_wait3A_1730, %dma_wait3A_1731] : memref<32x1000000xf32, #tpu.memory_space<hbm>> -> memref<32x128xf32, #tpu.memory_space<hbm>>
      tpu.wait_dma2 semaphore(%arg11 : memref<!tpu.dma_semaphore, #tpu.memory_space<semaphore_mem>>) src(%dma_wait3A_1732 : memref<32x128xf32, #tpu.memory_space<hbm>>) dst(%dma_wait3A_1729 : memref<32x128xf32, #tpu.memory_space<vmem>>)
      %dma_wait3A_1733 = arith.constant 1 : i32
      %dma_wait3A_1734 = arith.constant 0 : i32
      %dma_wait3A_1735 = arith.constant 0 : i32
      %dma_wait3A_1736 = tpu.memref_slice %arg9[%dma_wait3A_1733, %dma_wait3A_1734, %dma_wait3A_1735] : memref<4x32x128xf32, #tpu.memory_space<vmem>> -> memref<1x32x128xf32, #tpu.memory_space<vmem>>
      %dma_wait3A_1737 = tpu.memref_squeeze %dma_wait3A_1736 : memref<1x32x128xf32, #tpu.memory_space<vmem>> -> memref<32x128xf32, #tpu.memory_space<vmem>>
      %dma_wait3A_1738 = arith.constant 0 : i32
      %dma_wait3A_1739 = arith.constant 0 : i32
      %dma_wait3A_1740 = tpu.memref_slice %arg4[%dma_wait3A_1738, %dma_wait3A_1739] : memref<32x1000000xf32, #tpu.memory_space<hbm>> -> memref<32x128xf32, #tpu.memory_space<hbm>>
      %dma_wait3A_1741 = arith.constant 0 : i32
      %dma_wait3A_1742 = arith.constant 0 : i32
      %dma_wait3A_1743 = tpu.memref_slice %arg9[%dma_wait3A_1733, %dma_wait3A_1741, %dma_wait3A_1742] : memref<4x32x128xf32, #tpu.memory_space<vmem>> -> memref<1x32x128xf32, #tpu.memory_space<vmem>>
      %dma_wait3A_1744 = tpu.memref_squeeze %dma_wait3A_1743 : memref<1x32x128xf32, #tpu.memory_space<vmem>> -> memref<32x128xf32, #tpu.memory_space<vmem>>
      %dma_wait3A_1745 = arith.constant 0 : i32
      %dma_wait3A_1746 = arith.constant 0 : i32
      %dma_wait3A_1747 = tpu.memref_slice %arg4[%dma_wait3A_1745, %dma_wait3A_1746] : memref<32x1000000xf32, #tpu.memory_space<hbm>> -> memref<32x128xf32, #tpu.memory_space<hbm>>
      tpu.wait_dma2 semaphore(%arg11 : memref<!tpu.dma_semaphore, #tpu.memory_space<semaphore_mem>>) src(%dma_wait3A_1747 : memref<32x128xf32, #tpu.memory_space<hbm>>) dst(%dma_wait3A_1744 : memref<32x128xf32, #tpu.memory_space<vmem>>)
      %mul3A_1748 = arith.constant 16 : i32
      %mul3A_1749 = arith.muli %scan3A_356, %mul3A_1748 : i32
      %add3A_1750 = arith.constant 13 : i32
      %add3A_1751 = arith.addi %mul3A_1749, %add3A_1750 : i32
      %sub3A_1752 = arith.constant 4 : i32
      %sub3A_1753 = arith.subi %add3A_1751, %sub3A_1752 : i32
      %slice3A_1754 = vector.extract_strided_slice %get3A_360 {offsets = [9], sizes = [1], strides = [1]} : vector<16xi32> to vector<1xi32>
      %squeeze3A_1755 = vector.extract %slice3A_1754[0] : i32 from vector<1xi32>
      %and3A_1756 = arith.constant 127 : i32
      %and3A_1757 = arith.andi %squeeze3A_1755, %and3A_1756 : i32
      %iota3A_1758 = tpu.iota {dimensions = array<i32: 0>} : vector<16xi32>
      %broadcast_in_dim3A_1759 = vector.broadcast %and3A_1757 : i32 to vector<16xi32>
      %gather3A_1760 = arith.constant 1 : i32
      %gather3A_1761 = arith.constant 0 : i32
      %gather3A_1762 = arith.constant 0 : i32
      %gather3A_1763 = tpu.memref_slice %arg8[%gather3A_1760, %gather3A_1761, %gather3A_1762] : memref<4x32x128xf32, #tpu.memory_space<vmem>> -> memref<1x32x128xf32, #tpu.memory_space<vmem>>
      %gather3A_1764 = tpu.memref_squeeze %gather3A_1763 : memref<1x32x128xf32, #tpu.memory_space<vmem>> -> memref<32x128xf32, #tpu.memory_space<vmem>>
      %gather3A_1765 = tpu.vector_load_idx %gather3A_1764[%iota3A_1758, %broadcast_in_dim3A_1759] : memref<32x128xf32, #tpu.memory_space<vmem>>[vector<16xi32>, vector<16xi32>], vector<16xf32>,
      %swap3A_1766 = arith.index_cast %sub3A_1753 : i32 to index
      %swap3A_1767 = arith.constant 0 : index
      %swap3A_1768 = tpu.vector_load %arg10[%swap3A_1766, %swap3A_1767] {strides = array<i32>} : memref<512x64xf32, #tpu.memory_space<vmem>>, vector<16xf32>,
      tpu.vector_store %arg10[%swap3A_1766, %swap3A_1767], %gather3A_1765 {strides = array<i32>} : memref<512x64xf32, #tpu.memory_space<vmem>>, vector<16xf32>,
      %add3A_1769 = arith.constant 16 : i32
      %add3A_1770 = vector.broadcast %add3A_1769 : i32 to vector<16xi32>
      %add3A_1771 = arith.addi %iota3A_1758, %add3A_1770 : vector<16xi32>
      %gather3A_1772 = arith.constant 1 : i32
      %gather3A_1773 = arith.constant 0 : i32
      %gather3A_1774 = arith.constant 0 : i32
      %gather3A_1775 = tpu.memref_slice %arg8[%gather3A_1772, %gather3A_1773, %gather3A_1774] : memref<4x32x128xf32, #tpu.memory_space<vmem>> -> memref<1x32x128xf32, #tpu.memory_space<vmem>>
      %gather3A_1776 = tpu.memref_squeeze %gather3A_1775 : memref<1x32x128xf32, #tpu.memory_space<vmem>> -> memref<32x128xf32, #tpu.memory_space<vmem>>
      %gather3A_1777 = tpu.vector_load_idx %gather3A_1776[%add3A_1771, %broadcast_in_dim3A_1759] : memref<32x128xf32, #tpu.memory_space<vmem>>[vector<16xi32>, vector<16xi32>], vector<16xf32>,
      %swap3A_1778 = arith.index_cast %sub3A_1753 : i32 to index
      %swap3A_1779 = arith.constant 16 : index
      %swap3A_1780 = tpu.vector_load %arg10[%swap3A_1778, %swap3A_1779] {strides = array<i32>} : memref<512x64xf32, #tpu.memory_space<vmem>>, vector<16xf32>,
      tpu.vector_store %arg10[%swap3A_1778, %swap3A_1779], %gather3A_1777 {strides = array<i32>} : memref<512x64xf32, #tpu.memory_space<vmem>>, vector<16xf32>,
      %slice3A_1781 = vector.extract_strided_slice %get3A_364 {offsets = [9], sizes = [1], strides = [1]} : vector<16xi32> to vector<1xi32>
      %squeeze3A_1782 = vector.extract %slice3A_1781[0] : i32 from vector<1xi32>
      %and3A_1783 = arith.constant 127 : i32
      %and3A_1784 = arith.andi %squeeze3A_1782, %and3A_1783 : i32
      %iota3A_1785 = tpu.iota {dimensions = array<i32: 0>} : vector<16xi32>
      %broadcast_in_dim3A_1786 = vector.broadcast %and3A_1784 : i32 to vector<16xi32>
      %gather3A_1787 = arith.constant 1 : i32
      %gather3A_1788 = arith.constant 0 : i32
      %gather3A_1789 = arith.constant 0 : i32
      %gather3A_1790 = tpu.memref_slice %arg9[%gather3A_1787, %gather3A_1788, %gather3A_1789] : memref<4x32x128xf32, #tpu.memory_space<vmem>> -> memref<1x32x128xf32, #tpu.memory_space<vmem>>
      %gather3A_1791 = tpu.memref_squeeze %gather3A_1790 : memref<1x32x128xf32, #tpu.memory_space<vmem>> -> memref<32x128xf32, #tpu.memory_space<vmem>>
      %gather3A_1792 = tpu.vector_load_idx %gather3A_1791[%iota3A_1785, %broadcast_in_dim3A_1786] : memref<32x128xf32, #tpu.memory_space<vmem>>[vector<16xi32>, vector<16xi32>], vector<16xf32>,
      %swap3A_1793 = arith.index_cast %sub3A_1753 : i32 to index
      %swap3A_1794 = arith.constant 32 : index
      %swap3A_1795 = tpu.vector_load %arg10[%swap3A_1793, %swap3A_1794] {strides = array<i32>} : memref<512x64xf32, #tpu.memory_space<vmem>>, vector<16xf32>,
      tpu.vector_store %arg10[%swap3A_1793, %swap3A_1794], %gather3A_1792 {strides = array<i32>} : memref<512x64xf32, #tpu.memory_space<vmem>>, vector<16xf32>,
      %add3A_1796 = arith.constant 16 : i32
      %add3A_1797 = vector.broadcast %add3A_1796 : i32 to vector<16xi32>
      %add3A_1798 = arith.addi %iota3A_1785, %add3A_1797 : vector<16xi32>
      %gather3A_1799 = arith.constant 1 : i32
      %gather3A_1800 = arith.constant 0 : i32
      %gather3A_1801 = arith.constant 0 : i32
      %gather3A_1802 = tpu.memref_slice %arg9[%gather3A_1799, %gather3A_1800, %gather3A_1801] : memref<4x32x128xf32, #tpu.memory_space<vmem>> -> memref<1x32x128xf32, #tpu.memory_space<vmem>>
      %gather3A_1803 = tpu.memref_squeeze %gather3A_1802 : memref<1x32x128xf32, #tpu.memory_space<vmem>> -> memref<32x128xf32, #tpu.memory_space<vmem>>
      %gather3A_1804 = tpu.vector_load_idx %gather3A_1803[%add3A_1798, %broadcast_in_dim3A_1786] : memref<32x128xf32, #tpu.memory_space<vmem>>[vector<16xi32>, vector<16xi32>], vector<16xf32>,
      %swap3A_1805 = arith.index_cast %sub3A_1753 : i32 to index
      %swap3A_1806 = arith.constant 48 : index
      %swap3A_1807 = tpu.vector_load %arg10[%swap3A_1805, %swap3A_1806] {strides = array<i32>} : memref<512x64xf32, #tpu.memory_space<vmem>>, vector<16xf32>,
      tpu.vector_store %arg10[%swap3A_1805, %swap3A_1806], %gather3A_1804 {strides = array<i32>} : memref<512x64xf32, #tpu.memory_space<vmem>>, vector<16xf32>,
      %slice3A_1808 = vector.extract_strided_slice %get3A_360 {offsets = [13], sizes = [1], strides = [1]} : vector<16xi32> to vector<1xi32>
      %squeeze3A_1809 = vector.extract %slice3A_1808[0] : i32 from vector<1xi32>
      %shift_right_arithmetic3A_1810 = arith.constant 7 : i32
      %shift_right_arithmetic3A_1811 = arith.shrsi %squeeze3A_1809, %shift_right_arithmetic3A_1810 : i32
      %shift_left3A_1812 = arith.constant 7 : i32
      %shift_left3A_1813 = arith.shli %shift_right_arithmetic3A_1811, %shift_left3A_1812 : i32
      %multiple_of3A_1814 = tpu.assume_multiple %shift_left3A_1813, 128 : i32
      %dma_start3A_1815 = arith.constant 1 : i32
      %dma_start3A_1816 = arith.constant 0 : i32
      %dma_start3A_1817 = arith.constant 0 : i32
      %dma_start3A_1818 = tpu.memref_slice %arg8[%dma_start3A_1815, %dma_start3A_1816, %dma_start3A_1817] : memref<4x32x128xf32, #tpu.memory_space<vmem>> -> memref<1x32x128xf32, #tpu.memory_space<vmem>>
      %dma_start3A_1819 = tpu.memref_squeeze %dma_start3A_1818 : memref<1x32x128xf32, #tpu.memory_space<vmem>> -> memref<32x128xf32, #tpu.memory_space<vmem>>
      %dma_start3A_1820 = arith.constant 0 : i32
      %dma_start3A_1821 = tpu.memref_slice %arg3[%dma_start3A_1820, %multiple_of3A_1814] : memref<32x1000000xf32, #tpu.memory_space<hbm>> -> memref<32x128xf32, #tpu.memory_space<hbm>>
      %dma_start3A_1822 = arith.constant 0 : i32
      %dma_start3A_1823 = arith.constant 0 : i32
      %dma_start3A_1824 = tpu.memref_slice %arg8[%dma_start3A_1815, %dma_start3A_1822, %dma_start3A_1823] : memref<4x32x128xf32, #tpu.memory_space<vmem>> -> memref<1x32x128xf32, #tpu.memory_space<vmem>>
      %dma_start3A_1825 = tpu.memref_squeeze %dma_start3A_1824 : memref<1x32x128xf32, #tpu.memory_space<vmem>> -> memref<32x128xf32, #tpu.memory_space<vmem>>
      %dma_start3A_1826 = arith.constant 0 : i32
      %dma_start3A_1827 = tpu.memref_slice %arg3[%dma_start3A_1826, %multiple_of3A_1814] : memref<32x1000000xf32, #tpu.memory_space<hbm>> -> memref<32x128xf32, #tpu.memory_space<hbm>>
      tpu.enqueue_dma source(%dma_start3A_1827 : memref<32x128xf32, #tpu.memory_space<hbm>>) target(%dma_start3A_1825 : memref<32x128xf32, #tpu.memory_space<vmem>>) target_semaphore(%arg11 : memref<!tpu.dma_semaphore, #tpu.memory_space<semaphore_mem>>)
      %slice3A_1828 = vector.extract_strided_slice %get3A_364 {offsets = [13], sizes = [1], strides = [1]} : vector<16xi32> to vector<1xi32>
      %squeeze3A_1829 = vector.extract %slice3A_1828[0] : i32 from vector<1xi32>
      %shift_right_arithmetic3A_1830 = arith.constant 7 : i32
      %shift_right_arithmetic3A_1831 = arith.shrsi %squeeze3A_1829, %shift_right_arithmetic3A_1830 : i32
      %shift_left3A_1832 = arith.constant 7 : i32
      %shift_left3A_1833 = arith.shli %shift_right_arithmetic3A_1831, %shift_left3A_1832 : i32
      %multiple_of3A_1834 = tpu.assume_multiple %shift_left3A_1833, 128 : i32
      %dma_start3A_1835 = arith.constant 1 : i32
      %dma_start3A_1836 = arith.constant 0 : i32
      %dma_start3A_1837 = arith.constant 0 : i32
      %dma_start3A_1838 = tpu.memref_slice %arg9[%dma_start3A_1835, %dma_start3A_1836, %dma_start3A_1837] : memref<4x32x128xf32, #tpu.memory_space<vmem>> -> memref<1x32x128xf32, #tpu.memory_space<vmem>>
      %dma_start3A_1839 = tpu.memref_squeeze %dma_start3A_1838 : memref<1x32x128xf32, #tpu.memory_space<vmem>> -> memref<32x128xf32, #tpu.memory_space<vmem>>
      %dma_start3A_1840 = arith.constant 0 : i32
      %dma_start3A_1841 = tpu.memref_slice %arg4[%dma_start3A_1840, %multiple_of3A_1834] : memref<32x1000000xf32, #tpu.memory_space<hbm>> -> memref<32x128xf32, #tpu.memory_space<hbm>>
      %dma_start3A_1842 = arith.constant 0 : i32
      %dma_start3A_1843 = arith.constant 0 : i32
      %dma_start3A_1844 = tpu.memref_slice %arg9[%dma_start3A_1835, %dma_start3A_1842, %dma_start3A_1843] : memref<4x32x128xf32, #tpu.memory_space<vmem>> -> memref<1x32x128xf32, #tpu.memory_space<vmem>>
      %dma_start3A_1845 = tpu.memref_squeeze %dma_start3A_1844 : memref<1x32x128xf32, #tpu.memory_space<vmem>> -> memref<32x128xf32, #tpu.memory_space<vmem>>
      %dma_start3A_1846 = arith.constant 0 : i32
      %dma_start3A_1847 = tpu.memref_slice %arg4[%dma_start3A_1846, %multiple_of3A_1834] : memref<32x1000000xf32, #tpu.memory_space<hbm>> -> memref<32x128xf32, #tpu.memory_space<hbm>>
      tpu.enqueue_dma source(%dma_start3A_1847 : memref<32x128xf32, #tpu.memory_space<hbm>>) target(%dma_start3A_1845 : memref<32x128xf32, #tpu.memory_space<vmem>>) target_semaphore(%arg11 : memref<!tpu.dma_semaphore, #tpu.memory_space<semaphore_mem>>)
      %dma_wait3A_1848 = arith.constant 2 : i32
      %dma_wait3A_1849 = arith.constant 0 : i32
      %dma_wait3A_1850 = arith.constant 0 : i32
      %dma_wait3A_1851 = tpu.memref_slice %arg8[%dma_wait3A_1848, %dma_wait3A_1849, %dma_wait3A_1850] : memref<4x32x128xf32, #tpu.memory_space<vmem>> -> memref<1x32x128xf32, #tpu.memory_space<vmem>>
      %dma_wait3A_1852 = tpu.memref_squeeze %dma_wait3A_1851 : memref<1x32x128xf32, #tpu.memory_space<vmem>> -> memref<32x128xf32, #tpu.memory_space<vmem>>
      %dma_wait3A_1853 = arith.constant 0 : i32
      %dma_wait3A_1854 = arith.constant 0 : i32
      %dma_wait3A_1855 = tpu.memref_slice %arg3[%dma_wait3A_1853, %dma_wait3A_1854] : memref<32x1000000xf32, #tpu.memory_space<hbm>> -> memref<32x128xf32, #tpu.memory_space<hbm>>
      %dma_wait3A_1856 = arith.constant 0 : i32
      %dma_wait3A_1857 = arith.constant 0 : i32
      %dma_wait3A_1858 = tpu.memref_slice %arg8[%dma_wait3A_1848, %dma_wait3A_1856, %dma_wait3A_1857] : memref<4x32x128xf32, #tpu.memory_space<vmem>> -> memref<1x32x128xf32, #tpu.memory_space<vmem>>
      %dma_wait3A_1859 = tpu.memref_squeeze %dma_wait3A_1858 : memref<1x32x128xf32, #tpu.memory_space<vmem>> -> memref<32x128xf32, #tpu.memory_space<vmem>>
      %dma_wait3A_1860 = arith.constant 0 : i32
      %dma_wait3A_1861 = arith.constant 0 : i32
      %dma_wait3A_1862 = tpu.memref_slice %arg3[%dma_wait3A_1860, %dma_wait3A_1861] : memref<32x1000000xf32, #tpu.memory_space<hbm>> -> memref<32x128xf32, #tpu.memory_space<hbm>>
      tpu.wait_dma2 semaphore(%arg11 : memref<!tpu.dma_semaphore, #tpu.memory_space<semaphore_mem>>) src(%dma_wait3A_1862 : memref<32x128xf32, #tpu.memory_space<hbm>>) dst(%dma_wait3A_1859 : memref<32x128xf32, #tpu.memory_space<vmem>>)
      %dma_wait3A_1863 = arith.constant 2 : i32
      %dma_wait3A_1864 = arith.constant 0 : i32
      %dma_wait3A_1865 = arith.constant 0 : i32
      %dma_wait3A_1866 = tpu.memref_slice %arg9[%dma_wait3A_1863, %dma_wait3A_1864, %dma_wait3A_1865] : memref<4x32x128xf32, #tpu.memory_space<vmem>> -> memref<1x32x128xf32, #tpu.memory_space<vmem>>
      %dma_wait3A_1867 = tpu.memref_squeeze %dma_wait3A_1866 : memref<1x32x128xf32, #tpu.memory_space<vmem>> -> memref<32x128xf32, #tpu.memory_space<vmem>>
      %dma_wait3A_1868 = arith.constant 0 : i32
      %dma_wait3A_1869 = arith.constant 0 : i32
      %dma_wait3A_1870 = tpu.memref_slice %arg4[%dma_wait3A_1868, %dma_wait3A_1869] : memref<32x1000000xf32, #tpu.memory_space<hbm>> -> memref<32x128xf32, #tpu.memory_space<hbm>>
      %dma_wait3A_1871 = arith.constant 0 : i32
      %dma_wait3A_1872 = arith.constant 0 : i32
      %dma_wait3A_1873 = tpu.memref_slice %arg9[%dma_wait3A_1863, %dma_wait3A_1871, %dma_wait3A_1872] : memref<4x32x128xf32, #tpu.memory_space<vmem>> -> memref<1x32x128xf32, #tpu.memory_space<vmem>>
      %dma_wait3A_1874 = tpu.memref_squeeze %dma_wait3A_1873 : memref<1x32x128xf32, #tpu.memory_space<vmem>> -> memref<32x128xf32, #tpu.memory_space<vmem>>
      %dma_wait3A_1875 = arith.constant 0 : i32
      %dma_wait3A_1876 = arith.constant 0 : i32
      %dma_wait3A_1877 = tpu.memref_slice %arg4[%dma_wait3A_1875, %dma_wait3A_1876] : memref<32x1000000xf32, #tpu.memory_space<hbm>> -> memref<32x128xf32, #tpu.memory_space<hbm>>
      tpu.wait_dma2 semaphore(%arg11 : memref<!tpu.dma_semaphore, #tpu.memory_space<semaphore_mem>>) src(%dma_wait3A_1877 : memref<32x128xf32, #tpu.memory_space<hbm>>) dst(%dma_wait3A_1874 : memref<32x128xf32, #tpu.memory_space<vmem>>)
      %mul3A_1878 = arith.constant 16 : i32
      %mul3A_1879 = arith.muli %scan3A_356, %mul3A_1878 : i32
      %add3A_1880 = arith.constant 14 : i32
      %add3A_1881 = arith.addi %mul3A_1879, %add3A_1880 : i32
      %sub3A_1882 = arith.constant 4 : i32
      %sub3A_1883 = arith.subi %add3A_1881, %sub3A_1882 : i32
      %slice3A_1884 = vector.extract_strided_slice %get3A_360 {offsets = [10], sizes = [1], strides = [1]} : vector<16xi32> to vector<1xi32>
      %squeeze3A_1885 = vector.extract %slice3A_1884[0] : i32 from vector<1xi32>
      %and3A_1886 = arith.constant 127 : i32
      %and3A_1887 = arith.andi %squeeze3A_1885, %and3A_1886 : i32
      %iota3A_1888 = tpu.iota {dimensions = array<i32: 0>} : vector<16xi32>
      %broadcast_in_dim3A_1889 = vector.broadcast %and3A_1887 : i32 to vector<16xi32>
      %gather3A_1890 = arith.constant 2 : i32
      %gather3A_1891 = arith.constant 0 : i32
      %gather3A_1892 = arith.constant 0 : i32
      %gather3A_1893 = tpu.memref_slice %arg8[%gather3A_1890, %gather3A_1891, %gather3A_1892] : memref<4x32x128xf32, #tpu.memory_space<vmem>> -> memref<1x32x128xf32, #tpu.memory_space<vmem>>
      %gather3A_1894 = tpu.memref_squeeze %gather3A_1893 : memref<1x32x128xf32, #tpu.memory_space<vmem>> -> memref<32x128xf32, #tpu.memory_space<vmem>>
      %gather3A_1895 = tpu.vector_load_idx %gather3A_1894[%iota3A_1888, %broadcast_in_dim3A_1889] : memref<32x128xf32, #tpu.memory_space<vmem>>[vector<16xi32>, vector<16xi32>], vector<16xf32>,
      %swap3A_1896 = arith.index_cast %sub3A_1883 : i32 to index
      %swap3A_1897 = arith.constant 0 : index
      %swap3A_1898 = tpu.vector_load %arg10[%swap3A_1896, %swap3A_1897] {strides = array<i32>} : memref<512x64xf32, #tpu.memory_space<vmem>>, vector<16xf32>,
      tpu.vector_store %arg10[%swap3A_1896, %swap3A_1897], %gather3A_1895 {strides = array<i32>} : memref<512x64xf32, #tpu.memory_space<vmem>>, vector<16xf32>,
      %add3A_1899 = arith.constant 16 : i32
      %add3A_1900 = vector.broadcast %add3A_1899 : i32 to vector<16xi32>
      %add3A_1901 = arith.addi %iota3A_1888, %add3A_1900 : vector<16xi32>
      %gather3A_1902 = arith.constant 2 : i32
      %gather3A_1903 = arith.constant 0 : i32
      %gather3A_1904 = arith.constant 0 : i32
      %gather3A_1905 = tpu.memref_slice %arg8[%gather3A_1902, %gather3A_1903, %gather3A_1904] : memref<4x32x128xf32, #tpu.memory_space<vmem>> -> memref<1x32x128xf32, #tpu.memory_space<vmem>>
      %gather3A_1906 = tpu.memref_squeeze %gather3A_1905 : memref<1x32x128xf32, #tpu.memory_space<vmem>> -> memref<32x128xf32, #tpu.memory_space<vmem>>
      %gather3A_1907 = tpu.vector_load_idx %gather3A_1906[%add3A_1901, %broadcast_in_dim3A_1889] : memref<32x128xf32, #tpu.memory_space<vmem>>[vector<16xi32>, vector<16xi32>], vector<16xf32>,
      %swap3A_1908 = arith.index_cast %sub3A_1883 : i32 to index
      %swap3A_1909 = arith.constant 16 : index
      %swap3A_1910 = tpu.vector_load %arg10[%swap3A_1908, %swap3A_1909] {strides = array<i32>} : memref<512x64xf32, #tpu.memory_space<vmem>>, vector<16xf32>,
      tpu.vector_store %arg10[%swap3A_1908, %swap3A_1909], %gather3A_1907 {strides = array<i32>} : memref<512x64xf32, #tpu.memory_space<vmem>>, vector<16xf32>,
      %slice3A_1911 = vector.extract_strided_slice %get3A_364 {offsets = [10], sizes = [1], strides = [1]} : vector<16xi32> to vector<1xi32>
      %squeeze3A_1912 = vector.extract %slice3A_1911[0] : i32 from vector<1xi32>
      %and3A_1913 = arith.constant 127 : i32
      %and3A_1914 = arith.andi %squeeze3A_1912, %and3A_1913 : i32
      %iota3A_1915 = tpu.iota {dimensions = array<i32: 0>} : vector<16xi32>
      %broadcast_in_dim3A_1916 = vector.broadcast %and3A_1914 : i32 to vector<16xi32>
      %gather3A_1917 = arith.constant 2 : i32
      %gather3A_1918 = arith.constant 0 : i32
      %gather3A_1919 = arith.constant 0 : i32
      %gather3A_1920 = tpu.memref_slice %arg9[%gather3A_1917, %gather3A_1918, %gather3A_1919] : memref<4x32x128xf32, #tpu.memory_space<vmem>> -> memref<1x32x128xf32, #tpu.memory_space<vmem>>
      %gather3A_1921 = tpu.memref_squeeze %gather3A_1920 : memref<1x32x128xf32, #tpu.memory_space<vmem>> -> memref<32x128xf32, #tpu.memory_space<vmem>>
      %gather3A_1922 = tpu.vector_load_idx %gather3A_1921[%iota3A_1915, %broadcast_in_dim3A_1916] : memref<32x128xf32, #tpu.memory_space<vmem>>[vector<16xi32>, vector<16xi32>], vector<16xf32>,
      %swap3A_1923 = arith.index_cast %sub3A_1883 : i32 to index
      %swap3A_1924 = arith.constant 32 : index
      %swap3A_1925 = tpu.vector_load %arg10[%swap3A_1923, %swap3A_1924] {strides = array<i32>} : memref<512x64xf32, #tpu.memory_space<vmem>>, vector<16xf32>,
      tpu.vector_store %arg10[%swap3A_1923, %swap3A_1924], %gather3A_1922 {strides = array<i32>} : memref<512x64xf32, #tpu.memory_space<vmem>>, vector<16xf32>,
      %add3A_1926 = arith.constant 16 : i32
      %add3A_1927 = vector.broadcast %add3A_1926 : i32 to vector<16xi32>
      %add3A_1928 = arith.addi %iota3A_1915, %add3A_1927 : vector<16xi32>
      %gather3A_1929 = arith.constant 2 : i32
      %gather3A_1930 = arith.constant 0 : i32
      %gather3A_1931 = arith.constant 0 : i32
      %gather3A_1932 = tpu.memref_slice %arg9[%gather3A_1929, %gather3A_1930, %gather3A_1931] : memref<4x32x128xf32, #tpu.memory_space<vmem>> -> memref<1x32x128xf32, #tpu.memory_space<vmem>>
      %gather3A_1933 = tpu.memref_squeeze %gather3A_1932 : memref<1x32x128xf32, #tpu.memory_space<vmem>> -> memref<32x128xf32, #tpu.memory_space<vmem>>
      %gather3A_1934 = tpu.vector_load_idx %gather3A_1933[%add3A_1928, %broadcast_in_dim3A_1916] : memref<32x128xf32, #tpu.memory_space<vmem>>[vector<16xi32>, vector<16xi32>], vector<16xf32>,
      %swap3A_1935 = arith.index_cast %sub3A_1883 : i32 to index
      %swap3A_1936 = arith.constant 48 : index
      %swap3A_1937 = tpu.vector_load %arg10[%swap3A_1935, %swap3A_1936] {strides = array<i32>} : memref<512x64xf32, #tpu.memory_space<vmem>>, vector<16xf32>,
      tpu.vector_store %arg10[%swap3A_1935, %swap3A_1936], %gather3A_1934 {strides = array<i32>} : memref<512x64xf32, #tpu.memory_space<vmem>>, vector<16xf32>,
      %slice3A_1938 = vector.extract_strided_slice %get3A_360 {offsets = [14], sizes = [1], strides = [1]} : vector<16xi32> to vector<1xi32>
      %squeeze3A_1939 = vector.extract %slice3A_1938[0] : i32 from vector<1xi32>
      %shift_right_arithmetic3A_1940 = arith.constant 7 : i32
      %shift_right_arithmetic3A_1941 = arith.shrsi %squeeze3A_1939, %shift_right_arithmetic3A_1940 : i32
      %shift_left3A_1942 = arith.constant 7 : i32
      %shift_left3A_1943 = arith.shli %shift_right_arithmetic3A_1941, %shift_left3A_1942 : i32
      %multiple_of3A_1944 = tpu.assume_multiple %shift_left3A_1943, 128 : i32
      %dma_start3A_1945 = arith.constant 2 : i32
      %dma_start3A_1946 = arith.constant 0 : i32
      %dma_start3A_1947 = arith.constant 0 : i32
      %dma_start3A_1948 = tpu.memref_slice %arg8[%dma_start3A_1945, %dma_start3A_1946, %dma_start3A_1947] : memref<4x32x128xf32, #tpu.memory_space<vmem>> -> memref<1x32x128xf32, #tpu.memory_space<vmem>>
      %dma_start3A_1949 = tpu.memref_squeeze %dma_start3A_1948 : memref<1x32x128xf32, #tpu.memory_space<vmem>> -> memref<32x128xf32, #tpu.memory_space<vmem>>
      %dma_start3A_1950 = arith.constant 0 : i32
      %dma_start3A_1951 = tpu.memref_slice %arg3[%dma_start3A_1950, %multiple_of3A_1944] : memref<32x1000000xf32, #tpu.memory_space<hbm>> -> memref<32x128xf32, #tpu.memory_space<hbm>>
      %dma_start3A_1952 = arith.constant 0 : i32
      %dma_start3A_1953 = arith.constant 0 : i32
      %dma_start3A_1954 = tpu.memref_slice %arg8[%dma_start3A_1945, %dma_start3A_1952, %dma_start3A_1953] : memref<4x32x128xf32, #tpu.memory_space<vmem>> -> memref<1x32x128xf32, #tpu.memory_space<vmem>>
      %dma_start3A_1955 = tpu.memref_squeeze %dma_start3A_1954 : memref<1x32x128xf32, #tpu.memory_space<vmem>> -> memref<32x128xf32, #tpu.memory_space<vmem>>
      %dma_start3A_1956 = arith.constant 0 : i32
      %dma_start3A_1957 = tpu.memref_slice %arg3[%dma_start3A_1956, %multiple_of3A_1944] : memref<32x1000000xf32, #tpu.memory_space<hbm>> -> memref<32x128xf32, #tpu.memory_space<hbm>>
      tpu.enqueue_dma source(%dma_start3A_1957 : memref<32x128xf32, #tpu.memory_space<hbm>>) target(%dma_start3A_1955 : memref<32x128xf32, #tpu.memory_space<vmem>>) target_semaphore(%arg11 : memref<!tpu.dma_semaphore, #tpu.memory_space<semaphore_mem>>)
      %slice3A_1958 = vector.extract_strided_slice %get3A_364 {offsets = [14], sizes = [1], strides = [1]} : vector<16xi32> to vector<1xi32>
      %squeeze3A_1959 = vector.extract %slice3A_1958[0] : i32 from vector<1xi32>
      %shift_right_arithmetic3A_1960 = arith.constant 7 : i32
      %shift_right_arithmetic3A_1961 = arith.shrsi %squeeze3A_1959, %shift_right_arithmetic3A_1960 : i32
      %shift_left3A_1962 = arith.constant 7 : i32
      %shift_left3A_1963 = arith.shli %shift_right_arithmetic3A_1961, %shift_left3A_1962 : i32
      %multiple_of3A_1964 = tpu.assume_multiple %shift_left3A_1963, 128 : i32
      %dma_start3A_1965 = arith.constant 2 : i32
      %dma_start3A_1966 = arith.constant 0 : i32
      %dma_start3A_1967 = arith.constant 0 : i32
      %dma_start3A_1968 = tpu.memref_slice %arg9[%dma_start3A_1965, %dma_start3A_1966, %dma_start3A_1967] : memref<4x32x128xf32, #tpu.memory_space<vmem>> -> memref<1x32x128xf32, #tpu.memory_space<vmem>>
      %dma_start3A_1969 = tpu.memref_squeeze %dma_start3A_1968 : memref<1x32x128xf32, #tpu.memory_space<vmem>> -> memref<32x128xf32, #tpu.memory_space<vmem>>
      %dma_start3A_1970 = arith.constant 0 : i32
      %dma_start3A_1971 = tpu.memref_slice %arg4[%dma_start3A_1970, %multiple_of3A_1964] : memref<32x1000000xf32, #tpu.memory_space<hbm>> -> memref<32x128xf32, #tpu.memory_space<hbm>>
      %dma_start3A_1972 = arith.constant 0 : i32
      %dma_start3A_1973 = arith.constant 0 : i32
      %dma_start3A_1974 = tpu.memref_slice %arg9[%dma_start3A_1965, %dma_start3A_1972, %dma_start3A_1973] : memref<4x32x128xf32, #tpu.memory_space<vmem>> -> memref<1x32x128xf32, #tpu.memory_space<vmem>>
      %dma_start3A_1975 = tpu.memref_squeeze %dma_start3A_1974 : memref<1x32x128xf32, #tpu.memory_space<vmem>> -> memref<32x128xf32, #tpu.memory_space<vmem>>
      %dma_start3A_1976 = arith.constant 0 : i32
      %dma_start3A_1977 = tpu.memref_slice %arg4[%dma_start3A_1976, %multiple_of3A_1964] : memref<32x1000000xf32, #tpu.memory_space<hbm>> -> memref<32x128xf32, #tpu.memory_space<hbm>>
      tpu.enqueue_dma source(%dma_start3A_1977 : memref<32x128xf32, #tpu.memory_space<hbm>>) target(%dma_start3A_1975 : memref<32x128xf32, #tpu.memory_space<vmem>>) target_semaphore(%arg11 : memref<!tpu.dma_semaphore, #tpu.memory_space<semaphore_mem>>)
      %dma_wait3A_1978 = arith.constant 3 : i32
      %dma_wait3A_1979 = arith.constant 0 : i32
      %dma_wait3A_1980 = arith.constant 0 : i32
      %dma_wait3A_1981 = tpu.memref_slice %arg8[%dma_wait3A_1978, %dma_wait3A_1979, %dma_wait3A_1980] : memref<4x32x128xf32, #tpu.memory_space<vmem>> -> memref<1x32x128xf32, #tpu.memory_space<vmem>>
      %dma_wait3A_1982 = tpu.memref_squeeze %dma_wait3A_1981 : memref<1x32x128xf32, #tpu.memory_space<vmem>> -> memref<32x128xf32, #tpu.memory_space<vmem>>
      %dma_wait3A_1983 = arith.constant 0 : i32
      %dma_wait3A_1984 = arith.constant 0 : i32
      %dma_wait3A_1985 = tpu.memref_slice %arg3[%dma_wait3A_1983, %dma_wait3A_1984] : memref<32x1000000xf32, #tpu.memory_space<hbm>> -> memref<32x128xf32, #tpu.memory_space<hbm>>
      %dma_wait3A_1986 = arith.constant 0 : i32
      %dma_wait3A_1987 = arith.constant 0 : i32
      %dma_wait3A_1988 = tpu.memref_slice %arg8[%dma_wait3A_1978, %dma_wait3A_1986, %dma_wait3A_1987] : memref<4x32x128xf32, #tpu.memory_space<vmem>> -> memref<1x32x128xf32, #tpu.memory_space<vmem>>
      %dma_wait3A_1989 = tpu.memref_squeeze %dma_wait3A_1988 : memref<1x32x128xf32, #tpu.memory_space<vmem>> -> memref<32x128xf32, #tpu.memory_space<vmem>>
      %dma_wait3A_1990 = arith.constant 0 : i32
      %dma_wait3A_1991 = arith.constant 0 : i32
      %dma_wait3A_1992 = tpu.memref_slice %arg3[%dma_wait3A_1990, %dma_wait3A_1991] : memref<32x1000000xf32, #tpu.memory_space<hbm>> -> memref<32x128xf32, #tpu.memory_space<hbm>>
      tpu.wait_dma2 semaphore(%arg11 : memref<!tpu.dma_semaphore, #tpu.memory_space<semaphore_mem>>) src(%dma_wait3A_1992 : memref<32x128xf32, #tpu.memory_space<hbm>>) dst(%dma_wait3A_1989 : memref<32x128xf32, #tpu.memory_space<vmem>>)
      %dma_wait3A_1993 = arith.constant 3 : i32
      %dma_wait3A_1994 = arith.constant 0 : i32
      %dma_wait3A_1995 = arith.constant 0 : i32
      %dma_wait3A_1996 = tpu.memref_slice %arg9[%dma_wait3A_1993, %dma_wait3A_1994, %dma_wait3A_1995] : memref<4x32x128xf32, #tpu.memory_space<vmem>> -> memref<1x32x128xf32, #tpu.memory_space<vmem>>
      %dma_wait3A_1997 = tpu.memref_squeeze %dma_wait3A_1996 : memref<1x32x128xf32, #tpu.memory_space<vmem>> -> memref<32x128xf32, #tpu.memory_space<vmem>>
      %dma_wait3A_1998 = arith.constant 0 : i32
      %dma_wait3A_1999 = arith.constant 0 : i32
      %dma_wait3A_2000 = tpu.memref_slice %arg4[%dma_wait3A_1998, %dma_wait3A_1999] : memref<32x1000000xf32, #tpu.memory_space<hbm>> -> memref<32x128xf32, #tpu.memory_space<hbm>>
      %dma_wait3A_2001 = arith.constant 0 : i32
      %dma_wait3A_2002 = arith.constant 0 : i32
      %dma_wait3A_2003 = tpu.memref_slice %arg9[%dma_wait3A_1993, %dma_wait3A_2001, %dma_wait3A_2002] : memref<4x32x128xf32, #tpu.memory_space<vmem>> -> memref<1x32x128xf32, #tpu.memory_space<vmem>>
      %dma_wait3A_2004 = tpu.memref_squeeze %dma_wait3A_2003 : memref<1x32x128xf32, #tpu.memory_space<vmem>> -> memref<32x128xf32, #tpu.memory_space<vmem>>
      %dma_wait3A_2005 = arith.constant 0 : i32
      %dma_wait3A_2006 = arith.constant 0 : i32
      %dma_wait3A_2007 = tpu.memref_slice %arg4[%dma_wait3A_2005, %dma_wait3A_2006] : memref<32x1000000xf32, #tpu.memory_space<hbm>> -> memref<32x128xf32, #tpu.memory_space<hbm>>
      tpu.wait_dma2 semaphore(%arg11 : memref<!tpu.dma_semaphore, #tpu.memory_space<semaphore_mem>>) src(%dma_wait3A_2007 : memref<32x128xf32, #tpu.memory_space<hbm>>) dst(%dma_wait3A_2004 : memref<32x128xf32, #tpu.memory_space<vmem>>)
      %mul3A_2008 = arith.constant 16 : i32
      %mul3A_2009 = arith.muli %scan3A_356, %mul3A_2008 : i32
      %add3A_2010 = arith.constant 15 : i32
      %add3A_2011 = arith.addi %mul3A_2009, %add3A_2010 : i32
      %sub3A_2012 = arith.constant 4 : i32
      %sub3A_2013 = arith.subi %add3A_2011, %sub3A_2012 : i32
      %slice3A_2014 = vector.extract_strided_slice %get3A_360 {offsets = [11], sizes = [1], strides = [1]} : vector<16xi32> to vector<1xi32>
      %squeeze3A_2015 = vector.extract %slice3A_2014[0] : i32 from vector<1xi32>
      %and3A_2016 = arith.constant 127 : i32
      %and3A_2017 = arith.andi %squeeze3A_2015, %and3A_2016 : i32
      %iota3A_2018 = tpu.iota {dimensions = array<i32: 0>} : vector<16xi32>
      %broadcast_in_dim3A_2019 = vector.broadcast %and3A_2017 : i32 to vector<16xi32>
      %gather3A_2020 = arith.constant 3 : i32
      %gather3A_2021 = arith.constant 0 : i32
      %gather3A_2022 = arith.constant 0 : i32
      %gather3A_2023 = tpu.memref_slice %arg8[%gather3A_2020, %gather3A_2021, %gather3A_2022] : memref<4x32x128xf32, #tpu.memory_space<vmem>> -> memref<1x32x128xf32, #tpu.memory_space<vmem>>
      %gather3A_2024 = tpu.memref_squeeze %gather3A_2023 : memref<1x32x128xf32, #tpu.memory_space<vmem>> -> memref<32x128xf32, #tpu.memory_space<vmem>>
      %gather3A_2025 = tpu.vector_load_idx %gather3A_2024[%iota3A_2018, %broadcast_in_dim3A_2019] : memref<32x128xf32, #tpu.memory_space<vmem>>[vector<16xi32>, vector<16xi32>], vector<16xf32>,
      %swap3A_2026 = arith.index_cast %sub3A_2013 : i32 to index
      %swap3A_2027 = arith.constant 0 : index
      %swap3A_2028 = tpu.vector_load %arg10[%swap3A_2026, %swap3A_2027] {strides = array<i32>} : memref<512x64xf32, #tpu.memory_space<vmem>>, vector<16xf32>,
      tpu.vector_store %arg10[%swap3A_2026, %swap3A_2027], %gather3A_2025 {strides = array<i32>} : memref<512x64xf32, #tpu.memory_space<vmem>>, vector<16xf32>,
      %add3A_2029 = arith.constant 16 : i32
      %add3A_2030 = vector.broadcast %add3A_2029 : i32 to vector<16xi32>
      %add3A_2031 = arith.addi %iota3A_2018, %add3A_2030 : vector<16xi32>
      %gather3A_2032 = arith.constant 3 : i32
      %gather3A_2033 = arith.constant 0 : i32
      %gather3A_2034 = arith.constant 0 : i32
      %gather3A_2035 = tpu.memref_slice %arg8[%gather3A_2032, %gather3A_2033, %gather3A_2034] : memref<4x32x128xf32, #tpu.memory_space<vmem>> -> memref<1x32x128xf32, #tpu.memory_space<vmem>>
      %gather3A_2036 = tpu.memref_squeeze %gather3A_2035 : memref<1x32x128xf32, #tpu.memory_space<vmem>> -> memref<32x128xf32, #tpu.memory_space<vmem>>
      %gather3A_2037 = tpu.vector_load_idx %gather3A_2036[%add3A_2031, %broadcast_in_dim3A_2019] : memref<32x128xf32, #tpu.memory_space<vmem>>[vector<16xi32>, vector<16xi32>], vector<16xf32>,
      %swap3A_2038 = arith.index_cast %sub3A_2013 : i32 to index
      %swap3A_2039 = arith.constant 16 : index
      %swap3A_2040 = tpu.vector_load %arg10[%swap3A_2038, %swap3A_2039] {strides = array<i32>} : memref<512x64xf32, #tpu.memory_space<vmem>>, vector<16xf32>,
      tpu.vector_store %arg10[%swap3A_2038, %swap3A_2039], %gather3A_2037 {strides = array<i32>} : memref<512x64xf32, #tpu.memory_space<vmem>>, vector<16xf32>,
      %slice3A_2041 = vector.extract_strided_slice %get3A_364 {offsets = [11], sizes = [1], strides = [1]} : vector<16xi32> to vector<1xi32>
      %squeeze3A_2042 = vector.extract %slice3A_2041[0] : i32 from vector<1xi32>
      %and3A_2043 = arith.constant 127 : i32
      %and3A_2044 = arith.andi %squeeze3A_2042, %and3A_2043 : i32
      %iota3A_2045 = tpu.iota {dimensions = array<i32: 0>} : vector<16xi32>
      %broadcast_in_dim3A_2046 = vector.broadcast %and3A_2044 : i32 to vector<16xi32>
      %gather3A_2047 = arith.constant 3 : i32
      %gather3A_2048 = arith.constant 0 : i32
      %gather3A_2049 = arith.constant 0 : i32
      %gather3A_2050 = tpu.memref_slice %arg9[%gather3A_2047, %gather3A_2048, %gather3A_2049] : memref<4x32x128xf32, #tpu.memory_space<vmem>> -> memref<1x32x128xf32, #tpu.memory_space<vmem>>
      %gather3A_2051 = tpu.memref_squeeze %gather3A_2050 : memref<1x32x128xf32, #tpu.memory_space<vmem>> -> memref<32x128xf32, #tpu.memory_space<vmem>>
      %gather3A_2052 = tpu.vector_load_idx %gather3A_2051[%iota3A_2045, %broadcast_in_dim3A_2046] : memref<32x128xf32, #tpu.memory_space<vmem>>[vector<16xi32>, vector<16xi32>], vector<16xf32>,
      %swap3A_2053 = arith.index_cast %sub3A_2013 : i32 to index
      %swap3A_2054 = arith.constant 32 : index
      %swap3A_2055 = tpu.vector_load %arg10[%swap3A_2053, %swap3A_2054] {strides = array<i32>} : memref<512x64xf32, #tpu.memory_space<vmem>>, vector<16xf32>,
      tpu.vector_store %arg10[%swap3A_2053, %swap3A_2054], %gather3A_2052 {strides = array<i32>} : memref<512x64xf32, #tpu.memory_space<vmem>>, vector<16xf32>,
      %add3A_2056 = arith.constant 16 : i32
      %add3A_2057 = vector.broadcast %add3A_2056 : i32 to vector<16xi32>
      %add3A_2058 = arith.addi %iota3A_2045, %add3A_2057 : vector<16xi32>
      %gather3A_2059 = arith.constant 3 : i32
      %gather3A_2060 = arith.constant 0 : i32
      %gather3A_2061 = arith.constant 0 : i32
      %gather3A_2062 = tpu.memref_slice %arg9[%gather3A_2059, %gather3A_2060, %gather3A_2061] : memref<4x32x128xf32, #tpu.memory_space<vmem>> -> memref<1x32x128xf32, #tpu.memory_space<vmem>>
      %gather3A_2063 = tpu.memref_squeeze %gather3A_2062 : memref<1x32x128xf32, #tpu.memory_space<vmem>> -> memref<32x128xf32, #tpu.memory_space<vmem>>
      %gather3A_2064 = tpu.vector_load_idx %gather3A_2063[%add3A_2058, %broadcast_in_dim3A_2046] : memref<32x128xf32, #tpu.memory_space<vmem>>[vector<16xi32>, vector<16xi32>], vector<16xf32>,
      %swap3A_2065 = arith.index_cast %sub3A_2013 : i32 to index
      %swap3A_2066 = arith.constant 48 : index
      %swap3A_2067 = tpu.vector_load %arg10[%swap3A_2065, %swap3A_2066] {strides = array<i32>} : memref<512x64xf32, #tpu.memory_space<vmem>>, vector<16xf32>,
      tpu.vector_store %arg10[%swap3A_2065, %swap3A_2066], %gather3A_2064 {strides = array<i32>} : memref<512x64xf32, #tpu.memory_space<vmem>>, vector<16xf32>,
      %slice3A_2068 = vector.extract_strided_slice %get3A_360 {offsets = [15], sizes = [1], strides = [1]} : vector<16xi32> to vector<1xi32>
      %squeeze3A_2069 = vector.extract %slice3A_2068[0] : i32 from vector<1xi32>
      %shift_right_arithmetic3A_2070 = arith.constant 7 : i32
      %shift_right_arithmetic3A_2071 = arith.shrsi %squeeze3A_2069, %shift_right_arithmetic3A_2070 : i32
      %shift_left3A_2072 = arith.constant 7 : i32
      %shift_left3A_2073 = arith.shli %shift_right_arithmetic3A_2071, %shift_left3A_2072 : i32
      %multiple_of3A_2074 = tpu.assume_multiple %shift_left3A_2073, 128 : i32
      %dma_start3A_2075 = arith.constant 3 : i32
      %dma_start3A_2076 = arith.constant 0 : i32
      %dma_start3A_2077 = arith.constant 0 : i32
      %dma_start3A_2078 = tpu.memref_slice %arg8[%dma_start3A_2075, %dma_start3A_2076, %dma_start3A_2077] : memref<4x32x128xf32, #tpu.memory_space<vmem>> -> memref<1x32x128xf32, #tpu.memory_space<vmem>>
      %dma_start3A_2079 = tpu.memref_squeeze %dma_start3A_2078 : memref<1x32x128xf32, #tpu.memory_space<vmem>> -> memref<32x128xf32, #tpu.memory_space<vmem>>
      %dma_start3A_2080 = arith.constant 0 : i32
      %dma_start3A_2081 = tpu.memref_slice %arg3[%dma_start3A_2080, %multiple_of3A_2074] : memref<32x1000000xf32, #tpu.memory_space<hbm>> -> memref<32x128xf32, #tpu.memory_space<hbm>>
      %dma_start3A_2082 = arith.constant 0 : i32
      %dma_start3A_2083 = arith.constant 0 : i32
      %dma_start3A_2084 = tpu.memref_slice %arg8[%dma_start3A_2075, %dma_start3A_2082, %dma_start3A_2083] : memref<4x32x128xf32, #tpu.memory_space<vmem>> -> memref<1x32x128xf32, #tpu.memory_space<vmem>>
      %dma_start3A_2085 = tpu.memref_squeeze %dma_start3A_2084 : memref<1x32x128xf32, #tpu.memory_space<vmem>> -> memref<32x128xf32, #tpu.memory_space<vmem>>
      %dma_start3A_2086 = arith.constant 0 : i32
      %dma_start3A_2087 = tpu.memref_slice %arg3[%dma_start3A_2086, %multiple_of3A_2074] : memref<32x1000000xf32, #tpu.memory_space<hbm>> -> memref<32x128xf32, #tpu.memory_space<hbm>>
      tpu.enqueue_dma source(%dma_start3A_2087 : memref<32x128xf32, #tpu.memory_space<hbm>>) target(%dma_start3A_2085 : memref<32x128xf32, #tpu.memory_space<vmem>>) target_semaphore(%arg11 : memref<!tpu.dma_semaphore, #tpu.memory_space<semaphore_mem>>)
      %slice3A_2088 = vector.extract_strided_slice %get3A_364 {offsets = [15], sizes = [1], strides = [1]} : vector<16xi32> to vector<1xi32>
      %squeeze3A_2089 = vector.extract %slice3A_2088[0] : i32 from vector<1xi32>
      %shift_right_arithmetic3A_2090 = arith.constant 7 : i32
      %shift_right_arithmetic3A_2091 = arith.shrsi %squeeze3A_2089, %shift_right_arithmetic3A_2090 : i32
      %shift_left3A_2092 = arith.constant 7 : i32
      %shift_left3A_2093 = arith.shli %shift_right_arithmetic3A_2091, %shift_left3A_2092 : i32
      %multiple_of3A_2094 = tpu.assume_multiple %shift_left3A_2093, 128 : i32
      %dma_start3A_2095 = arith.constant 3 : i32
      %dma_start3A_2096 = arith.constant 0 : i32
      %dma_start3A_2097 = arith.constant 0 : i32
      %dma_start3A_2098 = tpu.memref_slice %arg9[%dma_start3A_2095, %dma_start3A_2096, %dma_start3A_2097] : memref<4x32x128xf32, #tpu.memory_space<vmem>> -> memref<1x32x128xf32, #tpu.memory_space<vmem>>
      %dma_start3A_2099 = tpu.memref_squeeze %dma_start3A_2098 : memref<1x32x128xf32, #tpu.memory_space<vmem>> -> memref<32x128xf32, #tpu.memory_space<vmem>>
      %dma_start3A_2100 = arith.constant 0 : i32
      %dma_start3A_2101 = tpu.memref_slice %arg4[%dma_start3A_2100, %multiple_of3A_2094] : memref<32x1000000xf32, #tpu.memory_space<hbm>> -> memref<32x128xf32, #tpu.memory_space<hbm>>
      %dma_start3A_2102 = arith.constant 0 : i32
      %dma_start3A_2103 = arith.constant 0 : i32
      %dma_start3A_2104 = tpu.memref_slice %arg9[%dma_start3A_2095, %dma_start3A_2102, %dma_start3A_2103] : memref<4x32x128xf32, #tpu.memory_space<vmem>> -> memref<1x32x128xf32, #tpu.memory_space<vmem>>
      %dma_start3A_2105 = tpu.memref_squeeze %dma_start3A_2104 : memref<1x32x128xf32, #tpu.memory_space<vmem>> -> memref<32x128xf32, #tpu.memory_space<vmem>>
      %dma_start3A_2106 = arith.constant 0 : i32
      %dma_start3A_2107 = tpu.memref_slice %arg4[%dma_start3A_2106, %multiple_of3A_2094] : memref<32x1000000xf32, #tpu.memory_space<hbm>> -> memref<32x128xf32, #tpu.memory_space<hbm>>
      tpu.enqueue_dma source(%dma_start3A_2107 : memref<32x128xf32, #tpu.memory_space<hbm>>) target(%dma_start3A_2105 : memref<32x128xf32, #tpu.memory_space<vmem>>) target_semaphore(%arg11 : memref<!tpu.dma_semaphore, #tpu.memory_space<semaphore_mem>>)
    }
    %scan3A_8 = arith.constant 32 : i32
    %get3A = arith.constant 496 : index
    %get3A_9 = tpu.vector_load %arg6[%get3A] {strides = array<i32>} : memref<512xi32, #tpu.memory_space<vmem>>, vector<16xi32>,
    %get3A_10 = arith.constant 496 : index
    %get3A_11 = tpu.vector_load %arg7[%get3A_10] {strides = array<i32>} : memref<512xi32, #tpu.memory_space<vmem>>, vector<16xi32>,
    %dma_wait3A = arith.constant 0 : i32
    %dma_wait3A_12 = arith.constant 0 : i32
    %dma_wait3A_13 = arith.constant 0 : i32
    %dma_wait3A_14 = tpu.memref_slice %arg8[%dma_wait3A, %dma_wait3A_12, %dma_wait3A_13] : memref<4x32x128xf32, #tpu.memory_space<vmem>> -> memref<1x32x128xf32, #tpu.memory_space<vmem>>
    %dma_wait3A_15 = tpu.memref_squeeze %dma_wait3A_14 : memref<1x32x128xf32, #tpu.memory_space<vmem>> -> memref<32x128xf32, #tpu.memory_space<vmem>>
    %dma_wait3A_16 = arith.constant 0 : i32
    %dma_wait3A_17 = arith.constant 0 : i32
    %dma_wait3A_18 = tpu.memref_slice %arg3[%dma_wait3A_16, %dma_wait3A_17] : memref<32x1000000xf32, #tpu.memory_space<hbm>> -> memref<32x128xf32, #tpu.memory_space<hbm>>
    %dma_wait3A_19 = arith.constant 0 : i32
    %dma_wait3A_20 = arith.constant 0 : i32
    %dma_wait3A_21 = tpu.memref_slice %arg8[%dma_wait3A, %dma_wait3A_19, %dma_wait3A_20] : memref<4x32x128xf32, #tpu.memory_space<vmem>> -> memref<1x32x128xf32, #tpu.memory_space<vmem>>
    %dma_wait3A_22 = tpu.memref_squeeze %dma_wait3A_21 : memref<1x32x128xf32, #tpu.memory_space<vmem>> -> memref<32x128xf32, #tpu.memory_space<vmem>>
    %dma_wait3A_23 = arith.constant 0 : i32
    %dma_wait3A_24 = arith.constant 0 : i32
    %dma_wait3A_25 = tpu.memref_slice %arg3[%dma_wait3A_23, %dma_wait3A_24] : memref<32x1000000xf32, #tpu.memory_space<hbm>> -> memref<32x128xf32, #tpu.memory_space<hbm>>
    tpu.wait_dma2 semaphore(%arg11 : memref<!tpu.dma_semaphore, #tpu.memory_space<semaphore_mem>>) src(%dma_wait3A_25 : memref<32x128xf32, #tpu.memory_space<hbm>>) dst(%dma_wait3A_22 : memref<32x128xf32, #tpu.memory_space<vmem>>)
    %dma_wait3A_26 = arith.constant 0 : i32
    %dma_wait3A_27 = arith.constant 0 : i32
    %dma_wait3A_28 = arith.constant 0 : i32
    %dma_wait3A_29 = tpu.memref_slice %arg9[%dma_wait3A_26, %dma_wait3A_27, %dma_wait3A_28] : memref<4x32x128xf32, #tpu.memory_space<vmem>> -> memref<1x32x128xf32, #tpu.memory_space<vmem>>
    %dma_wait3A_30 = tpu.memref_squeeze %dma_wait3A_29 : memref<1x32x128xf32, #tpu.memory_space<vmem>> -> memref<32x128xf32, #tpu.memory_space<vmem>>
    %dma_wait3A_31 = arith.constant 0 : i32
    %dma_wait3A_32 = arith.constant 0 : i32
    %dma_wait3A_33 = tpu.memref_slice %arg4[%dma_wait3A_31, %dma_wait3A_32] : memref<32x1000000xf32, #tpu.memory_space<hbm>> -> memref<32x128xf32, #tpu.memory_space<hbm>>
    %dma_wait3A_34 = arith.constant 0 : i32
    %dma_wait3A_35 = arith.constant 0 : i32
    %dma_wait3A_36 = tpu.memref_slice %arg9[%dma_wait3A_26, %dma_wait3A_34, %dma_wait3A_35] : memref<4x32x128xf32, #tpu.memory_space<vmem>> -> memref<1x32x128xf32, #tpu.memory_space<vmem>>
    %dma_wait3A_37 = tpu.memref_squeeze %dma_wait3A_36 : memref<1x32x128xf32, #tpu.memory_space<vmem>> -> memref<32x128xf32, #tpu.memory_space<vmem>>
    %dma_wait3A_38 = arith.constant 0 : i32
    %dma_wait3A_39 = arith.constant 0 : i32
    %dma_wait3A_40 = tpu.memref_slice %arg4[%dma_wait3A_38, %dma_wait3A_39] : memref<32x1000000xf32, #tpu.memory_space<hbm>> -> memref<32x128xf32, #tpu.memory_space<hbm>>
    tpu.wait_dma2 semaphore(%arg11 : memref<!tpu.dma_semaphore, #tpu.memory_space<semaphore_mem>>) src(%dma_wait3A_40 : memref<32x128xf32, #tpu.memory_space<hbm>>) dst(%dma_wait3A_37 : memref<32x128xf32, #tpu.memory_space<vmem>>)
    %slice3A = vector.extract_strided_slice %get3A_9 {offsets = [12], sizes = [1], strides = [1]} : vector<16xi32> to vector<1xi32>
    %squeeze3A = vector.extract %slice3A[0] : i32 from vector<1xi32>
    %and3A = arith.constant 127 : i32
    %and3A_41 = arith.andi %squeeze3A, %and3A : i32
    %iota3A = tpu.iota {dimensions = array<i32: 0>} : vector<16xi32>
    %broadcast_in_dim3A = vector.broadcast %and3A_41 : i32 to vector<16xi32>
    %gather3A = arith.constant 0 : i32
    %gather3A_42 = arith.constant 0 : i32
    %gather3A_43 = arith.constant 0 : i32
    %gather3A_44 = tpu.memref_slice %arg8[%gather3A, %gather3A_42, %gather3A_43] : memref<4x32x128xf32, #tpu.memory_space<vmem>> -> memref<1x32x128xf32, #tpu.memory_space<vmem>>
    %gather3A_45 = tpu.memref_squeeze %gather3A_44 : memref<1x32x128xf32, #tpu.memory_space<vmem>> -> memref<32x128xf32, #tpu.memory_space<vmem>>
    %gather3A_46 = tpu.vector_load_idx %gather3A_45[%iota3A, %broadcast_in_dim3A] : memref<32x128xf32, #tpu.memory_space<vmem>>[vector<16xi32>, vector<16xi32>], vector<16xf32>,
    %swap3A = arith.constant 508 : i32
    %swap3A_47 = arith.index_cast %swap3A : i32 to index
    %swap3A_48 = arith.constant 0 : index
    %swap3A_49 = tpu.vector_load %arg10[%swap3A_47, %swap3A_48] {strides = array<i32>} : memref<512x64xf32, #tpu.memory_space<vmem>>, vector<16xf32>,
    tpu.vector_store %arg10[%swap3A_47, %swap3A_48], %gather3A_46 {strides = array<i32>} : memref<512x64xf32, #tpu.memory_space<vmem>>, vector<16xf32>,
    %add3A_50 = arith.constant 16 : i32
    %add3A_51 = vector.broadcast %add3A_50 : i32 to vector<16xi32>
    %add3A_52 = arith.addi %iota3A, %add3A_51 : vector<16xi32>
    %gather3A_53 = arith.constant 0 : i32
    %gather3A_54 = arith.constant 0 : i32
    %gather3A_55 = arith.constant 0 : i32
    %gather3A_56 = tpu.memref_slice %arg8[%gather3A_53, %gather3A_54, %gather3A_55] : memref<4x32x128xf32, #tpu.memory_space<vmem>> -> memref<1x32x128xf32, #tpu.memory_space<vmem>>
    %gather3A_57 = tpu.memref_squeeze %gather3A_56 : memref<1x32x128xf32, #tpu.memory_space<vmem>> -> memref<32x128xf32, #tpu.memory_space<vmem>>
    %gather3A_58 = tpu.vector_load_idx %gather3A_57[%add3A_52, %broadcast_in_dim3A] : memref<32x128xf32, #tpu.memory_space<vmem>>[vector<16xi32>, vector<16xi32>], vector<16xf32>,
    %swap3A_59 = arith.constant 508 : i32
    %swap3A_60 = arith.index_cast %swap3A_59 : i32 to index
    %swap3A_61 = arith.constant 16 : index
    %swap3A_62 = tpu.vector_load %arg10[%swap3A_60, %swap3A_61] {strides = array<i32>} : memref<512x64xf32, #tpu.memory_space<vmem>>, vector<16xf32>,
    tpu.vector_store %arg10[%swap3A_60, %swap3A_61], %gather3A_58 {strides = array<i32>} : memref<512x64xf32, #tpu.memory_space<vmem>>, vector<16xf32>,
    %slice3A_63 = vector.extract_strided_slice %get3A_11 {offsets = [12], sizes = [1], strides = [1]} : vector<16xi32> to vector<1xi32>
    %squeeze3A_64 = vector.extract %slice3A_63[0] : i32 from vector<1xi32>
    %and3A_65 = arith.constant 127 : i32
    %and3A_66 = arith.andi %squeeze3A_64, %and3A_65 : i32
    %iota3A_67 = tpu.iota {dimensions = array<i32: 0>} : vector<16xi32>
    %broadcast_in_dim3A_68 = vector.broadcast %and3A_66 : i32 to vector<16xi32>
    %gather3A_69 = arith.constant 0 : i32
    %gather3A_70 = arith.constant 0 : i32
    %gather3A_71 = arith.constant 0 : i32
    %gather3A_72 = tpu.memref_slice %arg9[%gather3A_69, %gather3A_70, %gather3A_71] : memref<4x32x128xf32, #tpu.memory_space<vmem>> -> memref<1x32x128xf32, #tpu.memory_space<vmem>>
    %gather3A_73 = tpu.memref_squeeze %gather3A_72 : memref<1x32x128xf32, #tpu.memory_space<vmem>> -> memref<32x128xf32, #tpu.memory_space<vmem>>
    %gather3A_74 = tpu.vector_load_idx %gather3A_73[%iota3A_67, %broadcast_in_dim3A_68] : memref<32x128xf32, #tpu.memory_space<vmem>>[vector<16xi32>, vector<16xi32>], vector<16xf32>,
    %swap3A_75 = arith.constant 508 : i32
    %swap3A_76 = arith.index_cast %swap3A_75 : i32 to index
    %swap3A_77 = arith.constant 32 : index
    %swap3A_78 = tpu.vector_load %arg10[%swap3A_76, %swap3A_77] {strides = array<i32>} : memref<512x64xf32, #tpu.memory_space<vmem>>, vector<16xf32>,
    tpu.vector_store %arg10[%swap3A_76, %swap3A_77], %gather3A_74 {strides = array<i32>} : memref<512x64xf32, #tpu.memory_space<vmem>>, vector<16xf32>,
    %add3A_79 = arith.constant 16 : i32
    %add3A_80 = vector.broadcast %add3A_79 : i32 to vector<16xi32>
    %add3A_81 = arith.addi %iota3A_67, %add3A_80 : vector<16xi32>
    %gather3A_82 = arith.constant 0 : i32
    %gather3A_83 = arith.constant 0 : i32
    %gather3A_84 = arith.constant 0 : i32
    %gather3A_85 = tpu.memref_slice %arg9[%gather3A_82, %gather3A_83, %gather3A_84] : memref<4x32x128xf32, #tpu.memory_space<vmem>> -> memref<1x32x128xf32, #tpu.memory_space<vmem>>
    %gather3A_86 = tpu.memref_squeeze %gather3A_85 : memref<1x32x128xf32, #tpu.memory_space<vmem>> -> memref<32x128xf32, #tpu.memory_space<vmem>>
    %gather3A_87 = tpu.vector_load_idx %gather3A_86[%add3A_81, %broadcast_in_dim3A_68] : memref<32x128xf32, #tpu.memory_space<vmem>>[vector<16xi32>, vector<16xi32>], vector<16xf32>,
    %swap3A_88 = arith.constant 508 : i32
    %swap3A_89 = arith.index_cast %swap3A_88 : i32 to index
    %swap3A_90 = arith.constant 48 : index
    %swap3A_91 = tpu.vector_load %arg10[%swap3A_89, %swap3A_90] {strides = array<i32>} : memref<512x64xf32, #tpu.memory_space<vmem>>, vector<16xf32>,
    tpu.vector_store %arg10[%swap3A_89, %swap3A_90], %gather3A_87 {strides = array<i32>} : memref<512x64xf32, #tpu.memory_space<vmem>>, vector<16xf32>,
    %dma_wait3A_92 = arith.constant 1 : i32
    %dma_wait3A_93 = arith.constant 0 : i32
    %dma_wait3A_94 = arith.constant 0 : i32
    %dma_wait3A_95 = tpu.memref_slice %arg8[%dma_wait3A_92, %dma_wait3A_93, %dma_wait3A_94] : memref<4x32x128xf32, #tpu.memory_space<vmem>> -> memref<1x32x128xf32, #tpu.memory_space<vmem>>
    %dma_wait3A_96 = tpu.memref_squeeze %dma_wait3A_95 : memref<1x32x128xf32, #tpu.memory_space<vmem>> -> memref<32x128xf32, #tpu.memory_space<vmem>>
    %dma_wait3A_97 = arith.constant 0 : i32
    %dma_wait3A_98 = arith.constant 0 : i32
    %dma_wait3A_99 = tpu.memref_slice %arg3[%dma_wait3A_97, %dma_wait3A_98] : memref<32x1000000xf32, #tpu.memory_space<hbm>> -> memref<32x128xf32, #tpu.memory_space<hbm>>
    %dma_wait3A_100 = arith.constant 0 : i32
    %dma_wait3A_101 = arith.constant 0 : i32
    %dma_wait3A_102 = tpu.memref_slice %arg8[%dma_wait3A_92, %dma_wait3A_100, %dma_wait3A_101] : memref<4x32x128xf32, #tpu.memory_space<vmem>> -> memref<1x32x128xf32, #tpu.memory_space<vmem>>
    %dma_wait3A_103 = tpu.memref_squeeze %dma_wait3A_102 : memref<1x32x128xf32, #tpu.memory_space<vmem>> -> memref<32x128xf32, #tpu.memory_space<vmem>>
    %dma_wait3A_104 = arith.constant 0 : i32
    %dma_wait3A_105 = arith.constant 0 : i32
    %dma_wait3A_106 = tpu.memref_slice %arg3[%dma_wait3A_104, %dma_wait3A_105] : memref<32x1000000xf32, #tpu.memory_space<hbm>> -> memref<32x128xf32, #tpu.memory_space<hbm>>
    tpu.wait_dma2 semaphore(%arg11 : memref<!tpu.dma_semaphore, #tpu.memory_space<semaphore_mem>>) src(%dma_wait3A_106 : memref<32x128xf32, #tpu.memory_space<hbm>>) dst(%dma_wait3A_103 : memref<32x128xf32, #tpu.memory_space<vmem>>)
    %dma_wait3A_107 = arith.constant 1 : i32
    %dma_wait3A_108 = arith.constant 0 : i32
    %dma_wait3A_109 = arith.constant 0 : i32
    %dma_wait3A_110 = tpu.memref_slice %arg9[%dma_wait3A_107, %dma_wait3A_108, %dma_wait3A_109] : memref<4x32x128xf32, #tpu.memory_space<vmem>> -> memref<1x32x128xf32, #tpu.memory_space<vmem>>
    %dma_wait3A_111 = tpu.memref_squeeze %dma_wait3A_110 : memref<1x32x128xf32, #tpu.memory_space<vmem>> -> memref<32x128xf32, #tpu.memory_space<vmem>>
    %dma_wait3A_112 = arith.constant 0 : i32
    %dma_wait3A_113 = arith.constant 0 : i32
    %dma_wait3A_114 = tpu.memref_slice %arg4[%dma_wait3A_112, %dma_wait3A_113] : memref<32x1000000xf32, #tpu.memory_space<hbm>> -> memref<32x128xf32, #tpu.memory_space<hbm>>
    %dma_wait3A_115 = arith.constant 0 : i32
    %dma_wait3A_116 = arith.constant 0 : i32
    %dma_wait3A_117 = tpu.memref_slice %arg9[%dma_wait3A_107, %dma_wait3A_115, %dma_wait3A_116] : memref<4x32x128xf32, #tpu.memory_space<vmem>> -> memref<1x32x128xf32, #tpu.memory_space<vmem>>
    %dma_wait3A_118 = tpu.memref_squeeze %dma_wait3A_117 : memref<1x32x128xf32, #tpu.memory_space<vmem>> -> memref<32x128xf32, #tpu.memory_space<vmem>>
    %dma_wait3A_119 = arith.constant 0 : i32
    %dma_wait3A_120 = arith.constant 0 : i32
    %dma_wait3A_121 = tpu.memref_slice %arg4[%dma_wait3A_119, %dma_wait3A_120] : memref<32x1000000xf32, #tpu.memory_space<hbm>> -> memref<32x128xf32, #tpu.memory_space<hbm>>
    tpu.wait_dma2 semaphore(%arg11 : memref<!tpu.dma_semaphore, #tpu.memory_space<semaphore_mem>>) src(%dma_wait3A_121 : memref<32x128xf32, #tpu.memory_space<hbm>>) dst(%dma_wait3A_118 : memref<32x128xf32, #tpu.memory_space<vmem>>)
    %slice3A_122 = vector.extract_strided_slice %get3A_9 {offsets = [13], sizes = [1], strides = [1]} : vector<16xi32> to vector<1xi32>
    %squeeze3A_123 = vector.extract %slice3A_122[0] : i32 from vector<1xi32>
    %and3A_124 = arith.constant 127 : i32
    %and3A_125 = arith.andi %squeeze3A_123, %and3A_124 : i32
    %iota3A_126 = tpu.iota {dimensions = array<i32: 0>} : vector<16xi32>
    %broadcast_in_dim3A_127 = vector.broadcast %and3A_125 : i32 to vector<16xi32>
    %gather3A_128 = arith.constant 1 : i32
    %gather3A_129 = arith.constant 0 : i32
    %gather3A_130 = arith.constant 0 : i32
    %gather3A_131 = tpu.memref_slice %arg8[%gather3A_128, %gather3A_129, %gather3A_130] : memref<4x32x128xf32, #tpu.memory_space<vmem>> -> memref<1x32x128xf32, #tpu.memory_space<vmem>>
    %gather3A_132 = tpu.memref_squeeze %gather3A_131 : memref<1x32x128xf32, #tpu.memory_space<vmem>> -> memref<32x128xf32, #tpu.memory_space<vmem>>
    %gather3A_133 = tpu.vector_load_idx %gather3A_132[%iota3A_126, %broadcast_in_dim3A_127] : memref<32x128xf32, #tpu.memory_space<vmem>>[vector<16xi32>, vector<16xi32>], vector<16xf32>,
    %swap3A_134 = arith.constant 509 : i32
    %swap3A_135 = arith.index_cast %swap3A_134 : i32 to index
    %swap3A_136 = arith.constant 0 : index
    %swap3A_137 = tpu.vector_load %arg10[%swap3A_135, %swap3A_136] {strides = array<i32>} : memref<512x64xf32, #tpu.memory_space<vmem>>, vector<16xf32>,
    tpu.vector_store %arg10[%swap3A_135, %swap3A_136], %gather3A_133 {strides = array<i32>} : memref<512x64xf32, #tpu.memory_space<vmem>>, vector<16xf32>,
    %add3A_138 = arith.constant 16 : i32
    %add3A_139 = vector.broadcast %add3A_138 : i32 to vector<16xi32>
    %add3A_140 = arith.addi %iota3A_126, %add3A_139 : vector<16xi32>
    %gather3A_141 = arith.constant 1 : i32
    %gather3A_142 = arith.constant 0 : i32
    %gather3A_143 = arith.constant 0 : i32
    %gather3A_144 = tpu.memref_slice %arg8[%gather3A_141, %gather3A_142, %gather3A_143] : memref<4x32x128xf32, #tpu.memory_space<vmem>> -> memref<1x32x128xf32, #tpu.memory_space<vmem>>
    %gather3A_145 = tpu.memref_squeeze %gather3A_144 : memref<1x32x128xf32, #tpu.memory_space<vmem>> -> memref<32x128xf32, #tpu.memory_space<vmem>>
    %gather3A_146 = tpu.vector_load_idx %gather3A_145[%add3A_140, %broadcast_in_dim3A_127] : memref<32x128xf32, #tpu.memory_space<vmem>>[vector<16xi32>, vector<16xi32>], vector<16xf32>,
    %swap3A_147 = arith.constant 509 : i32
    %swap3A_148 = arith.index_cast %swap3A_147 : i32 to index
    %swap3A_149 = arith.constant 16 : index
    %swap3A_150 = tpu.vector_load %arg10[%swap3A_148, %swap3A_149] {strides = array<i32>} : memref<512x64xf32, #tpu.memory_space<vmem>>, vector<16xf32>,
    tpu.vector_store %arg10[%swap3A_148, %swap3A_149], %gather3A_146 {strides = array<i32>} : memref<512x64xf32, #tpu.memory_space<vmem>>, vector<16xf32>,
    %slice3A_151 = vector.extract_strided_slice %get3A_11 {offsets = [13], sizes = [1], strides = [1]} : vector<16xi32> to vector<1xi32>
    %squeeze3A_152 = vector.extract %slice3A_151[0] : i32 from vector<1xi32>
    %and3A_153 = arith.constant 127 : i32
    %and3A_154 = arith.andi %squeeze3A_152, %and3A_153 : i32
    %iota3A_155 = tpu.iota {dimensions = array<i32: 0>} : vector<16xi32>
    %broadcast_in_dim3A_156 = vector.broadcast %and3A_154 : i32 to vector<16xi32>
    %gather3A_157 = arith.constant 1 : i32
    %gather3A_158 = arith.constant 0 : i32
    %gather3A_159 = arith.constant 0 : i32
    %gather3A_160 = tpu.memref_slice %arg9[%gather3A_157, %gather3A_158, %gather3A_159] : memref<4x32x128xf32, #tpu.memory_space<vmem>> -> memref<1x32x128xf32, #tpu.memory_space<vmem>>
    %gather3A_161 = tpu.memref_squeeze %gather3A_160 : memref<1x32x128xf32, #tpu.memory_space<vmem>> -> memref<32x128xf32, #tpu.memory_space<vmem>>
    %gather3A_162 = tpu.vector_load_idx %gather3A_161[%iota3A_155, %broadcast_in_dim3A_156] : memref<32x128xf32, #tpu.memory_space<vmem>>[vector<16xi32>, vector<16xi32>], vector<16xf32>,
    %swap3A_163 = arith.constant 509 : i32
    %swap3A_164 = arith.index_cast %swap3A_163 : i32 to index
    %swap3A_165 = arith.constant 32 : index
    %swap3A_166 = tpu.vector_load %arg10[%swap3A_164, %swap3A_165] {strides = array<i32>} : memref<512x64xf32, #tpu.memory_space<vmem>>, vector<16xf32>,
    tpu.vector_store %arg10[%swap3A_164, %swap3A_165], %gather3A_162 {strides = array<i32>} : memref<512x64xf32, #tpu.memory_space<vmem>>, vector<16xf32>,
    %add3A_167 = arith.constant 16 : i32
    %add3A_168 = vector.broadcast %add3A_167 : i32 to vector<16xi32>
    %add3A_169 = arith.addi %iota3A_155, %add3A_168 : vector<16xi32>
    %gather3A_170 = arith.constant 1 : i32
    %gather3A_171 = arith.constant 0 : i32
    %gather3A_172 = arith.constant 0 : i32
    %gather3A_173 = tpu.memref_slice %arg9[%gather3A_170, %gather3A_171, %gather3A_172] : memref<4x32x128xf32, #tpu.memory_space<vmem>> -> memref<1x32x128xf32, #tpu.memory_space<vmem>>
    %gather3A_174 = tpu.memref_squeeze %gather3A_173 : memref<1x32x128xf32, #tpu.memory_space<vmem>> -> memref<32x128xf32, #tpu.memory_space<vmem>>
    %gather3A_175 = tpu.vector_load_idx %gather3A_174[%add3A_169, %broadcast_in_dim3A_156] : memref<32x128xf32, #tpu.memory_space<vmem>>[vector<16xi32>, vector<16xi32>], vector<16xf32>,
    %swap3A_176 = arith.constant 509 : i32
    %swap3A_177 = arith.index_cast %swap3A_176 : i32 to index
    %swap3A_178 = arith.constant 48 : index
    %swap3A_179 = tpu.vector_load %arg10[%swap3A_177, %swap3A_178] {strides = array<i32>} : memref<512x64xf32, #tpu.memory_space<vmem>>, vector<16xf32>,
    tpu.vector_store %arg10[%swap3A_177, %swap3A_178], %gather3A_175 {strides = array<i32>} : memref<512x64xf32, #tpu.memory_space<vmem>>, vector<16xf32>,
    %dma_wait3A_180 = arith.constant 2 : i32
    %dma_wait3A_181 = arith.constant 0 : i32
    %dma_wait3A_182 = arith.constant 0 : i32
    %dma_wait3A_183 = tpu.memref_slice %arg8[%dma_wait3A_180, %dma_wait3A_181, %dma_wait3A_182] : memref<4x32x128xf32, #tpu.memory_space<vmem>> -> memref<1x32x128xf32, #tpu.memory_space<vmem>>
    %dma_wait3A_184 = tpu.memref_squeeze %dma_wait3A_183 : memref<1x32x128xf32, #tpu.memory_space<vmem>> -> memref<32x128xf32, #tpu.memory_space<vmem>>
    %dma_wait3A_185 = arith.constant 0 : i32
    %dma_wait3A_186 = arith.constant 0 : i32
    %dma_wait3A_187 = tpu.memref_slice %arg3[%dma_wait3A_185, %dma_wait3A_186] : memref<32x1000000xf32, #tpu.memory_space<hbm>> -> memref<32x128xf32, #tpu.memory_space<hbm>>
    %dma_wait3A_188 = arith.constant 0 : i32
    %dma_wait3A_189 = arith.constant 0 : i32
    %dma_wait3A_190 = tpu.memref_slice %arg8[%dma_wait3A_180, %dma_wait3A_188, %dma_wait3A_189] : memref<4x32x128xf32, #tpu.memory_space<vmem>> -> memref<1x32x128xf32, #tpu.memory_space<vmem>>
    %dma_wait3A_191 = tpu.memref_squeeze %dma_wait3A_190 : memref<1x32x128xf32, #tpu.memory_space<vmem>> -> memref<32x128xf32, #tpu.memory_space<vmem>>
    %dma_wait3A_192 = arith.constant 0 : i32
    %dma_wait3A_193 = arith.constant 0 : i32
    %dma_wait3A_194 = tpu.memref_slice %arg3[%dma_wait3A_192, %dma_wait3A_193] : memref<32x1000000xf32, #tpu.memory_space<hbm>> -> memref<32x128xf32, #tpu.memory_space<hbm>>
    tpu.wait_dma2 semaphore(%arg11 : memref<!tpu.dma_semaphore, #tpu.memory_space<semaphore_mem>>) src(%dma_wait3A_194 : memref<32x128xf32, #tpu.memory_space<hbm>>) dst(%dma_wait3A_191 : memref<32x128xf32, #tpu.memory_space<vmem>>)
    %dma_wait3A_195 = arith.constant 2 : i32
    %dma_wait3A_196 = arith.constant 0 : i32
    %dma_wait3A_197 = arith.constant 0 : i32
    %dma_wait3A_198 = tpu.memref_slice %arg9[%dma_wait3A_195, %dma_wait3A_196, %dma_wait3A_197] : memref<4x32x128xf32, #tpu.memory_space<vmem>> -> memref<1x32x128xf32, #tpu.memory_space<vmem>>
    %dma_wait3A_199 = tpu.memref_squeeze %dma_wait3A_198 : memref<1x32x128xf32, #tpu.memory_space<vmem>> -> memref<32x128xf32, #tpu.memory_space<vmem>>
    %dma_wait3A_200 = arith.constant 0 : i32
    %dma_wait3A_201 = arith.constant 0 : i32
    %dma_wait3A_202 = tpu.memref_slice %arg4[%dma_wait3A_200, %dma_wait3A_201] : memref<32x1000000xf32, #tpu.memory_space<hbm>> -> memref<32x128xf32, #tpu.memory_space<hbm>>
    %dma_wait3A_203 = arith.constant 0 : i32
    %dma_wait3A_204 = arith.constant 0 : i32
    %dma_wait3A_205 = tpu.memref_slice %arg9[%dma_wait3A_195, %dma_wait3A_203, %dma_wait3A_204] : memref<4x32x128xf32, #tpu.memory_space<vmem>> -> memref<1x32x128xf32, #tpu.memory_space<vmem>>
    %dma_wait3A_206 = tpu.memref_squeeze %dma_wait3A_205 : memref<1x32x128xf32, #tpu.memory_space<vmem>> -> memref<32x128xf32, #tpu.memory_space<vmem>>
    %dma_wait3A_207 = arith.constant 0 : i32
    %dma_wait3A_208 = arith.constant 0 : i32
    %dma_wait3A_209 = tpu.memref_slice %arg4[%dma_wait3A_207, %dma_wait3A_208] : memref<32x1000000xf32, #tpu.memory_space<hbm>> -> memref<32x128xf32, #tpu.memory_space<hbm>>
    tpu.wait_dma2 semaphore(%arg11 : memref<!tpu.dma_semaphore, #tpu.memory_space<semaphore_mem>>) src(%dma_wait3A_209 : memref<32x128xf32, #tpu.memory_space<hbm>>) dst(%dma_wait3A_206 : memref<32x128xf32, #tpu.memory_space<vmem>>)
    %slice3A_210 = vector.extract_strided_slice %get3A_9 {offsets = [14], sizes = [1], strides = [1]} : vector<16xi32> to vector<1xi32>
    %squeeze3A_211 = vector.extract %slice3A_210[0] : i32 from vector<1xi32>
    %and3A_212 = arith.constant 127 : i32
    %and3A_213 = arith.andi %squeeze3A_211, %and3A_212 : i32
    %iota3A_214 = tpu.iota {dimensions = array<i32: 0>} : vector<16xi32>
    %broadcast_in_dim3A_215 = vector.broadcast %and3A_213 : i32 to vector<16xi32>
    %gather3A_216 = arith.constant 2 : i32
    %gather3A_217 = arith.constant 0 : i32
    %gather3A_218 = arith.constant 0 : i32
    %gather3A_219 = tpu.memref_slice %arg8[%gather3A_216, %gather3A_217, %gather3A_218] : memref<4x32x128xf32, #tpu.memory_space<vmem>> -> memref<1x32x128xf32, #tpu.memory_space<vmem>>
    %gather3A_220 = tpu.memref_squeeze %gather3A_219 : memref<1x32x128xf32, #tpu.memory_space<vmem>> -> memref<32x128xf32, #tpu.memory_space<vmem>>
    %gather3A_221 = tpu.vector_load_idx %gather3A_220[%iota3A_214, %broadcast_in_dim3A_215] : memref<32x128xf32, #tpu.memory_space<vmem>>[vector<16xi32>, vector<16xi32>], vector<16xf32>,
    %swap3A_222 = arith.constant 510 : i32
    %swap3A_223 = arith.index_cast %swap3A_222 : i32 to index
    %swap3A_224 = arith.constant 0 : index
    %swap3A_225 = tpu.vector_load %arg10[%swap3A_223, %swap3A_224] {strides = array<i32>} : memref<512x64xf32, #tpu.memory_space<vmem>>, vector<16xf32>,
    tpu.vector_store %arg10[%swap3A_223, %swap3A_224], %gather3A_221 {strides = array<i32>} : memref<512x64xf32, #tpu.memory_space<vmem>>, vector<16xf32>,
    %add3A_226 = arith.constant 16 : i32
    %add3A_227 = vector.broadcast %add3A_226 : i32 to vector<16xi32>
    %add3A_228 = arith.addi %iota3A_214, %add3A_227 : vector<16xi32>
    %gather3A_229 = arith.constant 2 : i32
    %gather3A_230 = arith.constant 0 : i32
    %gather3A_231 = arith.constant 0 : i32
    %gather3A_232 = tpu.memref_slice %arg8[%gather3A_229, %gather3A_230, %gather3A_231] : memref<4x32x128xf32, #tpu.memory_space<vmem>> -> memref<1x32x128xf32, #tpu.memory_space<vmem>>
    %gather3A_233 = tpu.memref_squeeze %gather3A_232 : memref<1x32x128xf32, #tpu.memory_space<vmem>> -> memref<32x128xf32, #tpu.memory_space<vmem>>
    %gather3A_234 = tpu.vector_load_idx %gather3A_233[%add3A_228, %broadcast_in_dim3A_215] : memref<32x128xf32, #tpu.memory_space<vmem>>[vector<16xi32>, vector<16xi32>], vector<16xf32>,
    %swap3A_235 = arith.constant 510 : i32
    %swap3A_236 = arith.index_cast %swap3A_235 : i32 to index
    %swap3A_237 = arith.constant 16 : index
    %swap3A_238 = tpu.vector_load %arg10[%swap3A_236, %swap3A_237] {strides = array<i32>} : memref<512x64xf32, #tpu.memory_space<vmem>>, vector<16xf32>,
    tpu.vector_store %arg10[%swap3A_236, %swap3A_237], %gather3A_234 {strides = array<i32>} : memref<512x64xf32, #tpu.memory_space<vmem>>, vector<16xf32>,
    %slice3A_239 = vector.extract_strided_slice %get3A_11 {offsets = [14], sizes = [1], strides = [1]} : vector<16xi32> to vector<1xi32>
    %squeeze3A_240 = vector.extract %slice3A_239[0] : i32 from vector<1xi32>
    %and3A_241 = arith.constant 127 : i32
    %and3A_242 = arith.andi %squeeze3A_240, %and3A_241 : i32
    %iota3A_243 = tpu.iota {dimensions = array<i32: 0>} : vector<16xi32>
    %broadcast_in_dim3A_244 = vector.broadcast %and3A_242 : i32 to vector<16xi32>
    %gather3A_245 = arith.constant 2 : i32
    %gather3A_246 = arith.constant 0 : i32
    %gather3A_247 = arith.constant 0 : i32
    %gather3A_248 = tpu.memref_slice %arg9[%gather3A_245, %gather3A_246, %gather3A_247] : memref<4x32x128xf32, #tpu.memory_space<vmem>> -> memref<1x32x128xf32, #tpu.memory_space<vmem>>
    %gather3A_249 = tpu.memref_squeeze %gather3A_248 : memref<1x32x128xf32, #tpu.memory_space<vmem>> -> memref<32x128xf32, #tpu.memory_space<vmem>>
    %gather3A_250 = tpu.vector_load_idx %gather3A_249[%iota3A_243, %broadcast_in_dim3A_244] : memref<32x128xf32, #tpu.memory_space<vmem>>[vector<16xi32>, vector<16xi32>], vector<16xf32>,
    %swap3A_251 = arith.constant 510 : i32
    %swap3A_252 = arith.index_cast %swap3A_251 : i32 to index
    %swap3A_253 = arith.constant 32 : index
    %swap3A_254 = tpu.vector_load %arg10[%swap3A_252, %swap3A_253] {strides = array<i32>} : memref<512x64xf32, #tpu.memory_space<vmem>>, vector<16xf32>,
    tpu.vector_store %arg10[%swap3A_252, %swap3A_253], %gather3A_250 {strides = array<i32>} : memref<512x64xf32, #tpu.memory_space<vmem>>, vector<16xf32>,
    %add3A_255 = arith.constant 16 : i32
    %add3A_256 = vector.broadcast %add3A_255 : i32 to vector<16xi32>
    %add3A_257 = arith.addi %iota3A_243, %add3A_256 : vector<16xi32>
    %gather3A_258 = arith.constant 2 : i32
    %gather3A_259 = arith.constant 0 : i32
    %gather3A_260 = arith.constant 0 : i32
    %gather3A_261 = tpu.memref_slice %arg9[%gather3A_258, %gather3A_259, %gather3A_260] : memref<4x32x128xf32, #tpu.memory_space<vmem>> -> memref<1x32x128xf32, #tpu.memory_space<vmem>>
    %gather3A_262 = tpu.memref_squeeze %gather3A_261 : memref<1x32x128xf32, #tpu.memory_space<vmem>> -> memref<32x128xf32, #tpu.memory_space<vmem>>
    %gather3A_263 = tpu.vector_load_idx %gather3A_262[%add3A_257, %broadcast_in_dim3A_244] : memref<32x128xf32, #tpu.memory_space<vmem>>[vector<16xi32>, vector<16xi32>], vector<16xf32>,
    %swap3A_264 = arith.constant 510 : i32
    %swap3A_265 = arith.index_cast %swap3A_264 : i32 to index
    %swap3A_266 = arith.constant 48 : index
    %swap3A_267 = tpu.vector_load %arg10[%swap3A_265, %swap3A_266] {strides = array<i32>} : memref<512x64xf32, #tpu.memory_space<vmem>>, vector<16xf32>,
    tpu.vector_store %arg10[%swap3A_265, %swap3A_266], %gather3A_263 {strides = array<i32>} : memref<512x64xf32, #tpu.memory_space<vmem>>, vector<16xf32>,
    %dma_wait3A_268 = arith.constant 3 : i32
    %dma_wait3A_269 = arith.constant 0 : i32
    %dma_wait3A_270 = arith.constant 0 : i32
    %dma_wait3A_271 = tpu.memref_slice %arg8[%dma_wait3A_268, %dma_wait3A_269, %dma_wait3A_270] : memref<4x32x128xf32, #tpu.memory_space<vmem>> -> memref<1x32x128xf32, #tpu.memory_space<vmem>>
    %dma_wait3A_272 = tpu.memref_squeeze %dma_wait3A_271 : memref<1x32x128xf32, #tpu.memory_space<vmem>> -> memref<32x128xf32, #tpu.memory_space<vmem>>
    %dma_wait3A_273 = arith.constant 0 : i32
    %dma_wait3A_274 = arith.constant 0 : i32
    %dma_wait3A_275 = tpu.memref_slice %arg3[%dma_wait3A_273, %dma_wait3A_274] : memref<32x1000000xf32, #tpu.memory_space<hbm>> -> memref<32x128xf32, #tpu.memory_space<hbm>>
    %dma_wait3A_276 = arith.constant 0 : i32
    %dma_wait3A_277 = arith.constant 0 : i32
    %dma_wait3A_278 = tpu.memref_slice %arg8[%dma_wait3A_268, %dma_wait3A_276, %dma_wait3A_277] : memref<4x32x128xf32, #tpu.memory_space<vmem>> -> memref<1x32x128xf32, #tpu.memory_space<vmem>>
    %dma_wait3A_279 = tpu.memref_squeeze %dma_wait3A_278 : memref<1x32x128xf32, #tpu.memory_space<vmem>> -> memref<32x128xf32, #tpu.memory_space<vmem>>
    %dma_wait3A_280 = arith.constant 0 : i32
    %dma_wait3A_281 = arith.constant 0 : i32
    %dma_wait3A_282 = tpu.memref_slice %arg3[%dma_wait3A_280, %dma_wait3A_281] : memref<32x1000000xf32, #tpu.memory_space<hbm>> -> memref<32x128xf32, #tpu.memory_space<hbm>>
    tpu.wait_dma2 semaphore(%arg11 : memref<!tpu.dma_semaphore, #tpu.memory_space<semaphore_mem>>) src(%dma_wait3A_282 : memref<32x128xf32, #tpu.memory_space<hbm>>) dst(%dma_wait3A_279 : memref<32x128xf32, #tpu.memory_space<vmem>>)
    %dma_wait3A_283 = arith.constant 3 : i32
    %dma_wait3A_284 = arith.constant 0 : i32
    %dma_wait3A_285 = arith.constant 0 : i32
    %dma_wait3A_286 = tpu.memref_slice %arg9[%dma_wait3A_283, %dma_wait3A_284, %dma_wait3A_285] : memref<4x32x128xf32, #tpu.memory_space<vmem>> -> memref<1x32x128xf32, #tpu.memory_space<vmem>>
    %dma_wait3A_287 = tpu.memref_squeeze %dma_wait3A_286 : memref<1x32x128xf32, #tpu.memory_space<vmem>> -> memref<32x128xf32, #tpu.memory_space<vmem>>
    %dma_wait3A_288 = arith.constant 0 : i32
    %dma_wait3A_289 = arith.constant 0 : i32
    %dma_wait3A_290 = tpu.memref_slice %arg4[%dma_wait3A_288, %dma_wait3A_289] : memref<32x1000000xf32, #tpu.memory_space<hbm>> -> memref<32x128xf32, #tpu.memory_space<hbm>>
    %dma_wait3A_291 = arith.constant 0 : i32
    %dma_wait3A_292 = arith.constant 0 : i32
    %dma_wait3A_293 = tpu.memref_slice %arg9[%dma_wait3A_283, %dma_wait3A_291, %dma_wait3A_292] : memref<4x32x128xf32, #tpu.memory_space<vmem>> -> memref<1x32x128xf32, #tpu.memory_space<vmem>>
    %dma_wait3A_294 = tpu.memref_squeeze %dma_wait3A_293 : memref<1x32x128xf32, #tpu.memory_space<vmem>> -> memref<32x128xf32, #tpu.memory_space<vmem>>
    %dma_wait3A_295 = arith.constant 0 : i32
    %dma_wait3A_296 = arith.constant 0 : i32
    %dma_wait3A_297 = tpu.memref_slice %arg4[%dma_wait3A_295, %dma_wait3A_296] : memref<32x1000000xf32, #tpu.memory_space<hbm>> -> memref<32x128xf32, #tpu.memory_space<hbm>>
    tpu.wait_dma2 semaphore(%arg11 : memref<!tpu.dma_semaphore, #tpu.memory_space<semaphore_mem>>) src(%dma_wait3A_297 : memref<32x128xf32, #tpu.memory_space<hbm>>) dst(%dma_wait3A_294 : memref<32x128xf32, #tpu.memory_space<vmem>>)
    %slice3A_298 = vector.extract_strided_slice %get3A_9 {offsets = [15], sizes = [1], strides = [1]} : vector<16xi32> to vector<1xi32>
    %squeeze3A_299 = vector.extract %slice3A_298[0] : i32 from vector<1xi32>
    %and3A_300 = arith.constant 127 : i32
    %and3A_301 = arith.andi %squeeze3A_299, %and3A_300 : i32
    %iota3A_302 = tpu.iota {dimensions = array<i32: 0>} : vector<16xi32>
    %broadcast_in_dim3A_303 = vector.broadcast %and3A_301 : i32 to vector<16xi32>
    %gather3A_304 = arith.constant 3 : i32
    %gather3A_305 = arith.constant 0 : i32
    %gather3A_306 = arith.constant 0 : i32
    %gather3A_307 = tpu.memref_slice %arg8[%gather3A_304, %gather3A_305, %gather3A_306] : memref<4x32x128xf32, #tpu.memory_space<vmem>> -> memref<1x32x128xf32, #tpu.memory_space<vmem>>
    %gather3A_308 = tpu.memref_squeeze %gather3A_307 : memref<1x32x128xf32, #tpu.memory_space<vmem>> -> memref<32x128xf32, #tpu.memory_space<vmem>>
    %gather3A_309 = tpu.vector_load_idx %gather3A_308[%iota3A_302, %broadcast_in_dim3A_303] : memref<32x128xf32, #tpu.memory_space<vmem>>[vector<16xi32>, vector<16xi32>], vector<16xf32>,
    %swap3A_310 = arith.constant 511 : i32
    %swap3A_311 = arith.index_cast %swap3A_310 : i32 to index
    %swap3A_312 = arith.constant 0 : index
    %swap3A_313 = tpu.vector_load %arg10[%swap3A_311, %swap3A_312] {strides = array<i32>} : memref<512x64xf32, #tpu.memory_space<vmem>>, vector<16xf32>,
    tpu.vector_store %arg10[%swap3A_311, %swap3A_312], %gather3A_309 {strides = array<i32>} : memref<512x64xf32, #tpu.memory_space<vmem>>, vector<16xf32>,
    %add3A_314 = arith.constant 16 : i32
    %add3A_315 = vector.broadcast %add3A_314 : i32 to vector<16xi32>
    %add3A_316 = arith.addi %iota3A_302, %add3A_315 : vector<16xi32>
    %gather3A_317 = arith.constant 3 : i32
    %gather3A_318 = arith.constant 0 : i32
    %gather3A_319 = arith.constant 0 : i32
    %gather3A_320 = tpu.memref_slice %arg8[%gather3A_317, %gather3A_318, %gather3A_319] : memref<4x32x128xf32, #tpu.memory_space<vmem>> -> memref<1x32x128xf32, #tpu.memory_space<vmem>>
    %gather3A_321 = tpu.memref_squeeze %gather3A_320 : memref<1x32x128xf32, #tpu.memory_space<vmem>> -> memref<32x128xf32, #tpu.memory_space<vmem>>
    %gather3A_322 = tpu.vector_load_idx %gather3A_321[%add3A_316, %broadcast_in_dim3A_303] : memref<32x128xf32, #tpu.memory_space<vmem>>[vector<16xi32>, vector<16xi32>], vector<16xf32>,
    %swap3A_323 = arith.constant 511 : i32
    %swap3A_324 = arith.index_cast %swap3A_323 : i32 to index
    %swap3A_325 = arith.constant 16 : index
    %swap3A_326 = tpu.vector_load %arg10[%swap3A_324, %swap3A_325] {strides = array<i32>} : memref<512x64xf32, #tpu.memory_space<vmem>>, vector<16xf32>,
    tpu.vector_store %arg10[%swap3A_324, %swap3A_325], %gather3A_322 {strides = array<i32>} : memref<512x64xf32, #tpu.memory_space<vmem>>, vector<16xf32>,
    %slice3A_327 = vector.extract_strided_slice %get3A_11 {offsets = [15], sizes = [1], strides = [1]} : vector<16xi32> to vector<1xi32>
    %squeeze3A_328 = vector.extract %slice3A_327[0] : i32 from vector<1xi32>
    %and3A_329 = arith.constant 127 : i32
    %and3A_330 = arith.andi %squeeze3A_328, %and3A_329 : i32
    %iota3A_331 = tpu.iota {dimensions = array<i32: 0>} : vector<16xi32>
    %broadcast_in_dim3A_332 = vector.broadcast %and3A_330 : i32 to vector<16xi32>
    %gather3A_333 = arith.constant 3 : i32
    %gather3A_334 = arith.constant 0 : i32
    %gather3A_335 = arith.constant 0 : i32
    %gather3A_336 = tpu.memref_slice %arg9[%gather3A_333, %gather3A_334, %gather3A_335] : memref<4x32x128xf32, #tpu.memory_space<vmem>> -> memref<1x32x128xf32, #tpu.memory_space<vmem>>
    %gather3A_337 = tpu.memref_squeeze %gather3A_336 : memref<1x32x128xf32, #tpu.memory_space<vmem>> -> memref<32x128xf32, #tpu.memory_space<vmem>>
    %gather3A_338 = tpu.vector_load_idx %gather3A_337[%iota3A_331, %broadcast_in_dim3A_332] : memref<32x128xf32, #tpu.memory_space<vmem>>[vector<16xi32>, vector<16xi32>], vector<16xf32>,
    %swap3A_339 = arith.constant 511 : i32
    %swap3A_340 = arith.index_cast %swap3A_339 : i32 to index
    %swap3A_341 = arith.constant 32 : index
    %swap3A_342 = tpu.vector_load %arg10[%swap3A_340, %swap3A_341] {strides = array<i32>} : memref<512x64xf32, #tpu.memory_space<vmem>>, vector<16xf32>,
    tpu.vector_store %arg10[%swap3A_340, %swap3A_341], %gather3A_338 {strides = array<i32>} : memref<512x64xf32, #tpu.memory_space<vmem>>, vector<16xf32>,
    %add3A_343 = arith.constant 16 : i32
    %add3A_344 = vector.broadcast %add3A_343 : i32 to vector<16xi32>
    %add3A_345 = arith.addi %iota3A_331, %add3A_344 : vector<16xi32>
    %gather3A_346 = arith.constant 3 : i32
    %gather3A_347 = arith.constant 0 : i32
    %gather3A_348 = arith.constant 0 : i32
    %gather3A_349 = tpu.memref_slice %arg9[%gather3A_346, %gather3A_347, %gather3A_348] : memref<4x32x128xf32, #tpu.memory_space<vmem>> -> memref<1x32x128xf32, #tpu.memory_space<vmem>>
    %gather3A_350 = tpu.memref_squeeze %gather3A_349 : memref<1x32x128xf32, #tpu.memory_space<vmem>> -> memref<32x128xf32, #tpu.memory_space<vmem>>
    %gather3A_351 = tpu.vector_load_idx %gather3A_350[%add3A_345, %broadcast_in_dim3A_332] : memref<32x128xf32, #tpu.memory_space<vmem>>[vector<16xi32>, vector<16xi32>], vector<16xf32>,
    %swap3A_352 = arith.constant 511 : i32
    %swap3A_353 = arith.index_cast %swap3A_352 : i32 to index
    %swap3A_354 = arith.constant 48 : index
    %swap3A_355 = tpu.vector_load %arg10[%swap3A_353, %swap3A_354] {strides = array<i32>} : memref<512x64xf32, #tpu.memory_space<vmem>>, vector<16xf32>,
    tpu.vector_store %arg10[%swap3A_353, %swap3A_354], %gather3A_351 {strides = array<i32>} : memref<512x64xf32, #tpu.memory_space<vmem>>, vector<16xf32>,
    "tpu.region"() ({
      %run_scoped3A_356 = tpu.sem_alloc : memref<!tpu.dma_semaphore, #tpu.memory_space<semaphore_mem>>
      %dma_start3A = arith.constant 0 : i32
      %dma_start3A_357 = tpu.memref_slice %arg5[%mul3A_2, %dma_start3A] : memref<16384x64xf32, #tpu.memory_space<hbm>> -> memref<512x64xf32, #tpu.memory_space<hbm>>
      %dma_start3A_358 = arith.constant 0 : i32
      %dma_start3A_359 = tpu.memref_slice %arg5[%mul3A_2, %dma_start3A_358] : memref<16384x64xf32, #tpu.memory_space<hbm>> -> memref<512x64xf32, #tpu.memory_space<hbm>>
      tpu.enqueue_dma source(%arg10 : memref<512x64xf32, #tpu.memory_space<vmem>>) target(%dma_start3A_359 : memref<512x64xf32, #tpu.memory_space<hbm>>) target_semaphore(%run_scoped3A_356 : memref<!tpu.dma_semaphore, #tpu.memory_space<semaphore_mem>>)
      %dma_wait3A_360 = arith.constant 0 : i32
      %dma_wait3A_361 = tpu.memref_slice %arg5[%mul3A_2, %dma_wait3A_360] : memref<16384x64xf32, #tpu.memory_space<hbm>> -> memref<512x64xf32, #tpu.memory_space<hbm>>
      %dma_wait3A_362 = arith.constant 0 : i32
      %dma_wait3A_363 = tpu.memref_slice %arg5[%mul3A_2, %dma_wait3A_362] : memref<16384x64xf32, #tpu.memory_space<hbm>> -> memref<512x64xf32, #tpu.memory_space<hbm>>
      tpu.wait_dma2 semaphore(%run_scoped3A_356 : memref<!tpu.dma_semaphore, #tpu.memory_space<semaphore_mem>>) src(%arg10 : memref<512x64xf32, #tpu.memory_space<vmem>>) dst(%dma_wait3A_363 : memref<512x64xf32, #tpu.memory_space<hbm>>)
      tpu.yield
    }) : () -> ()
    return
  }
}

</mosaic_0001>

<sc_bundles>
// kernel: kernel.3.cloned.1.call-start
scs
__scs_entry_jumppad:
0x0: {  	(pc) =	sbr.rel $0x88, $3  }
0x1: {  	(tag) =	ssettag $0x0;
	lr =	simm.s32 $0x1  }
0x2: {  	[smem:$0x3F9E] =	sst lr;
	_ =	strace $0xD0000000  }
0x3: {  	_ = 	snop  }
0x4: {  	_ = 	snop  }
0x5: {  	_ = 	snop  }
0x6: {  	_ = 	snop  }
0x7: {  	_ = 	snop  }
__scs_overlays_trampoline_lowered:
0x8: {  	[smem:$0x3FAD] =	sst s0  }
0x9: {  	[smem:$0x3FAE] =	sst s1  }
0xa: {  	[smem:$0x3FAF] =	sst s2  }
0xb: {  	[smem:$0x3FB0] =	sst s3  }
0xc: {  	[smem:$0x3FB1] =	sst s4  }
0xd: {  	[smem:$0x3FB2] =	sst s5  }
0xe: {  	[smem:$0x3FB3] =	sst s6  }
0xf: {  	[smem:$0x3FB4] =	sst s7  }
0x10: {  	[smem:$0x3FB5] =	sst s8  }
0x11: {  	[smem:$0x3FB6] =	sst s9;
	s0 =	simm.s32 @!p0 $0x0  }
0x12: {  	s1 =	sld [smem:$0x3F9C];
	s0 =	simm.s32 @p0 $0x1  }
0x13: {  	[smem:$0x3FB7] =	sst s0;
	s0 =	simm.s32 @!p1 $0x0  }
0x14: {  	s2 =	sld [smem:$0x3F9B];
	s0 =	simm.s32 @p1 $0x1  }
0x15: {  	[smem:$0x3FB8] =	sst s0;
	s0 =	simm.s32 @!p2 $0x0  }
0x16: {  	s3 =	sld [smem:$0x3FDB];
	s0 =	simm.s32 @p2 $0x1  }
0x17: {  	s4 =	simm.s32 $0x1BF5;
	[smem:$0x3FBA] =	sst s0  }
0x18: {  	s0 =	sld [smem:$0x3F9D];
	_ =	swait.ge [sflag:s4], $0x0  }
0x19: {  	s7 =	sld [smem:$0x3F9E]  }
0x1a: {  	s8 =	sadd.s32 $0xFFFFE003, lr  }
0x1b: {  	s9 =	sadd.s32 $0xFFFFFEF7, lr;
	s5 =	simm.s32 $0xFFFFFFFF;
	p2 =	slt.u32 s8, $0xFFFFF086  }
0x1c: {  	p1 =	slt.u32 s9, $0xF7A;
	s5 =	simm.s32 @!p2 $0x0  }
0x1d: {  	s5 =	simm.s32 @p1 $0x1;
	p0 =	seq.s32 s7, s2  }
0x1e: {  	s7 =	smul.u32 @!p0 $0xF7A, s2;
	p2 =	seq.s32 @!p0 s5, $0x0  }
0x1f: {  	s9 =	smul.u32 $0xF7A, s1;
	s8 =	simm.s32 @!p0 $0x1BF5;
	p2 =	por !p2, p0  }
0x20: {  	[sflag:s8] =	ssyncset.s32 @!p0 $0xFFFFF086;
	s6 =	sadd.s32 @!p0 s3, s7;
	s7 =	simm.s32 @!p0 $0x108  }
0x21: {  	s3 =	sadd.s32 s3, s9;
	s6 =	sadd.s32 @!p0 $0x88, s6;
	s7 =	simm.s32 @p2 $0x1082  }
0x22: {  	[simem:s7], [sflag:s8] =	dma.local @!p0 [hbm:s6], $0xF7A  }
0x23: {  	s9 =	sor.u32 $0xD0000000, s2;
	s6 =	simm.s32 $0x108;
	_ =	swait.ge @!p0 [sflag:s8], $0x0  }
0x24: {  	s3 =	sadd.s32 $0x88, s3;
	s6 =	simm.s32 @!p1 $0x1082;
	[sflag:s4] =	ssyncset.s32 $0xFFFFF086  }
0x25: {  	[simem:s6], [sflag:s4] =	dma.local [hbm:s3], $0xF7A  }
0x26: {  	[smem:$0x3F9E] =	sst s1;
	(tag) =	ssettag s2;
	_ =	strace s9  }
0x27: {  	s1 =	sld [smem:$0x3FAE]  }
0x28: {  	s2 =	sld [smem:$0x3FAF]  }
0x29: {  	s4 =	sld [smem:$0x3FB1]  }
0x2a: {  	p0 =	seq.s32 s5, $0x0;
	s5 =	sld [smem:$0x3FB2]  }
0x2b: {  	s6 =	sld [smem:$0x3FB3]  }
0x2c: {  	s7 =	sld [smem:$0x3FB4]  }
0x2d: {  	s3 =	simm.s32 $0x108;
	s8 =	sld [smem:$0x3FB5]  }
0x2e: {  	s3 =	simm.s32 @!p0 $0x1082;
	s9 =	sld [smem:$0x3FB6]  }
0x2f: {  	lr =	sadd.s32 s0, s3;
	s0 =	sld [smem:$0x3FAD]  }
0x30: {  	s3 =	sld [smem:$0x3FB0]  }
0x31: {  	[smem:$0x3FB9] =	sst s10  }
0x32: {  	s10 =	sld [smem:$0x3FB7];
	_ =	sdelay $0x3  }
0x33: {  	p0 =	seq.s32 s10, $0x1;
	s10 =	sld [smem:$0x3FB9];
	_ =	sdelay $0x3  }
0x34: {  	[smem:$0x3FB9] =	sst s10  }
0x35: {  	s10 =	sld [smem:$0x3FB8];
	_ =	sdelay $0x3  }
0x36: {  	p1 =	seq.s32 s10, $0x1;
	s10 =	sld [smem:$0x3FB9];
	_ =	sdelay $0x3  }
0x37: {  	[smem:$0x3FB9] =	sst s10  }
0x38: {  	s10 =	sld [smem:$0x3FBA]  }
0x39: {  	_ = 	snop;
	(pc) =	sbr.ind lr, $3  }
0x3a: {  	_ = 	snop  }
0x3b: {  	_ = 	snop  }
0x3c: {  	p2 =	seq.s32 s10, $0x1;
	s10 =	sld [smem:$0x3FB9]  }
0x3d: {  	_ =	shalt  }
0x3e: {  	_ =	shalt  }
0x3f: {  	_ =	shalt  }
0x40: {  	_ =	shalt  }
0x41: {  	_ =	shalt  }
0x42: {  	_ =	shalt  }
0x43: {  	_ =	shalt  }
0x44: {  	_ =	shalt  }
0x45: {  	_ =	shalt  }
0x46: {  	_ =	shalt  }
0x47: {  	_ =	shalt  }
0x48: {  	_ =	shalt  }
0x49: {  	_ =	shalt  }
0x4a: {  	_ =	shalt  }
0x4b: {  	_ =	shalt  }
0x4c: {  	_ =	shalt  }
0x4d: {  	_ =	shalt  }
0x4e: {  	_ =	shalt  }
0x4f: {  	_ =	shalt  }
0x50: {  	_ =	shalt  }
0x51: {  	_ =	shalt  }
0x52: {  	_ =	shalt  }
0x53: {  	_ =	shalt  }
0x54: {  	_ =	shalt  }
0x55: {  	_ =	shalt  }
0x56: {  	_ =	shalt  }
0x57: {  	_ =	shalt  }
0x58: {  	_ =	shalt  }
0x59: {  	_ =	shalt  }
0x5a: {  	_ =	shalt  }
0x5b: {  	_ =	shalt  }
0x5c: {  	_ =	shalt  }
0x5d: {  	_ =	shalt  }
0x5e: {  	_ =	shalt  }
0x5f: {  	_ =	shalt  }
0x60: {  	_ =	shalt  }
0x61: {  	_ =	shalt  }
0x62: {  	_ =	shalt  }
0x63: {  	_ =	shalt  }
0x64: {  	_ =	shalt  }
0x65: {  	_ =	shalt  }
0x66: {  	_ =	shalt  }
0x67: {  	_ =	shalt  }
0x68: {  	_ =	shalt  }
0x69: {  	_ =	shalt  }
0x6a: {  	_ =	shalt  }
0x6b: {  	_ =	shalt  }
0x6c: {  	_ =	shalt  }
0x6d: {  	_ =	shalt  }
0x6e: {  	_ =	shalt  }
0x6f: {  	_ =	shalt  }
0x70: {  	_ =	shalt  }
0x71: {  	_ =	shalt  }
0x72: {  	_ =	shalt  }
0x73: {  	_ =	shalt  }
0x74: {  	_ =	shalt  }
0x75: {  	_ =	shalt  }
0x76: {  	_ =	shalt  }
0x77: {  	_ =	shalt  }
0x78: {  	_ =	shalt  }
0x79: {  	_ =	shalt  }
0x7a: {  	_ =	shalt  }
0x7b: {  	_ =	shalt  }
0x7c: {  	_ =	shalt  }
0x7d: {  	_ =	shalt  }
0x7e: {  	_ =	shalt  }
0x7f: {  	_ =	shalt  }
0x80: {  	_ =	shalt  }
0x81: {  	_ =	shalt  }
0x82: {  	_ =	shalt  }
0x83: {  	_ =	shalt  }
0x84: {  	_ =	shalt  }
0x85: {  	_ =	shalt  }
0x86: {  	_ =	shalt  }
0x87: {  	_ =	shalt  }
.Lfunc_end0:
.L_simem_size_0:
called_computation_lowered:
.L_overlay_start_0:
0x88: {  	s2 =	sld [smem:$0x3FD9]  }
0x89: {  	s3 =	sld [smem:$0x3FFE];
	_ =	sdelay $0x1  }
0x8a: {  	s1 =	srdreg.scid  }
0x8b: {  	s0 =	sand.u32 $0x1, s1  }
0x8c: {  	s17 =	sshll.u32 s0, $0xA;
	s2 =	sadd.s32 s3, s2  }
0x8d: {  	s2 =	sadd.s32 s2, s17  }
0x8e: {  	[smem:$0x3FC5] =	sst s2  }
0x8f: {  	_ = 	snop  }
0x90: {  	s2 =	sld [smem:$0x3FC9]  }
0x91: {  	s18 =	sld [smem:$0x3FC8]  }
0x92: {  	s4 =	sld [smem:$0x3FC7];
	(tm) =	ssettm $0x1  }
0x93: {  	s5 =	sld [smem:$0x3FFB];
	_ =	sdelay $0x3  }
0x94: {  	_ =	strace s5  }
0x95: {  	s5 =	sld [smem:$0x3FFC];
	_ =	sdelay $0x3  }
0x96: {  	_ =	strace s5  }
0x97: {  	s5 =	sld [smem:$0x3FFD];
	_ =	sdelay $0x3  }
0x98: {  	_ =	strace s5  }
0x99: {  	_ =	strace $0x8FFFFFFF  }
0x9a: {  	s19 =	sld [smem:$0x3FDB];
	_ =	sdelay $0x1  }
0x9b: {  	s6 =	simm.s32 $_scs_section_size  }
0x9c: {  	s7 =	simm.s32 $_size__tile_overlayer_lowered;
	s8 =	simm.s32 $_tile_overlayer_lowered  }
0x9d: {  	s22 =	simm.s32 $0x1BFF;
	s21 =	sshll.u32 s8, $0x1;
	s5 =	sadd.s32 s6, s19  }
0x9e: {  	s9 =	simm.s32 $0x0;
	s20 =	sshll.u32 s7, $0x1;
	s7 =	sadd.s32 s21, s5  }
0x9f: {  	[timem:s9], [sflag:s22] =	dma.local [hbm:s7], s20  }
0xa0: {  	_ =	swait.ge [sflag:s22], s20  }
0xa1: {  	s6 =	ssub.s32 $0x0, s20;
	[sflag:s22] =	ssyncset.done $0x0  }
0xa2: {  	[sflag:s22] =	ssyncadd.s32 s6;
	_ =	sdelay $0x1  }
0xa3: {  	s23 =	simm.s32 $0x1B8B  }
0xa4: {  	_ =	swait.ge [sflag:s23], $0x1  }
0xa5: {  	[sflag:s23] =	ssyncset.done $0x0  }
0xa6: {  	s25 =	simm.s32 $0x1B8E;
	s24 =	sld [smem:$0x3FFE];
	[sflag:s23] =	ssyncadd.s32 $0xFFFFFFFF  }
0xa7: {  	s26 =	simm.s32 $execute0_lowered;
	[smem:$0x3FD2] =	sst s25  }
0xa8: {  	s7 =	sshll.u32 s26, $0x1;
	_ =	strace $0x80000046;
	[dreg:$0x1] =	wrdreg $0xFFFFFFFF  }
0xa9: {  	s28 =	simm.s32 $_size_execute0_lowered;
	s5 =	sadd.s32 s5, s7;
	[dreg:$0x0] =	wrdreg $0x0  }
0xaa: {  	s7 =	sshll.u32 s28, $0x1;
	[dreg:$0x2] =	wrdreg s5  }
0xab: {  	[dreg:$0x3] =	wrdreg s7  }
0xac: {  	[dreg:$0x4] =	wrdreg $0xC0  }
0xad: {  	_ =	task [dreg:s9], $0x5FFFF  }
0xae: {  	[dreg:$0x1] =	wrdreg $0xFFFFFFFF  }
0xaf: {  	[dreg:$0x0] =	wrdreg $0x60  }
0xb0: {  	[dreg:$0x2] =	wrdreg s2  }
0xb1: {  	[dreg:$0x3] =	wrdreg s18  }
0xb2: {  	[dreg:$0x4] =	wrdreg s4  }
0xb3: {  	[dreg:$0x5] =	wrdreg s24  }
0xb4: {  	[dreg:$0x6] =	wrdreg $0x9  }
0xb5: {  	_ =	task.clear_ibuf [dreg:s9], $0x7FFFF;
	_ =	strace $0x90000046  }
0xb6: {  	s29 =	simm.s32 $0x9;
	_ =	strace $0x80000048  }
0xb7: {  	_ =	swait.ge [sflag:s29], $0x1  }
0xb8: {  	[sflag:s29] =	ssyncadd.s32 $0xFFFFFFFF  }
0xb9: {  	_ =	strace $0x90000048  }
0xba: {  	_ =	sfence  }
0xbb: {  	s30 =	sld [smem:$0x0];
	_ =	sdelay $0x2  }
0xbc: {  	s31 =	sshll.u32 s1, $0xD;
	s1 =	sshrl.u32 s1, $0x2  }
0xbd: {  	s3 =	sand.u32 $0x4000, s31;
	s1 =	sadd.s32 s1, s30  }
0xbe: {  	s0 =	sor.u32 s3, s0;
	s1 =	sshll.u32 s1, $0x11  }
0xbf: {  	s0 =	sor.u32 s1, s0  }
0xc0: {  	s0 =	sadd.s32 $0x8F2B, s0  }
0xc1: {  	[sflag:s0] =	ssyncadd.remote.s32 $0x1  }
0xc2: {  	_ =	sfence.sel $0xFFFF  }
0xc3: {  	[dreg:$0x0] =	wrdreg $0xFFFFFFFF;
	(pc) =	sbr.abs _section_cstart, $3  }
0xc4: {  	[dreg:$0x1] =	wrdreg $0xFFFFFFFF  }
0xc5: {  	_ =	task.clear_ibuf [dreg:s9], $0x2FFFF;
	_ =	strace $0x9FFFFFFF  }
0xc6: {  	(tm) =	ssettm $0x7FFFFFFF  }
0xc7: {  	_ =	shalt  }
tec
execute0_lowered:
.L_overlay_start_1:
0x0: {  	(tag) =	ssettag $0x1  }
0x1: {  	s0 =	rddreg [dreg:$0x0]  }
0x2: {  	s1 =	rddreg [dreg:$0x1]  }
0x3: {  	s2 =	rddreg [dreg:$0x2]  }
0x4: {  	s3 =	rddreg [dreg:$0x3];
	s4 =	srdreg.scid;
	s9 =	simm.s32 $0x0  }
0x5: {  	s5 =	stileid.u32;
	s11 =	simm.s32 $0x2;
	s12 =	simm.s32 $0x7A1400  }
0x6: {  	s13 =	simm.s32 $0x400;
	s14 =	simm.s32 $0x4400;
	s15 =	simm.s32 $0x1400  }
0x7: {  	s16 =	simm.s32 $0x5400;
	s17 =	simm.s32 $0x2400;
	s18 =	simm.s32 $0x6400  }
0x8: {  	s19 =	simm.s32 $0x3400;
	s20 =	simm.s32 $0x7400;
	s4 =	sand.u32 $0x1, s4  }
0x9: {  	s21 =	simm.s32 $0x1;
	s5 =	sshll.u32 s5, $0xA;
	s6 =	sshll.u32 s4, $0x9  }
0xa: {  	s23 =	simm.s32 $0x0;
	[smem:$0x7FF] =	sst s9;
	s5 =	sor.u32 s6, s5  }
0xb: {  	v0 =	vlaneseq.u32;
	s4 =	ssub.s32 $0x2, s4;
	s6 =	sshll.u32 s5, $0x4;
	s5 =	sshrl.u32 s5, $0x2  }
0xc: {  	v0 =	vmul.u32 $0x80, v0;
	_ =	strace $0x80000047;
	s7 =	sshrl.u32 s4, $0x1;
	s5 =	sadd.s32 s0, s5  }
0xd: {  	s4 =	ssub.s32 s4, s7;
	s3 =	sadd.s32 s6, s3;
	s0 =	sadd.s32 $0x10, s5  }
0xe: {  	v1 =	vor.u32 $0x800, v0;
	s8 =	smax.u32 s4, $0x1;
	s7 =	sadd.s32 $0x400, s3;
	[dreg:$0x5] =	wrdreg s0  }
.LBB2_1:
0xf: {  	s3 =	simm.s32 $0x80;
	s4 =	simm.s32 $0x100  }
0x10: {  	[tilespmem:s9], [sflag:$0x2] =	stream.strided.gather [hbm4b:s5+s3], $0x200, s4, s3, $0x38;
	[tilespmem:$0x18400] =	vst v63  }
0x11: {  	_ =	swait.ge [sflag:s11], $0x200  }
0x12: {  	[sflag:s11] =	ssyncset.done $0x0  }
0x13: {  	s24 =	simm.s32 $0x200;
	s0 =	rddreg [dreg:$0x5];
	[sflag:s11] =	ssyncadd.s32 $0xFFFFFE00  }
0x14: {  	[tilespmem:s24], [sflag:$0x2] =	stream.strided.gather [hbm4b:s0+s3], $0x200, s4, s3, $0x38;
	[tilespmem:$0x18400] =	vst v63  }
0x15: {  	_ =	swait.ge [sflag:s11], $0x200  }
0x16: {  	s25 =	simm.s32 $0x0;
	[sflag:s11] =	ssyncset.done $0x0  }
0x17: {  	s26 =	simm.s32 $0x0;
	s28 =	simm.s32 $0x0;
	[sflag:s11] =	ssyncadd.s32 $0xFFFFFE00  }
.LBB2_2:
0x18: {  	s0 =	smin.u32 s28, $0x1  }
0x19: {  	s3 =	sshll.u32 s0, $0x6  }
0x1a: {  	s3 =	ssub.s32 $0x0, s3  }
0x1b: {  	v2 =	vld [tilespmem:s25+$0x0];
	s3 =	sshra.s32 s3, $0x2  }
0x1c: {  	v3 =	vld [tilespmem:s24+$0x0];
	p0 =	seq.s32 s26, $0x0;
	s4 =	sadd.s32 s3, s25  }
0x1d: {  	s30 =	simm.s32 @!p0 $0x1;
	s3 =	sadd.s32 s3, s24;
	v6 =	vld [tilespmem:s4+$0x0]  }
0x1e: {  	v7 =	vld [tilespmem:s3+$0x0];
	_ =	swait.ge @!p0 [sflag:s30], $0x1000  }
0x1f: {  	[sflag:s30] =	ssyncset.done @!p0 $0x0  }
0x20: {  	[sflag:s30] =	ssyncadd.s32 @!p0 $0xFFFFF000  }
0x21: {  	_ =	swait.ge @!p0 [sflag:s30], $0x1000  }
0x22: {  	(v2sf) =	vpush @!p0 v6, $0xC;
	_ =	sdelay $0xb  }
0x23: {  	(v2sf) =	vpush @!p0 v7, $0xC;
	_ =	sdelay $0x1  }
0x24: {  	v4 =	vlaneseq.u32 @!p0  }
0x25: {  	v4 =	vmul.u32 @!p0 $0x80, v4;
	s3 =	spop @!p0 (v2sf)  }
0x26: {  	s3 =	sand.u32 @!p0 $0x7F, s3  }
0x27: {  	v5 =	vor.u32 @!p0 s3, v4;
	_ =	sdelay $0x2  }
0x28: {  	[sflag:s30] =	ssyncset.done @!p0 $0x0  }
0x29: {  	s4 =	simm.s32 @!p0 $0x400;
	[sflag:s30] =	ssyncadd.s32 @!p0 $0xFFFFF000  }
0x2a: {  	s29 =	sshll.u32 s0, $0xD;
	v8 =	vld.idx.msk @!p0 [tilespmem:v5+s4+$0x0], $0xffff;
	v5 =	vor.u32 @!p0 $0x800, v4  }
0x2b: {  	s0 =	ssub.s32 $0x0, s29;
	v9 =	vor.u32 @!p0 s3, v5  }
0x2c: {  	s0 =	sshra.s32 s0, $0x2  }
0x2d: {  	s0 =	sadd.s32 $0x8400, s0;
	s3 =	sshra.s32 @!p0 s26, $0x2  }
0x2e: {  	s0 =	sadd.s32 @!p0 s3, s0  }
0x2f: {  	[tilespmem:s0+$0x600] =	vst @!p0 v8;
	s0 =	spop @!p0 (v2sf)  }
0x30: {  	(v2sf) =	vpush v2, $0x0;
	v8 =	vld.idx.msk @!p0 [tilespmem:v9+s4+$0x0], $0xffff;
	s4 =	sand.u32 @!p0 $0x7F, s0  }
0x31: {  	(v2sf) =	vpush v3, $0x0;
	v9 =	vor.u32 @!p0 s4, v4  }
0x32: {  	s9 =	ssub.s32 $0x1840, s29  }
0x33: {  	s0 =	sadd.s32 @!p0 $0x8400, s3;
	s3 =	sshra.s32 @!p0 s9, $0x2  }
0x34: {  	s3 =	sadd.s32 @!p0 s3, s0  }
0x35: {  	[tilespmem:s3+$0x0] =	vst @!p0 v8;
	s3 =	simm.s32 @!p0 $0x4400  }
0x36: {  	v8 =	vld.idx.msk @!p0 [tilespmem:v9+s3+$0x0], $0xffff  }
0x37: {  	v9 =	vor.u32 @!p0 s4, v5  }
0x38: {  	s4 =	ssub.s32 $0x1880, s29  }
0x39: {  	s4 =	sshra.s32 @!p0 s4, $0x2  }
0x3a: {  	s4 =	sadd.s32 @!p0 s4, s0  }
0x3b: {  	[tilespmem:s4+$0x0] =	vst @!p0 v8  }
0x3c: {  	v8 =	vld.idx.msk @!p0 [tilespmem:v9+s3+$0x0], $0xffff;
	_ =	sdelay $0x1  }
0x3d: {  	s3 =	ssub.s32 $0x18C0, s29  }
0x3e: {  	s4 =	sshra.s32 @!p0 s3, $0x2;
	s3 =	spop (v2sf)  }
0x3f: {  	s4 =	sadd.s32 @!p0 s4, s0;
	s6 =	sand.u32 $0xFFFFF80, s3;
	s31 =	spop (v2sf)  }
0x40: {  	s10 =	sadd.s32 s1, s6;
	s22 =	sand.u32 $0xFFFFF80, s31;
	[tilespmem:s4+$0x0] =	vst @!p0 v8  }
0x41: {  	[tilespmem:s13], [sflag:$0x1] =	stream.strided.gather [hbm4b:s10+s13], $0x1000, s12, s13, $0x38;
	[tilespmem:$0x18400] =	vst v63  }
0x42: {  	s4 =	sadd.s32 s2, s22  }
0x43: {  	[tilespmem:s14], [sflag:$0x1] =	stream.strided.gather [hbm4b:s4+s13], $0x1000, s12, s13, $0x38;
	[tilespmem:$0x18400] =	vst v63  }
0x44: {  	_ =	swait.ge @!p0 [sflag:s30], $0x1000  }
0x45: {  	[sflag:s30] =	ssyncset.done @!p0 $0x0  }
0x46: {  	[sflag:s30] =	ssyncadd.s32 @!p0 $0xFFFFF000  }
0x47: {  	_ =	swait.ge @!p0 [sflag:s30], $0x1000  }
0x48: {  	(v2sf) =	vpush @!p0 v6, $0xD;
	_ =	sdelay $0xb  }
0x49: {  	(v2sf) =	vpush @!p0 v7, $0xD;
	_ =	sdelay $0x2  }
0x4a: {  	s4 =	spop @!p0 (v2sf)  }
0x4b: {  	s4 =	sand.u32 @!p0 $0x7F, s4  }
0x4c: {  	v8 =	vor.u32 @!p0 s4, v4;
	_ =	sdelay $0x2  }
0x4d: {  	[sflag:s30] =	ssyncset.done @!p0 $0x0  }
0x4e: {  	s9 =	simm.s32 @!p0 $0x1400;
	[sflag:s30] =	ssyncadd.s32 @!p0 $0xFFFFF000  }
0x4f: {  	v8 =	vld.idx.msk @!p0 [tilespmem:v8+s9+$0x0], $0xffff  }
0x50: {  	v9 =	vor.u32 @!p0 s4, v5  }
0x51: {  	s4 =	ssub.s32 $0x1A00, s29  }
0x52: {  	s4 =	sshra.s32 @!p0 s4, $0x2  }
0x53: {  	s4 =	sadd.s32 @!p0 s4, s0  }
0x54: {  	[tilespmem:s4+$0x0] =	vst @!p0 v8;
	s4 =	spop @!p0 (v2sf)  }
0x55: {  	(v2sf) =	vpush v2, $0x1;
	v8 =	vld.idx.msk @!p0 [tilespmem:v9+s9+$0x0], $0xffff;
	s4 =	sand.u32 @!p0 $0x7F, s4  }
0x56: {  	(v2sf) =	vpush v3, $0x1;
	v9 =	vor.u32 @!p0 s4, v4  }
0x57: {  	s9 =	ssub.s32 $0x1A40, s29  }
0x58: {  	s9 =	sshra.s32 @!p0 s9, $0x2  }
0x59: {  	s9 =	sadd.s32 @!p0 s9, s0  }
0x5a: {  	[tilespmem:s9+$0x0] =	vst @!p0 v8;
	s9 =	simm.s32 @!p0 $0x5400  }
0x5b: {  	v8 =	vld.idx.msk @!p0 [tilespmem:v9+s9+$0x0], $0xffff  }
0x5c: {  	v9 =	vor.u32 @!p0 s4, v5  }
0x5d: {  	s4 =	ssub.s32 $0x1A80, s29  }
0x5e: {  	s4 =	sshra.s32 @!p0 s4, $0x2  }
0x5f: {  	s4 =	sadd.s32 @!p0 s4, s0  }
0x60: {  	[tilespmem:s4+$0x0] =	vst @!p0 v8  }
0x61: {  	v8 =	vld.idx.msk @!p0 [tilespmem:v9+s9+$0x0], $0xffff;
	_ =	sdelay $0x1  }
0x62: {  	s4 =	ssub.s32 $0x1AC0, s29  }
0x63: {  	s9 =	sshra.s32 @!p0 s4, $0x2;
	s4 =	spop (v2sf)  }
0x64: {  	s9 =	sadd.s32 @!p0 s9, s0;
	s10 =	sand.u32 $0xFFFFF80, s4;
	s22 =	spop (v2sf)  }
0x65: {  	s6 =	sadd.s32 s1, s10;
	s10 =	sand.u32 $0xFFFFF80, s22;
	[tilespmem:s9+$0x0] =	vst @!p0 v8  }
0x66: {  	[tilespmem:s15], [sflag:$0x1] =	stream.strided.gather [hbm4b:s6+s13], $0x1000, s12, s13, $0x38;
	[tilespmem:$0x18400] =	vst v63  }
0x67: {  	s9 =	sadd.s32 s2, s10  }
0x68: {  	[tilespmem:s16], [sflag:$0x1] =	stream.strided.gather [hbm4b:s9+s13], $0x1000, s12, s13, $0x38;
	[tilespmem:$0x18400] =	vst v63  }
0x69: {  	_ =	swait.ge @!p0 [sflag:s30], $0x1000  }
0x6a: {  	[sflag:s30] =	ssyncset.done @!p0 $0x0  }
0x6b: {  	[sflag:s30] =	ssyncadd.s32 @!p0 $0xFFFFF000  }
0x6c: {  	_ =	swait.ge @!p0 [sflag:s30], $0x1000  }
0x6d: {  	(v2sf) =	vpush @!p0 v6, $0xE;
	_ =	sdelay $0xb  }
0x6e: {  	(v2sf) =	vpush @!p0 v7, $0xE;
	_ =	sdelay $0x2  }
0x6f: {  	s9 =	spop @!p0 (v2sf)  }
0x70: {  	s9 =	sand.u32 @!p0 $0x7F, s9  }
0x71: {  	v8 =	vor.u32 @!p0 s9, v4;
	_ =	sdelay $0x2  }
0x72: {  	[sflag:s30] =	ssyncset.done @!p0 $0x0  }
0x73: {  	s10 =	simm.s32 @!p0 $0x2400;
	[sflag:s30] =	ssyncadd.s32 @!p0 $0xFFFFF000  }
0x74: {  	v8 =	vld.idx.msk @!p0 [tilespmem:v8+s10+$0x0], $0xffff  }
0x75: {  	v9 =	vor.u32 @!p0 s9, v5  }
0x76: {  	s9 =	ssub.s32 $0x1C00, s29  }
0x77: {  	s9 =	sshra.s32 @!p0 s9, $0x2  }
0x78: {  	s9 =	sadd.s32 @!p0 s9, s0  }
0x79: {  	[tilespmem:s9+$0x0] =	vst @!p0 v8;
	s9 =	spop @!p0 (v2sf)  }
0x7a: {  	(v2sf) =	vpush v2, $0x2;
	v8 =	vld.idx.msk @!p0 [tilespmem:v9+s10+$0x0], $0xffff;
	s9 =	sand.u32 @!p0 $0x7F, s9  }
0x7b: {  	v9 =	vor.u32 @!p0 s9, v4  }
0x7c: {  	(v2sf) =	vpush v3, $0x2;
	s10 =	ssub.s32 $0x1C40, s29  }
0x7d: {  	s10 =	sshra.s32 @!p0 s10, $0x2  }
0x7e: {  	s10 =	sadd.s32 @!p0 s10, s0  }
0x7f: {  	[tilespmem:s10+$0x0] =	vst @!p0 v8;
	s10 =	simm.s32 @!p0 $0x6400  }
0x80: {  	v8 =	vld.idx.msk @!p0 [tilespmem:v9+s10+$0x0], $0xffff  }
0x81: {  	v9 =	vor.u32 @!p0 s9, v5  }
0x82: {  	s9 =	ssub.s32 $0x1C80, s29  }
0x83: {  	s9 =	sshra.s32 @!p0 s9, $0x2  }
0x84: {  	s9 =	sadd.s32 @!p0 s9, s0  }
0x85: {  	[tilespmem:s9+$0x0] =	vst @!p0 v8  }
0x86: {  	v8 =	vld.idx.msk @!p0 [tilespmem:v9+s10+$0x0], $0xffff;
	_ =	sdelay $0x1  }
0x87: {  	s9 =	ssub.s32 $0x1CC0, s29  }
0x88: {  	s9 =	sshra.s32 @!p0 s9, $0x2;
	s10 =	spop (v2sf)  }
0x89: {  	s9 =	sadd.s32 @!p0 s9, s0;
	s6 =	sand.u32 $0xFFFFF80, s10  }
0x8a: {  	s6 =	sadd.s32 s1, s6;
	[tilespmem:s9+$0x0] =	vst @!p0 v8;
	s9 =	spop (v2sf)  }
0x8b: {  	[tilespmem:s17], [sflag:$0x1] =	stream.strided.gather [hbm4b:s6+s13], $0x1000, s12, s13, $0x38;
	[tilespmem:$0x18400] =	vst v63  }
0x8c: {  	s6 =	sand.u32 $0xFFFFF80, s9  }
0x8d: {  	s6 =	sadd.s32 s2, s6  }
0x8e: {  	[tilespmem:s18], [sflag:$0x1] =	stream.strided.gather [hbm4b:s6+s13], $0x1000, s12, s13, $0x38;
	[tilespmem:$0x18400] =	vst v63  }
0x8f: {  	_ =	swait.ge @!p0 [sflag:s30], $0x1000  }
0x90: {  	[sflag:s30] =	ssyncset.done @!p0 $0x0  }
0x91: {  	[sflag:s30] =	ssyncadd.s32 @!p0 $0xFFFFF000  }
0x92: {  	_ =	swait.ge @!p0 [sflag:s30], $0x1000  }
0x93: {  	(v2sf) =	vpush @!p0 v6, $0xF;
	_ =	sdelay $0xb  }
0x94: {  	(v2sf) =	vpush @!p0 v7, $0xF;
	_ =	sdelay $0x2  }
0x95: {  	s6 =	spop @!p0 (v2sf)  }
0x96: {  	s6 =	sand.u32 @!p0 $0x7F, s6  }
0x97: {  	v6 =	vor.u32 @!p0 s6, v4;
	_ =	sdelay $0x2  }
0x98: {  	[sflag:s30] =	ssyncset.done @!p0 $0x0  }
0x99: {  	[sflag:s30] =	ssyncadd.s32 @!p0 $0xFFFFF000;
	s30 =	simm.s32 @!p0 $0x3400  }
0x9a: {  	v6 =	vld.idx.msk @!p0 [tilespmem:v6+s30+$0x0], $0xffff  }
0x9b: {  	v7 =	vor.u32 @!p0 s6, v5  }
0x9c: {  	s6 =	ssub.s32 $0x1E00, s29  }
0x9d: {  	s6 =	sshra.s32 @!p0 s6, $0x2  }
0x9e: {  	s6 =	sadd.s32 @!p0 s6, s0  }
0x9f: {  	[tilespmem:s6+$0x0] =	vst @!p0 v6;
	s6 =	spop @!p0 (v2sf)  }
0xa0: {  	(v2sf) =	vpush v2, $0x3;
	v6 =	vld.idx.msk @!p0 [tilespmem:v7+s30+$0x0], $0xffff;
	s6 =	sand.u32 @!p0 $0x7F, s6  }
0xa1: {  	v4 =	vor.u32 @!p0 s6, v4  }
0xa2: {  	(v2sf) =	vpush v3, $0x3;
	s30 =	ssub.s32 $0x1E40, s29  }
0xa3: {  	s30 =	sshra.s32 @!p0 s30, $0x2  }
0xa4: {  	s30 =	sadd.s32 @!p0 s30, s0  }
0xa5: {  	[tilespmem:s30+$0x0] =	vst @!p0 v6;
	s30 =	simm.s32 @!p0 $0x7400  }
0xa6: {  	v4 =	vld.idx.msk @!p0 [tilespmem:v4+s30+$0x0], $0xffff  }
0xa7: {  	v5 =	vor.u32 @!p0 s6, v5  }
0xa8: {  	s6 =	ssub.s32 $0x1E80, s29  }
0xa9: {  	s6 =	sshra.s32 @!p0 s6, $0x2  }
0xaa: {  	s6 =	sadd.s32 @!p0 s6, s0  }
0xab: {  	[tilespmem:s6+$0x0] =	vst @!p0 v4  }
0xac: {  	v4 =	vld.idx.msk @!p0 [tilespmem:v5+s30+$0x0], $0xffff;
	_ =	sdelay $0x1  }
0xad: {  	s6 =	ssub.s32 $0x1EC0, s29  }
0xae: {  	s6 =	sshra.s32 @!p0 s6, $0x2;
	s30 =	spop (v2sf)  }
0xaf: {  	s0 =	sadd.s32 @!p0 s6, s0;
	s29 =	sand.u32 $0xFFFFF80, s30  }
0xb0: {  	s6 =	sadd.s32 s1, s29;
	[tilespmem:s0+$0x0] =	vst @!p0 v4;
	s0 =	spop (v2sf)  }
0xb1: {  	[tilespmem:s19], [sflag:$0x1] =	stream.strided.gather [hbm4b:s6+s13], $0x1000, s12, s13, $0x38;
	[tilespmem:$0x18400] =	vst v63  }
0xb2: {  	s29 =	sand.u32 $0xFFFFF80, s0  }
0xb3: {  	s6 =	sadd.s32 s2, s29  }
0xb4: {  	[tilespmem:s20], [sflag:$0x1] =	stream.strided.gather [hbm4b:s6+s13], $0x1000, s12, s13, $0x38;
	[tilespmem:$0x18400] =	vst v63  }
0xb5: {  	s3 =	sand.u32 $0x7F, s3;
	_ =	swait.ge [sflag:s21], $0x1000  }
0xb6: {  	v18 =	vor.u32 s3, v0;
	[sflag:s21] =	ssyncset.done $0x0  }
0xb7: {  	[sflag:s21] =	ssyncadd.s32 $0xFFFFF000  }
0xb8: {  	_ =	swait.ge [sflag:s21], $0x1000  }
0xb9: {  	[sflag:s21] =	ssyncset.done $0x0  }
0xba: {  	[sflag:s21] =	ssyncadd.s32 $0xFFFFF000  }
0xbb: {  	v4 =	vld.idx.msk [tilespmem:v18+s13+$0x0], $0xffff  }
0xbc: {  	v19 =	vor.u32 s3, v1;
	_ =	sdelay $0x2  }
0xbd: {  	s29 =	sshra.s32 s26, $0x2  }
0xbe: {  	[tilespmem:s29+$0x8400] =	vst v4  }
0xbf: {  	s31 =	sand.u32 $0x7F, s31;
	(v2sf) =	vpush v2, $0x4;
	v4 =	vld.idx.msk [tilespmem:v19+s13+$0x0], $0xffff  }
0xc0: {  	v20 =	vor.u32 s31, v0;
	_ =	sdelay $0x2  }
0xc1: {  	(v2sf) =	vpush v3, $0x4  }
0xc2: {  	[tilespmem:s29+$0x8410] =	vst v4  }
0xc3: {  	v4 =	vld.idx.msk [tilespmem:v20+s14+$0x0], $0xffff  }
0xc4: {  	v21 =	vor.u32 s31, v1;
	_ =	sdelay $0x3  }
0xc5: {  	[tilespmem:s29+$0x8420] =	vst v4  }
0xc6: {  	v4 =	vld.idx.msk [tilespmem:v21+s14+$0x0], $0xffff;
	_ =	sdelay $0x2  }
0xc7: {  	s31 =	spop (v2sf)  }
0xc8: {  	s6 =	sand.u32 $0xFFFFF80, s31  }
0xc9: {  	s3 =	sadd.s32 s1, s6;
	[tilespmem:s29+$0x8430] =	vst v4  }
0xca: {  	[tilespmem:s13], [sflag:$0x1] =	stream.strided.gather [hbm4b:s3+s13], $0x1000, s12, s13, $0x38;
	[tilespmem:$0x18400] =	vst v63  }
0xcb: {  	s3 =	spop (v2sf)  }
0xcc: {  	s6 =	sand.u32 $0xFFFFF80, s3  }
0xcd: {  	s6 =	sadd.s32 s2, s6  }
0xce: {  	[tilespmem:s14], [sflag:$0x1] =	stream.strided.gather [hbm4b:s6+s13], $0x1000, s12, s13, $0x38;
	[tilespmem:$0x18400] =	vst v63  }
0xcf: {  	s4 =	sand.u32 $0x7F, s4;
	_ =	swait.ge [sflag:s21], $0x1000  }
0xd0: {  	v22 =	vor.u32 s4, v0;
	[sflag:s21] =	ssyncset.done $0x0  }
0xd1: {  	[sflag:s21] =	ssyncadd.s32 $0xFFFFF000  }
0xd2: {  	_ =	swait.ge [sflag:s21], $0x1000  }
0xd3: {  	[sflag:s21] =	ssyncset.done $0x0  }
0xd4: {  	[sflag:s21] =	ssyncadd.s32 $0xFFFFF000  }
0xd5: {  	v4 =	vld.idx.msk [tilespmem:v22+s15+$0x0], $0xffff  }
0xd6: {  	v23 =	vor.u32 s4, v1;
	_ =	sdelay $0x3  }
0xd7: {  	[tilespmem:s29+$0x8480] =	vst v4  }
0xd8: {  	s22 =	sand.u32 $0x7F, s22;
	(v2sf) =	vpush v2, $0x5;
	v4 =	vld.idx.msk [tilespmem:v23+s15+$0x0], $0xffff  }
0xd9: {  	v24 =	vor.u32 s22, v0;
	_ =	sdelay $0x2  }
0xda: {  	(v2sf) =	vpush v3, $0x5  }
0xdb: {  	[tilespmem:s29+$0x8490] =	vst v4  }
0xdc: {  	v4 =	vld.idx.msk [tilespmem:v24+s16+$0x0], $0xffff  }
0xdd: {  	v25 =	vor.u32 s22, v1;
	_ =	sdelay $0x3  }
0xde: {  	[tilespmem:s29+$0x84A0] =	vst v4  }
0xdf: {  	v4 =	vld.idx.msk [tilespmem:v25+s16+$0x0], $0xffff;
	_ =	sdelay $0x2  }
0xe0: {  	s22 =	spop (v2sf)  }
0xe1: {  	s6 =	sand.u32 $0xFFFFF80, s22  }
0xe2: {  	s4 =	sadd.s32 s1, s6;
	[tilespmem:s29+$0x84B0] =	vst v4  }
0xe3: {  	[tilespmem:s15], [sflag:$0x1] =	stream.strided.gather [hbm4b:s4+s13], $0x1000, s12, s13, $0x38;
	[tilespmem:$0x18400] =	vst v63  }
0xe4: {  	s4 =	spop (v2sf)  }
0xe5: {  	s6 =	sand.u32 $0xFFFFF80, s4  }
0xe6: {  	s6 =	sadd.s32 s2, s6  }
0xe7: {  	[tilespmem:s16], [sflag:$0x1] =	stream.strided.gather [hbm4b:s6+s13], $0x1000, s12, s13, $0x38;
	[tilespmem:$0x18400] =	vst v63  }
0xe8: {  	s10 =	sand.u32 $0x7F, s10;
	_ =	swait.ge [sflag:s21], $0x1000  }
0xe9: {  	v26 =	vor.u32 s10, v0;
	[sflag:s21] =	ssyncset.done $0x0  }
0xea: {  	[sflag:s21] =	ssyncadd.s32 $0xFFFFF000  }
0xeb: {  	_ =	swait.ge [sflag:s21], $0x1000  }
0xec: {  	[sflag:s21] =	ssyncset.done $0x0  }
0xed: {  	[sflag:s21] =	ssyncadd.s32 $0xFFFFF000  }
0xee: {  	v4 =	vld.idx.msk [tilespmem:v26+s17+$0x0], $0xffff  }
0xef: {  	v27 =	vor.u32 s10, v1;
	_ =	sdelay $0x3  }
0xf0: {  	[tilespmem:s29+$0x8500] =	vst v4  }
0xf1: {  	s10 =	sand.u32 $0x7F, s9;
	(v2sf) =	vpush v2, $0x6;
	v4 =	vld.idx.msk [tilespmem:v27+s17+$0x0], $0xffff  }
0xf2: {  	v28 =	vor.u32 s10, v0  }
0xf3: {  	(v2sf) =	vpush v3, $0x6;
	_ =	sdelay $0x2  }
0xf4: {  	[tilespmem:s29+$0x8510] =	vst v4  }
0xf5: {  	v4 =	vld.idx.msk [tilespmem:v28+s18+$0x0], $0xffff  }
0xf6: {  	v29 =	vor.u32 s10, v1;
	_ =	sdelay $0x3  }
0xf7: {  	[tilespmem:s29+$0x8520] =	vst v4  }
0xf8: {  	v4 =	vld.idx.msk [tilespmem:v29+s18+$0x0], $0xffff;
	_ =	sdelay $0x2  }
0xf9: {  	s10 =	spop (v2sf)  }
0xfa: {  	s9 =	sand.u32 $0xFFFFF80, s10  }
0xfb: {  	s6 =	sadd.s32 s1, s9;
	s9 =	spop (v2sf);
	[tilespmem:s29+$0x8530] =	vst v4  }
0xfc: {  	[tilespmem:s17], [sflag:$0x1] =	stream.strided.gather [hbm4b:s6+s13], $0x1000, s12, s13, $0x38;
	[tilespmem:$0x18400] =	vst v63  }
0xfd: {  	s6 =	sand.u32 $0xFFFFF80, s9  }
0xfe: {  	s6 =	sadd.s32 s2, s6  }
0xff: {  	[tilespmem:s18], [sflag:$0x1] =	stream.strided.gather [hbm4b:s6+s13], $0x1000, s12, s13, $0x38;
	[tilespmem:$0x18400] =	vst v63  }
0x100: {  	s30 =	sand.u32 $0x7F, s30;
	_ =	swait.ge [sflag:s21], $0x1000  }
0x101: {  	v30 =	vor.u32 s30, v0;
	[sflag:s21] =	ssyncset.done $0x0  }
0x102: {  	[sflag:s21] =	ssyncadd.s32 $0xFFFFF000  }
0x103: {  	_ =	swait.ge [sflag:s21], $0x1000  }
0x104: {  	[sflag:s21] =	ssyncset.done $0x0  }
0x105: {  	[sflag:s21] =	ssyncadd.s32 $0xFFFFF000  }
0x106: {  	v4 =	vld.idx.msk [tilespmem:v30+s19+$0x0], $0xffff  }
0x107: {  	v31 =	vor.u32 s30, v1;
	_ =	sdelay $0x3  }
0x108: {  	[tilespmem:s29+$0x8580] =	vst v4  }
0x109: {  	s0 =	sand.u32 $0x7F, s0;
	(v2sf) =	vpush v2, $0x7;
	v4 =	vld.idx.msk [tilespmem:v31+s19+$0x0], $0xffff  }
0x10a: {  	v32 =	vor.u32 s0, v0;
	_ =	sdelay $0x2  }
0x10b: {  	(v2sf) =	vpush v3, $0x7  }
0x10c: {  	[tilespmem:s29+$0x8590] =	vst v4  }
0x10d: {  	v4 =	vld.idx.msk [tilespmem:v32+s20+$0x0], $0xffff  }
0x10e: {  	v33 =	vor.u32 s0, v1;
	_ =	sdelay $0x3  }
0x10f: {  	[tilespmem:s29+$0x85A0] =	vst v4  }
0x110: {  	v4 =	vld.idx.msk [tilespmem:v33+s20+$0x0], $0xffff;
	_ =	sdelay $0x2  }
0x111: {  	s30 =	spop (v2sf)  }
0x112: {  	s6 =	sand.u32 $0xFFFFF80, s30  }
0x113: {  	s0 =	sadd.s32 s1, s6;
	[tilespmem:s29+$0x85B0] =	vst v4  }
0x114: {  	[tilespmem:s19], [sflag:$0x1] =	stream.strided.gather [hbm4b:s0+s13], $0x1000, s12, s13, $0x38;
	[tilespmem:$0x18400] =	vst v63  }
0x115: {  	s0 =	spop (v2sf)  }
0x116: {  	s6 =	sand.u32 $0xFFFFF80, s0  }
0x117: {  	s6 =	sadd.s32 s2, s6  }
0x118: {  	[tilespmem:s20], [sflag:$0x1] =	stream.strided.gather [hbm4b:s6+s13], $0x1000, s12, s13, $0x38;
	[tilespmem:$0x18400] =	vst v63  }
0x119: {  	s31 =	sand.u32 $0x7F, s31;
	_ =	swait.ge [sflag:s21], $0x1000  }
0x11a: {  	v34 =	vor.u32 s31, v0;
	[sflag:s21] =	ssyncset.done $0x0  }
0x11b: {  	[sflag:s21] =	ssyncadd.s32 $0xFFFFF000  }
0x11c: {  	_ =	swait.ge [sflag:s21], $0x1000  }
0x11d: {  	[sflag:s21] =	ssyncset.done $0x0  }
0x11e: {  	[sflag:s21] =	ssyncadd.s32 $0xFFFFF000  }
0x11f: {  	v4 =	vld.idx.msk [tilespmem:v34+s13+$0x0], $0xffff  }
0x120: {  	v35 =	vor.u32 s31, v1;
	_ =	sdelay $0x3  }
0x121: {  	[tilespmem:s29+$0x8600] =	vst v4  }
0x122: {  	s3 =	sand.u32 $0x7F, s3;
	(v2sf) =	vpush v2, $0x8;
	v4 =	vld.idx.msk [tilespmem:v35+s13+$0x0], $0xffff  }
0x123: {  	v36 =	vor.u32 s3, v0;
	_ =	sdelay $0x2  }
0x124: {  	(v2sf) =	vpush v3, $0x8  }
0x125: {  	[tilespmem:s29+$0x8610] =	vst v4  }
0x126: {  	v4 =	vld.idx.msk [tilespmem:v36+s14+$0x0], $0xffff  }
0x127: {  	v37 =	vor.u32 s3, v1;
	_ =	sdelay $0x3  }
0x128: {  	[tilespmem:s29+$0x8620] =	vst v4  }
0x129: {  	v4 =	vld.idx.msk [tilespmem:v37+s14+$0x0], $0xffff;
	_ =	sdelay $0x2  }
0x12a: {  	s31 =	spop (v2sf)  }
0x12b: {  	s6 =	sand.u32 $0xFFFFF80, s31  }
0x12c: {  	s3 =	sadd.s32 s1, s6;
	[tilespmem:s29+$0x8630] =	vst v4  }
0x12d: {  	[tilespmem:s13], [sflag:$0x1] =	stream.strided.gather [hbm4b:s3+s13], $0x1000, s12, s13, $0x38;
	[tilespmem:$0x18400] =	vst v63  }
0x12e: {  	s3 =	spop (v2sf)  }
0x12f: {  	s6 =	sand.u32 $0xFFFFF80, s3  }
0x130: {  	s6 =	sadd.s32 s2, s6  }
0x131: {  	[tilespmem:s14], [sflag:$0x1] =	stream.strided.gather [hbm4b:s6+s13], $0x1000, s12, s13, $0x38;
	[tilespmem:$0x18400] =	vst v63  }
0x132: {  	s22 =	sand.u32 $0x7F, s22;
	_ =	swait.ge [sflag:s21], $0x1000  }
0x133: {  	v38 =	vor.u32 s22, v0;
	[sflag:s21] =	ssyncset.done $0x0  }
0x134: {  	[sflag:s21] =	ssyncadd.s32 $0xFFFFF000  }
0x135: {  	_ =	swait.ge [sflag:s21], $0x1000  }
0x136: {  	[sflag:s21] =	ssyncset.done $0x0  }
0x137: {  	[sflag:s21] =	ssyncadd.s32 $0xFFFFF000  }
0x138: {  	v4 =	vld.idx.msk [tilespmem:v38+s15+$0x0], $0xffff  }
0x139: {  	v39 =	vor.u32 s22, v1;
	_ =	sdelay $0x3  }
0x13a: {  	[tilespmem:s29+$0x8680] =	vst v4  }
0x13b: {  	s4 =	sand.u32 $0x7F, s4;
	(v2sf) =	vpush v2, $0x9;
	v4 =	vld.idx.msk [tilespmem:v39+s15+$0x0], $0xffff  }
0x13c: {  	v40 =	vor.u32 s4, v0;
	_ =	sdelay $0x2  }
0x13d: {  	(v2sf) =	vpush v3, $0x9  }
0x13e: {  	[tilespmem:s29+$0x8690] =	vst v4  }
0x13f: {  	v4 =	vld.idx.msk [tilespmem:v40+s16+$0x0], $0xffff  }
0x140: {  	v41 =	vor.u32 s4, v1;
	_ =	sdelay $0x3  }
0x141: {  	[tilespmem:s29+$0x86A0] =	vst v4  }
0x142: {  	v4 =	vld.idx.msk [tilespmem:v41+s16+$0x0], $0xffff;
	_ =	sdelay $0x2  }
0x143: {  	s22 =	spop (v2sf)  }
0x144: {  	s6 =	sand.u32 $0xFFFFF80, s22  }
0x145: {  	s4 =	sadd.s32 s1, s6;
	[tilespmem:s29+$0x86B0] =	vst v4  }
0x146: {  	[tilespmem:s15], [sflag:$0x1] =	stream.strided.gather [hbm4b:s4+s13], $0x1000, s12, s13, $0x38;
	[tilespmem:$0x18400] =	vst v63  }
0x147: {  	s4 =	spop (v2sf)  }
0x148: {  	s6 =	sand.u32 $0xFFFFF80, s4  }
0x149: {  	s6 =	sadd.s32 s2, s6  }
0x14a: {  	[tilespmem:s16], [sflag:$0x1] =	stream.strided.gather [hbm4b:s6+s13], $0x1000, s12, s13, $0x38;
	[tilespmem:$0x18400] =	vst v63  }
0x14b: {  	s10 =	sand.u32 $0x7F, s10;
	_ =	swait.ge [sflag:s21], $0x1000  }
0x14c: {  	v42 =	vor.u32 s10, v0;
	[sflag:s21] =	ssyncset.done $0x0  }
0x14d: {  	[sflag:s21] =	ssyncadd.s32 $0xFFFFF000  }
0x14e: {  	_ =	swait.ge [sflag:s21], $0x1000  }
0x14f: {  	[sflag:s21] =	ssyncset.done $0x0  }
0x150: {  	[sflag:s21] =	ssyncadd.s32 $0xFFFFF000  }
0x151: {  	v4 =	vld.idx.msk [tilespmem:v42+s17+$0x0], $0xffff  }
0x152: {  	v43 =	vor.u32 s10, v1;
	_ =	sdelay $0x3  }
0x153: {  	[tilespmem:s29+$0x8700] =	vst v4  }
0x154: {  	s10 =	sand.u32 $0x7F, s9;
	(v2sf) =	vpush v2, $0xA;
	v4 =	vld.idx.msk [tilespmem:v43+s17+$0x0], $0xffff  }
0x155: {  	v44 =	vor.u32 s10, v0  }
0x156: {  	(v2sf) =	vpush v3, $0xA;
	_ =	sdelay $0x2  }
0x157: {  	[tilespmem:s29+$0x8710] =	vst v4  }
0x158: {  	v4 =	vld.idx.msk [tilespmem:v44+s18+$0x0], $0xffff  }
0x159: {  	v45 =	vor.u32 s10, v1;
	_ =	sdelay $0x3  }
0x15a: {  	[tilespmem:s29+$0x8720] =	vst v4  }
0x15b: {  	v4 =	vld.idx.msk [tilespmem:v45+s18+$0x0], $0xffff;
	_ =	sdelay $0x2  }
0x15c: {  	s10 =	spop (v2sf)  }
0x15d: {  	s9 =	sand.u32 $0xFFFFF80, s10  }
0x15e: {  	s6 =	sadd.s32 s1, s9;
	s9 =	spop (v2sf);
	[tilespmem:s29+$0x8730] =	vst v4  }
0x15f: {  	[tilespmem:s17], [sflag:$0x1] =	stream.strided.gather [hbm4b:s6+s13], $0x1000, s12, s13, $0x38;
	[tilespmem:$0x18400] =	vst v63  }
0x160: {  	s6 =	sand.u32 $0xFFFFF80, s9  }
0x161: {  	s6 =	sadd.s32 s2, s6  }
0x162: {  	[tilespmem:s18], [sflag:$0x1] =	stream.strided.gather [hbm4b:s6+s13], $0x1000, s12, s13, $0x38;
	[tilespmem:$0x18400] =	vst v63  }
0x163: {  	s30 =	sand.u32 $0x7F, s30;
	_ =	swait.ge [sflag:s21], $0x1000  }
0x164: {  	v46 =	vor.u32 s30, v0;
	[sflag:s21] =	ssyncset.done $0x0  }
0x165: {  	[sflag:s21] =	ssyncadd.s32 $0xFFFFF000  }
0x166: {  	_ =	swait.ge [sflag:s21], $0x1000  }
0x167: {  	[sflag:s21] =	ssyncset.done $0x0  }
0x168: {  	[sflag:s21] =	ssyncadd.s32 $0xFFFFF000  }
0x169: {  	v4 =	vld.idx.msk [tilespmem:v46+s19+$0x0], $0xffff  }
0x16a: {  	v47 =	vor.u32 s30, v1;
	_ =	sdelay $0x3  }
0x16b: {  	[tilespmem:s29+$0x8780] =	vst v4  }
0x16c: {  	s0 =	sand.u32 $0x7F, s0;
	(v2sf) =	vpush v2, $0xB;
	v4 =	vld.idx.msk [tilespmem:v47+s19+$0x0], $0xffff  }
0x16d: {  	v48 =	vor.u32 s0, v0;
	_ =	sdelay $0x2  }
0x16e: {  	(v2sf) =	vpush v3, $0xB  }
0x16f: {  	[tilespmem:s29+$0x8790] =	vst v4  }
0x170: {  	v4 =	vld.idx.msk [tilespmem:v48+s20+$0x0], $0xffff  }
0x171: {  	v49 =	vor.u32 s0, v1;
	_ =	sdelay $0x3  }
0x172: {  	[tilespmem:s29+$0x87A0] =	vst v4  }
0x173: {  	v4 =	vld.idx.msk [tilespmem:v49+s20+$0x0], $0xffff;
	_ =	sdelay $0x2  }
0x174: {  	s30 =	spop (v2sf)  }
0x175: {  	s6 =	sand.u32 $0xFFFFF80, s30  }
0x176: {  	s0 =	sadd.s32 s1, s6;
	[tilespmem:s29+$0x87B0] =	vst v4  }
0x177: {  	[tilespmem:s19], [sflag:$0x1] =	stream.strided.gather [hbm4b:s0+s13], $0x1000, s12, s13, $0x38;
	[tilespmem:$0x18400] =	vst v63  }
0x178: {  	s0 =	spop (v2sf)  }
0x179: {  	s6 =	sand.u32 $0xFFFFF80, s0  }
0x17a: {  	s6 =	sadd.s32 s2, s6  }
0x17b: {  	[tilespmem:s20], [sflag:$0x1] =	stream.strided.gather [hbm4b:s6+s13], $0x1000, s12, s13, $0x38;
	[tilespmem:$0x18400] =	vst v63  }
0x17c: {  	s31 =	sand.u32 $0x7F, s31;
	_ =	swait.ge [sflag:s21], $0x1000  }
0x17d: {  	v50 =	vor.u32 s31, v0;
	[sflag:s21] =	ssyncset.done $0x0  }
0x17e: {  	[sflag:s21] =	ssyncadd.s32 $0xFFFFF000  }
0x17f: {  	_ =	swait.ge [sflag:s21], $0x1000  }
0x180: {  	[sflag:s21] =	ssyncset.done $0x0  }
0x181: {  	[sflag:s21] =	ssyncadd.s32 $0xFFFFF000  }
0x182: {  	v4 =	vld.idx.msk [tilespmem:v50+s13+$0x0], $0xffff  }
0x183: {  	v51 =	vor.u32 s31, v1;
	_ =	sdelay $0x3  }
0x184: {  	[tilespmem:s29+$0x8800] =	vst v4  }
0x185: {  	s3 =	sand.u32 $0x7F, s3;
	(v2sf) =	vpush v2, $0xC;
	v4 =	vld.idx.msk [tilespmem:v51+s13+$0x0], $0xffff  }
0x186: {  	v52 =	vor.u32 s3, v0  }
0x187: {  	(v2sf) =	vpush v3, $0xC;
	_ =	sdelay $0x2  }
0x188: {  	[tilespmem:s29+$0x8810] =	vst v4  }
0x189: {  	v4 =	vld.idx.msk [tilespmem:v52+s14+$0x0], $0xffff  }
0x18a: {  	v53 =	vor.u32 s3, v1;
	_ =	sdelay $0x3  }
0x18b: {  	[tilespmem:s29+$0x8820] =	vst v4  }
0x18c: {  	v4 =	vld.idx.msk [tilespmem:v53+s14+$0x0], $0xffff;
	_ =	sdelay $0x2  }
0x18d: {  	s31 =	spop (v2sf)  }
0x18e: {  	s3 =	sand.u32 $0xFFFFF80, s31  }
0x18f: {  	s6 =	spop (v2sf);
	s3 =	sadd.s32 s1, s3;
	[tilespmem:s29+$0x8830] =	vst v4  }
0x190: {  	[tilespmem:s13], [sflag:$0x1] =	stream.strided.gather [hbm4b:s3+s13], $0x1000, s12, s13, $0x38;
	[tilespmem:$0x18400] =	vst v63  }
0x191: {  	s3 =	sand.u32 $0xFFFFF80, s6  }
0x192: {  	s3 =	sadd.s32 s2, s3  }
0x193: {  	[tilespmem:s14], [sflag:$0x1] =	stream.strided.gather [hbm4b:s3+s13], $0x1000, s12, s13, $0x38;
	[tilespmem:$0x18400] =	vst v63  }
0x194: {  	s31 =	sand.u32 $0x7F, s22;
	_ =	swait.ge [sflag:s21], $0x1000  }
0x195: {  	v54 =	vor.u32 s31, v0;
	[sflag:s21] =	ssyncset.done $0x0  }
0x196: {  	[sflag:s21] =	ssyncadd.s32 $0xFFFFF000  }
0x197: {  	_ =	swait.ge [sflag:s21], $0x1000  }
0x198: {  	[sflag:s21] =	ssyncset.done $0x0  }
0x199: {  	[sflag:s21] =	ssyncadd.s32 $0xFFFFF000  }
0x19a: {  	v4 =	vld.idx.msk [tilespmem:v54+s15+$0x0], $0xffff  }
0x19b: {  	v55 =	vor.u32 s31, v1;
	_ =	sdelay $0x3  }
0x19c: {  	[tilespmem:s29+$0x8880] =	vst v4  }
0x19d: {  	s6 =	sand.u32 $0x7F, s4;
	(v2sf) =	vpush v2, $0xD;
	v4 =	vld.idx.msk [tilespmem:v55+s15+$0x0], $0xffff  }
0x19e: {  	v56 =	vor.u32 s6, v0  }
0x19f: {  	(v2sf) =	vpush v3, $0xD;
	_ =	sdelay $0x2  }
0x1a0: {  	[tilespmem:s29+$0x8890] =	vst v4  }
0x1a1: {  	v4 =	vld.idx.msk [tilespmem:v56+s16+$0x0], $0xffff  }
0x1a2: {  	v57 =	vor.u32 s6, v1;
	_ =	sdelay $0x3  }
0x1a3: {  	[tilespmem:s29+$0x88A0] =	vst v4  }
0x1a4: {  	v4 =	vld.idx.msk [tilespmem:v57+s16+$0x0], $0xffff;
	_ =	sdelay $0x2  }
0x1a5: {  	s22 =	spop (v2sf)  }
0x1a6: {  	s3 =	sand.u32 $0xFFFFF80, s22  }
0x1a7: {  	s31 =	spop (v2sf);
	s3 =	sadd.s32 s1, s3;
	[tilespmem:s29+$0x88B0] =	vst v4  }
0x1a8: {  	[tilespmem:s15], [sflag:$0x1] =	stream.strided.gather [hbm4b:s3+s13], $0x1000, s12, s13, $0x38;
	[tilespmem:$0x18400] =	vst v63  }
0x1a9: {  	s3 =	sand.u32 $0xFFFFF80, s31  }
0x1aa: {  	s3 =	sadd.s32 s2, s3  }
0x1ab: {  	[tilespmem:s16], [sflag:$0x1] =	stream.strided.gather [hbm4b:s3+s13], $0x1000, s12, s13, $0x38;
	[tilespmem:$0x18400] =	vst v63  }
0x1ac: {  	s4 =	sand.u32 $0x7F, s10;
	_ =	swait.ge [sflag:s21], $0x1000  }
0x1ad: {  	v58 =	vor.u32 s4, v0;
	[sflag:s21] =	ssyncset.done $0x0  }
0x1ae: {  	[sflag:s21] =	ssyncadd.s32 $0xFFFFF000  }
0x1af: {  	_ =	swait.ge [sflag:s21], $0x1000  }
0x1b0: {  	[sflag:s21] =	ssyncset.done $0x0  }
0x1b1: {  	[sflag:s21] =	ssyncadd.s32 $0xFFFFF000  }
0x1b2: {  	v4 =	vld.idx.msk [tilespmem:v58+s17+$0x0], $0xffff  }
0x1b3: {  	v59 =	vor.u32 s4, v1;
	_ =	sdelay $0x3  }
0x1b4: {  	[tilespmem:s29+$0x8900] =	vst v4  }
0x1b5: {  	s6 =	sand.u32 $0x7F, s9;
	(v2sf) =	vpush v2, $0xE;
	v4 =	vld.idx.msk [tilespmem:v59+s17+$0x0], $0xffff  }
0x1b6: {  	v60 =	vor.u32 s6, v0  }
0x1b7: {  	(v2sf) =	vpush v3, $0xE;
	_ =	sdelay $0x2  }
0x1b8: {  	[tilespmem:s29+$0x8910] =	vst v4  }
0x1b9: {  	v4 =	vld.idx.msk [tilespmem:v60+s18+$0x0], $0xffff  }
0x1ba: {  	v61 =	vor.u32 s6, v1;
	_ =	sdelay $0x3  }
0x1bb: {  	[tilespmem:s29+$0x8920] =	vst v4  }
0x1bc: {  	v4 =	vld.idx.msk [tilespmem:v61+s18+$0x0], $0xffff;
	_ =	sdelay $0x2  }
0x1bd: {  	s9 =	spop (v2sf)  }
0x1be: {  	s3 =	sand.u32 $0xFFFFF80, s9  }
0x1bf: {  	s10 =	spop (v2sf);
	s3 =	sadd.s32 s1, s3;
	[tilespmem:s29+$0x8930] =	vst v4  }
0x1c0: {  	[tilespmem:s17], [sflag:$0x1] =	stream.strided.gather [hbm4b:s3+s13], $0x1000, s12, s13, $0x38;
	[tilespmem:$0x18400] =	vst v63  }
0x1c1: {  	s3 =	sand.u32 $0xFFFFF80, s10  }
0x1c2: {  	s3 =	sadd.s32 s2, s3  }
0x1c3: {  	[tilespmem:s18], [sflag:$0x1] =	stream.strided.gather [hbm4b:s3+s13], $0x1000, s12, s13, $0x38;
	[tilespmem:$0x18400] =	vst v63  }
0x1c4: {  	s22 =	sand.u32 $0x7F, s30;
	_ =	swait.ge [sflag:s21], $0x1000  }
0x1c5: {  	v62 =	vor.u32 s22, v0;
	[sflag:s21] =	ssyncset.done $0x0  }
0x1c6: {  	[sflag:s21] =	ssyncadd.s32 $0xFFFFF000  }
0x1c7: {  	_ =	swait.ge [sflag:s21], $0x1000  }
0x1c8: {  	[sflag:s21] =	ssyncset.done $0x0  }
0x1c9: {  	[sflag:s21] =	ssyncadd.s32 $0xFFFFF000  }
0x1ca: {  	v4 =	vld.idx.msk [tilespmem:v62+s19+$0x0], $0xffff  }
0x1cb: {  	v63 =	vor.u32 s22, v1;
	_ =	sdelay $0x3  }
0x1cc: {  	[tilespmem:s29+$0x8980] =	vst v4  }
0x1cd: {  	s0 =	sand.u32 $0x7F, s0;
	(v2sf) =	vpush v2, $0xF;
	v4 =	vld.idx.msk [tilespmem:v63+s19+$0x0], $0xffff  }
0x1ce: {  	v2 =	vor.u32 s0, v0  }
0x1cf: {  	(v2sf) =	vpush v3, $0xF;
	_ =	sdelay $0x2  }
0x1d0: {  	[tilespmem:s29+$0x8990] =	vst v4  }
0x1d1: {  	v2 =	vld.idx.msk [tilespmem:v2+s20+$0x0], $0xffff  }
0x1d2: {  	v3 =	vor.u32 s0, v1;
	_ =	sdelay $0x3  }
0x1d3: {  	[tilespmem:s29+$0x89A0] =	vst v2  }
0x1d4: {  	v2 =	vld.idx.msk [tilespmem:v3+s20+$0x0], $0xffff;
	_ =	sdelay $0x2  }
0x1d5: {  	s26 =	sadd.s32 $0x2000, s26;
	s30 =	spop (v2sf)  }
0x1d6: {  	p0 =	sne.s32 s26, $0x40000;
	s0 =	sand.u32 $0xFFFFF80, s30  }
.Ltmp0:
0x1d7: {  	s31 =	spop (v2sf);
	s0 =	sadd.s32 s1, s0;
	[tilespmem:s29+$0x89B0] =	vst v2;
	(pc) =	sbr.rel @p0 .LBB2_2-.Ltmp0, $4  }
0x1d8: {  	[tilespmem:s19], [sflag:$0x1] =	stream.strided.gather [hbm4b:s0+s13], $0x1000, s12, s13, $0x38;
	[tilespmem:$0x18400] =	vst v63  }
0x1d9: {  	s28 =	sadd.s32 $0x1, s28;
	s0 =	sand.u32 $0xFFFFF80, s31  }
0x1da: {  	s25 =	sadd.s32 $0x10, s25;
	s24 =	sadd.s32 $0x10, s24;
	s0 =	sadd.s32 s2, s0  }
0x1db: {  	[tilespmem:s20], [sflag:$0x1] =	stream.strided.gather [hbm4b:s0+s13], $0x1000, s12, s13, $0x38;
	[tilespmem:$0x18400] =	vst v63  }
0x1dc: {  	v2 =	vld [tilespmem:$0x1F0]  }
0x1dd: {  	v3 =	vld [tilespmem:$0x3F0];
	_ =	swait.ge [sflag:s21], $0x1000  }
0x1de: {  	[sflag:s21] =	ssyncset.done $0x0  }
0x1df: {  	[sflag:s21] =	ssyncadd.s32 $0xFFFFF000  }
0x1e0: {  	_ =	swait.ge [sflag:s21], $0x1000  }
0x1e1: {  	(v2sf) =	vpush v2, $0xC;
	_ =	sdelay $0xb  }
0x1e2: {  	(v2sf) =	vpush v3, $0xC;
	_ =	sdelay $0x2  }
0x1e3: {  	s0 =	spop (v2sf)  }
0x1e4: {  	s0 =	sand.u32 $0x7F, s0  }
0x1e5: {  	v4 =	vor.u32 s0, v0;
	_ =	sdelay $0x2  }
0x1e6: {  	[sflag:s21] =	ssyncset.done $0x0  }
0x1e7: {  	[sflag:s21] =	ssyncadd.s32 $0xFFFFF000  }
0x1e8: {  	v4 =	vld.idx.msk [tilespmem:v4+s13+$0x0], $0xffff  }
0x1e9: {  	v5 =	vor.u32 s0, v1;
	_ =	sdelay $0x3  }
0x1ea: {  	s22 =	spop (v2sf);
	[tilespmem:$0x18200] =	vst v4  }
0x1eb: {  	s0 =	sand.u32 $0x7F, s22;
	v4 =	vld.idx.msk [tilespmem:v5+s13+$0x0], $0xffff  }
0x1ec: {  	v54 =	vor.u32 s0, v0;
	_ =	sdelay $0x3  }
0x1ed: {  	[tilespmem:$0x18210] =	vst v4  }
0x1ee: {  	v4 =	vld.idx.msk [tilespmem:v54+s14+$0x0], $0xffff  }
0x1ef: {  	v55 =	vor.u32 s0, v1;
	_ =	sdelay $0x3  }
0x1f0: {  	[tilespmem:$0x18220] =	vst v4  }
0x1f1: {  	v4 =	vld.idx.msk [tilespmem:v55+s14+$0x0], $0xffff;
	_ =	sdelay $0x4  }
0x1f2: {  	[tilespmem:$0x18230] =	vst v4  }
0x1f3: {  	_ =	swait.ge [sflag:s21], $0x1000  }
0x1f4: {  	[sflag:s21] =	ssyncset.done $0x0  }
0x1f5: {  	[sflag:s21] =	ssyncadd.s32 $0xFFFFF000  }
0x1f6: {  	_ =	swait.ge [sflag:s21], $0x1000  }
0x1f7: {  	(v2sf) =	vpush v2, $0xD;
	_ =	sdelay $0xb  }
0x1f8: {  	(v2sf) =	vpush v3, $0xD;
	_ =	sdelay $0x2  }
0x1f9: {  	s24 =	spop (v2sf)  }
0x1fa: {  	s0 =	sand.u32 $0x7F, s24  }
0x1fb: {  	v56 =	vor.u32 s0, v0;
	_ =	sdelay $0x2  }
0x1fc: {  	[sflag:s21] =	ssyncset.done $0x0  }
0x1fd: {  	[sflag:s21] =	ssyncadd.s32 $0xFFFFF000  }
0x1fe: {  	v4 =	vld.idx.msk [tilespmem:v56+s15+$0x0], $0xffff  }
0x1ff: {  	v57 =	vor.u32 s0, v1;
	_ =	sdelay $0x3  }
0x200: {  	s25 =	spop (v2sf);
	[tilespmem:$0x18280] =	vst v4  }
0x201: {  	s0 =	sand.u32 $0x7F, s25;
	v4 =	vld.idx.msk [tilespmem:v57+s15+$0x0], $0xffff  }
0x202: {  	v58 =	vor.u32 s0, v0;
	_ =	sdelay $0x3  }
0x203: {  	[tilespmem:$0x18290] =	vst v4  }
0x204: {  	v4 =	vld.idx.msk [tilespmem:v58+s16+$0x0], $0xffff  }
0x205: {  	v59 =	vor.u32 s0, v1;
	_ =	sdelay $0x3  }
0x206: {  	[tilespmem:$0x182A0] =	vst v4  }
0x207: {  	v4 =	vld.idx.msk [tilespmem:v59+s16+$0x0], $0xffff;
	_ =	sdelay $0x4  }
0x208: {  	[tilespmem:$0x182B0] =	vst v4  }
0x209: {  	_ =	swait.ge [sflag:s21], $0x1000  }
0x20a: {  	[sflag:s21] =	ssyncset.done $0x0  }
0x20b: {  	[sflag:s21] =	ssyncadd.s32 $0xFFFFF000  }
0x20c: {  	_ =	swait.ge [sflag:s21], $0x1000  }
0x20d: {  	(v2sf) =	vpush v2, $0xE;
	_ =	sdelay $0xb  }
0x20e: {  	(v2sf) =	vpush v3, $0xE;
	_ =	sdelay $0x2  }
0x20f: {  	s26 =	spop (v2sf)  }
0x210: {  	s0 =	sand.u32 $0x7F, s26  }
0x211: {  	v60 =	vor.u32 s0, v0;
	_ =	sdelay $0x2  }
0x212: {  	[sflag:s21] =	ssyncset.done $0x0  }
0x213: {  	[sflag:s21] =	ssyncadd.s32 $0xFFFFF000  }
0x214: {  	v4 =	vld.idx.msk [tilespmem:v60+s17+$0x0], $0xffff  }
0x215: {  	v61 =	vor.u32 s0, v1;
	_ =	sdelay $0x3  }
0x216: {  	s28 =	spop (v2sf);
	[tilespmem:$0x18300] =	vst v4  }
0x217: {  	s0 =	sand.u32 $0x7F, s28;
	v4 =	vld.idx.msk [tilespmem:v61+s17+$0x0], $0xffff  }
0x218: {  	v62 =	vor.u32 s0, v0;
	_ =	sdelay $0x3  }
0x219: {  	[tilespmem:$0x18310] =	vst v4  }
0x21a: {  	v4 =	vld.idx.msk [tilespmem:v62+s18+$0x0], $0xffff  }
0x21b: {  	v63 =	vor.u32 s0, v1;
	_ =	sdelay $0x3  }
0x21c: {  	[tilespmem:$0x18320] =	vst v4  }
0x21d: {  	v4 =	vld.idx.msk [tilespmem:v63+s18+$0x0], $0xffff;
	_ =	sdelay $0x4  }
0x21e: {  	[tilespmem:$0x18330] =	vst v4  }
0x21f: {  	_ =	swait.ge [sflag:s21], $0x1000  }
0x220: {  	[sflag:s21] =	ssyncset.done $0x0  }
0x221: {  	[sflag:s21] =	ssyncadd.s32 $0xFFFFF000  }
0x222: {  	_ =	swait.ge [sflag:s21], $0x1000  }
0x223: {  	(v2sf) =	vpush v2, $0xF;
	_ =	sdelay $0xb  }
0x224: {  	(v2sf) =	vpush v3, $0xF;
	_ =	sdelay $0x2  }
0x225: {  	s29 =	spop (v2sf)  }
0x226: {  	s0 =	sand.u32 $0x7F, s29  }
0x227: {  	v2 =	vor.u32 s0, v0;
	_ =	sdelay $0x2  }
0x228: {  	[sflag:s21] =	ssyncset.done $0x0  }
0x229: {  	[sflag:s21] =	ssyncadd.s32 $0xFFFFF000  }
0x22a: {  	v2 =	vld.idx.msk [tilespmem:v2+s19+$0x0], $0xffff  }
0x22b: {  	v3 =	vor.u32 s0, v1;
	_ =	sdelay $0x3  }
0x22c: {  	s30 =	spop (v2sf);
	[tilespmem:$0x18380] =	vst v2  }
0x22d: {  	s0 =	sand.u32 $0x7F, s30;
	v2 =	vld.idx.msk [tilespmem:v3+s19+$0x0], $0xffff  }
0x22e: {  	v3 =	vor.u32 s0, v0;
	_ =	sdelay $0x3  }
0x22f: {  	[tilespmem:$0x18390] =	vst v2  }
0x230: {  	v2 =	vld.idx.msk [tilespmem:v3+s20+$0x0], $0xffff  }
0x231: {  	v3 =	vor.u32 s0, v1;
	_ =	sdelay $0x3  }
0x232: {  	[tilespmem:$0x183A0] =	vst v2  }
0x233: {  	v2 =	vld.idx.msk [tilespmem:v3+s20+$0x0], $0xffff;
	_ =	sdelay $0x2  }
0x234: {  	s23 =	sadd.s32 $0x1, s23  }
0x235: {  	p0 =	sne.s32 s23, s8  }
.Ltmp1:
0x236: {  	s9 =	simm.s32 $0x0;
	s31 =	simm.s32 $0x8400;
	[tilespmem:$0x183B0] =	vst v2;
	(pc) =	sbr.rel @p0 .LBB2_1-.Ltmp1, $4  }
0x237: {  	[hbm4b:s7+s9] =	stream.linear.scatter [tilespmem:s31], [sflag:$0x2], $0x10000, $0x38;
	[tilespmem:$0x18400] =	vst v63  }
0x238: {  	_ =	swait.ge [sflag:s11], $0x10000  }
0x239: {  	[sflag:s11] =	ssyncset.done $0x0  }
0x23a: {  	[sflag:s11] =	ssyncadd.s32 $0xFFFF0000  }
0x23b: {  	_ =	sfence.sel $0x180000  }
0x23c: {  	[bflag:$0x0] =	sbarrier.arrive $0xFFFF  }
0x23d: {  	_ =	strace $0x90000047  }
0x23e: {  	s0 =	stileid.u32;
	[bflag:$0x2] =	sbarrier.arrive $0xFFFF  }
0x23f: {  	p0 =	sne.s32 s0, $0x0;
	s0 =	rddreg [dreg:$0x4]  }
0x240: {  	s0 =	sadd.s32 @!p0 $0x100000, s0  }
0x241: {  	[sflag:s0] =	ssyncadd.tile.s32 @!p0 $0x1;
	_ =	shalt  }
.Lfunc_end2:
_tile_overlayer_lowered:
.L_overlay_start_2:
0x242: {  	(tag) =	ssettag $0x2  }
0x243: {  	s0 =	rddreg [dreg:$0x0];
	s2 =	stileid.u32  }
0x244: {  	s1 =	rddreg [dreg:$0x1];
	p0 =	sne.s32 s2, $0x0  }
0x245: {  	s3 =	rddreg [dreg:$0x2];
	[bflag:$0x3] =	sbarrier.arrive $0xFFFF;
	s2 =	simm.s32 @!p0 $0x1C02  }
0x246: {  	[timem:s3], [sflag:s2] =	dma.local @!p0 [hbm:s0], s1  }
0x247: {  	s0 =	simm.s32 @!p0 $0x2  }
0x248: {  	_ =	swait.ge @!p0 [sflag:s0], s1  }
0x249: {  	s1 =	ssub.s32 @!p0 $0x0, s1;
	[sflag:s0] =	ssyncset.done @!p0 $0x0  }
0x24a: {  	[sflag:s0] =	ssyncadd.s32 @!p0 s1  }
0x24b: {  	[bflag:$0x3] =	sbarrier.arrive $0xFFFF  }
0x24c: {  	_ =	shalt  }

</sc_bundles>
